<compile_context>
chip_gen: v7x
topology: tpu7x:2x2x1
jax: 0.10.2.dev20260603
libtpu: 0.0.44.dev20260713+nightly
codegen_flags: <defaults>
</compile_context>

<pallas_src>
import jax
import jax.numpy as jnp
from jax import lax
from jax.experimental import pallas as pl
from jax.experimental.pallas import tpu as pltpu
from jax.experimental.pallas import tpu_sc as plsc

BATCH = 16384
NUM_ROWS = 1000000
EMBED_DIM = 32
PACK = 128 // EMBED_DIM
RESHAPED_N = NUM_ROWS // PACK
NUM_CORES = 2
NUM_SUBCORES = 16
LANES = 16
NUM_WORKERS = NUM_CORES * NUM_SUBCORES
BPW = BATCH // NUM_WORKERS
CHUNK = 128
NCHUNK = BPW // CHUNK


def _sc_body(uid_hbm, iid_hbm, um_hbm, im_hbm, ub_hbm, ib_hbm,
             out_hbm, uidx_v, iidx_v,
             urow0_v, urow1_v, irow0_v, irow1_v, uoff_v, ioff_v,
             umr0_v, umr1_v, imr0_v, imr1_v,
             ub_v, ib_v, out_v, sem0, sem1, bsem):
    wid = lax.axis_index("s") * NUM_CORES + lax.axis_index("c")
    base = wid * BPW

    pltpu.sync_copy(uid_hbm.at[pl.ds(base, BPW)], uidx_v)
    pltpu.sync_copy(iid_hbm.at[pl.ds(base, BPW)], iidx_v)

    cp_ub = pltpu.async_copy(ub_hbm.at[uidx_v], ub_v, bsem)
    cp_ib = pltpu.async_copy(ib_hbm.at[iidx_v], ib_v, bsem)

    urow = (urow0_v, urow1_v)
    irow = (irow0_v, irow1_v)
    umr = (umr0_v, umr1_v)
    imr = (imr0_v, imr1_v)
    sems = (sem0, sem1)

    def fill(c, p):
        def chunk16(t, carry):
            sl_src = pl.ds(c * CHUNK + t * LANES, LANES)
            sl_dst = pl.ds(t * LANES, LANES)
            ju = uidx_v[sl_src]
            urow[p][sl_dst] = ju >> 2
            uoff_v[p, sl_dst] = (ju & 3) << 5
            ji = iidx_v[sl_src]
            irow[p][sl_dst] = ji >> 2
            ioff_v[p, sl_dst] = (ji & 3) << 5
            return carry

        lax.fori_loop(0, CHUNK // LANES, chunk16, 0)

    def issue(p):
        pltpu.async_copy(um_hbm.at[urow[p]], umr[p], sems[p])
        pltpu.async_copy(im_hbm.at[irow[p]], imr[p], sems[p])

    def wait(p):
        pltpu.make_async_copy(um_hbm.at[urow[p]], umr[p], sems[p]).wait()
        pltpu.make_async_copy(im_hbm.at[irow[p]], imr[p], sems[p]).wait()

    fill(0, 0)
    issue(0)

    for c in range(NCHUNK):
        p = c % 2
        if c + 1 < NCHUNK:
            fill(c + 1, 1 - p)
            issue(1 - p)
        wait(p)

        def group(t, carry, c=c, p=p):
            sl = pl.ds(t * LANES, LANES)
            k16 = t * LANES + lax.iota(jnp.int32, LANES)
            uoff = uoff_v[p, sl]
            ioff = ioff_v[p, sl]
            acc = jnp.zeros((LANES,), jnp.float32)
            for d in range(EMBED_DIM):
                u = plsc.load_gather(umr[p], [k16, uoff + d])
                i = plsc.load_gather(imr[p], [k16, ioff + d])
                acc = acc + u * i
            out_v[pl.ds(c * CHUNK + t * LANES, LANES)] = acc
            return carry

        lax.fori_loop(0, CHUNK // LANES, group, 0)

    cp_ub.wait()
    cp_ib.wait()

    def add_bias(t, carry):
        sl = pl.ds(t * LANES, LANES)
        out_v[sl] = out_v[sl] + ub_v[sl] + ib_v[sl]
        return carry

    lax.fori_loop(0, BPW // LANES, add_bias, 0)

    pltpu.sync_copy(out_v, out_hbm.at[pl.ds(base, BPW)])


@jax.jit
def _mf_scores(uid, iid, um, im, ub, ib):
    mesh = plsc.VectorSubcoreMesh(core_axis_name="c", subcore_axis_name="s")
    return pl.kernel(
        _sc_body,
        out_type=jax.ShapeDtypeStruct((BATCH,), jnp.float32),
        mesh=mesh,
        compiler_params=pltpu.CompilerParams(needs_layout_passes=False),
        scratch_types=[
            pltpu.VMEM((BPW,), jnp.int32),
            pltpu.VMEM((BPW,), jnp.int32),
            pltpu.VMEM((CHUNK,), jnp.int32),
            pltpu.VMEM((CHUNK,), jnp.int32),
            pltpu.VMEM((CHUNK,), jnp.int32),
            pltpu.VMEM((CHUNK,), jnp.int32),
            pltpu.VMEM((2, CHUNK), jnp.int32),
            pltpu.VMEM((2, CHUNK), jnp.int32),
            pltpu.VMEM((CHUNK, 128), jnp.float32),
            pltpu.VMEM((CHUNK, 128), jnp.float32),
            pltpu.VMEM((CHUNK, 128), jnp.float32),
            pltpu.VMEM((CHUNK, 128), jnp.float32),
            pltpu.VMEM((BPW,), jnp.float32),
            pltpu.VMEM((BPW,), jnp.float32),
            pltpu.VMEM((BPW,), jnp.float32),
            pltpu.SemaphoreType.DMA,
            pltpu.SemaphoreType.DMA,
            pltpu.SemaphoreType.DMA,
        ],
    )(uid, iid, um, im, ub, ib)


def kernel(user_ids, item_ids, user_emb, item_emb, user_bias, item_bias):
    uid = user_ids.astype(jnp.int32)
    iid = item_ids.astype(jnp.int32)
    um = user_emb.reshape(RESHAPED_N, 128)
    im = item_emb.reshape(RESHAPED_N, 128)
    return _mf_scores(uid, iid, um, im,
                      user_bias.reshape(-1), item_bias.reshape(-1))

# --- scband reference (transcript-rebuilt; emitter-appended) ---
"""Pipeline reference for scband-matrix-factorization-model-19688130085051 (READ-ONLY COPY).

The authoritative reference and input builder live on the scoring server;
editing this copy changes nothing except your own understanding.
"""

import jax, jax.numpy as jnp
import numpy as np

NUM_USERS = 1000000
NUM_ITEMS = 1000000
EMBED_DIM = 32
BATCH = 16384

def setup_inputs(seed: int = 0) -> dict:
    key = jax.random.key(seed)
    k1, k2, k3, k4, k5, k6 = jax.random.split(key, 6)
    user_ids = jax.random.randint(k1, (BATCH,), 0, NUM_USERS, dtype=jnp.int64) if jax.config.jax_enable_x64 else jax.random.randint(k1, (BATCH,), 0, NUM_USERS, dtype=jnp.int32)
    item_ids = jax.random.randint(k2, (BATCH,), 0, NUM_ITEMS, dtype=jnp.int32)
    user_emb = jax.random.normal(k3, (NUM_USERS, EMBED_DIM), dtype=jnp.float32)
    item_emb = jax.random.normal(k4, (NUM_ITEMS, EMBED_DIM), dtype=jnp.float32)
    user_bias = jax.random.normal(k5, (NUM_USERS, 1), dtype=jnp.float32)
    item_bias = jax.random.normal(k6, (NUM_ITEMS, 1), dtype=jnp.float32)
    return {"user_ids": user_ids, "item_ids": item_ids, "user_emb": user_emb, "item_emb": item_emb, "user_bias": user_bias, "item_bias": item_bias}

def reference(user_ids, item_ids, user_emb, item_emb, user_bias, item_bias):
    ue = jnp.take(user_emb, user_ids, axis=0)          # [B, D]
    ie = jnp.take(item_emb, item_ids, axis=0)          # [B, D]
    ub = jnp.take(user_bias, user_ids, axis=0).squeeze()  # [B]
    ib = jnp.take(item_bias, item_ids, axis=0).squeeze()  # [B]
    dot = (ue * ie).sum(axis=1)
    return dot + ub + ib

if __name__ == "__main__":
    import jax
    _d = setup_inputs()
    print(jax.jit(kernel)(*tuple(_d.values())))

</pallas_src>

<mosaic_0001>
#map = affine_map<(d0, d1) -> (0)>
#map1 = affine_map<(d0, d1) -> (0, 0)>
module attributes {stable_mosaic.version = 14 : i64} {
  func.func @_sc_body(%arg0: i32, %arg1: i32, %arg2: memref<16384xi32, #tpu.memory_space<hbm>>, %arg3: memref<16384xi32, #tpu.memory_space<hbm>>, %arg4: memref<250000x128xf32, #tpu.memory_space<hbm>>, %arg5: memref<250000x128xf32, #tpu.memory_space<hbm>>, %arg6: memref<1000000xf32, #tpu.memory_space<hbm>>, %arg7: memref<1000000xf32, #tpu.memory_space<hbm>>, %arg8: memref<16384xf32, #tpu.memory_space<hbm>>, %arg9: memref<512xi32, #tpu.memory_space<vmem>>, %arg10: memref<512xi32, #tpu.memory_space<vmem>>, %arg11: memref<128xi32, #tpu.memory_space<vmem>>, %arg12: memref<128xi32, #tpu.memory_space<vmem>>, %arg13: memref<128xi32, #tpu.memory_space<vmem>>, %arg14: memref<128xi32, #tpu.memory_space<vmem>>, %arg15: memref<2x128xi32, #tpu.memory_space<vmem>>, %arg16: memref<2x128xi32, #tpu.memory_space<vmem>>, %arg17: memref<128x128xf32, #tpu.memory_space<vmem>>, %arg18: memref<128x128xf32, #tpu.memory_space<vmem>>, %arg19: memref<128x128xf32, #tpu.memory_space<vmem>>, %arg20: memref<128x128xf32, #tpu.memory_space<vmem>>, %arg21: memref<512xf32, #tpu.memory_space<vmem>>, %arg22: memref<512xf32, #tpu.memory_space<vmem>>, %arg23: memref<512xf32, #tpu.memory_space<vmem>>, %arg24: memref<!tpu.dma_semaphore, #tpu.memory_space<semaphore_mem>>, %arg25: memref<!tpu.dma_semaphore, #tpu.memory_space<semaphore_mem>>, %arg26: memref<!tpu.dma_semaphore, #tpu.memory_space<semaphore_mem>>) attributes {dimension_semantics = [#tpu.dimension_semantics<core_parallel>, #tpu.dimension_semantics<subcore_parallel>], iteration_bounds = array<i64: 2, 16>, scalar_prefetch = 0 : i64, scratch_operands = 18 : i64, tpu.core_type = #tpu.core_type<sc_vector_subcore>, window_params = [{transform_indices = #map}, {transform_indices = #map}, {transform_indices = #map1}, {transform_indices = #map1}, {transform_indices = #map}, {transform_indices = #map}, {transform_indices = #map}]} {
    %mul3A = arith.constant 2 : i32
    %mul3A_0 = arith.muli %arg1, %mul3A : i32
    %add3A = arith.addi %mul3A_0, %arg0 : i32
    %mul3A_1 = arith.constant 512 : i32
    %mul3A_2 = arith.muli %add3A, %mul3A_1 : i32
    "tpu.region"() ({
      %run_scoped3A = tpu.sem_alloc : memref<!tpu.dma_semaphore, #tpu.memory_space<semaphore_mem>>
      %dma_start3A_110 = tpu.memref_slice %arg2[%mul3A_2] : memref<16384xi32, #tpu.memory_space<hbm>> -> memref<512xi32, #tpu.memory_space<hbm>>
      %dma_start3A_111 = tpu.memref_slice %arg2[%mul3A_2] : memref<16384xi32, #tpu.memory_space<hbm>> -> memref<512xi32, #tpu.memory_space<hbm>>
      tpu.enqueue_dma source(%dma_start3A_111 : memref<512xi32, #tpu.memory_space<hbm>>) target(%arg9 : memref<512xi32, #tpu.memory_space<vmem>>) target_semaphore(%run_scoped3A : memref<!tpu.dma_semaphore, #tpu.memory_space<semaphore_mem>>)
      %dma_wait3A_112 = tpu.memref_slice %arg2[%mul3A_2] : memref<16384xi32, #tpu.memory_space<hbm>> -> memref<512xi32, #tpu.memory_space<hbm>>
      %dma_wait3A_113 = tpu.memref_slice %arg2[%mul3A_2] : memref<16384xi32, #tpu.memory_space<hbm>> -> memref<512xi32, #tpu.memory_space<hbm>>
      tpu.wait_dma2 semaphore(%run_scoped3A : memref<!tpu.dma_semaphore, #tpu.memory_space<semaphore_mem>>) src(%dma_wait3A_113 : memref<512xi32, #tpu.memory_space<hbm>>) dst(%arg9 : memref<512xi32, #tpu.memory_space<vmem>>)
      tpu.yield
    }) : () -> ()
    "tpu.region"() ({
      %run_scoped3A = tpu.sem_alloc : memref<!tpu.dma_semaphore, #tpu.memory_space<semaphore_mem>>
      %dma_start3A_110 = tpu.memref_slice %arg3[%mul3A_2] : memref<16384xi32, #tpu.memory_space<hbm>> -> memref<512xi32, #tpu.memory_space<hbm>>
      %dma_start3A_111 = tpu.memref_slice %arg3[%mul3A_2] : memref<16384xi32, #tpu.memory_space<hbm>> -> memref<512xi32, #tpu.memory_space<hbm>>
      tpu.enqueue_dma source(%dma_start3A_111 : memref<512xi32, #tpu.memory_space<hbm>>) target(%arg10 : memref<512xi32, #tpu.memory_space<vmem>>) target_semaphore(%run_scoped3A : memref<!tpu.dma_semaphore, #tpu.memory_space<semaphore_mem>>)
      %dma_wait3A_112 = tpu.memref_slice %arg3[%mul3A_2] : memref<16384xi32, #tpu.memory_space<hbm>> -> memref<512xi32, #tpu.memory_space<hbm>>
      %dma_wait3A_113 = tpu.memref_slice %arg3[%mul3A_2] : memref<16384xi32, #tpu.memory_space<hbm>> -> memref<512xi32, #tpu.memory_space<hbm>>
      tpu.wait_dma2 semaphore(%run_scoped3A : memref<!tpu.dma_semaphore, #tpu.memory_space<semaphore_mem>>) src(%dma_wait3A_113 : memref<512xi32, #tpu.memory_space<hbm>>) dst(%arg10 : memref<512xi32, #tpu.memory_space<vmem>>)
      tpu.yield
    }) : () -> ()
    %dma_start3A = arith.constant 0 : i32
    %dma_start3A_3 = tpu.memref_slice %arg6[%dma_start3A] : memref<1000000xf32, #tpu.memory_space<hbm>> -> memref<1000000xf32, #tpu.memory_space<hbm>>
    tpu.enqueue_indirect_dma source(%dma_start3A_3 : memref<1000000xf32, #tpu.memory_space<hbm>>) target(%arg21 : memref<512xf32, #tpu.memory_space<vmem>>) offsets(%arg9 : memref<512xi32, #tpu.memory_space<vmem>>) semaphore(%arg26 : memref<!tpu.dma_semaphore, #tpu.memory_space<semaphore_mem>>)
    %dma_start3A_4 = arith.constant 0 : i32
    %dma_start3A_5 = tpu.memref_slice %arg7[%dma_start3A_4] : memref<1000000xf32, #tpu.memory_space<hbm>> -> memref<1000000xf32, #tpu.memory_space<hbm>>
    tpu.enqueue_indirect_dma source(%dma_start3A_5 : memref<1000000xf32, #tpu.memory_space<hbm>>) target(%arg22 : memref<512xf32, #tpu.memory_space<vmem>>) offsets(%arg10 : memref<512xi32, #tpu.memory_space<vmem>>) semaphore(%arg26 : memref<!tpu.dma_semaphore, #tpu.memory_space<semaphore_mem>>)
    %scan3A = arith.constant 0 : i32
    %scan3A_6 = arith.constant 0 : i32
    %scan3A_7 = arith.constant 8 : i32
    %scan3A_8 = arith.addi %scan3A_6, %scan3A_7 : i32
    %scan3A_9 = arith.constant 1 : i32
    scf.for %scan3A_110 = %scan3A_6 to %scan3A_8 step %scan3A_9  : i32 {
      %mul3A_111 = arith.constant 16 : i32
      %mul3A_112 = arith.muli %scan3A_110, %mul3A_111 : i32
      %add3A_113 = arith.constant 0 : i32
      %add3A_114 = arith.addi %add3A_113, %mul3A_112 : i32
      %mul3A_115 = arith.constant 16 : i32
      %mul3A_116 = arith.muli %scan3A_110, %mul3A_115 : i32
      %get3A = arith.index_cast %add3A_114 : i32 to index
      %get3A_117 = tpu.vector_load %arg9[%get3A] {strides = array<i32>} : memref<512xi32, #tpu.memory_space<vmem>>, vector<16xi32>,
      %shift_right_arithmetic3A = arith.constant 2 : i32
      %shift_right_arithmetic3A_118 = vector.broadcast %shift_right_arithmetic3A : i32 to vector<16xi32>
      %shift_right_arithmetic3A_119 = arith.shrsi %get3A_117, %shift_right_arithmetic3A_118 : vector<16xi32>
      %swap3A = arith.index_cast %mul3A_116 : i32 to index
      %swap3A_120 = tpu.vector_load %arg11[%swap3A] {strides = array<i32>} : memref<128xi32, #tpu.memory_space<vmem>>, vector<16xi32>,
      tpu.vector_store %arg11[%swap3A], %shift_right_arithmetic3A_119 {strides = array<i32>} : memref<128xi32, #tpu.memory_space<vmem>>, vector<16xi32>,
      %and3A = arith.constant 3 : i32
      %and3A_121 = vector.broadcast %and3A : i32 to vector<16xi32>
      %and3A_122 = arith.andi %get3A_117, %and3A_121 : vector<16xi32>
      %shift_left3A = arith.constant 5 : i32
      %shift_left3A_123 = vector.broadcast %shift_left3A : i32 to vector<16xi32>
      %shift_left3A_124 = arith.shli %and3A_122, %shift_left3A_123 : vector<16xi32>
      %swap3A_125 = arith.constant 0 : i32
      %swap3A_126 = arith.index_cast %swap3A_125 : i32 to index
      %swap3A_127 = arith.index_cast %mul3A_116 : i32 to index
      %swap3A_128 = tpu.vector_load %arg15[%swap3A_126, %swap3A_127] {strides = array<i32>} : memref<2x128xi32, #tpu.memory_space<vmem>>, vector<16xi32>,
      tpu.vector_store %arg15[%swap3A_126, %swap3A_127], %shift_left3A_124 {strides = array<i32>} : memref<2x128xi32, #tpu.memory_space<vmem>>, vector<16xi32>,
      %get3A_129 = arith.index_cast %add3A_114 : i32 to index
      %get3A_130 = tpu.vector_load %arg10[%get3A_129] {strides = array<i32>} : memref<512xi32, #tpu.memory_space<vmem>>, vector<16xi32>,
      %shift_right_arithmetic3A_131 = arith.constant 2 : i32
      %shift_right_arithmetic3A_132 = vector.broadcast %shift_right_arithmetic3A_131 : i32 to vector<16xi32>
      %shift_right_arithmetic3A_133 = arith.shrsi %get3A_130, %shift_right_arithmetic3A_132 : vector<16xi32>
      %swap3A_134 = arith.index_cast %mul3A_116 : i32 to index
      %swap3A_135 = tpu.vector_load %arg13[%swap3A_134] {strides = array<i32>} : memref<128xi32, #tpu.memory_space<vmem>>, vector<16xi32>,
      tpu.vector_store %arg13[%swap3A_134], %shift_right_arithmetic3A_133 {strides = array<i32>} : memref<128xi32, #tpu.memory_space<vmem>>, vector<16xi32>,
      %and3A_136 = arith.constant 3 : i32
      %and3A_137 = vector.broadcast %and3A_136 : i32 to vector<16xi32>
      %and3A_138 = arith.andi %get3A_130, %and3A_137 : vector<16xi32>
      %shift_left3A_139 = arith.constant 5 : i32
      %shift_left3A_140 = vector.broadcast %shift_left3A_139 : i32 to vector<16xi32>
      %shift_left3A_141 = arith.shli %and3A_138, %shift_left3A_140 : vector<16xi32>
      %swap3A_142 = arith.constant 0 : i32
      %swap3A_143 = arith.index_cast %swap3A_142 : i32 to index
      %swap3A_144 = arith.index_cast %mul3A_116 : i32 to index
      %swap3A_145 = tpu.vector_load %arg16[%swap3A_143, %swap3A_144] {strides = array<i32>} : memref<2x128xi32, #tpu.memory_space<vmem>>, vector<16xi32>,
      tpu.vector_store %arg16[%swap3A_143, %swap3A_144], %shift_left3A_141 {strides = array<i32>} : memref<2x128xi32, #tpu.memory_space<vmem>>, vector<16xi32>,
    }
    %scan3A_10 = arith.constant 8 : i32
    %dma_start3A_11 = arith.constant 0 : i32
    %dma_start3A_12 = arith.constant 0 : i32
    %dma_start3A_13 = tpu.memref_slice %arg4[%dma_start3A_11, %dma_start3A_12] : memref<250000x128xf32, #tpu.memory_space<hbm>> -> memref<250000x128xf32, #tpu.memory_space<hbm>>
    tpu.enqueue_indirect_dma source(%dma_start3A_13 : memref<250000x128xf32, #tpu.memory_space<hbm>>) target(%arg17 : memref<128x128xf32, #tpu.memory_space<vmem>>) offsets(%arg11 : memref<128xi32, #tpu.memory_space<vmem>>) semaphore(%arg24 : memref<!tpu.dma_semaphore, #tpu.memory_space<semaphore_mem>>)
    %dma_start3A_14 = arith.constant 0 : i32
    %dma_start3A_15 = arith.constant 0 : i32
    %dma_start3A_16 = tpu.memref_slice %arg5[%dma_start3A_14, %dma_start3A_15] : memref<250000x128xf32, #tpu.memory_space<hbm>> -> memref<250000x128xf32, #tpu.memory_space<hbm>>
    tpu.enqueue_indirect_dma source(%dma_start3A_16 : memref<250000x128xf32, #tpu.memory_space<hbm>>) target(%arg19 : memref<128x128xf32, #tpu.memory_space<vmem>>) offsets(%arg13 : memref<128xi32, #tpu.memory_space<vmem>>) semaphore(%arg24 : memref<!tpu.dma_semaphore, #tpu.memory_space<semaphore_mem>>)
    %scan3A_17 = arith.constant 0 : i32
    %scan3A_18 = arith.constant 0 : i32
    %scan3A_19 = arith.constant 8 : i32
    %scan3A_20 = arith.addi %scan3A_18, %scan3A_19 : i32
    %scan3A_21 = arith.constant 1 : i32
    scf.for %scan3A_110 = %scan3A_18 to %scan3A_20 step %scan3A_21  : i32 {
      %mul3A_111 = arith.constant 16 : i32
      %mul3A_112 = arith.muli %scan3A_110, %mul3A_111 : i32
      %add3A_113 = arith.constant 128 : i32
      %add3A_114 = arith.addi %add3A_113, %mul3A_112 : i32
      %mul3A_115 = arith.constant 16 : i32
      %mul3A_116 = arith.muli %scan3A_110, %mul3A_115 : i32
      %get3A = arith.index_cast %add3A_114 : i32 to index
      %get3A_117 = tpu.vector_load %arg9[%get3A] {strides = array<i32>} : memref<512xi32, #tpu.memory_space<vmem>>, vector<16xi32>,
      %shift_right_arithmetic3A = arith.constant 2 : i32
      %shift_right_arithmetic3A_118 = vector.broadcast %shift_right_arithmetic3A : i32 to vector<16xi32>
      %shift_right_arithmetic3A_119 = arith.shrsi %get3A_117, %shift_right_arithmetic3A_118 : vector<16xi32>
      %swap3A = arith.index_cast %mul3A_116 : i32 to index
      %swap3A_120 = tpu.vector_load %arg12[%swap3A] {strides = array<i32>} : memref<128xi32, #tpu.memory_space<vmem>>, vector<16xi32>,
      tpu.vector_store %arg12[%swap3A], %shift_right_arithmetic3A_119 {strides = array<i32>} : memref<128xi32, #tpu.memory_space<vmem>>, vector<16xi32>,
      %and3A = arith.constant 3 : i32
      %and3A_121 = vector.broadcast %and3A : i32 to vector<16xi32>
      %and3A_122 = arith.andi %get3A_117, %and3A_121 : vector<16xi32>
      %shift_left3A = arith.constant 5 : i32
      %shift_left3A_123 = vector.broadcast %shift_left3A : i32 to vector<16xi32>
      %shift_left3A_124 = arith.shli %and3A_122, %shift_left3A_123 : vector<16xi32>
      %swap3A_125 = arith.constant 1 : i32
      %swap3A_126 = arith.index_cast %swap3A_125 : i32 to index
      %swap3A_127 = arith.index_cast %mul3A_116 : i32 to index
      %swap3A_128 = tpu.vector_load %arg15[%swap3A_126, %swap3A_127] {strides = array<i32>} : memref<2x128xi32, #tpu.memory_space<vmem>>, vector<16xi32>,
      tpu.vector_store %arg15[%swap3A_126, %swap3A_127], %shift_left3A_124 {strides = array<i32>} : memref<2x128xi32, #tpu.memory_space<vmem>>, vector<16xi32>,
      %get3A_129 = arith.index_cast %add3A_114 : i32 to index
      %get3A_130 = tpu.vector_load %arg10[%get3A_129] {strides = array<i32>} : memref<512xi32, #tpu.memory_space<vmem>>, vector<16xi32>,
      %shift_right_arithmetic3A_131 = arith.constant 2 : i32
      %shift_right_arithmetic3A_132 = vector.broadcast %shift_right_arithmetic3A_131 : i32 to vector<16xi32>
      %shift_right_arithmetic3A_133 = arith.shrsi %get3A_130, %shift_right_arithmetic3A_132 : vector<16xi32>
      %swap3A_134 = arith.index_cast %mul3A_116 : i32 to index
      %swap3A_135 = tpu.vector_load %arg14[%swap3A_134] {strides = array<i32>} : memref<128xi32, #tpu.memory_space<vmem>>, vector<16xi32>,
      tpu.vector_store %arg14[%swap3A_134], %shift_right_arithmetic3A_133 {strides = array<i32>} : memref<128xi32, #tpu.memory_space<vmem>>, vector<16xi32>,
      %and3A_136 = arith.constant 3 : i32
      %and3A_137 = vector.broadcast %and3A_136 : i32 to vector<16xi32>
      %and3A_138 = arith.andi %get3A_130, %and3A_137 : vector<16xi32>
      %shift_left3A_139 = arith.constant 5 : i32
      %shift_left3A_140 = vector.broadcast %shift_left3A_139 : i32 to vector<16xi32>
      %shift_left3A_141 = arith.shli %and3A_138, %shift_left3A_140 : vector<16xi32>
      %swap3A_142 = arith.constant 1 : i32
      %swap3A_143 = arith.index_cast %swap3A_142 : i32 to index
      %swap3A_144 = arith.index_cast %mul3A_116 : i32 to index
      %swap3A_145 = tpu.vector_load %arg16[%swap3A_143, %swap3A_144] {strides = array<i32>} : memref<2x128xi32, #tpu.memory_space<vmem>>, vector<16xi32>,
      tpu.vector_store %arg16[%swap3A_143, %swap3A_144], %shift_left3A_141 {strides = array<i32>} : memref<2x128xi32, #tpu.memory_space<vmem>>, vector<16xi32>,
    }
    %scan3A_22 = arith.constant 8 : i32
    %dma_start3A_23 = arith.constant 0 : i32
    %dma_start3A_24 = arith.constant 0 : i32
    %dma_start3A_25 = tpu.memref_slice %arg4[%dma_start3A_23, %dma_start3A_24] : memref<250000x128xf32, #tpu.memory_space<hbm>> -> memref<250000x128xf32, #tpu.memory_space<hbm>>
    tpu.enqueue_indirect_dma source(%dma_start3A_25 : memref<250000x128xf32, #tpu.memory_space<hbm>>) target(%arg18 : memref<128x128xf32, #tpu.memory_space<vmem>>) offsets(%arg12 : memref<128xi32, #tpu.memory_space<vmem>>) semaphore(%arg25 : memref<!tpu.dma_semaphore, #tpu.memory_space<semaphore_mem>>)
    %dma_start3A_26 = arith.constant 0 : i32
    %dma_start3A_27 = arith.constant 0 : i32
    %dma_start3A_28 = tpu.memref_slice %arg5[%dma_start3A_26, %dma_start3A_27] : memref<250000x128xf32, #tpu.memory_space<hbm>> -> memref<250000x128xf32, #tpu.memory_space<hbm>>
    tpu.enqueue_indirect_dma source(%dma_start3A_28 : memref<250000x128xf32, #tpu.memory_space<hbm>>) target(%arg20 : memref<128x128xf32, #tpu.memory_space<vmem>>) offsets(%arg14 : memref<128xi32, #tpu.memory_space<vmem>>) semaphore(%arg25 : memref<!tpu.dma_semaphore, #tpu.memory_space<semaphore_mem>>)
    %dma_wait3A = arith.constant 0 : i32
    %dma_wait3A_29 = arith.constant 0 : i32
    %dma_wait3A_30 = tpu.memref_slice %arg4[%dma_wait3A, %dma_wait3A_29] : memref<250000x128xf32, #tpu.memory_space<hbm>> -> memref<250000x128xf32, #tpu.memory_space<hbm>>
    tpu.wait_indirect_dma semaphore(%arg24 : memref<!tpu.dma_semaphore, #tpu.memory_space<semaphore_mem>>) src(%dma_wait3A_30 : memref<250000x128xf32, #tpu.memory_space<hbm>>) dst(%arg17 : memref<128x128xf32, #tpu.memory_space<vmem>>)
    %dma_wait3A_31 = arith.constant 0 : i32
    %dma_wait3A_32 = arith.constant 0 : i32
    %dma_wait3A_33 = tpu.memref_slice %arg5[%dma_wait3A_31, %dma_wait3A_32] : memref<250000x128xf32, #tpu.memory_space<hbm>> -> memref<250000x128xf32, #tpu.memory_space<hbm>>
    tpu.wait_indirect_dma semaphore(%arg24 : memref<!tpu.dma_semaphore, #tpu.memory_space<semaphore_mem>>) src(%dma_wait3A_33 : memref<250000x128xf32, #tpu.memory_space<hbm>>) dst(%arg19 : memref<128x128xf32, #tpu.memory_space<vmem>>)
    %scan3A_34 = arith.constant 0 : i32
    %scan3A_35 = arith.constant 0 : i32
    %scan3A_36 = arith.constant 8 : i32
    %scan3A_37 = arith.addi %scan3A_35, %scan3A_36 : i32
    %scan3A_38 = arith.constant 1 : i32
    scf.for %scan3A_110 = %scan3A_35 to %scan3A_37 step %scan3A_38  : i32 {
      %mul3A_111 = arith.constant 16 : i32
      %mul3A_112 = arith.muli %scan3A_110, %mul3A_111 : i32
      %mul3A_113 = arith.constant 16 : i32
      %mul3A_114 = arith.muli %scan3A_110, %mul3A_113 : i32
      %iota3A = tpu.iota {dimensions = array<i32: 0>} : vector<16xi32>
      %add3A_115 = vector.broadcast %mul3A_114 : i32 to vector<16xi32>
      %add3A_116 = arith.addi %add3A_115, %iota3A : vector<16xi32>
      %get3A = arith.constant 0 : i32
      %get3A_117 = arith.index_cast %get3A : i32 to index
      %get3A_118 = arith.index_cast %mul3A_112 : i32 to index
      %get3A_119 = tpu.vector_load %arg15[%get3A_117, %get3A_118] {strides = array<i32>} : memref<2x128xi32, #tpu.memory_space<vmem>>, vector<16xi32>,
      %get3A_120 = arith.constant 0 : i32
      %get3A_121 = arith.index_cast %get3A_120 : i32 to index
      %get3A_122 = arith.index_cast %mul3A_112 : i32 to index
      %get3A_123 = tpu.vector_load %arg16[%get3A_121, %get3A_122] {strides = array<i32>} : memref<2x128xi32, #tpu.memory_space<vmem>>, vector<16xi32>,
      %broadcast_in_dim3A = arith.constant 0.000000e+00 : f32
      %broadcast_in_dim3A_124 = vector.broadcast %broadcast_in_dim3A : f32 to vector<16xf32>
      %add3A_125 = arith.constant 0 : i32
      %add3A_126 = vector.broadcast %add3A_125 : i32 to vector<16xi32>
      %add3A_127 = arith.addi %get3A_119, %add3A_126 : vector<16xi32>
      %gather3A = tpu.vector_load_idx %arg17[%add3A_116, %add3A_127] : memref<128x128xf32, #tpu.memory_space<vmem>>[vector<16xi32>, vector<16xi32>], vector<16xf32>,
      %add3A_128 = arith.constant 0 : i32
      %add3A_129 = vector.broadcast %add3A_128 : i32 to vector<16xi32>
      %add3A_130 = arith.addi %get3A_123, %add3A_129 : vector<16xi32>
      %gather3A_131 = tpu.vector_load_idx %arg19[%add3A_116, %add3A_130] : memref<128x128xf32, #tpu.memory_space<vmem>>[vector<16xi32>, vector<16xi32>], vector<16xf32>,
      %mul3A_132 = arith.mulf %gather3A, %gather3A_131 : vector<16xf32>
      %add3A_133 = arith.addf %broadcast_in_dim3A_124, %mul3A_132 : vector<16xf32>
      %add3A_134 = arith.constant 1 : i32
      %add3A_135 = vector.broadcast %add3A_134 : i32 to vector<16xi32>
      %add3A_136 = arith.addi %get3A_119, %add3A_135 : vector<16xi32>
      %gather3A_137 = tpu.vector_load_idx %arg17[%add3A_116, %add3A_136] : memref<128x128xf32, #tpu.memory_space<vmem>>[vector<16xi32>, vector<16xi32>], vector<16xf32>,
      %add3A_138 = arith.constant 1 : i32
      %add3A_139 = vector.broadcast %add3A_138 : i32 to vector<16xi32>
      %add3A_140 = arith.addi %get3A_123, %add3A_139 : vector<16xi32>
      %gather3A_141 = tpu.vector_load_idx %arg19[%add3A_116, %add3A_140] : memref<128x128xf32, #tpu.memory_space<vmem>>[vector<16xi32>, vector<16xi32>], vector<16xf32>,
      %mul3A_142 = arith.mulf %gather3A_137, %gather3A_141 : vector<16xf32>
      %add3A_143 = arith.addf %add3A_133, %mul3A_142 : vector<16xf32>
      %add3A_144 = arith.constant 2 : i32
      %add3A_145 = vector.broadcast %add3A_144 : i32 to vector<16xi32>
      %add3A_146 = arith.addi %get3A_119, %add3A_145 : vector<16xi32>
      %gather3A_147 = tpu.vector_load_idx %arg17[%add3A_116, %add3A_146] : memref<128x128xf32, #tpu.memory_space<vmem>>[vector<16xi32>, vector<16xi32>], vector<16xf32>,
      %add3A_148 = arith.constant 2 : i32
      %add3A_149 = vector.broadcast %add3A_148 : i32 to vector<16xi32>
      %add3A_150 = arith.addi %get3A_123, %add3A_149 : vector<16xi32>
      %gather3A_151 = tpu.vector_load_idx %arg19[%add3A_116, %add3A_150] : memref<128x128xf32, #tpu.memory_space<vmem>>[vector<16xi32>, vector<16xi32>], vector<16xf32>,
      %mul3A_152 = arith.mulf %gather3A_147, %gather3A_151 : vector<16xf32>
      %add3A_153 = arith.addf %add3A_143, %mul3A_152 : vector<16xf32>
      %add3A_154 = arith.constant 3 : i32
      %add3A_155 = vector.broadcast %add3A_154 : i32 to vector<16xi32>
      %add3A_156 = arith.addi %get3A_119, %add3A_155 : vector<16xi32>
      %gather3A_157 = tpu.vector_load_idx %arg17[%add3A_116, %add3A_156] : memref<128x128xf32, #tpu.memory_space<vmem>>[vector<16xi32>, vector<16xi32>], vector<16xf32>,
      %add3A_158 = arith.constant 3 : i32
      %add3A_159 = vector.broadcast %add3A_158 : i32 to vector<16xi32>
      %add3A_160 = arith.addi %get3A_123, %add3A_159 : vector<16xi32>
      %gather3A_161 = tpu.vector_load_idx %arg19[%add3A_116, %add3A_160] : memref<128x128xf32, #tpu.memory_space<vmem>>[vector<16xi32>, vector<16xi32>], vector<16xf32>,
      %mul3A_162 = arith.mulf %gather3A_157, %gather3A_161 : vector<16xf32>
      %add3A_163 = arith.addf %add3A_153, %mul3A_162 : vector<16xf32>
      %add3A_164 = arith.constant 4 : i32
      %add3A_165 = vector.broadcast %add3A_164 : i32 to vector<16xi32>
      %add3A_166 = arith.addi %get3A_119, %add3A_165 : vector<16xi32>
      %gather3A_167 = tpu.vector_load_idx %arg17[%add3A_116, %add3A_166] : memref<128x128xf32, #tpu.memory_space<vmem>>[vector<16xi32>, vector<16xi32>], vector<16xf32>,
      %add3A_168 = arith.constant 4 : i32
      %add3A_169 = vector.broadcast %add3A_168 : i32 to vector<16xi32>
      %add3A_170 = arith.addi %get3A_123, %add3A_169 : vector<16xi32>
      %gather3A_171 = tpu.vector_load_idx %arg19[%add3A_116, %add3A_170] : memref<128x128xf32, #tpu.memory_space<vmem>>[vector<16xi32>, vector<16xi32>], vector<16xf32>,
      %mul3A_172 = arith.mulf %gather3A_167, %gather3A_171 : vector<16xf32>
      %add3A_173 = arith.addf %add3A_163, %mul3A_172 : vector<16xf32>
      %add3A_174 = arith.constant 5 : i32
      %add3A_175 = vector.broadcast %add3A_174 : i32 to vector<16xi32>
      %add3A_176 = arith.addi %get3A_119, %add3A_175 : vector<16xi32>
      %gather3A_177 = tpu.vector_load_idx %arg17[%add3A_116, %add3A_176] : memref<128x128xf32, #tpu.memory_space<vmem>>[vector<16xi32>, vector<16xi32>], vector<16xf32>,
      %add3A_178 = arith.constant 5 : i32
      %add3A_179 = vector.broadcast %add3A_178 : i32 to vector<16xi32>
      %add3A_180 = arith.addi %get3A_123, %add3A_179 : vector<16xi32>
      %gather3A_181 = tpu.vector_load_idx %arg19[%add3A_116, %add3A_180] : memref<128x128xf32, #tpu.memory_space<vmem>>[vector<16xi32>, vector<16xi32>], vector<16xf32>,
      %mul3A_182 = arith.mulf %gather3A_177, %gather3A_181 : vector<16xf32>
      %add3A_183 = arith.addf %add3A_173, %mul3A_182 : vector<16xf32>
      %add3A_184 = arith.constant 6 : i32
      %add3A_185 = vector.broadcast %add3A_184 : i32 to vector<16xi32>
      %add3A_186 = arith.addi %get3A_119, %add3A_185 : vector<16xi32>
      %gather3A_187 = tpu.vector_load_idx %arg17[%add3A_116, %add3A_186] : memref<128x128xf32, #tpu.memory_space<vmem>>[vector<16xi32>, vector<16xi32>], vector<16xf32>,
      %add3A_188 = arith.constant 6 : i32
      %add3A_189 = vector.broadcast %add3A_188 : i32 to vector<16xi32>
      %add3A_190 = arith.addi %get3A_123, %add3A_189 : vector<16xi32>
      %gather3A_191 = tpu.vector_load_idx %arg19[%add3A_116, %add3A_190] : memref<128x128xf32, #tpu.memory_space<vmem>>[vector<16xi32>, vector<16xi32>], vector<16xf32>,
      %mul3A_192 = arith.mulf %gather3A_187, %gather3A_191 : vector<16xf32>
      %add3A_193 = arith.addf %add3A_183, %mul3A_192 : vector<16xf32>
      %add3A_194 = arith.constant 7 : i32
      %add3A_195 = vector.broadcast %add3A_194 : i32 to vector<16xi32>
      %add3A_196 = arith.addi %get3A_119, %add3A_195 : vector<16xi32>
      %gather3A_197 = tpu.vector_load_idx %arg17[%add3A_116, %add3A_196] : memref<128x128xf32, #tpu.memory_space<vmem>>[vector<16xi32>, vector<16xi32>], vector<16xf32>,
      %add3A_198 = arith.constant 7 : i32
      %add3A_199 = vector.broadcast %add3A_198 : i32 to vector<16xi32>
      %add3A_200 = arith.addi %get3A_123, %add3A_199 : vector<16xi32>
      %gather3A_201 = tpu.vector_load_idx %arg19[%add3A_116, %add3A_200] : memref<128x128xf32, #tpu.memory_space<vmem>>[vector<16xi32>, vector<16xi32>], vector<16xf32>,
      %mul3A_202 = arith.mulf %gather3A_197, %gather3A_201 : vector<16xf32>
      %add3A_203 = arith.addf %add3A_193, %mul3A_202 : vector<16xf32>
      %add3A_204 = arith.constant 8 : i32
      %add3A_205 = vector.broadcast %add3A_204 : i32 to vector<16xi32>
      %add3A_206 = arith.addi %get3A_119, %add3A_205 : vector<16xi32>
      %gather3A_207 = tpu.vector_load_idx %arg17[%add3A_116, %add3A_206] : memref<128x128xf32, #tpu.memory_space<vmem>>[vector<16xi32>, vector<16xi32>], vector<16xf32>,
      %add3A_208 = arith.constant 8 : i32
      %add3A_209 = vector.broadcast %add3A_208 : i32 to vector<16xi32>
      %add3A_210 = arith.addi %get3A_123, %add3A_209 : vector<16xi32>
      %gather3A_211 = tpu.vector_load_idx %arg19[%add3A_116, %add3A_210] : memref<128x128xf32, #tpu.memory_space<vmem>>[vector<16xi32>, vector<16xi32>], vector<16xf32>,
      %mul3A_212 = arith.mulf %gather3A_207, %gather3A_211 : vector<16xf32>
      %add3A_213 = arith.addf %add3A_203, %mul3A_212 : vector<16xf32>
      %add3A_214 = arith.constant 9 : i32
      %add3A_215 = vector.broadcast %add3A_214 : i32 to vector<16xi32>
      %add3A_216 = arith.addi %get3A_119, %add3A_215 : vector<16xi32>
      %gather3A_217 = tpu.vector_load_idx %arg17[%add3A_116, %add3A_216] : memref<128x128xf32, #tpu.memory_space<vmem>>[vector<16xi32>, vector<16xi32>], vector<16xf32>,
      %add3A_218 = arith.constant 9 : i32
      %add3A_219 = vector.broadcast %add3A_218 : i32 to vector<16xi32>
      %add3A_220 = arith.addi %get3A_123, %add3A_219 : vector<16xi32>
      %gather3A_221 = tpu.vector_load_idx %arg19[%add3A_116, %add3A_220] : memref<128x128xf32, #tpu.memory_space<vmem>>[vector<16xi32>, vector<16xi32>], vector<16xf32>,
      %mul3A_222 = arith.mulf %gather3A_217, %gather3A_221 : vector<16xf32>
      %add3A_223 = arith.addf %add3A_213, %mul3A_222 : vector<16xf32>
      %add3A_224 = arith.constant 10 : i32
      %add3A_225 = vector.broadcast %add3A_224 : i32 to vector<16xi32>
      %add3A_226 = arith.addi %get3A_119, %add3A_225 : vector<16xi32>
      %gather3A_227 = tpu.vector_load_idx %arg17[%add3A_116, %add3A_226] : memref<128x128xf32, #tpu.memory_space<vmem>>[vector<16xi32>, vector<16xi32>], vector<16xf32>,
      %add3A_228 = arith.constant 10 : i32
      %add3A_229 = vector.broadcast %add3A_228 : i32 to vector<16xi32>
      %add3A_230 = arith.addi %get3A_123, %add3A_229 : vector<16xi32>
      %gather3A_231 = tpu.vector_load_idx %arg19[%add3A_116, %add3A_230] : memref<128x128xf32, #tpu.memory_space<vmem>>[vector<16xi32>, vector<16xi32>], vector<16xf32>,
      %mul3A_232 = arith.mulf %gather3A_227, %gather3A_231 : vector<16xf32>
      %add3A_233 = arith.addf %add3A_223, %mul3A_232 : vector<16xf32>
      %add3A_234 = arith.constant 11 : i32
      %add3A_235 = vector.broadcast %add3A_234 : i32 to vector<16xi32>
      %add3A_236 = arith.addi %get3A_119, %add3A_235 : vector<16xi32>
      %gather3A_237 = tpu.vector_load_idx %arg17[%add3A_116, %add3A_236] : memref<128x128xf32, #tpu.memory_space<vmem>>[vector<16xi32>, vector<16xi32>], vector<16xf32>,
      %add3A_238 = arith.constant 11 : i32
      %add3A_239 = vector.broadcast %add3A_238 : i32 to vector<16xi32>
      %add3A_240 = arith.addi %get3A_123, %add3A_239 : vector<16xi32>
      %gather3A_241 = tpu.vector_load_idx %arg19[%add3A_116, %add3A_240] : memref<128x128xf32, #tpu.memory_space<vmem>>[vector<16xi32>, vector<16xi32>], vector<16xf32>,
      %mul3A_242 = arith.mulf %gather3A_237, %gather3A_241 : vector<16xf32>
      %add3A_243 = arith.addf %add3A_233, %mul3A_242 : vector<16xf32>
      %add3A_244 = arith.constant 12 : i32
      %add3A_245 = vector.broadcast %add3A_244 : i32 to vector<16xi32>
      %add3A_246 = arith.addi %get3A_119, %add3A_245 : vector<16xi32>
      %gather3A_247 = tpu.vector_load_idx %arg17[%add3A_116, %add3A_246] : memref<128x128xf32, #tpu.memory_space<vmem>>[vector<16xi32>, vector<16xi32>], vector<16xf32>,
      %add3A_248 = arith.constant 12 : i32
      %add3A_249 = vector.broadcast %add3A_248 : i32 to vector<16xi32>
      %add3A_250 = arith.addi %get3A_123, %add3A_249 : vector<16xi32>
      %gather3A_251 = tpu.vector_load_idx %arg19[%add3A_116, %add3A_250] : memref<128x128xf32, #tpu.memory_space<vmem>>[vector<16xi32>, vector<16xi32>], vector<16xf32>,
      %mul3A_252 = arith.mulf %gather3A_247, %gather3A_251 : vector<16xf32>
      %add3A_253 = arith.addf %add3A_243, %mul3A_252 : vector<16xf32>
      %add3A_254 = arith.constant 13 : i32
      %add3A_255 = vector.broadcast %add3A_254 : i32 to vector<16xi32>
      %add3A_256 = arith.addi %get3A_119, %add3A_255 : vector<16xi32>
      %gather3A_257 = tpu.vector_load_idx %arg17[%add3A_116, %add3A_256] : memref<128x128xf32, #tpu.memory_space<vmem>>[vector<16xi32>, vector<16xi32>], vector<16xf32>,
      %add3A_258 = arith.constant 13 : i32
      %add3A_259 = vector.broadcast %add3A_258 : i32 to vector<16xi32>
      %add3A_260 = arith.addi %get3A_123, %add3A_259 : vector<16xi32>
      %gather3A_261 = tpu.vector_load_idx %arg19[%add3A_116, %add3A_260] : memref<128x128xf32, #tpu.memory_space<vmem>>[vector<16xi32>, vector<16xi32>], vector<16xf32>,
      %mul3A_262 = arith.mulf %gather3A_257, %gather3A_261 : vector<16xf32>
      %add3A_263 = arith.addf %add3A_253, %mul3A_262 : vector<16xf32>
      %add3A_264 = arith.constant 14 : i32
      %add3A_265 = vector.broadcast %add3A_264 : i32 to vector<16xi32>
      %add3A_266 = arith.addi %get3A_119, %add3A_265 : vector<16xi32>
      %gather3A_267 = tpu.vector_load_idx %arg17[%add3A_116, %add3A_266] : memref<128x128xf32, #tpu.memory_space<vmem>>[vector<16xi32>, vector<16xi32>], vector<16xf32>,
      %add3A_268 = arith.constant 14 : i32
      %add3A_269 = vector.broadcast %add3A_268 : i32 to vector<16xi32>
      %add3A_270 = arith.addi %get3A_123, %add3A_269 : vector<16xi32>
      %gather3A_271 = tpu.vector_load_idx %arg19[%add3A_116, %add3A_270] : memref<128x128xf32, #tpu.memory_space<vmem>>[vector<16xi32>, vector<16xi32>], vector<16xf32>,
      %mul3A_272 = arith.mulf %gather3A_267, %gather3A_271 : vector<16xf32>
      %add3A_273 = arith.addf %add3A_263, %mul3A_272 : vector<16xf32>
      %add3A_274 = arith.constant 15 : i32
      %add3A_275 = vector.broadcast %add3A_274 : i32 to vector<16xi32>
      %add3A_276 = arith.addi %get3A_119, %add3A_275 : vector<16xi32>
      %gather3A_277 = tpu.vector_load_idx %arg17[%add3A_116, %add3A_276] : memref<128x128xf32, #tpu.memory_space<vmem>>[vector<16xi32>, vector<16xi32>], vector<16xf32>,
      %add3A_278 = arith.constant 15 : i32
      %add3A_279 = vector.broadcast %add3A_278 : i32 to vector<16xi32>
      %add3A_280 = arith.addi %get3A_123, %add3A_279 : vector<16xi32>
      %gather3A_281 = tpu.vector_load_idx %arg19[%add3A_116, %add3A_280] : memref<128x128xf32, #tpu.memory_space<vmem>>[vector<16xi32>, vector<16xi32>], vector<16xf32>,
      %mul3A_282 = arith.mulf %gather3A_277, %gather3A_281 : vector<16xf32>
      %add3A_283 = arith.addf %add3A_273, %mul3A_282 : vector<16xf32>
      %add3A_284 = arith.constant 16 : i32
      %add3A_285 = vector.broadcast %add3A_284 : i32 to vector<16xi32>
      %add3A_286 = arith.addi %get3A_119, %add3A_285 : vector<16xi32>
      %gather3A_287 = tpu.vector_load_idx %arg17[%add3A_116, %add3A_286] : memref<128x128xf32, #tpu.memory_space<vmem>>[vector<16xi32>, vector<16xi32>], vector<16xf32>,
      %add3A_288 = arith.constant 16 : i32
      %add3A_289 = vector.broadcast %add3A_288 : i32 to vector<16xi32>
      %add3A_290 = arith.addi %get3A_123, %add3A_289 : vector<16xi32>
      %gather3A_291 = tpu.vector_load_idx %arg19[%add3A_116, %add3A_290] : memref<128x128xf32, #tpu.memory_space<vmem>>[vector<16xi32>, vector<16xi32>], vector<16xf32>,
      %mul3A_292 = arith.mulf %gather3A_287, %gather3A_291 : vector<16xf32>
      %add3A_293 = arith.addf %add3A_283, %mul3A_292 : vector<16xf32>
      %add3A_294 = arith.constant 17 : i32
      %add3A_295 = vector.broadcast %add3A_294 : i32 to vector<16xi32>
      %add3A_296 = arith.addi %get3A_119, %add3A_295 : vector<16xi32>
      %gather3A_297 = tpu.vector_load_idx %arg17[%add3A_116, %add3A_296] : memref<128x128xf32, #tpu.memory_space<vmem>>[vector<16xi32>, vector<16xi32>], vector<16xf32>,
      %add3A_298 = arith.constant 17 : i32
      %add3A_299 = vector.broadcast %add3A_298 : i32 to vector<16xi32>
      %add3A_300 = arith.addi %get3A_123, %add3A_299 : vector<16xi32>
      %gather3A_301 = tpu.vector_load_idx %arg19[%add3A_116, %add3A_300] : memref<128x128xf32, #tpu.memory_space<vmem>>[vector<16xi32>, vector<16xi32>], vector<16xf32>,
      %mul3A_302 = arith.mulf %gather3A_297, %gather3A_301 : vector<16xf32>
      %add3A_303 = arith.addf %add3A_293, %mul3A_302 : vector<16xf32>
      %add3A_304 = arith.constant 18 : i32
      %add3A_305 = vector.broadcast %add3A_304 : i32 to vector<16xi32>
      %add3A_306 = arith.addi %get3A_119, %add3A_305 : vector<16xi32>
      %gather3A_307 = tpu.vector_load_idx %arg17[%add3A_116, %add3A_306] : memref<128x128xf32, #tpu.memory_space<vmem>>[vector<16xi32>, vector<16xi32>], vector<16xf32>,
      %add3A_308 = arith.constant 18 : i32
      %add3A_309 = vector.broadcast %add3A_308 : i32 to vector<16xi32>
      %add3A_310 = arith.addi %get3A_123, %add3A_309 : vector<16xi32>
      %gather3A_311 = tpu.vector_load_idx %arg19[%add3A_116, %add3A_310] : memref<128x128xf32, #tpu.memory_space<vmem>>[vector<16xi32>, vector<16xi32>], vector<16xf32>,
      %mul3A_312 = arith.mulf %gather3A_307, %gather3A_311 : vector<16xf32>
      %add3A_313 = arith.addf %add3A_303, %mul3A_312 : vector<16xf32>
      %add3A_314 = arith.constant 19 : i32
      %add3A_315 = vector.broadcast %add3A_314 : i32 to vector<16xi32>
      %add3A_316 = arith.addi %get3A_119, %add3A_315 : vector<16xi32>
      %gather3A_317 = tpu.vector_load_idx %arg17[%add3A_116, %add3A_316] : memref<128x128xf32, #tpu.memory_space<vmem>>[vector<16xi32>, vector<16xi32>], vector<16xf32>,
      %add3A_318 = arith.constant 19 : i32
      %add3A_319 = vector.broadcast %add3A_318 : i32 to vector<16xi32>
      %add3A_320 = arith.addi %get3A_123, %add3A_319 : vector<16xi32>
      %gather3A_321 = tpu.vector_load_idx %arg19[%add3A_116, %add3A_320] : memref<128x128xf32, #tpu.memory_space<vmem>>[vector<16xi32>, vector<16xi32>], vector<16xf32>,
      %mul3A_322 = arith.mulf %gather3A_317, %gather3A_321 : vector<16xf32>
      %add3A_323 = arith.addf %add3A_313, %mul3A_322 : vector<16xf32>
      %add3A_324 = arith.constant 20 : i32
      %add3A_325 = vector.broadcast %add3A_324 : i32 to vector<16xi32>
      %add3A_326 = arith.addi %get3A_119, %add3A_325 : vector<16xi32>
      %gather3A_327 = tpu.vector_load_idx %arg17[%add3A_116, %add3A_326] : memref<128x128xf32, #tpu.memory_space<vmem>>[vector<16xi32>, vector<16xi32>], vector<16xf32>,
      %add3A_328 = arith.constant 20 : i32
      %add3A_329 = vector.broadcast %add3A_328 : i32 to vector<16xi32>
      %add3A_330 = arith.addi %get3A_123, %add3A_329 : vector<16xi32>
      %gather3A_331 = tpu.vector_load_idx %arg19[%add3A_116, %add3A_330] : memref<128x128xf32, #tpu.memory_space<vmem>>[vector<16xi32>, vector<16xi32>], vector<16xf32>,
      %mul3A_332 = arith.mulf %gather3A_327, %gather3A_331 : vector<16xf32>
      %add3A_333 = arith.addf %add3A_323, %mul3A_332 : vector<16xf32>
      %add3A_334 = arith.constant 21 : i32
      %add3A_335 = vector.broadcast %add3A_334 : i32 to vector<16xi32>
      %add3A_336 = arith.addi %get3A_119, %add3A_335 : vector<16xi32>
      %gather3A_337 = tpu.vector_load_idx %arg17[%add3A_116, %add3A_336] : memref<128x128xf32, #tpu.memory_space<vmem>>[vector<16xi32>, vector<16xi32>], vector<16xf32>,
      %add3A_338 = arith.constant 21 : i32
      %add3A_339 = vector.broadcast %add3A_338 : i32 to vector<16xi32>
      %add3A_340 = arith.addi %get3A_123, %add3A_339 : vector<16xi32>
      %gather3A_341 = tpu.vector_load_idx %arg19[%add3A_116, %add3A_340] : memref<128x128xf32, #tpu.memory_space<vmem>>[vector<16xi32>, vector<16xi32>], vector<16xf32>,
      %mul3A_342 = arith.mulf %gather3A_337, %gather3A_341 : vector<16xf32>
      %add3A_343 = arith.addf %add3A_333, %mul3A_342 : vector<16xf32>
      %add3A_344 = arith.constant 22 : i32
      %add3A_345 = vector.broadcast %add3A_344 : i32 to vector<16xi32>
      %add3A_346 = arith.addi %get3A_119, %add3A_345 : vector<16xi32>
      %gather3A_347 = tpu.vector_load_idx %arg17[%add3A_116, %add3A_346] : memref<128x128xf32, #tpu.memory_space<vmem>>[vector<16xi32>, vector<16xi32>], vector<16xf32>,
      %add3A_348 = arith.constant 22 : i32
      %add3A_349 = vector.broadcast %add3A_348 : i32 to vector<16xi32>
      %add3A_350 = arith.addi %get3A_123, %add3A_349 : vector<16xi32>
      %gather3A_351 = tpu.vector_load_idx %arg19[%add3A_116, %add3A_350] : memref<128x128xf32, #tpu.memory_space<vmem>>[vector<16xi32>, vector<16xi32>], vector<16xf32>,
      %mul3A_352 = arith.mulf %gather3A_347, %gather3A_351 : vector<16xf32>
      %add3A_353 = arith.addf %add3A_343, %mul3A_352 : vector<16xf32>
      %add3A_354 = arith.constant 23 : i32
      %add3A_355 = vector.broadcast %add3A_354 : i32 to vector<16xi32>
      %add3A_356 = arith.addi %get3A_119, %add3A_355 : vector<16xi32>
      %gather3A_357 = tpu.vector_load_idx %arg17[%add3A_116, %add3A_356] : memref<128x128xf32, #tpu.memory_space<vmem>>[vector<16xi32>, vector<16xi32>], vector<16xf32>,
      %add3A_358 = arith.constant 23 : i32
      %add3A_359 = vector.broadcast %add3A_358 : i32 to vector<16xi32>
      %add3A_360 = arith.addi %get3A_123, %add3A_359 : vector<16xi32>
      %gather3A_361 = tpu.vector_load_idx %arg19[%add3A_116, %add3A_360] : memref<128x128xf32, #tpu.memory_space<vmem>>[vector<16xi32>, vector<16xi32>], vector<16xf32>,
      %mul3A_362 = arith.mulf %gather3A_357, %gather3A_361 : vector<16xf32>
      %add3A_363 = arith.addf %add3A_353, %mul3A_362 : vector<16xf32>
      %add3A_364 = arith.constant 24 : i32
      %add3A_365 = vector.broadcast %add3A_364 : i32 to vector<16xi32>
      %add3A_366 = arith.addi %get3A_119, %add3A_365 : vector<16xi32>
      %gather3A_367 = tpu.vector_load_idx %arg17[%add3A_116, %add3A_366] : memref<128x128xf32, #tpu.memory_space<vmem>>[vector<16xi32>, vector<16xi32>], vector<16xf32>,
      %add3A_368 = arith.constant 24 : i32
      %add3A_369 = vector.broadcast %add3A_368 : i32 to vector<16xi32>
      %add3A_370 = arith.addi %get3A_123, %add3A_369 : vector<16xi32>
      %gather3A_371 = tpu.vector_load_idx %arg19[%add3A_116, %add3A_370] : memref<128x128xf32, #tpu.memory_space<vmem>>[vector<16xi32>, vector<16xi32>], vector<16xf32>,
      %mul3A_372 = arith.mulf %gather3A_367, %gather3A_371 : vector<16xf32>
      %add3A_373 = arith.addf %add3A_363, %mul3A_372 : vector<16xf32>
      %add3A_374 = arith.constant 25 : i32
      %add3A_375 = vector.broadcast %add3A_374 : i32 to vector<16xi32>
      %add3A_376 = arith.addi %get3A_119, %add3A_375 : vector<16xi32>
      %gather3A_377 = tpu.vector_load_idx %arg17[%add3A_116, %add3A_376] : memref<128x128xf32, #tpu.memory_space<vmem>>[vector<16xi32>, vector<16xi32>], vector<16xf32>,
      %add3A_378 = arith.constant 25 : i32
      %add3A_379 = vector.broadcast %add3A_378 : i32 to vector<16xi32>
      %add3A_380 = arith.addi %get3A_123, %add3A_379 : vector<16xi32>
      %gather3A_381 = tpu.vector_load_idx %arg19[%add3A_116, %add3A_380] : memref<128x128xf32, #tpu.memory_space<vmem>>[vector<16xi32>, vector<16xi32>], vector<16xf32>,
      %mul3A_382 = arith.mulf %gather3A_377, %gather3A_381 : vector<16xf32>
      %add3A_383 = arith.addf %add3A_373, %mul3A_382 : vector<16xf32>
      %add3A_384 = arith.constant 26 : i32
      %add3A_385 = vector.broadcast %add3A_384 : i32 to vector<16xi32>
      %add3A_386 = arith.addi %get3A_119, %add3A_385 : vector<16xi32>
      %gather3A_387 = tpu.vector_load_idx %arg17[%add3A_116, %add3A_386] : memref<128x128xf32, #tpu.memory_space<vmem>>[vector<16xi32>, vector<16xi32>], vector<16xf32>,
      %add3A_388 = arith.constant 26 : i32
      %add3A_389 = vector.broadcast %add3A_388 : i32 to vector<16xi32>
      %add3A_390 = arith.addi %get3A_123, %add3A_389 : vector<16xi32>
      %gather3A_391 = tpu.vector_load_idx %arg19[%add3A_116, %add3A_390] : memref<128x128xf32, #tpu.memory_space<vmem>>[vector<16xi32>, vector<16xi32>], vector<16xf32>,
      %mul3A_392 = arith.mulf %gather3A_387, %gather3A_391 : vector<16xf32>
      %add3A_393 = arith.addf %add3A_383, %mul3A_392 : vector<16xf32>
      %add3A_394 = arith.constant 27 : i32
      %add3A_395 = vector.broadcast %add3A_394 : i32 to vector<16xi32>
      %add3A_396 = arith.addi %get3A_119, %add3A_395 : vector<16xi32>
      %gather3A_397 = tpu.vector_load_idx %arg17[%add3A_116, %add3A_396] : memref<128x128xf32, #tpu.memory_space<vmem>>[vector<16xi32>, vector<16xi32>], vector<16xf32>,
      %add3A_398 = arith.constant 27 : i32
      %add3A_399 = vector.broadcast %add3A_398 : i32 to vector<16xi32>
      %add3A_400 = arith.addi %get3A_123, %add3A_399 : vector<16xi32>
      %gather3A_401 = tpu.vector_load_idx %arg19[%add3A_116, %add3A_400] : memref<128x128xf32, #tpu.memory_space<vmem>>[vector<16xi32>, vector<16xi32>], vector<16xf32>,
      %mul3A_402 = arith.mulf %gather3A_397, %gather3A_401 : vector<16xf32>
      %add3A_403 = arith.addf %add3A_393, %mul3A_402 : vector<16xf32>
      %add3A_404 = arith.constant 28 : i32
      %add3A_405 = vector.broadcast %add3A_404 : i32 to vector<16xi32>
      %add3A_406 = arith.addi %get3A_119, %add3A_405 : vector<16xi32>
      %gather3A_407 = tpu.vector_load_idx %arg17[%add3A_116, %add3A_406] : memref<128x128xf32, #tpu.memory_space<vmem>>[vector<16xi32>, vector<16xi32>], vector<16xf32>,
      %add3A_408 = arith.constant 28 : i32
      %add3A_409 = vector.broadcast %add3A_408 : i32 to vector<16xi32>
      %add3A_410 = arith.addi %get3A_123, %add3A_409 : vector<16xi32>
      %gather3A_411 = tpu.vector_load_idx %arg19[%add3A_116, %add3A_410] : memref<128x128xf32, #tpu.memory_space<vmem>>[vector<16xi32>, vector<16xi32>], vector<16xf32>,
      %mul3A_412 = arith.mulf %gather3A_407, %gather3A_411 : vector<16xf32>
      %add3A_413 = arith.addf %add3A_403, %mul3A_412 : vector<16xf32>
      %add3A_414 = arith.constant 29 : i32
      %add3A_415 = vector.broadcast %add3A_414 : i32 to vector<16xi32>
      %add3A_416 = arith.addi %get3A_119, %add3A_415 : vector<16xi32>
      %gather3A_417 = tpu.vector_load_idx %arg17[%add3A_116, %add3A_416] : memref<128x128xf32, #tpu.memory_space<vmem>>[vector<16xi32>, vector<16xi32>], vector<16xf32>,
      %add3A_418 = arith.constant 29 : i32
      %add3A_419 = vector.broadcast %add3A_418 : i32 to vector<16xi32>
      %add3A_420 = arith.addi %get3A_123, %add3A_419 : vector<16xi32>
      %gather3A_421 = tpu.vector_load_idx %arg19[%add3A_116, %add3A_420] : memref<128x128xf32, #tpu.memory_space<vmem>>[vector<16xi32>, vector<16xi32>], vector<16xf32>,
      %mul3A_422 = arith.mulf %gather3A_417, %gather3A_421 : vector<16xf32>
      %add3A_423 = arith.addf %add3A_413, %mul3A_422 : vector<16xf32>
      %add3A_424 = arith.constant 30 : i32
      %add3A_425 = vector.broadcast %add3A_424 : i32 to vector<16xi32>
      %add3A_426 = arith.addi %get3A_119, %add3A_425 : vector<16xi32>
      %gather3A_427 = tpu.vector_load_idx %arg17[%add3A_116, %add3A_426] : memref<128x128xf32, #tpu.memory_space<vmem>>[vector<16xi32>, vector<16xi32>], vector<16xf32>,
      %add3A_428 = arith.constant 30 : i32
      %add3A_429 = vector.broadcast %add3A_428 : i32 to vector<16xi32>
      %add3A_430 = arith.addi %get3A_123, %add3A_429 : vector<16xi32>
      %gather3A_431 = tpu.vector_load_idx %arg19[%add3A_116, %add3A_430] : memref<128x128xf32, #tpu.memory_space<vmem>>[vector<16xi32>, vector<16xi32>], vector<16xf32>,
      %mul3A_432 = arith.mulf %gather3A_427, %gather3A_431 : vector<16xf32>
      %add3A_433 = arith.addf %add3A_423, %mul3A_432 : vector<16xf32>
      %add3A_434 = arith.constant 31 : i32
      %add3A_435 = vector.broadcast %add3A_434 : i32 to vector<16xi32>
      %add3A_436 = arith.addi %get3A_119, %add3A_435 : vector<16xi32>
      %gather3A_437 = tpu.vector_load_idx %arg17[%add3A_116, %add3A_436] : memref<128x128xf32, #tpu.memory_space<vmem>>[vector<16xi32>, vector<16xi32>], vector<16xf32>,
      %add3A_438 = arith.constant 31 : i32
      %add3A_439 = vector.broadcast %add3A_438 : i32 to vector<16xi32>
      %add3A_440 = arith.addi %get3A_123, %add3A_439 : vector<16xi32>
      %gather3A_441 = tpu.vector_load_idx %arg19[%add3A_116, %add3A_440] : memref<128x128xf32, #tpu.memory_space<vmem>>[vector<16xi32>, vector<16xi32>], vector<16xf32>,
      %mul3A_442 = arith.mulf %gather3A_437, %gather3A_441 : vector<16xf32>
      %add3A_443 = arith.addf %add3A_433, %mul3A_442 : vector<16xf32>
      %mul3A_444 = arith.constant 16 : i32
      %mul3A_445 = arith.muli %scan3A_110, %mul3A_444 : i32
      %add3A_446 = arith.constant 0 : i32
      %add3A_447 = arith.addi %add3A_446, %mul3A_445 : i32
      %swap3A = arith.index_cast %add3A_447 : i32 to index
      %swap3A_448 = tpu.vector_load %arg23[%swap3A] {strides = array<i32>} : memref<512xf32, #tpu.memory_space<vmem>>, vector<16xf32>,
      tpu.vector_store %arg23[%swap3A], %add3A_443 {strides = array<i32>} : memref<512xf32, #tpu.memory_space<vmem>>, vector<16xf32>,
    }
    %scan3A_39 = arith.constant 8 : i32
    %scan3A_40 = arith.constant 0 : i32
    %scan3A_41 = arith.constant 0 : i32
    %scan3A_42 = arith.constant 8 : i32
    %scan3A_43 = arith.addi %scan3A_41, %scan3A_42 : i32
    %scan3A_44 = arith.constant 1 : i32
    scf.for %scan3A_110 = %scan3A_41 to %scan3A_43 step %scan3A_44  : i32 {
      %mul3A_111 = arith.constant 16 : i32
      %mul3A_112 = arith.muli %scan3A_110, %mul3A_111 : i32
      %add3A_113 = arith.constant 256 : i32
      %add3A_114 = arith.addi %add3A_113, %mul3A_112 : i32
      %mul3A_115 = arith.constant 16 : i32
      %mul3A_116 = arith.muli %scan3A_110, %mul3A_115 : i32
      %get3A = arith.index_cast %add3A_114 : i32 to index
      %get3A_117 = tpu.vector_load %arg9[%get3A] {strides = array<i32>} : memref<512xi32, #tpu.memory_space<vmem>>, vector<16xi32>,
      %shift_right_arithmetic3A = arith.constant 2 : i32
      %shift_right_arithmetic3A_118 = vector.broadcast %shift_right_arithmetic3A : i32 to vector<16xi32>
      %shift_right_arithmetic3A_119 = arith.shrsi %get3A_117, %shift_right_arithmetic3A_118 : vector<16xi32>
      %swap3A = arith.index_cast %mul3A_116 : i32 to index
      %swap3A_120 = tpu.vector_load %arg11[%swap3A] {strides = array<i32>} : memref<128xi32, #tpu.memory_space<vmem>>, vector<16xi32>,
      tpu.vector_store %arg11[%swap3A], %shift_right_arithmetic3A_119 {strides = array<i32>} : memref<128xi32, #tpu.memory_space<vmem>>, vector<16xi32>,
      %and3A = arith.constant 3 : i32
      %and3A_121 = vector.broadcast %and3A : i32 to vector<16xi32>
      %and3A_122 = arith.andi %get3A_117, %and3A_121 : vector<16xi32>
      %shift_left3A = arith.constant 5 : i32
      %shift_left3A_123 = vector.broadcast %shift_left3A : i32 to vector<16xi32>
      %shift_left3A_124 = arith.shli %and3A_122, %shift_left3A_123 : vector<16xi32>
      %swap3A_125 = arith.constant 0 : i32
      %swap3A_126 = arith.index_cast %swap3A_125 : i32 to index
      %swap3A_127 = arith.index_cast %mul3A_116 : i32 to index
      %swap3A_128 = tpu.vector_load %arg15[%swap3A_126, %swap3A_127] {strides = array<i32>} : memref<2x128xi32, #tpu.memory_space<vmem>>, vector<16xi32>,
      tpu.vector_store %arg15[%swap3A_126, %swap3A_127], %shift_left3A_124 {strides = array<i32>} : memref<2x128xi32, #tpu.memory_space<vmem>>, vector<16xi32>,
      %get3A_129 = arith.index_cast %add3A_114 : i32 to index
      %get3A_130 = tpu.vector_load %arg10[%get3A_129] {strides = array<i32>} : memref<512xi32, #tpu.memory_space<vmem>>, vector<16xi32>,
      %shift_right_arithmetic3A_131 = arith.constant 2 : i32
      %shift_right_arithmetic3A_132 = vector.broadcast %shift_right_arithmetic3A_131 : i32 to vector<16xi32>
      %shift_right_arithmetic3A_133 = arith.shrsi %get3A_130, %shift_right_arithmetic3A_132 : vector<16xi32>
      %swap3A_134 = arith.index_cast %mul3A_116 : i32 to index
      %swap3A_135 = tpu.vector_load %arg13[%swap3A_134] {strides = array<i32>} : memref<128xi32, #tpu.memory_space<vmem>>, vector<16xi32>,
      tpu.vector_store %arg13[%swap3A_134], %shift_right_arithmetic3A_133 {strides = array<i32>} : memref<128xi32, #tpu.memory_space<vmem>>, vector<16xi32>,
      %and3A_136 = arith.constant 3 : i32
      %and3A_137 = vector.broadcast %and3A_136 : i32 to vector<16xi32>
      %and3A_138 = arith.andi %get3A_130, %and3A_137 : vector<16xi32>
      %shift_left3A_139 = arith.constant 5 : i32
      %shift_left3A_140 = vector.broadcast %shift_left3A_139 : i32 to vector<16xi32>
      %shift_left3A_141 = arith.shli %and3A_138, %shift_left3A_140 : vector<16xi32>
      %swap3A_142 = arith.constant 0 : i32
      %swap3A_143 = arith.index_cast %swap3A_142 : i32 to index
      %swap3A_144 = arith.index_cast %mul3A_116 : i32 to index
      %swap3A_145 = tpu.vector_load %arg16[%swap3A_143, %swap3A_144] {strides = array<i32>} : memref<2x128xi32, #tpu.memory_space<vmem>>, vector<16xi32>,
      tpu.vector_store %arg16[%swap3A_143, %swap3A_144], %shift_left3A_141 {strides = array<i32>} : memref<2x128xi32, #tpu.memory_space<vmem>>, vector<16xi32>,
    }
    %scan3A_45 = arith.constant 8 : i32
    %dma_start3A_46 = arith.constant 0 : i32
    %dma_start3A_47 = arith.constant 0 : i32
    %dma_start3A_48 = tpu.memref_slice %arg4[%dma_start3A_46, %dma_start3A_47] : memref<250000x128xf32, #tpu.memory_space<hbm>> -> memref<250000x128xf32, #tpu.memory_space<hbm>>
    tpu.enqueue_indirect_dma source(%dma_start3A_48 : memref<250000x128xf32, #tpu.memory_space<hbm>>) target(%arg17 : memref<128x128xf32, #tpu.memory_space<vmem>>) offsets(%arg11 : memref<128xi32, #tpu.memory_space<vmem>>) semaphore(%arg24 : memref<!tpu.dma_semaphore, #tpu.memory_space<semaphore_mem>>)
    %dma_start3A_49 = arith.constant 0 : i32
    %dma_start3A_50 = arith.constant 0 : i32
    %dma_start3A_51 = tpu.memref_slice %arg5[%dma_start3A_49, %dma_start3A_50] : memref<250000x128xf32, #tpu.memory_space<hbm>> -> memref<250000x128xf32, #tpu.memory_space<hbm>>
    tpu.enqueue_indirect_dma source(%dma_start3A_51 : memref<250000x128xf32, #tpu.memory_space<hbm>>) target(%arg19 : memref<128x128xf32, #tpu.memory_space<vmem>>) offsets(%arg13 : memref<128xi32, #tpu.memory_space<vmem>>) semaphore(%arg24 : memref<!tpu.dma_semaphore, #tpu.memory_space<semaphore_mem>>)
    %dma_wait3A_52 = arith.constant 0 : i32
    %dma_wait3A_53 = arith.constant 0 : i32
    %dma_wait3A_54 = tpu.memref_slice %arg4[%dma_wait3A_52, %dma_wait3A_53] : memref<250000x128xf32, #tpu.memory_space<hbm>> -> memref<250000x128xf32, #tpu.memory_space<hbm>>
    tpu.wait_indirect_dma semaphore(%arg25 : memref<!tpu.dma_semaphore, #tpu.memory_space<semaphore_mem>>) src(%dma_wait3A_54 : memref<250000x128xf32, #tpu.memory_space<hbm>>) dst(%arg18 : memref<128x128xf32, #tpu.memory_space<vmem>>)
    %dma_wait3A_55 = arith.constant 0 : i32
    %dma_wait3A_56 = arith.constant 0 : i32
    %dma_wait3A_57 = tpu.memref_slice %arg5[%dma_wait3A_55, %dma_wait3A_56] : memref<250000x128xf32, #tpu.memory_space<hbm>> -> memref<250000x128xf32, #tpu.memory_space<hbm>>
    tpu.wait_indirect_dma semaphore(%arg25 : memref<!tpu.dma_semaphore, #tpu.memory_space<semaphore_mem>>) src(%dma_wait3A_57 : memref<250000x128xf32, #tpu.memory_space<hbm>>) dst(%arg20 : memref<128x128xf32, #tpu.memory_space<vmem>>)
    %scan3A_58 = arith.constant 0 : i32
    %scan3A_59 = arith.constant 0 : i32
    %scan3A_60 = arith.constant 8 : i32
    %scan3A_61 = arith.addi %scan3A_59, %scan3A_60 : i32
    %scan3A_62 = arith.constant 1 : i32
    scf.for %scan3A_110 = %scan3A_59 to %scan3A_61 step %scan3A_62  : i32 {
      %mul3A_111 = arith.constant 16 : i32
      %mul3A_112 = arith.muli %scan3A_110, %mul3A_111 : i32
      %mul3A_113 = arith.constant 16 : i32
      %mul3A_114 = arith.muli %scan3A_110, %mul3A_113 : i32
      %iota3A = tpu.iota {dimensions = array<i32: 0>} : vector<16xi32>
      %add3A_115 = vector.broadcast %mul3A_114 : i32 to vector<16xi32>
      %add3A_116 = arith.addi %add3A_115, %iota3A : vector<16xi32>
      %get3A = arith.constant 1 : i32
      %get3A_117 = arith.index_cast %get3A : i32 to index
      %get3A_118 = arith.index_cast %mul3A_112 : i32 to index
      %get3A_119 = tpu.vector_load %arg15[%get3A_117, %get3A_118] {strides = array<i32>} : memref<2x128xi32, #tpu.memory_space<vmem>>, vector<16xi32>,
      %get3A_120 = arith.constant 1 : i32
      %get3A_121 = arith.index_cast %get3A_120 : i32 to index
      %get3A_122 = arith.index_cast %mul3A_112 : i32 to index
      %get3A_123 = tpu.vector_load %arg16[%get3A_121, %get3A_122] {strides = array<i32>} : memref<2x128xi32, #tpu.memory_space<vmem>>, vector<16xi32>,
      %broadcast_in_dim3A = arith.constant 0.000000e+00 : f32
      %broadcast_in_dim3A_124 = vector.broadcast %broadcast_in_dim3A : f32 to vector<16xf32>
      %add3A_125 = arith.constant 0 : i32
      %add3A_126 = vector.broadcast %add3A_125 : i32 to vector<16xi32>
      %add3A_127 = arith.addi %get3A_119, %add3A_126 : vector<16xi32>
      %gather3A = tpu.vector_load_idx %arg18[%add3A_116, %add3A_127] : memref<128x128xf32, #tpu.memory_space<vmem>>[vector<16xi32>, vector<16xi32>], vector<16xf32>,
      %add3A_128 = arith.constant 0 : i32
      %add3A_129 = vector.broadcast %add3A_128 : i32 to vector<16xi32>
      %add3A_130 = arith.addi %get3A_123, %add3A_129 : vector<16xi32>
      %gather3A_131 = tpu.vector_load_idx %arg20[%add3A_116, %add3A_130] : memref<128x128xf32, #tpu.memory_space<vmem>>[vector<16xi32>, vector<16xi32>], vector<16xf32>,
      %mul3A_132 = arith.mulf %gather3A, %gather3A_131 : vector<16xf32>
      %add3A_133 = arith.addf %broadcast_in_dim3A_124, %mul3A_132 : vector<16xf32>
      %add3A_134 = arith.constant 1 : i32
      %add3A_135 = vector.broadcast %add3A_134 : i32 to vector<16xi32>
      %add3A_136 = arith.addi %get3A_119, %add3A_135 : vector<16xi32>
      %gather3A_137 = tpu.vector_load_idx %arg18[%add3A_116, %add3A_136] : memref<128x128xf32, #tpu.memory_space<vmem>>[vector<16xi32>, vector<16xi32>], vector<16xf32>,
      %add3A_138 = arith.constant 1 : i32
      %add3A_139 = vector.broadcast %add3A_138 : i32 to vector<16xi32>
      %add3A_140 = arith.addi %get3A_123, %add3A_139 : vector<16xi32>
      %gather3A_141 = tpu.vector_load_idx %arg20[%add3A_116, %add3A_140] : memref<128x128xf32, #tpu.memory_space<vmem>>[vector<16xi32>, vector<16xi32>], vector<16xf32>,
      %mul3A_142 = arith.mulf %gather3A_137, %gather3A_141 : vector<16xf32>
      %add3A_143 = arith.addf %add3A_133, %mul3A_142 : vector<16xf32>
      %add3A_144 = arith.constant 2 : i32
      %add3A_145 = vector.broadcast %add3A_144 : i32 to vector<16xi32>
      %add3A_146 = arith.addi %get3A_119, %add3A_145 : vector<16xi32>
      %gather3A_147 = tpu.vector_load_idx %arg18[%add3A_116, %add3A_146] : memref<128x128xf32, #tpu.memory_space<vmem>>[vector<16xi32>, vector<16xi32>], vector<16xf32>,
      %add3A_148 = arith.constant 2 : i32
      %add3A_149 = vector.broadcast %add3A_148 : i32 to vector<16xi32>
      %add3A_150 = arith.addi %get3A_123, %add3A_149 : vector<16xi32>
      %gather3A_151 = tpu.vector_load_idx %arg20[%add3A_116, %add3A_150] : memref<128x128xf32, #tpu.memory_space<vmem>>[vector<16xi32>, vector<16xi32>], vector<16xf32>,
      %mul3A_152 = arith.mulf %gather3A_147, %gather3A_151 : vector<16xf32>
      %add3A_153 = arith.addf %add3A_143, %mul3A_152 : vector<16xf32>
      %add3A_154 = arith.constant 3 : i32
      %add3A_155 = vector.broadcast %add3A_154 : i32 to vector<16xi32>
      %add3A_156 = arith.addi %get3A_119, %add3A_155 : vector<16xi32>
      %gather3A_157 = tpu.vector_load_idx %arg18[%add3A_116, %add3A_156] : memref<128x128xf32, #tpu.memory_space<vmem>>[vector<16xi32>, vector<16xi32>], vector<16xf32>,
      %add3A_158 = arith.constant 3 : i32
      %add3A_159 = vector.broadcast %add3A_158 : i32 to vector<16xi32>
      %add3A_160 = arith.addi %get3A_123, %add3A_159 : vector<16xi32>
      %gather3A_161 = tpu.vector_load_idx %arg20[%add3A_116, %add3A_160] : memref<128x128xf32, #tpu.memory_space<vmem>>[vector<16xi32>, vector<16xi32>], vector<16xf32>,
      %mul3A_162 = arith.mulf %gather3A_157, %gather3A_161 : vector<16xf32>
      %add3A_163 = arith.addf %add3A_153, %mul3A_162 : vector<16xf32>
      %add3A_164 = arith.constant 4 : i32
      %add3A_165 = vector.broadcast %add3A_164 : i32 to vector<16xi32>
      %add3A_166 = arith.addi %get3A_119, %add3A_165 : vector<16xi32>
      %gather3A_167 = tpu.vector_load_idx %arg18[%add3A_116, %add3A_166] : memref<128x128xf32, #tpu.memory_space<vmem>>[vector<16xi32>, vector<16xi32>], vector<16xf32>,
      %add3A_168 = arith.constant 4 : i32
      %add3A_169 = vector.broadcast %add3A_168 : i32 to vector<16xi32>
      %add3A_170 = arith.addi %get3A_123, %add3A_169 : vector<16xi32>
      %gather3A_171 = tpu.vector_load_idx %arg20[%add3A_116, %add3A_170] : memref<128x128xf32, #tpu.memory_space<vmem>>[vector<16xi32>, vector<16xi32>], vector<16xf32>,
      %mul3A_172 = arith.mulf %gather3A_167, %gather3A_171 : vector<16xf32>
      %add3A_173 = arith.addf %add3A_163, %mul3A_172 : vector<16xf32>
      %add3A_174 = arith.constant 5 : i32
      %add3A_175 = vector.broadcast %add3A_174 : i32 to vector<16xi32>
      %add3A_176 = arith.addi %get3A_119, %add3A_175 : vector<16xi32>
      %gather3A_177 = tpu.vector_load_idx %arg18[%add3A_116, %add3A_176] : memref<128x128xf32, #tpu.memory_space<vmem>>[vector<16xi32>, vector<16xi32>], vector<16xf32>,
      %add3A_178 = arith.constant 5 : i32
      %add3A_179 = vector.broadcast %add3A_178 : i32 to vector<16xi32>
      %add3A_180 = arith.addi %get3A_123, %add3A_179 : vector<16xi32>
      %gather3A_181 = tpu.vector_load_idx %arg20[%add3A_116, %add3A_180] : memref<128x128xf32, #tpu.memory_space<vmem>>[vector<16xi32>, vector<16xi32>], vector<16xf32>,
      %mul3A_182 = arith.mulf %gather3A_177, %gather3A_181 : vector<16xf32>
      %add3A_183 = arith.addf %add3A_173, %mul3A_182 : vector<16xf32>
      %add3A_184 = arith.constant 6 : i32
      %add3A_185 = vector.broadcast %add3A_184 : i32 to vector<16xi32>
      %add3A_186 = arith.addi %get3A_119, %add3A_185 : vector<16xi32>
      %gather3A_187 = tpu.vector_load_idx %arg18[%add3A_116, %add3A_186] : memref<128x128xf32, #tpu.memory_space<vmem>>[vector<16xi32>, vector<16xi32>], vector<16xf32>,
      %add3A_188 = arith.constant 6 : i32
      %add3A_189 = vector.broadcast %add3A_188 : i32 to vector<16xi32>
      %add3A_190 = arith.addi %get3A_123, %add3A_189 : vector<16xi32>
      %gather3A_191 = tpu.vector_load_idx %arg20[%add3A_116, %add3A_190] : memref<128x128xf32, #tpu.memory_space<vmem>>[vector<16xi32>, vector<16xi32>], vector<16xf32>,
      %mul3A_192 = arith.mulf %gather3A_187, %gather3A_191 : vector<16xf32>
      %add3A_193 = arith.addf %add3A_183, %mul3A_192 : vector<16xf32>
      %add3A_194 = arith.constant 7 : i32
      %add3A_195 = vector.broadcast %add3A_194 : i32 to vector<16xi32>
      %add3A_196 = arith.addi %get3A_119, %add3A_195 : vector<16xi32>
      %gather3A_197 = tpu.vector_load_idx %arg18[%add3A_116, %add3A_196] : memref<128x128xf32, #tpu.memory_space<vmem>>[vector<16xi32>, vector<16xi32>], vector<16xf32>,
      %add3A_198 = arith.constant 7 : i32
      %add3A_199 = vector.broadcast %add3A_198 : i32 to vector<16xi32>
      %add3A_200 = arith.addi %get3A_123, %add3A_199 : vector<16xi32>
      %gather3A_201 = tpu.vector_load_idx %arg20[%add3A_116, %add3A_200] : memref<128x128xf32, #tpu.memory_space<vmem>>[vector<16xi32>, vector<16xi32>], vector<16xf32>,
      %mul3A_202 = arith.mulf %gather3A_197, %gather3A_201 : vector<16xf32>
      %add3A_203 = arith.addf %add3A_193, %mul3A_202 : vector<16xf32>
      %add3A_204 = arith.constant 8 : i32
      %add3A_205 = vector.broadcast %add3A_204 : i32 to vector<16xi32>
      %add3A_206 = arith.addi %get3A_119, %add3A_205 : vector<16xi32>
      %gather3A_207 = tpu.vector_load_idx %arg18[%add3A_116, %add3A_206] : memref<128x128xf32, #tpu.memory_space<vmem>>[vector<16xi32>, vector<16xi32>], vector<16xf32>,
      %add3A_208 = arith.constant 8 : i32
      %add3A_209 = vector.broadcast %add3A_208 : i32 to vector<16xi32>
      %add3A_210 = arith.addi %get3A_123, %add3A_209 : vector<16xi32>
      %gather3A_211 = tpu.vector_load_idx %arg20[%add3A_116, %add3A_210] : memref<128x128xf32, #tpu.memory_space<vmem>>[vector<16xi32>, vector<16xi32>], vector<16xf32>,
      %mul3A_212 = arith.mulf %gather3A_207, %gather3A_211 : vector<16xf32>
      %add3A_213 = arith.addf %add3A_203, %mul3A_212 : vector<16xf32>
      %add3A_214 = arith.constant 9 : i32
      %add3A_215 = vector.broadcast %add3A_214 : i32 to vector<16xi32>
      %add3A_216 = arith.addi %get3A_119, %add3A_215 : vector<16xi32>
      %gather3A_217 = tpu.vector_load_idx %arg18[%add3A_116, %add3A_216] : memref<128x128xf32, #tpu.memory_space<vmem>>[vector<16xi32>, vector<16xi32>], vector<16xf32>,
      %add3A_218 = arith.constant 9 : i32
      %add3A_219 = vector.broadcast %add3A_218 : i32 to vector<16xi32>
      %add3A_220 = arith.addi %get3A_123, %add3A_219 : vector<16xi32>
      %gather3A_221 = tpu.vector_load_idx %arg20[%add3A_116, %add3A_220] : memref<128x128xf32, #tpu.memory_space<vmem>>[vector<16xi32>, vector<16xi32>], vector<16xf32>,
      %mul3A_222 = arith.mulf %gather3A_217, %gather3A_221 : vector<16xf32>
      %add3A_223 = arith.addf %add3A_213, %mul3A_222 : vector<16xf32>
      %add3A_224 = arith.constant 10 : i32
      %add3A_225 = vector.broadcast %add3A_224 : i32 to vector<16xi32>
      %add3A_226 = arith.addi %get3A_119, %add3A_225 : vector<16xi32>
      %gather3A_227 = tpu.vector_load_idx %arg18[%add3A_116, %add3A_226] : memref<128x128xf32, #tpu.memory_space<vmem>>[vector<16xi32>, vector<16xi32>], vector<16xf32>,
      %add3A_228 = arith.constant 10 : i32
      %add3A_229 = vector.broadcast %add3A_228 : i32 to vector<16xi32>
      %add3A_230 = arith.addi %get3A_123, %add3A_229 : vector<16xi32>
      %gather3A_231 = tpu.vector_load_idx %arg20[%add3A_116, %add3A_230] : memref<128x128xf32, #tpu.memory_space<vmem>>[vector<16xi32>, vector<16xi32>], vector<16xf32>,
      %mul3A_232 = arith.mulf %gather3A_227, %gather3A_231 : vector<16xf32>
      %add3A_233 = arith.addf %add3A_223, %mul3A_232 : vector<16xf32>
      %add3A_234 = arith.constant 11 : i32
      %add3A_235 = vector.broadcast %add3A_234 : i32 to vector<16xi32>
      %add3A_236 = arith.addi %get3A_119, %add3A_235 : vector<16xi32>
      %gather3A_237 = tpu.vector_load_idx %arg18[%add3A_116, %add3A_236] : memref<128x128xf32, #tpu.memory_space<vmem>>[vector<16xi32>, vector<16xi32>], vector<16xf32>,
      %add3A_238 = arith.constant 11 : i32
      %add3A_239 = vector.broadcast %add3A_238 : i32 to vector<16xi32>
      %add3A_240 = arith.addi %get3A_123, %add3A_239 : vector<16xi32>
      %gather3A_241 = tpu.vector_load_idx %arg20[%add3A_116, %add3A_240] : memref<128x128xf32, #tpu.memory_space<vmem>>[vector<16xi32>, vector<16xi32>], vector<16xf32>,
      %mul3A_242 = arith.mulf %gather3A_237, %gather3A_241 : vector<16xf32>
      %add3A_243 = arith.addf %add3A_233, %mul3A_242 : vector<16xf32>
      %add3A_244 = arith.constant 12 : i32
      %add3A_245 = vector.broadcast %add3A_244 : i32 to vector<16xi32>
      %add3A_246 = arith.addi %get3A_119, %add3A_245 : vector<16xi32>
      %gather3A_247 = tpu.vector_load_idx %arg18[%add3A_116, %add3A_246] : memref<128x128xf32, #tpu.memory_space<vmem>>[vector<16xi32>, vector<16xi32>], vector<16xf32>,
      %add3A_248 = arith.constant 12 : i32
      %add3A_249 = vector.broadcast %add3A_248 : i32 to vector<16xi32>
      %add3A_250 = arith.addi %get3A_123, %add3A_249 : vector<16xi32>
      %gather3A_251 = tpu.vector_load_idx %arg20[%add3A_116, %add3A_250] : memref<128x128xf32, #tpu.memory_space<vmem>>[vector<16xi32>, vector<16xi32>], vector<16xf32>,
      %mul3A_252 = arith.mulf %gather3A_247, %gather3A_251 : vector<16xf32>
      %add3A_253 = arith.addf %add3A_243, %mul3A_252 : vector<16xf32>
      %add3A_254 = arith.constant 13 : i32
      %add3A_255 = vector.broadcast %add3A_254 : i32 to vector<16xi32>
      %add3A_256 = arith.addi %get3A_119, %add3A_255 : vector<16xi32>
      %gather3A_257 = tpu.vector_load_idx %arg18[%add3A_116, %add3A_256] : memref<128x128xf32, #tpu.memory_space<vmem>>[vector<16xi32>, vector<16xi32>], vector<16xf32>,
      %add3A_258 = arith.constant 13 : i32
      %add3A_259 = vector.broadcast %add3A_258 : i32 to vector<16xi32>
      %add3A_260 = arith.addi %get3A_123, %add3A_259 : vector<16xi32>
      %gather3A_261 = tpu.vector_load_idx %arg20[%add3A_116, %add3A_260] : memref<128x128xf32, #tpu.memory_space<vmem>>[vector<16xi32>, vector<16xi32>], vector<16xf32>,
      %mul3A_262 = arith.mulf %gather3A_257, %gather3A_261 : vector<16xf32>
      %add3A_263 = arith.addf %add3A_253, %mul3A_262 : vector<16xf32>
      %add3A_264 = arith.constant 14 : i32
      %add3A_265 = vector.broadcast %add3A_264 : i32 to vector<16xi32>
      %add3A_266 = arith.addi %get3A_119, %add3A_265 : vector<16xi32>
      %gather3A_267 = tpu.vector_load_idx %arg18[%add3A_116, %add3A_266] : memref<128x128xf32, #tpu.memory_space<vmem>>[vector<16xi32>, vector<16xi32>], vector<16xf32>,
      %add3A_268 = arith.constant 14 : i32
      %add3A_269 = vector.broadcast %add3A_268 : i32 to vector<16xi32>
      %add3A_270 = arith.addi %get3A_123, %add3A_269 : vector<16xi32>
      %gather3A_271 = tpu.vector_load_idx %arg20[%add3A_116, %add3A_270] : memref<128x128xf32, #tpu.memory_space<vmem>>[vector<16xi32>, vector<16xi32>], vector<16xf32>,
      %mul3A_272 = arith.mulf %gather3A_267, %gather3A_271 : vector<16xf32>
      %add3A_273 = arith.addf %add3A_263, %mul3A_272 : vector<16xf32>
      %add3A_274 = arith.constant 15 : i32
      %add3A_275 = vector.broadcast %add3A_274 : i32 to vector<16xi32>
      %add3A_276 = arith.addi %get3A_119, %add3A_275 : vector<16xi32>
      %gather3A_277 = tpu.vector_load_idx %arg18[%add3A_116, %add3A_276] : memref<128x128xf32, #tpu.memory_space<vmem>>[vector<16xi32>, vector<16xi32>], vector<16xf32>,
      %add3A_278 = arith.constant 15 : i32
      %add3A_279 = vector.broadcast %add3A_278 : i32 to vector<16xi32>
      %add3A_280 = arith.addi %get3A_123, %add3A_279 : vector<16xi32>
      %gather3A_281 = tpu.vector_load_idx %arg20[%add3A_116, %add3A_280] : memref<128x128xf32, #tpu.memory_space<vmem>>[vector<16xi32>, vector<16xi32>], vector<16xf32>,
      %mul3A_282 = arith.mulf %gather3A_277, %gather3A_281 : vector<16xf32>
      %add3A_283 = arith.addf %add3A_273, %mul3A_282 : vector<16xf32>
      %add3A_284 = arith.constant 16 : i32
      %add3A_285 = vector.broadcast %add3A_284 : i32 to vector<16xi32>
      %add3A_286 = arith.addi %get3A_119, %add3A_285 : vector<16xi32>
      %gather3A_287 = tpu.vector_load_idx %arg18[%add3A_116, %add3A_286] : memref<128x128xf32, #tpu.memory_space<vmem>>[vector<16xi32>, vector<16xi32>], vector<16xf32>,
      %add3A_288 = arith.constant 16 : i32
      %add3A_289 = vector.broadcast %add3A_288 : i32 to vector<16xi32>
      %add3A_290 = arith.addi %get3A_123, %add3A_289 : vector<16xi32>
      %gather3A_291 = tpu.vector_load_idx %arg20[%add3A_116, %add3A_290] : memref<128x128xf32, #tpu.memory_space<vmem>>[vector<16xi32>, vector<16xi32>], vector<16xf32>,
      %mul3A_292 = arith.mulf %gather3A_287, %gather3A_291 : vector<16xf32>
      %add3A_293 = arith.addf %add3A_283, %mul3A_292 : vector<16xf32>
      %add3A_294 = arith.constant 17 : i32
      %add3A_295 = vector.broadcast %add3A_294 : i32 to vector<16xi32>
      %add3A_296 = arith.addi %get3A_119, %add3A_295 : vector<16xi32>
      %gather3A_297 = tpu.vector_load_idx %arg18[%add3A_116, %add3A_296] : memref<128x128xf32, #tpu.memory_space<vmem>>[vector<16xi32>, vector<16xi32>], vector<16xf32>,
      %add3A_298 = arith.constant 17 : i32
      %add3A_299 = vector.broadcast %add3A_298 : i32 to vector<16xi32>
      %add3A_300 = arith.addi %get3A_123, %add3A_299 : vector<16xi32>
      %gather3A_301 = tpu.vector_load_idx %arg20[%add3A_116, %add3A_300] : memref<128x128xf32, #tpu.memory_space<vmem>>[vector<16xi32>, vector<16xi32>], vector<16xf32>,
      %mul3A_302 = arith.mulf %gather3A_297, %gather3A_301 : vector<16xf32>
      %add3A_303 = arith.addf %add3A_293, %mul3A_302 : vector<16xf32>
      %add3A_304 = arith.constant 18 : i32
      %add3A_305 = vector.broadcast %add3A_304 : i32 to vector<16xi32>
      %add3A_306 = arith.addi %get3A_119, %add3A_305 : vector<16xi32>
      %gather3A_307 = tpu.vector_load_idx %arg18[%add3A_116, %add3A_306] : memref<128x128xf32, #tpu.memory_space<vmem>>[vector<16xi32>, vector<16xi32>], vector<16xf32>,
      %add3A_308 = arith.constant 18 : i32
      %add3A_309 = vector.broadcast %add3A_308 : i32 to vector<16xi32>
      %add3A_310 = arith.addi %get3A_123, %add3A_309 : vector<16xi32>
      %gather3A_311 = tpu.vector_load_idx %arg20[%add3A_116, %add3A_310] : memref<128x128xf32, #tpu.memory_space<vmem>>[vector<16xi32>, vector<16xi32>], vector<16xf32>,
      %mul3A_312 = arith.mulf %gather3A_307, %gather3A_311 : vector<16xf32>
      %add3A_313 = arith.addf %add3A_303, %mul3A_312 : vector<16xf32>
      %add3A_314 = arith.constant 19 : i32
      %add3A_315 = vector.broadcast %add3A_314 : i32 to vector<16xi32>
      %add3A_316 = arith.addi %get3A_119, %add3A_315 : vector<16xi32>
      %gather3A_317 = tpu.vector_load_idx %arg18[%add3A_116, %add3A_316] : memref<128x128xf32, #tpu.memory_space<vmem>>[vector<16xi32>, vector<16xi32>], vector<16xf32>,
      %add3A_318 = arith.constant 19 : i32
      %add3A_319 = vector.broadcast %add3A_318 : i32 to vector<16xi32>
      %add3A_320 = arith.addi %get3A_123, %add3A_319 : vector<16xi32>
      %gather3A_321 = tpu.vector_load_idx %arg20[%add3A_116, %add3A_320] : memref<128x128xf32, #tpu.memory_space<vmem>>[vector<16xi32>, vector<16xi32>], vector<16xf32>,
      %mul3A_322 = arith.mulf %gather3A_317, %gather3A_321 : vector<16xf32>
      %add3A_323 = arith.addf %add3A_313, %mul3A_322 : vector<16xf32>
      %add3A_324 = arith.constant 20 : i32
      %add3A_325 = vector.broadcast %add3A_324 : i32 to vector<16xi32>
      %add3A_326 = arith.addi %get3A_119, %add3A_325 : vector<16xi32>
      %gather3A_327 = tpu.vector_load_idx %arg18[%add3A_116, %add3A_326] : memref<128x128xf32, #tpu.memory_space<vmem>>[vector<16xi32>, vector<16xi32>], vector<16xf32>,
      %add3A_328 = arith.constant 20 : i32
      %add3A_329 = vector.broadcast %add3A_328 : i32 to vector<16xi32>
      %add3A_330 = arith.addi %get3A_123, %add3A_329 : vector<16xi32>
      %gather3A_331 = tpu.vector_load_idx %arg20[%add3A_116, %add3A_330] : memref<128x128xf32, #tpu.memory_space<vmem>>[vector<16xi32>, vector<16xi32>], vector<16xf32>,
      %mul3A_332 = arith.mulf %gather3A_327, %gather3A_331 : vector<16xf32>
      %add3A_333 = arith.addf %add3A_323, %mul3A_332 : vector<16xf32>
      %add3A_334 = arith.constant 21 : i32
      %add3A_335 = vector.broadcast %add3A_334 : i32 to vector<16xi32>
      %add3A_336 = arith.addi %get3A_119, %add3A_335 : vector<16xi32>
      %gather3A_337 = tpu.vector_load_idx %arg18[%add3A_116, %add3A_336] : memref<128x128xf32, #tpu.memory_space<vmem>>[vector<16xi32>, vector<16xi32>], vector<16xf32>,
      %add3A_338 = arith.constant 21 : i32
      %add3A_339 = vector.broadcast %add3A_338 : i32 to vector<16xi32>
      %add3A_340 = arith.addi %get3A_123, %add3A_339 : vector<16xi32>
      %gather3A_341 = tpu.vector_load_idx %arg20[%add3A_116, %add3A_340] : memref<128x128xf32, #tpu.memory_space<vmem>>[vector<16xi32>, vector<16xi32>], vector<16xf32>,
      %mul3A_342 = arith.mulf %gather3A_337, %gather3A_341 : vector<16xf32>
      %add3A_343 = arith.addf %add3A_333, %mul3A_342 : vector<16xf32>
      %add3A_344 = arith.constant 22 : i32
      %add3A_345 = vector.broadcast %add3A_344 : i32 to vector<16xi32>
      %add3A_346 = arith.addi %get3A_119, %add3A_345 : vector<16xi32>
      %gather3A_347 = tpu.vector_load_idx %arg18[%add3A_116, %add3A_346] : memref<128x128xf32, #tpu.memory_space<vmem>>[vector<16xi32>, vector<16xi32>], vector<16xf32>,
      %add3A_348 = arith.constant 22 : i32
      %add3A_349 = vector.broadcast %add3A_348 : i32 to vector<16xi32>
      %add3A_350 = arith.addi %get3A_123, %add3A_349 : vector<16xi32>
      %gather3A_351 = tpu.vector_load_idx %arg20[%add3A_116, %add3A_350] : memref<128x128xf32, #tpu.memory_space<vmem>>[vector<16xi32>, vector<16xi32>], vector<16xf32>,
      %mul3A_352 = arith.mulf %gather3A_347, %gather3A_351 : vector<16xf32>
      %add3A_353 = arith.addf %add3A_343, %mul3A_352 : vector<16xf32>
      %add3A_354 = arith.constant 23 : i32
      %add3A_355 = vector.broadcast %add3A_354 : i32 to vector<16xi32>
      %add3A_356 = arith.addi %get3A_119, %add3A_355 : vector<16xi32>
      %gather3A_357 = tpu.vector_load_idx %arg18[%add3A_116, %add3A_356] : memref<128x128xf32, #tpu.memory_space<vmem>>[vector<16xi32>, vector<16xi32>], vector<16xf32>,
      %add3A_358 = arith.constant 23 : i32
      %add3A_359 = vector.broadcast %add3A_358 : i32 to vector<16xi32>
      %add3A_360 = arith.addi %get3A_123, %add3A_359 : vector<16xi32>
      %gather3A_361 = tpu.vector_load_idx %arg20[%add3A_116, %add3A_360] : memref<128x128xf32, #tpu.memory_space<vmem>>[vector<16xi32>, vector<16xi32>], vector<16xf32>,
      %mul3A_362 = arith.mulf %gather3A_357, %gather3A_361 : vector<16xf32>
      %add3A_363 = arith.addf %add3A_353, %mul3A_362 : vector<16xf32>
      %add3A_364 = arith.constant 24 : i32
      %add3A_365 = vector.broadcast %add3A_364 : i32 to vector<16xi32>
      %add3A_366 = arith.addi %get3A_119, %add3A_365 : vector<16xi32>
      %gather3A_367 = tpu.vector_load_idx %arg18[%add3A_116, %add3A_366] : memref<128x128xf32, #tpu.memory_space<vmem>>[vector<16xi32>, vector<16xi32>], vector<16xf32>,
      %add3A_368 = arith.constant 24 : i32
      %add3A_369 = vector.broadcast %add3A_368 : i32 to vector<16xi32>
      %add3A_370 = arith.addi %get3A_123, %add3A_369 : vector<16xi32>
      %gather3A_371 = tpu.vector_load_idx %arg20[%add3A_116, %add3A_370] : memref<128x128xf32, #tpu.memory_space<vmem>>[vector<16xi32>, vector<16xi32>], vector<16xf32>,
      %mul3A_372 = arith.mulf %gather3A_367, %gather3A_371 : vector<16xf32>
      %add3A_373 = arith.addf %add3A_363, %mul3A_372 : vector<16xf32>
      %add3A_374 = arith.constant 25 : i32
      %add3A_375 = vector.broadcast %add3A_374 : i32 to vector<16xi32>
      %add3A_376 = arith.addi %get3A_119, %add3A_375 : vector<16xi32>
      %gather3A_377 = tpu.vector_load_idx %arg18[%add3A_116, %add3A_376] : memref<128x128xf32, #tpu.memory_space<vmem>>[vector<16xi32>, vector<16xi32>], vector<16xf32>,
      %add3A_378 = arith.constant 25 : i32
      %add3A_379 = vector.broadcast %add3A_378 : i32 to vector<16xi32>
      %add3A_380 = arith.addi %get3A_123, %add3A_379 : vector<16xi32>
      %gather3A_381 = tpu.vector_load_idx %arg20[%add3A_116, %add3A_380] : memref<128x128xf32, #tpu.memory_space<vmem>>[vector<16xi32>, vector<16xi32>], vector<16xf32>,
      %mul3A_382 = arith.mulf %gather3A_377, %gather3A_381 : vector<16xf32>
      %add3A_383 = arith.addf %add3A_373, %mul3A_382 : vector<16xf32>
      %add3A_384 = arith.constant 26 : i32
      %add3A_385 = vector.broadcast %add3A_384 : i32 to vector<16xi32>
      %add3A_386 = arith.addi %get3A_119, %add3A_385 : vector<16xi32>
      %gather3A_387 = tpu.vector_load_idx %arg18[%add3A_116, %add3A_386] : memref<128x128xf32, #tpu.memory_space<vmem>>[vector<16xi32>, vector<16xi32>], vector<16xf32>,
      %add3A_388 = arith.constant 26 : i32
      %add3A_389 = vector.broadcast %add3A_388 : i32 to vector<16xi32>
      %add3A_390 = arith.addi %get3A_123, %add3A_389 : vector<16xi32>
      %gather3A_391 = tpu.vector_load_idx %arg20[%add3A_116, %add3A_390] : memref<128x128xf32, #tpu.memory_space<vmem>>[vector<16xi32>, vector<16xi32>], vector<16xf32>,
      %mul3A_392 = arith.mulf %gather3A_387, %gather3A_391 : vector<16xf32>
      %add3A_393 = arith.addf %add3A_383, %mul3A_392 : vector<16xf32>
      %add3A_394 = arith.constant 27 : i32
      %add3A_395 = vector.broadcast %add3A_394 : i32 to vector<16xi32>
      %add3A_396 = arith.addi %get3A_119, %add3A_395 : vector<16xi32>
      %gather3A_397 = tpu.vector_load_idx %arg18[%add3A_116, %add3A_396] : memref<128x128xf32, #tpu.memory_space<vmem>>[vector<16xi32>, vector<16xi32>], vector<16xf32>,
      %add3A_398 = arith.constant 27 : i32
      %add3A_399 = vector.broadcast %add3A_398 : i32 to vector<16xi32>
      %add3A_400 = arith.addi %get3A_123, %add3A_399 : vector<16xi32>
      %gather3A_401 = tpu.vector_load_idx %arg20[%add3A_116, %add3A_400] : memref<128x128xf32, #tpu.memory_space<vmem>>[vector<16xi32>, vector<16xi32>], vector<16xf32>,
      %mul3A_402 = arith.mulf %gather3A_397, %gather3A_401 : vector<16xf32>
      %add3A_403 = arith.addf %add3A_393, %mul3A_402 : vector<16xf32>
      %add3A_404 = arith.constant 28 : i32
      %add3A_405 = vector.broadcast %add3A_404 : i32 to vector<16xi32>
      %add3A_406 = arith.addi %get3A_119, %add3A_405 : vector<16xi32>
      %gather3A_407 = tpu.vector_load_idx %arg18[%add3A_116, %add3A_406] : memref<128x128xf32, #tpu.memory_space<vmem>>[vector<16xi32>, vector<16xi32>], vector<16xf32>,
      %add3A_408 = arith.constant 28 : i32
      %add3A_409 = vector.broadcast %add3A_408 : i32 to vector<16xi32>
      %add3A_410 = arith.addi %get3A_123, %add3A_409 : vector<16xi32>
      %gather3A_411 = tpu.vector_load_idx %arg20[%add3A_116, %add3A_410] : memref<128x128xf32, #tpu.memory_space<vmem>>[vector<16xi32>, vector<16xi32>], vector<16xf32>,
      %mul3A_412 = arith.mulf %gather3A_407, %gather3A_411 : vector<16xf32>
      %add3A_413 = arith.addf %add3A_403, %mul3A_412 : vector<16xf32>
      %add3A_414 = arith.constant 29 : i32
      %add3A_415 = vector.broadcast %add3A_414 : i32 to vector<16xi32>
      %add3A_416 = arith.addi %get3A_119, %add3A_415 : vector<16xi32>
      %gather3A_417 = tpu.vector_load_idx %arg18[%add3A_116, %add3A_416] : memref<128x128xf32, #tpu.memory_space<vmem>>[vector<16xi32>, vector<16xi32>], vector<16xf32>,
      %add3A_418 = arith.constant 29 : i32
      %add3A_419 = vector.broadcast %add3A_418 : i32 to vector<16xi32>
      %add3A_420 = arith.addi %get3A_123, %add3A_419 : vector<16xi32>
      %gather3A_421 = tpu.vector_load_idx %arg20[%add3A_116, %add3A_420] : memref<128x128xf32, #tpu.memory_space<vmem>>[vector<16xi32>, vector<16xi32>], vector<16xf32>,
      %mul3A_422 = arith.mulf %gather3A_417, %gather3A_421 : vector<16xf32>
      %add3A_423 = arith.addf %add3A_413, %mul3A_422 : vector<16xf32>
      %add3A_424 = arith.constant 30 : i32
      %add3A_425 = vector.broadcast %add3A_424 : i32 to vector<16xi32>
      %add3A_426 = arith.addi %get3A_119, %add3A_425 : vector<16xi32>
      %gather3A_427 = tpu.vector_load_idx %arg18[%add3A_116, %add3A_426] : memref<128x128xf32, #tpu.memory_space<vmem>>[vector<16xi32>, vector<16xi32>], vector<16xf32>,
      %add3A_428 = arith.constant 30 : i32
      %add3A_429 = vector.broadcast %add3A_428 : i32 to vector<16xi32>
      %add3A_430 = arith.addi %get3A_123, %add3A_429 : vector<16xi32>
      %gather3A_431 = tpu.vector_load_idx %arg20[%add3A_116, %add3A_430] : memref<128x128xf32, #tpu.memory_space<vmem>>[vector<16xi32>, vector<16xi32>], vector<16xf32>,
      %mul3A_432 = arith.mulf %gather3A_427, %gather3A_431 : vector<16xf32>
      %add3A_433 = arith.addf %add3A_423, %mul3A_432 : vector<16xf32>
      %add3A_434 = arith.constant 31 : i32
      %add3A_435 = vector.broadcast %add3A_434 : i32 to vector<16xi32>
      %add3A_436 = arith.addi %get3A_119, %add3A_435 : vector<16xi32>
      %gather3A_437 = tpu.vector_load_idx %arg18[%add3A_116, %add3A_436] : memref<128x128xf32, #tpu.memory_space<vmem>>[vector<16xi32>, vector<16xi32>], vector<16xf32>,
      %add3A_438 = arith.constant 31 : i32
      %add3A_439 = vector.broadcast %add3A_438 : i32 to vector<16xi32>
      %add3A_440 = arith.addi %get3A_123, %add3A_439 : vector<16xi32>
      %gather3A_441 = tpu.vector_load_idx %arg20[%add3A_116, %add3A_440] : memref<128x128xf32, #tpu.memory_space<vmem>>[vector<16xi32>, vector<16xi32>], vector<16xf32>,
      %mul3A_442 = arith.mulf %gather3A_437, %gather3A_441 : vector<16xf32>
      %add3A_443 = arith.addf %add3A_433, %mul3A_442 : vector<16xf32>
      %mul3A_444 = arith.constant 16 : i32
      %mul3A_445 = arith.muli %scan3A_110, %mul3A_444 : i32
      %add3A_446 = arith.constant 128 : i32
      %add3A_447 = arith.addi %add3A_446, %mul3A_445 : i32
      %swap3A = arith.index_cast %add3A_447 : i32 to index
      %swap3A_448 = tpu.vector_load %arg23[%swap3A] {strides = array<i32>} : memref<512xf32, #tpu.memory_space<vmem>>, vector<16xf32>,
      tpu.vector_store %arg23[%swap3A], %add3A_443 {strides = array<i32>} : memref<512xf32, #tpu.memory_space<vmem>>, vector<16xf32>,
    }
    %scan3A_63 = arith.constant 8 : i32
    %scan3A_64 = arith.constant 0 : i32
    %scan3A_65 = arith.constant 0 : i32
    %scan3A_66 = arith.constant 8 : i32
    %scan3A_67 = arith.addi %scan3A_65, %scan3A_66 : i32
    %scan3A_68 = arith.constant 1 : i32
    scf.for %scan3A_110 = %scan3A_65 to %scan3A_67 step %scan3A_68  : i32 {
      %mul3A_111 = arith.constant 16 : i32
      %mul3A_112 = arith.muli %scan3A_110, %mul3A_111 : i32
      %add3A_113 = arith.constant 384 : i32
      %add3A_114 = arith.addi %add3A_113, %mul3A_112 : i32
      %mul3A_115 = arith.constant 16 : i32
      %mul3A_116 = arith.muli %scan3A_110, %mul3A_115 : i32
      %get3A = arith.index_cast %add3A_114 : i32 to index
      %get3A_117 = tpu.vector_load %arg9[%get3A] {strides = array<i32>} : memref<512xi32, #tpu.memory_space<vmem>>, vector<16xi32>,
      %shift_right_arithmetic3A = arith.constant 2 : i32
      %shift_right_arithmetic3A_118 = vector.broadcast %shift_right_arithmetic3A : i32 to vector<16xi32>
      %shift_right_arithmetic3A_119 = arith.shrsi %get3A_117, %shift_right_arithmetic3A_118 : vector<16xi32>
      %swap3A = arith.index_cast %mul3A_116 : i32 to index
      %swap3A_120 = tpu.vector_load %arg12[%swap3A] {strides = array<i32>} : memref<128xi32, #tpu.memory_space<vmem>>, vector<16xi32>,
      tpu.vector_store %arg12[%swap3A], %shift_right_arithmetic3A_119 {strides = array<i32>} : memref<128xi32, #tpu.memory_space<vmem>>, vector<16xi32>,
      %and3A = arith.constant 3 : i32
      %and3A_121 = vector.broadcast %and3A : i32 to vector<16xi32>
      %and3A_122 = arith.andi %get3A_117, %and3A_121 : vector<16xi32>
      %shift_left3A = arith.constant 5 : i32
      %shift_left3A_123 = vector.broadcast %shift_left3A : i32 to vector<16xi32>
      %shift_left3A_124 = arith.shli %and3A_122, %shift_left3A_123 : vector<16xi32>
      %swap3A_125 = arith.constant 1 : i32
      %swap3A_126 = arith.index_cast %swap3A_125 : i32 to index
      %swap3A_127 = arith.index_cast %mul3A_116 : i32 to index
      %swap3A_128 = tpu.vector_load %arg15[%swap3A_126, %swap3A_127] {strides = array<i32>} : memref<2x128xi32, #tpu.memory_space<vmem>>, vector<16xi32>,
      tpu.vector_store %arg15[%swap3A_126, %swap3A_127], %shift_left3A_124 {strides = array<i32>} : memref<2x128xi32, #tpu.memory_space<vmem>>, vector<16xi32>,
      %get3A_129 = arith.index_cast %add3A_114 : i32 to index
      %get3A_130 = tpu.vector_load %arg10[%get3A_129] {strides = array<i32>} : memref<512xi32, #tpu.memory_space<vmem>>, vector<16xi32>,
      %shift_right_arithmetic3A_131 = arith.constant 2 : i32
      %shift_right_arithmetic3A_132 = vector.broadcast %shift_right_arithmetic3A_131 : i32 to vector<16xi32>
      %shift_right_arithmetic3A_133 = arith.shrsi %get3A_130, %shift_right_arithmetic3A_132 : vector<16xi32>
      %swap3A_134 = arith.index_cast %mul3A_116 : i32 to index
      %swap3A_135 = tpu.vector_load %arg14[%swap3A_134] {strides = array<i32>} : memref<128xi32, #tpu.memory_space<vmem>>, vector<16xi32>,
      tpu.vector_store %arg14[%swap3A_134], %shift_right_arithmetic3A_133 {strides = array<i32>} : memref<128xi32, #tpu.memory_space<vmem>>, vector<16xi32>,
      %and3A_136 = arith.constant 3 : i32
      %and3A_137 = vector.broadcast %and3A_136 : i32 to vector<16xi32>
      %and3A_138 = arith.andi %get3A_130, %and3A_137 : vector<16xi32>
      %shift_left3A_139 = arith.constant 5 : i32
      %shift_left3A_140 = vector.broadcast %shift_left3A_139 : i32 to vector<16xi32>
      %shift_left3A_141 = arith.shli %and3A_138, %shift_left3A_140 : vector<16xi32>
      %swap3A_142 = arith.constant 1 : i32
      %swap3A_143 = arith.index_cast %swap3A_142 : i32 to index
      %swap3A_144 = arith.index_cast %mul3A_116 : i32 to index
      %swap3A_145 = tpu.vector_load %arg16[%swap3A_143, %swap3A_144] {strides = array<i32>} : memref<2x128xi32, #tpu.memory_space<vmem>>, vector<16xi32>,
      tpu.vector_store %arg16[%swap3A_143, %swap3A_144], %shift_left3A_141 {strides = array<i32>} : memref<2x128xi32, #tpu.memory_space<vmem>>, vector<16xi32>,
    }
    %scan3A_69 = arith.constant 8 : i32
    %dma_start3A_70 = arith.constant 0 : i32
    %dma_start3A_71 = arith.constant 0 : i32
    %dma_start3A_72 = tpu.memref_slice %arg4[%dma_start3A_70, %dma_start3A_71] : memref<250000x128xf32, #tpu.memory_space<hbm>> -> memref<250000x128xf32, #tpu.memory_space<hbm>>
    tpu.enqueue_indirect_dma source(%dma_start3A_72 : memref<250000x128xf32, #tpu.memory_space<hbm>>) target(%arg18 : memref<128x128xf32, #tpu.memory_space<vmem>>) offsets(%arg12 : memref<128xi32, #tpu.memory_space<vmem>>) semaphore(%arg25 : memref<!tpu.dma_semaphore, #tpu.memory_space<semaphore_mem>>)
    %dma_start3A_73 = arith.constant 0 : i32
    %dma_start3A_74 = arith.constant 0 : i32
    %dma_start3A_75 = tpu.memref_slice %arg5[%dma_start3A_73, %dma_start3A_74] : memref<250000x128xf32, #tpu.memory_space<hbm>> -> memref<250000x128xf32, #tpu.memory_space<hbm>>
    tpu.enqueue_indirect_dma source(%dma_start3A_75 : memref<250000x128xf32, #tpu.memory_space<hbm>>) target(%arg20 : memref<128x128xf32, #tpu.memory_space<vmem>>) offsets(%arg14 : memref<128xi32, #tpu.memory_space<vmem>>) semaphore(%arg25 : memref<!tpu.dma_semaphore, #tpu.memory_space<semaphore_mem>>)
    %dma_wait3A_76 = arith.constant 0 : i32
    %dma_wait3A_77 = arith.constant 0 : i32
    %dma_wait3A_78 = tpu.memref_slice %arg4[%dma_wait3A_76, %dma_wait3A_77] : memref<250000x128xf32, #tpu.memory_space<hbm>> -> memref<250000x128xf32, #tpu.memory_space<hbm>>
    tpu.wait_indirect_dma semaphore(%arg24 : memref<!tpu.dma_semaphore, #tpu.memory_space<semaphore_mem>>) src(%dma_wait3A_78 : memref<250000x128xf32, #tpu.memory_space<hbm>>) dst(%arg17 : memref<128x128xf32, #tpu.memory_space<vmem>>)
    %dma_wait3A_79 = arith.constant 0 : i32
    %dma_wait3A_80 = arith.constant 0 : i32
    %dma_wait3A_81 = tpu.memref_slice %arg5[%dma_wait3A_79, %dma_wait3A_80] : memref<250000x128xf32, #tpu.memory_space<hbm>> -> memref<250000x128xf32, #tpu.memory_space<hbm>>
    tpu.wait_indirect_dma semaphore(%arg24 : memref<!tpu.dma_semaphore, #tpu.memory_space<semaphore_mem>>) src(%dma_wait3A_81 : memref<250000x128xf32, #tpu.memory_space<hbm>>) dst(%arg19 : memref<128x128xf32, #tpu.memory_space<vmem>>)
    %scan3A_82 = arith.constant 0 : i32
    %scan3A_83 = arith.constant 0 : i32
    %scan3A_84 = arith.constant 8 : i32
    %scan3A_85 = arith.addi %scan3A_83, %scan3A_84 : i32
    %scan3A_86 = arith.constant 1 : i32
    scf.for %scan3A_110 = %scan3A_83 to %scan3A_85 step %scan3A_86  : i32 {
      %mul3A_111 = arith.constant 16 : i32
      %mul3A_112 = arith.muli %scan3A_110, %mul3A_111 : i32
      %mul3A_113 = arith.constant 16 : i32
      %mul3A_114 = arith.muli %scan3A_110, %mul3A_113 : i32
      %iota3A = tpu.iota {dimensions = array<i32: 0>} : vector<16xi32>
      %add3A_115 = vector.broadcast %mul3A_114 : i32 to vector<16xi32>
      %add3A_116 = arith.addi %add3A_115, %iota3A : vector<16xi32>
      %get3A = arith.constant 0 : i32
      %get3A_117 = arith.index_cast %get3A : i32 to index
      %get3A_118 = arith.index_cast %mul3A_112 : i32 to index
      %get3A_119 = tpu.vector_load %arg15[%get3A_117, %get3A_118] {strides = array<i32>} : memref<2x128xi32, #tpu.memory_space<vmem>>, vector<16xi32>,
      %get3A_120 = arith.constant 0 : i32
      %get3A_121 = arith.index_cast %get3A_120 : i32 to index
      %get3A_122 = arith.index_cast %mul3A_112 : i32 to index
      %get3A_123 = tpu.vector_load %arg16[%get3A_121, %get3A_122] {strides = array<i32>} : memref<2x128xi32, #tpu.memory_space<vmem>>, vector<16xi32>,
      %broadcast_in_dim3A = arith.constant 0.000000e+00 : f32
      %broadcast_in_dim3A_124 = vector.broadcast %broadcast_in_dim3A : f32 to vector<16xf32>
      %add3A_125 = arith.constant 0 : i32
      %add3A_126 = vector.broadcast %add3A_125 : i32 to vector<16xi32>
      %add3A_127 = arith.addi %get3A_119, %add3A_126 : vector<16xi32>
      %gather3A = tpu.vector_load_idx %arg17[%add3A_116, %add3A_127] : memref<128x128xf32, #tpu.memory_space<vmem>>[vector<16xi32>, vector<16xi32>], vector<16xf32>,
      %add3A_128 = arith.constant 0 : i32
      %add3A_129 = vector.broadcast %add3A_128 : i32 to vector<16xi32>
      %add3A_130 = arith.addi %get3A_123, %add3A_129 : vector<16xi32>
      %gather3A_131 = tpu.vector_load_idx %arg19[%add3A_116, %add3A_130] : memref<128x128xf32, #tpu.memory_space<vmem>>[vector<16xi32>, vector<16xi32>], vector<16xf32>,
      %mul3A_132 = arith.mulf %gather3A, %gather3A_131 : vector<16xf32>
      %add3A_133 = arith.addf %broadcast_in_dim3A_124, %mul3A_132 : vector<16xf32>
      %add3A_134 = arith.constant 1 : i32
      %add3A_135 = vector.broadcast %add3A_134 : i32 to vector<16xi32>
      %add3A_136 = arith.addi %get3A_119, %add3A_135 : vector<16xi32>
      %gather3A_137 = tpu.vector_load_idx %arg17[%add3A_116, %add3A_136] : memref<128x128xf32, #tpu.memory_space<vmem>>[vector<16xi32>, vector<16xi32>], vector<16xf32>,
      %add3A_138 = arith.constant 1 : i32
      %add3A_139 = vector.broadcast %add3A_138 : i32 to vector<16xi32>
      %add3A_140 = arith.addi %get3A_123, %add3A_139 : vector<16xi32>
      %gather3A_141 = tpu.vector_load_idx %arg19[%add3A_116, %add3A_140] : memref<128x128xf32, #tpu.memory_space<vmem>>[vector<16xi32>, vector<16xi32>], vector<16xf32>,
      %mul3A_142 = arith.mulf %gather3A_137, %gather3A_141 : vector<16xf32>
      %add3A_143 = arith.addf %add3A_133, %mul3A_142 : vector<16xf32>
      %add3A_144 = arith.constant 2 : i32
      %add3A_145 = vector.broadcast %add3A_144 : i32 to vector<16xi32>
      %add3A_146 = arith.addi %get3A_119, %add3A_145 : vector<16xi32>
      %gather3A_147 = tpu.vector_load_idx %arg17[%add3A_116, %add3A_146] : memref<128x128xf32, #tpu.memory_space<vmem>>[vector<16xi32>, vector<16xi32>], vector<16xf32>,
      %add3A_148 = arith.constant 2 : i32
      %add3A_149 = vector.broadcast %add3A_148 : i32 to vector<16xi32>
      %add3A_150 = arith.addi %get3A_123, %add3A_149 : vector<16xi32>
      %gather3A_151 = tpu.vector_load_idx %arg19[%add3A_116, %add3A_150] : memref<128x128xf32, #tpu.memory_space<vmem>>[vector<16xi32>, vector<16xi32>], vector<16xf32>,
      %mul3A_152 = arith.mulf %gather3A_147, %gather3A_151 : vector<16xf32>
      %add3A_153 = arith.addf %add3A_143, %mul3A_152 : vector<16xf32>
      %add3A_154 = arith.constant 3 : i32
      %add3A_155 = vector.broadcast %add3A_154 : i32 to vector<16xi32>
      %add3A_156 = arith.addi %get3A_119, %add3A_155 : vector<16xi32>
      %gather3A_157 = tpu.vector_load_idx %arg17[%add3A_116, %add3A_156] : memref<128x128xf32, #tpu.memory_space<vmem>>[vector<16xi32>, vector<16xi32>], vector<16xf32>,
      %add3A_158 = arith.constant 3 : i32
      %add3A_159 = vector.broadcast %add3A_158 : i32 to vector<16xi32>
      %add3A_160 = arith.addi %get3A_123, %add3A_159 : vector<16xi32>
      %gather3A_161 = tpu.vector_load_idx %arg19[%add3A_116, %add3A_160] : memref<128x128xf32, #tpu.memory_space<vmem>>[vector<16xi32>, vector<16xi32>], vector<16xf32>,
      %mul3A_162 = arith.mulf %gather3A_157, %gather3A_161 : vector<16xf32>
      %add3A_163 = arith.addf %add3A_153, %mul3A_162 : vector<16xf32>
      %add3A_164 = arith.constant 4 : i32
      %add3A_165 = vector.broadcast %add3A_164 : i32 to vector<16xi32>
      %add3A_166 = arith.addi %get3A_119, %add3A_165 : vector<16xi32>
      %gather3A_167 = tpu.vector_load_idx %arg17[%add3A_116, %add3A_166] : memref<128x128xf32, #tpu.memory_space<vmem>>[vector<16xi32>, vector<16xi32>], vector<16xf32>,
      %add3A_168 = arith.constant 4 : i32
      %add3A_169 = vector.broadcast %add3A_168 : i32 to vector<16xi32>
      %add3A_170 = arith.addi %get3A_123, %add3A_169 : vector<16xi32>
      %gather3A_171 = tpu.vector_load_idx %arg19[%add3A_116, %add3A_170] : memref<128x128xf32, #tpu.memory_space<vmem>>[vector<16xi32>, vector<16xi32>], vector<16xf32>,
      %mul3A_172 = arith.mulf %gather3A_167, %gather3A_171 : vector<16xf32>
      %add3A_173 = arith.addf %add3A_163, %mul3A_172 : vector<16xf32>
      %add3A_174 = arith.constant 5 : i32
      %add3A_175 = vector.broadcast %add3A_174 : i32 to vector<16xi32>
      %add3A_176 = arith.addi %get3A_119, %add3A_175 : vector<16xi32>
      %gather3A_177 = tpu.vector_load_idx %arg17[%add3A_116, %add3A_176] : memref<128x128xf32, #tpu.memory_space<vmem>>[vector<16xi32>, vector<16xi32>], vector<16xf32>,
      %add3A_178 = arith.constant 5 : i32
      %add3A_179 = vector.broadcast %add3A_178 : i32 to vector<16xi32>
      %add3A_180 = arith.addi %get3A_123, %add3A_179 : vector<16xi32>
      %gather3A_181 = tpu.vector_load_idx %arg19[%add3A_116, %add3A_180] : memref<128x128xf32, #tpu.memory_space<vmem>>[vector<16xi32>, vector<16xi32>], vector<16xf32>,
      %mul3A_182 = arith.mulf %gather3A_177, %gather3A_181 : vector<16xf32>
      %add3A_183 = arith.addf %add3A_173, %mul3A_182 : vector<16xf32>
      %add3A_184 = arith.constant 6 : i32
      %add3A_185 = vector.broadcast %add3A_184 : i32 to vector<16xi32>
      %add3A_186 = arith.addi %get3A_119, %add3A_185 : vector<16xi32>
      %gather3A_187 = tpu.vector_load_idx %arg17[%add3A_116, %add3A_186] : memref<128x128xf32, #tpu.memory_space<vmem>>[vector<16xi32>, vector<16xi32>], vector<16xf32>,
      %add3A_188 = arith.constant 6 : i32
      %add3A_189 = vector.broadcast %add3A_188 : i32 to vector<16xi32>
      %add3A_190 = arith.addi %get3A_123, %add3A_189 : vector<16xi32>
      %gather3A_191 = tpu.vector_load_idx %arg19[%add3A_116, %add3A_190] : memref<128x128xf32, #tpu.memory_space<vmem>>[vector<16xi32>, vector<16xi32>], vector<16xf32>,
      %mul3A_192 = arith.mulf %gather3A_187, %gather3A_191 : vector<16xf32>
      %add3A_193 = arith.addf %add3A_183, %mul3A_192 : vector<16xf32>
      %add3A_194 = arith.constant 7 : i32
      %add3A_195 = vector.broadcast %add3A_194 : i32 to vector<16xi32>
      %add3A_196 = arith.addi %get3A_119, %add3A_195 : vector<16xi32>
      %gather3A_197 = tpu.vector_load_idx %arg17[%add3A_116, %add3A_196] : memref<128x128xf32, #tpu.memory_space<vmem>>[vector<16xi32>, vector<16xi32>], vector<16xf32>,
      %add3A_198 = arith.constant 7 : i32
      %add3A_199 = vector.broadcast %add3A_198 : i32 to vector<16xi32>
      %add3A_200 = arith.addi %get3A_123, %add3A_199 : vector<16xi32>
      %gather3A_201 = tpu.vector_load_idx %arg19[%add3A_116, %add3A_200] : memref<128x128xf32, #tpu.memory_space<vmem>>[vector<16xi32>, vector<16xi32>], vector<16xf32>,
      %mul3A_202 = arith.mulf %gather3A_197, %gather3A_201 : vector<16xf32>
      %add3A_203 = arith.addf %add3A_193, %mul3A_202 : vector<16xf32>
      %add3A_204 = arith.constant 8 : i32
      %add3A_205 = vector.broadcast %add3A_204 : i32 to vector<16xi32>
      %add3A_206 = arith.addi %get3A_119, %add3A_205 : vector<16xi32>
      %gather3A_207 = tpu.vector_load_idx %arg17[%add3A_116, %add3A_206] : memref<128x128xf32, #tpu.memory_space<vmem>>[vector<16xi32>, vector<16xi32>], vector<16xf32>,
      %add3A_208 = arith.constant 8 : i32
      %add3A_209 = vector.broadcast %add3A_208 : i32 to vector<16xi32>
      %add3A_210 = arith.addi %get3A_123, %add3A_209 : vector<16xi32>
      %gather3A_211 = tpu.vector_load_idx %arg19[%add3A_116, %add3A_210] : memref<128x128xf32, #tpu.memory_space<vmem>>[vector<16xi32>, vector<16xi32>], vector<16xf32>,
      %mul3A_212 = arith.mulf %gather3A_207, %gather3A_211 : vector<16xf32>
      %add3A_213 = arith.addf %add3A_203, %mul3A_212 : vector<16xf32>
      %add3A_214 = arith.constant 9 : i32
      %add3A_215 = vector.broadcast %add3A_214 : i32 to vector<16xi32>
      %add3A_216 = arith.addi %get3A_119, %add3A_215 : vector<16xi32>
      %gather3A_217 = tpu.vector_load_idx %arg17[%add3A_116, %add3A_216] : memref<128x128xf32, #tpu.memory_space<vmem>>[vector<16xi32>, vector<16xi32>], vector<16xf32>,
      %add3A_218 = arith.constant 9 : i32
      %add3A_219 = vector.broadcast %add3A_218 : i32 to vector<16xi32>
      %add3A_220 = arith.addi %get3A_123, %add3A_219 : vector<16xi32>
      %gather3A_221 = tpu.vector_load_idx %arg19[%add3A_116, %add3A_220] : memref<128x128xf32, #tpu.memory_space<vmem>>[vector<16xi32>, vector<16xi32>], vector<16xf32>,
      %mul3A_222 = arith.mulf %gather3A_217, %gather3A_221 : vector<16xf32>
      %add3A_223 = arith.addf %add3A_213, %mul3A_222 : vector<16xf32>
      %add3A_224 = arith.constant 10 : i32
      %add3A_225 = vector.broadcast %add3A_224 : i32 to vector<16xi32>
      %add3A_226 = arith.addi %get3A_119, %add3A_225 : vector<16xi32>
      %gather3A_227 = tpu.vector_load_idx %arg17[%add3A_116, %add3A_226] : memref<128x128xf32, #tpu.memory_space<vmem>>[vector<16xi32>, vector<16xi32>], vector<16xf32>,
      %add3A_228 = arith.constant 10 : i32
      %add3A_229 = vector.broadcast %add3A_228 : i32 to vector<16xi32>
      %add3A_230 = arith.addi %get3A_123, %add3A_229 : vector<16xi32>
      %gather3A_231 = tpu.vector_load_idx %arg19[%add3A_116, %add3A_230] : memref<128x128xf32, #tpu.memory_space<vmem>>[vector<16xi32>, vector<16xi32>], vector<16xf32>,
      %mul3A_232 = arith.mulf %gather3A_227, %gather3A_231 : vector<16xf32>
      %add3A_233 = arith.addf %add3A_223, %mul3A_232 : vector<16xf32>
      %add3A_234 = arith.constant 11 : i32
      %add3A_235 = vector.broadcast %add3A_234 : i32 to vector<16xi32>
      %add3A_236 = arith.addi %get3A_119, %add3A_235 : vector<16xi32>
      %gather3A_237 = tpu.vector_load_idx %arg17[%add3A_116, %add3A_236] : memref<128x128xf32, #tpu.memory_space<vmem>>[vector<16xi32>, vector<16xi32>], vector<16xf32>,
      %add3A_238 = arith.constant 11 : i32
      %add3A_239 = vector.broadcast %add3A_238 : i32 to vector<16xi32>
      %add3A_240 = arith.addi %get3A_123, %add3A_239 : vector<16xi32>
      %gather3A_241 = tpu.vector_load_idx %arg19[%add3A_116, %add3A_240] : memref<128x128xf32, #tpu.memory_space<vmem>>[vector<16xi32>, vector<16xi32>], vector<16xf32>,
      %mul3A_242 = arith.mulf %gather3A_237, %gather3A_241 : vector<16xf32>
      %add3A_243 = arith.addf %add3A_233, %mul3A_242 : vector<16xf32>
      %add3A_244 = arith.constant 12 : i32
      %add3A_245 = vector.broadcast %add3A_244 : i32 to vector<16xi32>
      %add3A_246 = arith.addi %get3A_119, %add3A_245 : vector<16xi32>
      %gather3A_247 = tpu.vector_load_idx %arg17[%add3A_116, %add3A_246] : memref<128x128xf32, #tpu.memory_space<vmem>>[vector<16xi32>, vector<16xi32>], vector<16xf32>,
      %add3A_248 = arith.constant 12 : i32
      %add3A_249 = vector.broadcast %add3A_248 : i32 to vector<16xi32>
      %add3A_250 = arith.addi %get3A_123, %add3A_249 : vector<16xi32>
      %gather3A_251 = tpu.vector_load_idx %arg19[%add3A_116, %add3A_250] : memref<128x128xf32, #tpu.memory_space<vmem>>[vector<16xi32>, vector<16xi32>], vector<16xf32>,
      %mul3A_252 = arith.mulf %gather3A_247, %gather3A_251 : vector<16xf32>
      %add3A_253 = arith.addf %add3A_243, %mul3A_252 : vector<16xf32>
      %add3A_254 = arith.constant 13 : i32
      %add3A_255 = vector.broadcast %add3A_254 : i32 to vector<16xi32>
      %add3A_256 = arith.addi %get3A_119, %add3A_255 : vector<16xi32>
      %gather3A_257 = tpu.vector_load_idx %arg17[%add3A_116, %add3A_256] : memref<128x128xf32, #tpu.memory_space<vmem>>[vector<16xi32>, vector<16xi32>], vector<16xf32>,
      %add3A_258 = arith.constant 13 : i32
      %add3A_259 = vector.broadcast %add3A_258 : i32 to vector<16xi32>
      %add3A_260 = arith.addi %get3A_123, %add3A_259 : vector<16xi32>
      %gather3A_261 = tpu.vector_load_idx %arg19[%add3A_116, %add3A_260] : memref<128x128xf32, #tpu.memory_space<vmem>>[vector<16xi32>, vector<16xi32>], vector<16xf32>,
      %mul3A_262 = arith.mulf %gather3A_257, %gather3A_261 : vector<16xf32>
      %add3A_263 = arith.addf %add3A_253, %mul3A_262 : vector<16xf32>
      %add3A_264 = arith.constant 14 : i32
      %add3A_265 = vector.broadcast %add3A_264 : i32 to vector<16xi32>
      %add3A_266 = arith.addi %get3A_119, %add3A_265 : vector<16xi32>
      %gather3A_267 = tpu.vector_load_idx %arg17[%add3A_116, %add3A_266] : memref<128x128xf32, #tpu.memory_space<vmem>>[vector<16xi32>, vector<16xi32>], vector<16xf32>,
      %add3A_268 = arith.constant 14 : i32
      %add3A_269 = vector.broadcast %add3A_268 : i32 to vector<16xi32>
      %add3A_270 = arith.addi %get3A_123, %add3A_269 : vector<16xi32>
      %gather3A_271 = tpu.vector_load_idx %arg19[%add3A_116, %add3A_270] : memref<128x128xf32, #tpu.memory_space<vmem>>[vector<16xi32>, vector<16xi32>], vector<16xf32>,
      %mul3A_272 = arith.mulf %gather3A_267, %gather3A_271 : vector<16xf32>
      %add3A_273 = arith.addf %add3A_263, %mul3A_272 : vector<16xf32>
      %add3A_274 = arith.constant 15 : i32
      %add3A_275 = vector.broadcast %add3A_274 : i32 to vector<16xi32>
      %add3A_276 = arith.addi %get3A_119, %add3A_275 : vector<16xi32>
      %gather3A_277 = tpu.vector_load_idx %arg17[%add3A_116, %add3A_276] : memref<128x128xf32, #tpu.memory_space<vmem>>[vector<16xi32>, vector<16xi32>], vector<16xf32>,
      %add3A_278 = arith.constant 15 : i32
      %add3A_279 = vector.broadcast %add3A_278 : i32 to vector<16xi32>
      %add3A_280 = arith.addi %get3A_123, %add3A_279 : vector<16xi32>
      %gather3A_281 = tpu.vector_load_idx %arg19[%add3A_116, %add3A_280] : memref<128x128xf32, #tpu.memory_space<vmem>>[vector<16xi32>, vector<16xi32>], vector<16xf32>,
      %mul3A_282 = arith.mulf %gather3A_277, %gather3A_281 : vector<16xf32>
      %add3A_283 = arith.addf %add3A_273, %mul3A_282 : vector<16xf32>
      %add3A_284 = arith.constant 16 : i32
      %add3A_285 = vector.broadcast %add3A_284 : i32 to vector<16xi32>
      %add3A_286 = arith.addi %get3A_119, %add3A_285 : vector<16xi32>
      %gather3A_287 = tpu.vector_load_idx %arg17[%add3A_116, %add3A_286] : memref<128x128xf32, #tpu.memory_space<vmem>>[vector<16xi32>, vector<16xi32>], vector<16xf32>,
      %add3A_288 = arith.constant 16 : i32
      %add3A_289 = vector.broadcast %add3A_288 : i32 to vector<16xi32>
      %add3A_290 = arith.addi %get3A_123, %add3A_289 : vector<16xi32>
      %gather3A_291 = tpu.vector_load_idx %arg19[%add3A_116, %add3A_290] : memref<128x128xf32, #tpu.memory_space<vmem>>[vector<16xi32>, vector<16xi32>], vector<16xf32>,
      %mul3A_292 = arith.mulf %gather3A_287, %gather3A_291 : vector<16xf32>
      %add3A_293 = arith.addf %add3A_283, %mul3A_292 : vector<16xf32>
      %add3A_294 = arith.constant 17 : i32
      %add3A_295 = vector.broadcast %add3A_294 : i32 to vector<16xi32>
      %add3A_296 = arith.addi %get3A_119, %add3A_295 : vector<16xi32>
      %gather3A_297 = tpu.vector_load_idx %arg17[%add3A_116, %add3A_296] : memref<128x128xf32, #tpu.memory_space<vmem>>[vector<16xi32>, vector<16xi32>], vector<16xf32>,
      %add3A_298 = arith.constant 17 : i32
      %add3A_299 = vector.broadcast %add3A_298 : i32 to vector<16xi32>
      %add3A_300 = arith.addi %get3A_123, %add3A_299 : vector<16xi32>
      %gather3A_301 = tpu.vector_load_idx %arg19[%add3A_116, %add3A_300] : memref<128x128xf32, #tpu.memory_space<vmem>>[vector<16xi32>, vector<16xi32>], vector<16xf32>,
      %mul3A_302 = arith.mulf %gather3A_297, %gather3A_301 : vector<16xf32>
      %add3A_303 = arith.addf %add3A_293, %mul3A_302 : vector<16xf32>
      %add3A_304 = arith.constant 18 : i32
      %add3A_305 = vector.broadcast %add3A_304 : i32 to vector<16xi32>
      %add3A_306 = arith.addi %get3A_119, %add3A_305 : vector<16xi32>
      %gather3A_307 = tpu.vector_load_idx %arg17[%add3A_116, %add3A_306] : memref<128x128xf32, #tpu.memory_space<vmem>>[vector<16xi32>, vector<16xi32>], vector<16xf32>,
      %add3A_308 = arith.constant 18 : i32
      %add3A_309 = vector.broadcast %add3A_308 : i32 to vector<16xi32>
      %add3A_310 = arith.addi %get3A_123, %add3A_309 : vector<16xi32>
      %gather3A_311 = tpu.vector_load_idx %arg19[%add3A_116, %add3A_310] : memref<128x128xf32, #tpu.memory_space<vmem>>[vector<16xi32>, vector<16xi32>], vector<16xf32>,
      %mul3A_312 = arith.mulf %gather3A_307, %gather3A_311 : vector<16xf32>
      %add3A_313 = arith.addf %add3A_303, %mul3A_312 : vector<16xf32>
      %add3A_314 = arith.constant 19 : i32
      %add3A_315 = vector.broadcast %add3A_314 : i32 to vector<16xi32>
      %add3A_316 = arith.addi %get3A_119, %add3A_315 : vector<16xi32>
      %gather3A_317 = tpu.vector_load_idx %arg17[%add3A_116, %add3A_316] : memref<128x128xf32, #tpu.memory_space<vmem>>[vector<16xi32>, vector<16xi32>], vector<16xf32>,
      %add3A_318 = arith.constant 19 : i32
      %add3A_319 = vector.broadcast %add3A_318 : i32 to vector<16xi32>
      %add3A_320 = arith.addi %get3A_123, %add3A_319 : vector<16xi32>
      %gather3A_321 = tpu.vector_load_idx %arg19[%add3A_116, %add3A_320] : memref<128x128xf32, #tpu.memory_space<vmem>>[vector<16xi32>, vector<16xi32>], vector<16xf32>,
      %mul3A_322 = arith.mulf %gather3A_317, %gather3A_321 : vector<16xf32>
      %add3A_323 = arith.addf %add3A_313, %mul3A_322 : vector<16xf32>
      %add3A_324 = arith.constant 20 : i32
      %add3A_325 = vector.broadcast %add3A_324 : i32 to vector<16xi32>
      %add3A_326 = arith.addi %get3A_119, %add3A_325 : vector<16xi32>
      %gather3A_327 = tpu.vector_load_idx %arg17[%add3A_116, %add3A_326] : memref<128x128xf32, #tpu.memory_space<vmem>>[vector<16xi32>, vector<16xi32>], vector<16xf32>,
      %add3A_328 = arith.constant 20 : i32
      %add3A_329 = vector.broadcast %add3A_328 : i32 to vector<16xi32>
      %add3A_330 = arith.addi %get3A_123, %add3A_329 : vector<16xi32>
      %gather3A_331 = tpu.vector_load_idx %arg19[%add3A_116, %add3A_330] : memref<128x128xf32, #tpu.memory_space<vmem>>[vector<16xi32>, vector<16xi32>], vector<16xf32>,
      %mul3A_332 = arith.mulf %gather3A_327, %gather3A_331 : vector<16xf32>
      %add3A_333 = arith.addf %add3A_323, %mul3A_332 : vector<16xf32>
      %add3A_334 = arith.constant 21 : i32
      %add3A_335 = vector.broadcast %add3A_334 : i32 to vector<16xi32>
      %add3A_336 = arith.addi %get3A_119, %add3A_335 : vector<16xi32>
      %gather3A_337 = tpu.vector_load_idx %arg17[%add3A_116, %add3A_336] : memref<128x128xf32, #tpu.memory_space<vmem>>[vector<16xi32>, vector<16xi32>], vector<16xf32>,
      %add3A_338 = arith.constant 21 : i32
      %add3A_339 = vector.broadcast %add3A_338 : i32 to vector<16xi32>
      %add3A_340 = arith.addi %get3A_123, %add3A_339 : vector<16xi32>
      %gather3A_341 = tpu.vector_load_idx %arg19[%add3A_116, %add3A_340] : memref<128x128xf32, #tpu.memory_space<vmem>>[vector<16xi32>, vector<16xi32>], vector<16xf32>,
      %mul3A_342 = arith.mulf %gather3A_337, %gather3A_341 : vector<16xf32>
      %add3A_343 = arith.addf %add3A_333, %mul3A_342 : vector<16xf32>
      %add3A_344 = arith.constant 22 : i32
      %add3A_345 = vector.broadcast %add3A_344 : i32 to vector<16xi32>
      %add3A_346 = arith.addi %get3A_119, %add3A_345 : vector<16xi32>
      %gather3A_347 = tpu.vector_load_idx %arg17[%add3A_116, %add3A_346] : memref<128x128xf32, #tpu.memory_space<vmem>>[vector<16xi32>, vector<16xi32>], vector<16xf32>,
      %add3A_348 = arith.constant 22 : i32
      %add3A_349 = vector.broadcast %add3A_348 : i32 to vector<16xi32>
      %add3A_350 = arith.addi %get3A_123, %add3A_349 : vector<16xi32>
      %gather3A_351 = tpu.vector_load_idx %arg19[%add3A_116, %add3A_350] : memref<128x128xf32, #tpu.memory_space<vmem>>[vector<16xi32>, vector<16xi32>], vector<16xf32>,
      %mul3A_352 = arith.mulf %gather3A_347, %gather3A_351 : vector<16xf32>
      %add3A_353 = arith.addf %add3A_343, %mul3A_352 : vector<16xf32>
      %add3A_354 = arith.constant 23 : i32
      %add3A_355 = vector.broadcast %add3A_354 : i32 to vector<16xi32>
      %add3A_356 = arith.addi %get3A_119, %add3A_355 : vector<16xi32>
      %gather3A_357 = tpu.vector_load_idx %arg17[%add3A_116, %add3A_356] : memref<128x128xf32, #tpu.memory_space<vmem>>[vector<16xi32>, vector<16xi32>], vector<16xf32>,
      %add3A_358 = arith.constant 23 : i32
      %add3A_359 = vector.broadcast %add3A_358 : i32 to vector<16xi32>
      %add3A_360 = arith.addi %get3A_123, %add3A_359 : vector<16xi32>
      %gather3A_361 = tpu.vector_load_idx %arg19[%add3A_116, %add3A_360] : memref<128x128xf32, #tpu.memory_space<vmem>>[vector<16xi32>, vector<16xi32>], vector<16xf32>,
      %mul3A_362 = arith.mulf %gather3A_357, %gather3A_361 : vector<16xf32>
      %add3A_363 = arith.addf %add3A_353, %mul3A_362 : vector<16xf32>
      %add3A_364 = arith.constant 24 : i32
      %add3A_365 = vector.broadcast %add3A_364 : i32 to vector<16xi32>
      %add3A_366 = arith.addi %get3A_119, %add3A_365 : vector<16xi32>
      %gather3A_367 = tpu.vector_load_idx %arg17[%add3A_116, %add3A_366] : memref<128x128xf32, #tpu.memory_space<vmem>>[vector<16xi32>, vector<16xi32>], vector<16xf32>,
      %add3A_368 = arith.constant 24 : i32
      %add3A_369 = vector.broadcast %add3A_368 : i32 to vector<16xi32>
      %add3A_370 = arith.addi %get3A_123, %add3A_369 : vector<16xi32>
      %gather3A_371 = tpu.vector_load_idx %arg19[%add3A_116, %add3A_370] : memref<128x128xf32, #tpu.memory_space<vmem>>[vector<16xi32>, vector<16xi32>], vector<16xf32>,
      %mul3A_372 = arith.mulf %gather3A_367, %gather3A_371 : vector<16xf32>
      %add3A_373 = arith.addf %add3A_363, %mul3A_372 : vector<16xf32>
      %add3A_374 = arith.constant 25 : i32
      %add3A_375 = vector.broadcast %add3A_374 : i32 to vector<16xi32>
      %add3A_376 = arith.addi %get3A_119, %add3A_375 : vector<16xi32>
      %gather3A_377 = tpu.vector_load_idx %arg17[%add3A_116, %add3A_376] : memref<128x128xf32, #tpu.memory_space<vmem>>[vector<16xi32>, vector<16xi32>], vector<16xf32>,
      %add3A_378 = arith.constant 25 : i32
      %add3A_379 = vector.broadcast %add3A_378 : i32 to vector<16xi32>
      %add3A_380 = arith.addi %get3A_123, %add3A_379 : vector<16xi32>
      %gather3A_381 = tpu.vector_load_idx %arg19[%add3A_116, %add3A_380] : memref<128x128xf32, #tpu.memory_space<vmem>>[vector<16xi32>, vector<16xi32>], vector<16xf32>,
      %mul3A_382 = arith.mulf %gather3A_377, %gather3A_381 : vector<16xf32>
      %add3A_383 = arith.addf %add3A_373, %mul3A_382 : vector<16xf32>
      %add3A_384 = arith.constant 26 : i32
      %add3A_385 = vector.broadcast %add3A_384 : i32 to vector<16xi32>
      %add3A_386 = arith.addi %get3A_119, %add3A_385 : vector<16xi32>
      %gather3A_387 = tpu.vector_load_idx %arg17[%add3A_116, %add3A_386] : memref<128x128xf32, #tpu.memory_space<vmem>>[vector<16xi32>, vector<16xi32>], vector<16xf32>,
      %add3A_388 = arith.constant 26 : i32
      %add3A_389 = vector.broadcast %add3A_388 : i32 to vector<16xi32>
      %add3A_390 = arith.addi %get3A_123, %add3A_389 : vector<16xi32>
      %gather3A_391 = tpu.vector_load_idx %arg19[%add3A_116, %add3A_390] : memref<128x128xf32, #tpu.memory_space<vmem>>[vector<16xi32>, vector<16xi32>], vector<16xf32>,
      %mul3A_392 = arith.mulf %gather3A_387, %gather3A_391 : vector<16xf32>
      %add3A_393 = arith.addf %add3A_383, %mul3A_392 : vector<16xf32>
      %add3A_394 = arith.constant 27 : i32
      %add3A_395 = vector.broadcast %add3A_394 : i32 to vector<16xi32>
      %add3A_396 = arith.addi %get3A_119, %add3A_395 : vector<16xi32>
      %gather3A_397 = tpu.vector_load_idx %arg17[%add3A_116, %add3A_396] : memref<128x128xf32, #tpu.memory_space<vmem>>[vector<16xi32>, vector<16xi32>], vector<16xf32>,
      %add3A_398 = arith.constant 27 : i32
      %add3A_399 = vector.broadcast %add3A_398 : i32 to vector<16xi32>
      %add3A_400 = arith.addi %get3A_123, %add3A_399 : vector<16xi32>
      %gather3A_401 = tpu.vector_load_idx %arg19[%add3A_116, %add3A_400] : memref<128x128xf32, #tpu.memory_space<vmem>>[vector<16xi32>, vector<16xi32>], vector<16xf32>,
      %mul3A_402 = arith.mulf %gather3A_397, %gather3A_401 : vector<16xf32>
      %add3A_403 = arith.addf %add3A_393, %mul3A_402 : vector<16xf32>
      %add3A_404 = arith.constant 28 : i32
      %add3A_405 = vector.broadcast %add3A_404 : i32 to vector<16xi32>
      %add3A_406 = arith.addi %get3A_119, %add3A_405 : vector<16xi32>
      %gather3A_407 = tpu.vector_load_idx %arg17[%add3A_116, %add3A_406] : memref<128x128xf32, #tpu.memory_space<vmem>>[vector<16xi32>, vector<16xi32>], vector<16xf32>,
      %add3A_408 = arith.constant 28 : i32
      %add3A_409 = vector.broadcast %add3A_408 : i32 to vector<16xi32>
      %add3A_410 = arith.addi %get3A_123, %add3A_409 : vector<16xi32>
      %gather3A_411 = tpu.vector_load_idx %arg19[%add3A_116, %add3A_410] : memref<128x128xf32, #tpu.memory_space<vmem>>[vector<16xi32>, vector<16xi32>], vector<16xf32>,
      %mul3A_412 = arith.mulf %gather3A_407, %gather3A_411 : vector<16xf32>
      %add3A_413 = arith.addf %add3A_403, %mul3A_412 : vector<16xf32>
      %add3A_414 = arith.constant 29 : i32
      %add3A_415 = vector.broadcast %add3A_414 : i32 to vector<16xi32>
      %add3A_416 = arith.addi %get3A_119, %add3A_415 : vector<16xi32>
      %gather3A_417 = tpu.vector_load_idx %arg17[%add3A_116, %add3A_416] : memref<128x128xf32, #tpu.memory_space<vmem>>[vector<16xi32>, vector<16xi32>], vector<16xf32>,
      %add3A_418 = arith.constant 29 : i32
      %add3A_419 = vector.broadcast %add3A_418 : i32 to vector<16xi32>
      %add3A_420 = arith.addi %get3A_123, %add3A_419 : vector<16xi32>
      %gather3A_421 = tpu.vector_load_idx %arg19[%add3A_116, %add3A_420] : memref<128x128xf32, #tpu.memory_space<vmem>>[vector<16xi32>, vector<16xi32>], vector<16xf32>,
      %mul3A_422 = arith.mulf %gather3A_417, %gather3A_421 : vector<16xf32>
      %add3A_423 = arith.addf %add3A_413, %mul3A_422 : vector<16xf32>
      %add3A_424 = arith.constant 30 : i32
      %add3A_425 = vector.broadcast %add3A_424 : i32 to vector<16xi32>
      %add3A_426 = arith.addi %get3A_119, %add3A_425 : vector<16xi32>
      %gather3A_427 = tpu.vector_load_idx %arg17[%add3A_116, %add3A_426] : memref<128x128xf32, #tpu.memory_space<vmem>>[vector<16xi32>, vector<16xi32>], vector<16xf32>,
      %add3A_428 = arith.constant 30 : i32
      %add3A_429 = vector.broadcast %add3A_428 : i32 to vector<16xi32>
      %add3A_430 = arith.addi %get3A_123, %add3A_429 : vector<16xi32>
      %gather3A_431 = tpu.vector_load_idx %arg19[%add3A_116, %add3A_430] : memref<128x128xf32, #tpu.memory_space<vmem>>[vector<16xi32>, vector<16xi32>], vector<16xf32>,
      %mul3A_432 = arith.mulf %gather3A_427, %gather3A_431 : vector<16xf32>
      %add3A_433 = arith.addf %add3A_423, %mul3A_432 : vector<16xf32>
      %add3A_434 = arith.constant 31 : i32
      %add3A_435 = vector.broadcast %add3A_434 : i32 to vector<16xi32>
      %add3A_436 = arith.addi %get3A_119, %add3A_435 : vector<16xi32>
      %gather3A_437 = tpu.vector_load_idx %arg17[%add3A_116, %add3A_436] : memref<128x128xf32, #tpu.memory_space<vmem>>[vector<16xi32>, vector<16xi32>], vector<16xf32>,
      %add3A_438 = arith.constant 31 : i32
      %add3A_439 = vector.broadcast %add3A_438 : i32 to vector<16xi32>
      %add3A_440 = arith.addi %get3A_123, %add3A_439 : vector<16xi32>
      %gather3A_441 = tpu.vector_load_idx %arg19[%add3A_116, %add3A_440] : memref<128x128xf32, #tpu.memory_space<vmem>>[vector<16xi32>, vector<16xi32>], vector<16xf32>,
      %mul3A_442 = arith.mulf %gather3A_437, %gather3A_441 : vector<16xf32>
      %add3A_443 = arith.addf %add3A_433, %mul3A_442 : vector<16xf32>
      %mul3A_444 = arith.constant 16 : i32
      %mul3A_445 = arith.muli %scan3A_110, %mul3A_444 : i32
      %add3A_446 = arith.constant 256 : i32
      %add3A_447 = arith.addi %add3A_446, %mul3A_445 : i32
      %swap3A = arith.index_cast %add3A_447 : i32 to index
      %swap3A_448 = tpu.vector_load %arg23[%swap3A] {strides = array<i32>} : memref<512xf32, #tpu.memory_space<vmem>>, vector<16xf32>,
      tpu.vector_store %arg23[%swap3A], %add3A_443 {strides = array<i32>} : memref<512xf32, #tpu.memory_space<vmem>>, vector<16xf32>,
    }
    %scan3A_87 = arith.constant 8 : i32
    %dma_wait3A_88 = arith.constant 0 : i32
    %dma_wait3A_89 = arith.constant 0 : i32
    %dma_wait3A_90 = tpu.memref_slice %arg4[%dma_wait3A_88, %dma_wait3A_89] : memref<250000x128xf32, #tpu.memory_space<hbm>> -> memref<250000x128xf32, #tpu.memory_space<hbm>>
    tpu.wait_indirect_dma semaphore(%arg25 : memref<!tpu.dma_semaphore, #tpu.memory_space<semaphore_mem>>) src(%dma_wait3A_90 : memref<250000x128xf32, #tpu.memory_space<hbm>>) dst(%arg18 : memref<128x128xf32, #tpu.memory_space<vmem>>)
    %dma_wait3A_91 = arith.constant 0 : i32
    %dma_wait3A_92 = arith.constant 0 : i32
    %dma_wait3A_93 = tpu.memref_slice %arg5[%dma_wait3A_91, %dma_wait3A_92] : memref<250000x128xf32, #tpu.memory_space<hbm>> -> memref<250000x128xf32, #tpu.memory_space<hbm>>
    tpu.wait_indirect_dma semaphore(%arg25 : memref<!tpu.dma_semaphore, #tpu.memory_space<semaphore_mem>>) src(%dma_wait3A_93 : memref<250000x128xf32, #tpu.memory_space<hbm>>) dst(%arg20 : memref<128x128xf32, #tpu.memory_space<vmem>>)
    %scan3A_94 = arith.constant 0 : i32
    %scan3A_95 = arith.constant 0 : i32
    %scan3A_96 = arith.constant 8 : i32
    %scan3A_97 = arith.addi %scan3A_95, %scan3A_96 : i32
    %scan3A_98 = arith.constant 1 : i32
    scf.for %scan3A_110 = %scan3A_95 to %scan3A_97 step %scan3A_98  : i32 {
      %mul3A_111 = arith.constant 16 : i32
      %mul3A_112 = arith.muli %scan3A_110, %mul3A_111 : i32
      %mul3A_113 = arith.constant 16 : i32
      %mul3A_114 = arith.muli %scan3A_110, %mul3A_113 : i32
      %iota3A = tpu.iota {dimensions = array<i32: 0>} : vector<16xi32>
      %add3A_115 = vector.broadcast %mul3A_114 : i32 to vector<16xi32>
      %add3A_116 = arith.addi %add3A_115, %iota3A : vector<16xi32>
      %get3A = arith.constant 1 : i32
      %get3A_117 = arith.index_cast %get3A : i32 to index
      %get3A_118 = arith.index_cast %mul3A_112 : i32 to index
      %get3A_119 = tpu.vector_load %arg15[%get3A_117, %get3A_118] {strides = array<i32>} : memref<2x128xi32, #tpu.memory_space<vmem>>, vector<16xi32>,
      %get3A_120 = arith.constant 1 : i32
      %get3A_121 = arith.index_cast %get3A_120 : i32 to index
      %get3A_122 = arith.index_cast %mul3A_112 : i32 to index
      %get3A_123 = tpu.vector_load %arg16[%get3A_121, %get3A_122] {strides = array<i32>} : memref<2x128xi32, #tpu.memory_space<vmem>>, vector<16xi32>,
      %broadcast_in_dim3A = arith.constant 0.000000e+00 : f32
      %broadcast_in_dim3A_124 = vector.broadcast %broadcast_in_dim3A : f32 to vector<16xf32>
      %add3A_125 = arith.constant 0 : i32
      %add3A_126 = vector.broadcast %add3A_125 : i32 to vector<16xi32>
      %add3A_127 = arith.addi %get3A_119, %add3A_126 : vector<16xi32>
      %gather3A = tpu.vector_load_idx %arg18[%add3A_116, %add3A_127] : memref<128x128xf32, #tpu.memory_space<vmem>>[vector<16xi32>, vector<16xi32>], vector<16xf32>,
      %add3A_128 = arith.constant 0 : i32
      %add3A_129 = vector.broadcast %add3A_128 : i32 to vector<16xi32>
      %add3A_130 = arith.addi %get3A_123, %add3A_129 : vector<16xi32>
      %gather3A_131 = tpu.vector_load_idx %arg20[%add3A_116, %add3A_130] : memref<128x128xf32, #tpu.memory_space<vmem>>[vector<16xi32>, vector<16xi32>], vector<16xf32>,
      %mul3A_132 = arith.mulf %gather3A, %gather3A_131 : vector<16xf32>
      %add3A_133 = arith.addf %broadcast_in_dim3A_124, %mul3A_132 : vector<16xf32>
      %add3A_134 = arith.constant 1 : i32
      %add3A_135 = vector.broadcast %add3A_134 : i32 to vector<16xi32>
      %add3A_136 = arith.addi %get3A_119, %add3A_135 : vector<16xi32>
      %gather3A_137 = tpu.vector_load_idx %arg18[%add3A_116, %add3A_136] : memref<128x128xf32, #tpu.memory_space<vmem>>[vector<16xi32>, vector<16xi32>], vector<16xf32>,
      %add3A_138 = arith.constant 1 : i32
      %add3A_139 = vector.broadcast %add3A_138 : i32 to vector<16xi32>
      %add3A_140 = arith.addi %get3A_123, %add3A_139 : vector<16xi32>
      %gather3A_141 = tpu.vector_load_idx %arg20[%add3A_116, %add3A_140] : memref<128x128xf32, #tpu.memory_space<vmem>>[vector<16xi32>, vector<16xi32>], vector<16xf32>,
      %mul3A_142 = arith.mulf %gather3A_137, %gather3A_141 : vector<16xf32>
      %add3A_143 = arith.addf %add3A_133, %mul3A_142 : vector<16xf32>
      %add3A_144 = arith.constant 2 : i32
      %add3A_145 = vector.broadcast %add3A_144 : i32 to vector<16xi32>
      %add3A_146 = arith.addi %get3A_119, %add3A_145 : vector<16xi32>
      %gather3A_147 = tpu.vector_load_idx %arg18[%add3A_116, %add3A_146] : memref<128x128xf32, #tpu.memory_space<vmem>>[vector<16xi32>, vector<16xi32>], vector<16xf32>,
      %add3A_148 = arith.constant 2 : i32
      %add3A_149 = vector.broadcast %add3A_148 : i32 to vector<16xi32>
      %add3A_150 = arith.addi %get3A_123, %add3A_149 : vector<16xi32>
      %gather3A_151 = tpu.vector_load_idx %arg20[%add3A_116, %add3A_150] : memref<128x128xf32, #tpu.memory_space<vmem>>[vector<16xi32>, vector<16xi32>], vector<16xf32>,
      %mul3A_152 = arith.mulf %gather3A_147, %gather3A_151 : vector<16xf32>
      %add3A_153 = arith.addf %add3A_143, %mul3A_152 : vector<16xf32>
      %add3A_154 = arith.constant 3 : i32
      %add3A_155 = vector.broadcast %add3A_154 : i32 to vector<16xi32>
      %add3A_156 = arith.addi %get3A_119, %add3A_155 : vector<16xi32>
      %gather3A_157 = tpu.vector_load_idx %arg18[%add3A_116, %add3A_156] : memref<128x128xf32, #tpu.memory_space<vmem>>[vector<16xi32>, vector<16xi32>], vector<16xf32>,
      %add3A_158 = arith.constant 3 : i32
      %add3A_159 = vector.broadcast %add3A_158 : i32 to vector<16xi32>
      %add3A_160 = arith.addi %get3A_123, %add3A_159 : vector<16xi32>
      %gather3A_161 = tpu.vector_load_idx %arg20[%add3A_116, %add3A_160] : memref<128x128xf32, #tpu.memory_space<vmem>>[vector<16xi32>, vector<16xi32>], vector<16xf32>,
      %mul3A_162 = arith.mulf %gather3A_157, %gather3A_161 : vector<16xf32>
      %add3A_163 = arith.addf %add3A_153, %mul3A_162 : vector<16xf32>
      %add3A_164 = arith.constant 4 : i32
      %add3A_165 = vector.broadcast %add3A_164 : i32 to vector<16xi32>
      %add3A_166 = arith.addi %get3A_119, %add3A_165 : vector<16xi32>
      %gather3A_167 = tpu.vector_load_idx %arg18[%add3A_116, %add3A_166] : memref<128x128xf32, #tpu.memory_space<vmem>>[vector<16xi32>, vector<16xi32>], vector<16xf32>,
      %add3A_168 = arith.constant 4 : i32
      %add3A_169 = vector.broadcast %add3A_168 : i32 to vector<16xi32>
      %add3A_170 = arith.addi %get3A_123, %add3A_169 : vector<16xi32>
      %gather3A_171 = tpu.vector_load_idx %arg20[%add3A_116, %add3A_170] : memref<128x128xf32, #tpu.memory_space<vmem>>[vector<16xi32>, vector<16xi32>], vector<16xf32>,
      %mul3A_172 = arith.mulf %gather3A_167, %gather3A_171 : vector<16xf32>
      %add3A_173 = arith.addf %add3A_163, %mul3A_172 : vector<16xf32>
      %add3A_174 = arith.constant 5 : i32
      %add3A_175 = vector.broadcast %add3A_174 : i32 to vector<16xi32>
      %add3A_176 = arith.addi %get3A_119, %add3A_175 : vector<16xi32>
      %gather3A_177 = tpu.vector_load_idx %arg18[%add3A_116, %add3A_176] : memref<128x128xf32, #tpu.memory_space<vmem>>[vector<16xi32>, vector<16xi32>], vector<16xf32>,
      %add3A_178 = arith.constant 5 : i32
      %add3A_179 = vector.broadcast %add3A_178 : i32 to vector<16xi32>
      %add3A_180 = arith.addi %get3A_123, %add3A_179 : vector<16xi32>
      %gather3A_181 = tpu.vector_load_idx %arg20[%add3A_116, %add3A_180] : memref<128x128xf32, #tpu.memory_space<vmem>>[vector<16xi32>, vector<16xi32>], vector<16xf32>,
      %mul3A_182 = arith.mulf %gather3A_177, %gather3A_181 : vector<16xf32>
      %add3A_183 = arith.addf %add3A_173, %mul3A_182 : vector<16xf32>
      %add3A_184 = arith.constant 6 : i32
      %add3A_185 = vector.broadcast %add3A_184 : i32 to vector<16xi32>
      %add3A_186 = arith.addi %get3A_119, %add3A_185 : vector<16xi32>
      %gather3A_187 = tpu.vector_load_idx %arg18[%add3A_116, %add3A_186] : memref<128x128xf32, #tpu.memory_space<vmem>>[vector<16xi32>, vector<16xi32>], vector<16xf32>,
      %add3A_188 = arith.constant 6 : i32
      %add3A_189 = vector.broadcast %add3A_188 : i32 to vector<16xi32>
      %add3A_190 = arith.addi %get3A_123, %add3A_189 : vector<16xi32>
      %gather3A_191 = tpu.vector_load_idx %arg20[%add3A_116, %add3A_190] : memref<128x128xf32, #tpu.memory_space<vmem>>[vector<16xi32>, vector<16xi32>], vector<16xf32>,
      %mul3A_192 = arith.mulf %gather3A_187, %gather3A_191 : vector<16xf32>
      %add3A_193 = arith.addf %add3A_183, %mul3A_192 : vector<16xf32>
      %add3A_194 = arith.constant 7 : i32
      %add3A_195 = vector.broadcast %add3A_194 : i32 to vector<16xi32>
      %add3A_196 = arith.addi %get3A_119, %add3A_195 : vector<16xi32>
      %gather3A_197 = tpu.vector_load_idx %arg18[%add3A_116, %add3A_196] : memref<128x128xf32, #tpu.memory_space<vmem>>[vector<16xi32>, vector<16xi32>], vector<16xf32>,
      %add3A_198 = arith.constant 7 : i32
      %add3A_199 = vector.broadcast %add3A_198 : i32 to vector<16xi32>
      %add3A_200 = arith.addi %get3A_123, %add3A_199 : vector<16xi32>
      %gather3A_201 = tpu.vector_load_idx %arg20[%add3A_116, %add3A_200] : memref<128x128xf32, #tpu.memory_space<vmem>>[vector<16xi32>, vector<16xi32>], vector<16xf32>,
      %mul3A_202 = arith.mulf %gather3A_197, %gather3A_201 : vector<16xf32>
      %add3A_203 = arith.addf %add3A_193, %mul3A_202 : vector<16xf32>
      %add3A_204 = arith.constant 8 : i32
      %add3A_205 = vector.broadcast %add3A_204 : i32 to vector<16xi32>
      %add3A_206 = arith.addi %get3A_119, %add3A_205 : vector<16xi32>
      %gather3A_207 = tpu.vector_load_idx %arg18[%add3A_116, %add3A_206] : memref<128x128xf32, #tpu.memory_space<vmem>>[vector<16xi32>, vector<16xi32>], vector<16xf32>,
      %add3A_208 = arith.constant 8 : i32
      %add3A_209 = vector.broadcast %add3A_208 : i32 to vector<16xi32>
      %add3A_210 = arith.addi %get3A_123, %add3A_209 : vector<16xi32>
      %gather3A_211 = tpu.vector_load_idx %arg20[%add3A_116, %add3A_210] : memref<128x128xf32, #tpu.memory_space<vmem>>[vector<16xi32>, vector<16xi32>], vector<16xf32>,
      %mul3A_212 = arith.mulf %gather3A_207, %gather3A_211 : vector<16xf32>
      %add3A_213 = arith.addf %add3A_203, %mul3A_212 : vector<16xf32>
      %add3A_214 = arith.constant 9 : i32
      %add3A_215 = vector.broadcast %add3A_214 : i32 to vector<16xi32>
      %add3A_216 = arith.addi %get3A_119, %add3A_215 : vector<16xi32>
      %gather3A_217 = tpu.vector_load_idx %arg18[%add3A_116, %add3A_216] : memref<128x128xf32, #tpu.memory_space<vmem>>[vector<16xi32>, vector<16xi32>], vector<16xf32>,
      %add3A_218 = arith.constant 9 : i32
      %add3A_219 = vector.broadcast %add3A_218 : i32 to vector<16xi32>
      %add3A_220 = arith.addi %get3A_123, %add3A_219 : vector<16xi32>
      %gather3A_221 = tpu.vector_load_idx %arg20[%add3A_116, %add3A_220] : memref<128x128xf32, #tpu.memory_space<vmem>>[vector<16xi32>, vector<16xi32>], vector<16xf32>,
      %mul3A_222 = arith.mulf %gather3A_217, %gather3A_221 : vector<16xf32>
      %add3A_223 = arith.addf %add3A_213, %mul3A_222 : vector<16xf32>
      %add3A_224 = arith.constant 10 : i32
      %add3A_225 = vector.broadcast %add3A_224 : i32 to vector<16xi32>
      %add3A_226 = arith.addi %get3A_119, %add3A_225 : vector<16xi32>
      %gather3A_227 = tpu.vector_load_idx %arg18[%add3A_116, %add3A_226] : memref<128x128xf32, #tpu.memory_space<vmem>>[vector<16xi32>, vector<16xi32>], vector<16xf32>,
      %add3A_228 = arith.constant 10 : i32
      %add3A_229 = vector.broadcast %add3A_228 : i32 to vector<16xi32>
      %add3A_230 = arith.addi %get3A_123, %add3A_229 : vector<16xi32>
      %gather3A_231 = tpu.vector_load_idx %arg20[%add3A_116, %add3A_230] : memref<128x128xf32, #tpu.memory_space<vmem>>[vector<16xi32>, vector<16xi32>], vector<16xf32>,
      %mul3A_232 = arith.mulf %gather3A_227, %gather3A_231 : vector<16xf32>
      %add3A_233 = arith.addf %add3A_223, %mul3A_232 : vector<16xf32>
      %add3A_234 = arith.constant 11 : i32
      %add3A_235 = vector.broadcast %add3A_234 : i32 to vector<16xi32>
      %add3A_236 = arith.addi %get3A_119, %add3A_235 : vector<16xi32>
      %gather3A_237 = tpu.vector_load_idx %arg18[%add3A_116, %add3A_236] : memref<128x128xf32, #tpu.memory_space<vmem>>[vector<16xi32>, vector<16xi32>], vector<16xf32>,
      %add3A_238 = arith.constant 11 : i32
      %add3A_239 = vector.broadcast %add3A_238 : i32 to vector<16xi32>
      %add3A_240 = arith.addi %get3A_123, %add3A_239 : vector<16xi32>
      %gather3A_241 = tpu.vector_load_idx %arg20[%add3A_116, %add3A_240] : memref<128x128xf32, #tpu.memory_space<vmem>>[vector<16xi32>, vector<16xi32>], vector<16xf32>,
      %mul3A_242 = arith.mulf %gather3A_237, %gather3A_241 : vector<16xf32>
      %add3A_243 = arith.addf %add3A_233, %mul3A_242 : vector<16xf32>
      %add3A_244 = arith.constant 12 : i32
      %add3A_245 = vector.broadcast %add3A_244 : i32 to vector<16xi32>
      %add3A_246 = arith.addi %get3A_119, %add3A_245 : vector<16xi32>
      %gather3A_247 = tpu.vector_load_idx %arg18[%add3A_116, %add3A_246] : memref<128x128xf32, #tpu.memory_space<vmem>>[vector<16xi32>, vector<16xi32>], vector<16xf32>,
      %add3A_248 = arith.constant 12 : i32
      %add3A_249 = vector.broadcast %add3A_248 : i32 to vector<16xi32>
      %add3A_250 = arith.addi %get3A_123, %add3A_249 : vector<16xi32>
      %gather3A_251 = tpu.vector_load_idx %arg20[%add3A_116, %add3A_250] : memref<128x128xf32, #tpu.memory_space<vmem>>[vector<16xi32>, vector<16xi32>], vector<16xf32>,
      %mul3A_252 = arith.mulf %gather3A_247, %gather3A_251 : vector<16xf32>
      %add3A_253 = arith.addf %add3A_243, %mul3A_252 : vector<16xf32>
      %add3A_254 = arith.constant 13 : i32
      %add3A_255 = vector.broadcast %add3A_254 : i32 to vector<16xi32>
      %add3A_256 = arith.addi %get3A_119, %add3A_255 : vector<16xi32>
      %gather3A_257 = tpu.vector_load_idx %arg18[%add3A_116, %add3A_256] : memref<128x128xf32, #tpu.memory_space<vmem>>[vector<16xi32>, vector<16xi32>], vector<16xf32>,
      %add3A_258 = arith.constant 13 : i32
      %add3A_259 = vector.broadcast %add3A_258 : i32 to vector<16xi32>
      %add3A_260 = arith.addi %get3A_123, %add3A_259 : vector<16xi32>
      %gather3A_261 = tpu.vector_load_idx %arg20[%add3A_116, %add3A_260] : memref<128x128xf32, #tpu.memory_space<vmem>>[vector<16xi32>, vector<16xi32>], vector<16xf32>,
      %mul3A_262 = arith.mulf %gather3A_257, %gather3A_261 : vector<16xf32>
      %add3A_263 = arith.addf %add3A_253, %mul3A_262 : vector<16xf32>
      %add3A_264 = arith.constant 14 : i32
      %add3A_265 = vector.broadcast %add3A_264 : i32 to vector<16xi32>
      %add3A_266 = arith.addi %get3A_119, %add3A_265 : vector<16xi32>
      %gather3A_267 = tpu.vector_load_idx %arg18[%add3A_116, %add3A_266] : memref<128x128xf32, #tpu.memory_space<vmem>>[vector<16xi32>, vector<16xi32>], vector<16xf32>,
      %add3A_268 = arith.constant 14 : i32
      %add3A_269 = vector.broadcast %add3A_268 : i32 to vector<16xi32>
      %add3A_270 = arith.addi %get3A_123, %add3A_269 : vector<16xi32>
      %gather3A_271 = tpu.vector_load_idx %arg20[%add3A_116, %add3A_270] : memref<128x128xf32, #tpu.memory_space<vmem>>[vector<16xi32>, vector<16xi32>], vector<16xf32>,
      %mul3A_272 = arith.mulf %gather3A_267, %gather3A_271 : vector<16xf32>
      %add3A_273 = arith.addf %add3A_263, %mul3A_272 : vector<16xf32>
      %add3A_274 = arith.constant 15 : i32
      %add3A_275 = vector.broadcast %add3A_274 : i32 to vector<16xi32>
      %add3A_276 = arith.addi %get3A_119, %add3A_275 : vector<16xi32>
      %gather3A_277 = tpu.vector_load_idx %arg18[%add3A_116, %add3A_276] : memref<128x128xf32, #tpu.memory_space<vmem>>[vector<16xi32>, vector<16xi32>], vector<16xf32>,
      %add3A_278 = arith.constant 15 : i32
      %add3A_279 = vector.broadcast %add3A_278 : i32 to vector<16xi32>
      %add3A_280 = arith.addi %get3A_123, %add3A_279 : vector<16xi32>
      %gather3A_281 = tpu.vector_load_idx %arg20[%add3A_116, %add3A_280] : memref<128x128xf32, #tpu.memory_space<vmem>>[vector<16xi32>, vector<16xi32>], vector<16xf32>,
      %mul3A_282 = arith.mulf %gather3A_277, %gather3A_281 : vector<16xf32>
      %add3A_283 = arith.addf %add3A_273, %mul3A_282 : vector<16xf32>
      %add3A_284 = arith.constant 16 : i32
      %add3A_285 = vector.broadcast %add3A_284 : i32 to vector<16xi32>
      %add3A_286 = arith.addi %get3A_119, %add3A_285 : vector<16xi32>
      %gather3A_287 = tpu.vector_load_idx %arg18[%add3A_116, %add3A_286] : memref<128x128xf32, #tpu.memory_space<vmem>>[vector<16xi32>, vector<16xi32>], vector<16xf32>,
      %add3A_288 = arith.constant 16 : i32
      %add3A_289 = vector.broadcast %add3A_288 : i32 to vector<16xi32>
      %add3A_290 = arith.addi %get3A_123, %add3A_289 : vector<16xi32>
      %gather3A_291 = tpu.vector_load_idx %arg20[%add3A_116, %add3A_290] : memref<128x128xf32, #tpu.memory_space<vmem>>[vector<16xi32>, vector<16xi32>], vector<16xf32>,
      %mul3A_292 = arith.mulf %gather3A_287, %gather3A_291 : vector<16xf32>
      %add3A_293 = arith.addf %add3A_283, %mul3A_292 : vector<16xf32>
      %add3A_294 = arith.constant 17 : i32
      %add3A_295 = vector.broadcast %add3A_294 : i32 to vector<16xi32>
      %add3A_296 = arith.addi %get3A_119, %add3A_295 : vector<16xi32>
      %gather3A_297 = tpu.vector_load_idx %arg18[%add3A_116, %add3A_296] : memref<128x128xf32, #tpu.memory_space<vmem>>[vector<16xi32>, vector<16xi32>], vector<16xf32>,
      %add3A_298 = arith.constant 17 : i32
      %add3A_299 = vector.broadcast %add3A_298 : i32 to vector<16xi32>
      %add3A_300 = arith.addi %get3A_123, %add3A_299 : vector<16xi32>
      %gather3A_301 = tpu.vector_load_idx %arg20[%add3A_116, %add3A_300] : memref<128x128xf32, #tpu.memory_space<vmem>>[vector<16xi32>, vector<16xi32>], vector<16xf32>,
      %mul3A_302 = arith.mulf %gather3A_297, %gather3A_301 : vector<16xf32>
      %add3A_303 = arith.addf %add3A_293, %mul3A_302 : vector<16xf32>
      %add3A_304 = arith.constant 18 : i32
      %add3A_305 = vector.broadcast %add3A_304 : i32 to vector<16xi32>
      %add3A_306 = arith.addi %get3A_119, %add3A_305 : vector<16xi32>
      %gather3A_307 = tpu.vector_load_idx %arg18[%add3A_116, %add3A_306] : memref<128x128xf32, #tpu.memory_space<vmem>>[vector<16xi32>, vector<16xi32>], vector<16xf32>,
      %add3A_308 = arith.constant 18 : i32
      %add3A_309 = vector.broadcast %add3A_308 : i32 to vector<16xi32>
      %add3A_310 = arith.addi %get3A_123, %add3A_309 : vector<16xi32>
      %gather3A_311 = tpu.vector_load_idx %arg20[%add3A_116, %add3A_310] : memref<128x128xf32, #tpu.memory_space<vmem>>[vector<16xi32>, vector<16xi32>], vector<16xf32>,
      %mul3A_312 = arith.mulf %gather3A_307, %gather3A_311 : vector<16xf32>
      %add3A_313 = arith.addf %add3A_303, %mul3A_312 : vector<16xf32>
      %add3A_314 = arith.constant 19 : i32
      %add3A_315 = vector.broadcast %add3A_314 : i32 to vector<16xi32>
      %add3A_316 = arith.addi %get3A_119, %add3A_315 : vector<16xi32>
      %gather3A_317 = tpu.vector_load_idx %arg18[%add3A_116, %add3A_316] : memref<128x128xf32, #tpu.memory_space<vmem>>[vector<16xi32>, vector<16xi32>], vector<16xf32>,
      %add3A_318 = arith.constant 19 : i32
      %add3A_319 = vector.broadcast %add3A_318 : i32 to vector<16xi32>
      %add3A_320 = arith.addi %get3A_123, %add3A_319 : vector<16xi32>
      %gather3A_321 = tpu.vector_load_idx %arg20[%add3A_116, %add3A_320] : memref<128x128xf32, #tpu.memory_space<vmem>>[vector<16xi32>, vector<16xi32>], vector<16xf32>,
      %mul3A_322 = arith.mulf %gather3A_317, %gather3A_321 : vector<16xf32>
      %add3A_323 = arith.addf %add3A_313, %mul3A_322 : vector<16xf32>
      %add3A_324 = arith.constant 20 : i32
      %add3A_325 = vector.broadcast %add3A_324 : i32 to vector<16xi32>
      %add3A_326 = arith.addi %get3A_119, %add3A_325 : vector<16xi32>
      %gather3A_327 = tpu.vector_load_idx %arg18[%add3A_116, %add3A_326] : memref<128x128xf32, #tpu.memory_space<vmem>>[vector<16xi32>, vector<16xi32>], vector<16xf32>,
      %add3A_328 = arith.constant 20 : i32
      %add3A_329 = vector.broadcast %add3A_328 : i32 to vector<16xi32>
      %add3A_330 = arith.addi %get3A_123, %add3A_329 : vector<16xi32>
      %gather3A_331 = tpu.vector_load_idx %arg20[%add3A_116, %add3A_330] : memref<128x128xf32, #tpu.memory_space<vmem>>[vector<16xi32>, vector<16xi32>], vector<16xf32>,
      %mul3A_332 = arith.mulf %gather3A_327, %gather3A_331 : vector<16xf32>
      %add3A_333 = arith.addf %add3A_323, %mul3A_332 : vector<16xf32>
      %add3A_334 = arith.constant 21 : i32
      %add3A_335 = vector.broadcast %add3A_334 : i32 to vector<16xi32>
      %add3A_336 = arith.addi %get3A_119, %add3A_335 : vector<16xi32>
      %gather3A_337 = tpu.vector_load_idx %arg18[%add3A_116, %add3A_336] : memref<128x128xf32, #tpu.memory_space<vmem>>[vector<16xi32>, vector<16xi32>], vector<16xf32>,
      %add3A_338 = arith.constant 21 : i32
      %add3A_339 = vector.broadcast %add3A_338 : i32 to vector<16xi32>
      %add3A_340 = arith.addi %get3A_123, %add3A_339 : vector<16xi32>
      %gather3A_341 = tpu.vector_load_idx %arg20[%add3A_116, %add3A_340] : memref<128x128xf32, #tpu.memory_space<vmem>>[vector<16xi32>, vector<16xi32>], vector<16xf32>,
      %mul3A_342 = arith.mulf %gather3A_337, %gather3A_341 : vector<16xf32>
      %add3A_343 = arith.addf %add3A_333, %mul3A_342 : vector<16xf32>
      %add3A_344 = arith.constant 22 : i32
      %add3A_345 = vector.broadcast %add3A_344 : i32 to vector<16xi32>
      %add3A_346 = arith.addi %get3A_119, %add3A_345 : vector<16xi32>
      %gather3A_347 = tpu.vector_load_idx %arg18[%add3A_116, %add3A_346] : memref<128x128xf32, #tpu.memory_space<vmem>>[vector<16xi32>, vector<16xi32>], vector<16xf32>,
      %add3A_348 = arith.constant 22 : i32
      %add3A_349 = vector.broadcast %add3A_348 : i32 to vector<16xi32>
      %add3A_350 = arith.addi %get3A_123, %add3A_349 : vector<16xi32>
      %gather3A_351 = tpu.vector_load_idx %arg20[%add3A_116, %add3A_350] : memref<128x128xf32, #tpu.memory_space<vmem>>[vector<16xi32>, vector<16xi32>], vector<16xf32>,
      %mul3A_352 = arith.mulf %gather3A_347, %gather3A_351 : vector<16xf32>
      %add3A_353 = arith.addf %add3A_343, %mul3A_352 : vector<16xf32>
      %add3A_354 = arith.constant 23 : i32
      %add3A_355 = vector.broadcast %add3A_354 : i32 to vector<16xi32>
      %add3A_356 = arith.addi %get3A_119, %add3A_355 : vector<16xi32>
      %gather3A_357 = tpu.vector_load_idx %arg18[%add3A_116, %add3A_356] : memref<128x128xf32, #tpu.memory_space<vmem>>[vector<16xi32>, vector<16xi32>], vector<16xf32>,
      %add3A_358 = arith.constant 23 : i32
      %add3A_359 = vector.broadcast %add3A_358 : i32 to vector<16xi32>
      %add3A_360 = arith.addi %get3A_123, %add3A_359 : vector<16xi32>
      %gather3A_361 = tpu.vector_load_idx %arg20[%add3A_116, %add3A_360] : memref<128x128xf32, #tpu.memory_space<vmem>>[vector<16xi32>, vector<16xi32>], vector<16xf32>,
      %mul3A_362 = arith.mulf %gather3A_357, %gather3A_361 : vector<16xf32>
      %add3A_363 = arith.addf %add3A_353, %mul3A_362 : vector<16xf32>
      %add3A_364 = arith.constant 24 : i32
      %add3A_365 = vector.broadcast %add3A_364 : i32 to vector<16xi32>
      %add3A_366 = arith.addi %get3A_119, %add3A_365 : vector<16xi32>
      %gather3A_367 = tpu.vector_load_idx %arg18[%add3A_116, %add3A_366] : memref<128x128xf32, #tpu.memory_space<vmem>>[vector<16xi32>, vector<16xi32>], vector<16xf32>,
      %add3A_368 = arith.constant 24 : i32
      %add3A_369 = vector.broadcast %add3A_368 : i32 to vector<16xi32>
      %add3A_370 = arith.addi %get3A_123, %add3A_369 : vector<16xi32>
      %gather3A_371 = tpu.vector_load_idx %arg20[%add3A_116, %add3A_370] : memref<128x128xf32, #tpu.memory_space<vmem>>[vector<16xi32>, vector<16xi32>], vector<16xf32>,
      %mul3A_372 = arith.mulf %gather3A_367, %gather3A_371 : vector<16xf32>
      %add3A_373 = arith.addf %add3A_363, %mul3A_372 : vector<16xf32>
      %add3A_374 = arith.constant 25 : i32
      %add3A_375 = vector.broadcast %add3A_374 : i32 to vector<16xi32>
      %add3A_376 = arith.addi %get3A_119, %add3A_375 : vector<16xi32>
      %gather3A_377 = tpu.vector_load_idx %arg18[%add3A_116, %add3A_376] : memref<128x128xf32, #tpu.memory_space<vmem>>[vector<16xi32>, vector<16xi32>], vector<16xf32>,
      %add3A_378 = arith.constant 25 : i32
      %add3A_379 = vector.broadcast %add3A_378 : i32 to vector<16xi32>
      %add3A_380 = arith.addi %get3A_123, %add3A_379 : vector<16xi32>
      %gather3A_381 = tpu.vector_load_idx %arg20[%add3A_116, %add3A_380] : memref<128x128xf32, #tpu.memory_space<vmem>>[vector<16xi32>, vector<16xi32>], vector<16xf32>,
      %mul3A_382 = arith.mulf %gather3A_377, %gather3A_381 : vector<16xf32>
      %add3A_383 = arith.addf %add3A_373, %mul3A_382 : vector<16xf32>
      %add3A_384 = arith.constant 26 : i32
      %add3A_385 = vector.broadcast %add3A_384 : i32 to vector<16xi32>
      %add3A_386 = arith.addi %get3A_119, %add3A_385 : vector<16xi32>
      %gather3A_387 = tpu.vector_load_idx %arg18[%add3A_116, %add3A_386] : memref<128x128xf32, #tpu.memory_space<vmem>>[vector<16xi32>, vector<16xi32>], vector<16xf32>,
      %add3A_388 = arith.constant 26 : i32
      %add3A_389 = vector.broadcast %add3A_388 : i32 to vector<16xi32>
      %add3A_390 = arith.addi %get3A_123, %add3A_389 : vector<16xi32>
      %gather3A_391 = tpu.vector_load_idx %arg20[%add3A_116, %add3A_390] : memref<128x128xf32, #tpu.memory_space<vmem>>[vector<16xi32>, vector<16xi32>], vector<16xf32>,
      %mul3A_392 = arith.mulf %gather3A_387, %gather3A_391 : vector<16xf32>
      %add3A_393 = arith.addf %add3A_383, %mul3A_392 : vector<16xf32>
      %add3A_394 = arith.constant 27 : i32
      %add3A_395 = vector.broadcast %add3A_394 : i32 to vector<16xi32>
      %add3A_396 = arith.addi %get3A_119, %add3A_395 : vector<16xi32>
      %gather3A_397 = tpu.vector_load_idx %arg18[%add3A_116, %add3A_396] : memref<128x128xf32, #tpu.memory_space<vmem>>[vector<16xi32>, vector<16xi32>], vector<16xf32>,
      %add3A_398 = arith.constant 27 : i32
      %add3A_399 = vector.broadcast %add3A_398 : i32 to vector<16xi32>
      %add3A_400 = arith.addi %get3A_123, %add3A_399 : vector<16xi32>
      %gather3A_401 = tpu.vector_load_idx %arg20[%add3A_116, %add3A_400] : memref<128x128xf32, #tpu.memory_space<vmem>>[vector<16xi32>, vector<16xi32>], vector<16xf32>,
      %mul3A_402 = arith.mulf %gather3A_397, %gather3A_401 : vector<16xf32>
      %add3A_403 = arith.addf %add3A_393, %mul3A_402 : vector<16xf32>
      %add3A_404 = arith.constant 28 : i32
      %add3A_405 = vector.broadcast %add3A_404 : i32 to vector<16xi32>
      %add3A_406 = arith.addi %get3A_119, %add3A_405 : vector<16xi32>
      %gather3A_407 = tpu.vector_load_idx %arg18[%add3A_116, %add3A_406] : memref<128x128xf32, #tpu.memory_space<vmem>>[vector<16xi32>, vector<16xi32>], vector<16xf32>,
      %add3A_408 = arith.constant 28 : i32
      %add3A_409 = vector.broadcast %add3A_408 : i32 to vector<16xi32>
      %add3A_410 = arith.addi %get3A_123, %add3A_409 : vector<16xi32>
      %gather3A_411 = tpu.vector_load_idx %arg20[%add3A_116, %add3A_410] : memref<128x128xf32, #tpu.memory_space<vmem>>[vector<16xi32>, vector<16xi32>], vector<16xf32>,
      %mul3A_412 = arith.mulf %gather3A_407, %gather3A_411 : vector<16xf32>
      %add3A_413 = arith.addf %add3A_403, %mul3A_412 : vector<16xf32>
      %add3A_414 = arith.constant 29 : i32
      %add3A_415 = vector.broadcast %add3A_414 : i32 to vector<16xi32>
      %add3A_416 = arith.addi %get3A_119, %add3A_415 : vector<16xi32>
      %gather3A_417 = tpu.vector_load_idx %arg18[%add3A_116, %add3A_416] : memref<128x128xf32, #tpu.memory_space<vmem>>[vector<16xi32>, vector<16xi32>], vector<16xf32>,
      %add3A_418 = arith.constant 29 : i32
      %add3A_419 = vector.broadcast %add3A_418 : i32 to vector<16xi32>
      %add3A_420 = arith.addi %get3A_123, %add3A_419 : vector<16xi32>
      %gather3A_421 = tpu.vector_load_idx %arg20[%add3A_116, %add3A_420] : memref<128x128xf32, #tpu.memory_space<vmem>>[vector<16xi32>, vector<16xi32>], vector<16xf32>,
      %mul3A_422 = arith.mulf %gather3A_417, %gather3A_421 : vector<16xf32>
      %add3A_423 = arith.addf %add3A_413, %mul3A_422 : vector<16xf32>
      %add3A_424 = arith.constant 30 : i32
      %add3A_425 = vector.broadcast %add3A_424 : i32 to vector<16xi32>
      %add3A_426 = arith.addi %get3A_119, %add3A_425 : vector<16xi32>
      %gather3A_427 = tpu.vector_load_idx %arg18[%add3A_116, %add3A_426] : memref<128x128xf32, #tpu.memory_space<vmem>>[vector<16xi32>, vector<16xi32>], vector<16xf32>,
      %add3A_428 = arith.constant 30 : i32
      %add3A_429 = vector.broadcast %add3A_428 : i32 to vector<16xi32>
      %add3A_430 = arith.addi %get3A_123, %add3A_429 : vector<16xi32>
      %gather3A_431 = tpu.vector_load_idx %arg20[%add3A_116, %add3A_430] : memref<128x128xf32, #tpu.memory_space<vmem>>[vector<16xi32>, vector<16xi32>], vector<16xf32>,
      %mul3A_432 = arith.mulf %gather3A_427, %gather3A_431 : vector<16xf32>
      %add3A_433 = arith.addf %add3A_423, %mul3A_432 : vector<16xf32>
      %add3A_434 = arith.constant 31 : i32
      %add3A_435 = vector.broadcast %add3A_434 : i32 to vector<16xi32>
      %add3A_436 = arith.addi %get3A_119, %add3A_435 : vector<16xi32>
      %gather3A_437 = tpu.vector_load_idx %arg18[%add3A_116, %add3A_436] : memref<128x128xf32, #tpu.memory_space<vmem>>[vector<16xi32>, vector<16xi32>], vector<16xf32>,
      %add3A_438 = arith.constant 31 : i32
      %add3A_439 = vector.broadcast %add3A_438 : i32 to vector<16xi32>
      %add3A_440 = arith.addi %get3A_123, %add3A_439 : vector<16xi32>
      %gather3A_441 = tpu.vector_load_idx %arg20[%add3A_116, %add3A_440] : memref<128x128xf32, #tpu.memory_space<vmem>>[vector<16xi32>, vector<16xi32>], vector<16xf32>,
      %mul3A_442 = arith.mulf %gather3A_437, %gather3A_441 : vector<16xf32>
      %add3A_443 = arith.addf %add3A_433, %mul3A_442 : vector<16xf32>
      %mul3A_444 = arith.constant 16 : i32
      %mul3A_445 = arith.muli %scan3A_110, %mul3A_444 : i32
      %add3A_446 = arith.constant 384 : i32
      %add3A_447 = arith.addi %add3A_446, %mul3A_445 : i32
      %swap3A = arith.index_cast %add3A_447 : i32 to index
      %swap3A_448 = tpu.vector_load %arg23[%swap3A] {strides = array<i32>} : memref<512xf32, #tpu.memory_space<vmem>>, vector<16xf32>,
      tpu.vector_store %arg23[%swap3A], %add3A_443 {strides = array<i32>} : memref<512xf32, #tpu.memory_space<vmem>>, vector<16xf32>,
    }
    %scan3A_99 = arith.constant 8 : i32
    %dma_wait3A_100 = arith.constant 0 : i32
    %dma_wait3A_101 = tpu.memref_slice %arg6[%dma_wait3A_100] : memref<1000000xf32, #tpu.memory_space<hbm>> -> memref<1000000xf32, #tpu.memory_space<hbm>>
    tpu.wait_indirect_dma semaphore(%arg26 : memref<!tpu.dma_semaphore, #tpu.memory_space<semaphore_mem>>) src(%dma_wait3A_101 : memref<1000000xf32, #tpu.memory_space<hbm>>) dst(%arg21 : memref<512xf32, #tpu.memory_space<vmem>>)
    %dma_wait3A_102 = arith.constant 0 : i32
    %dma_wait3A_103 = tpu.memref_slice %arg7[%dma_wait3A_102] : memref<1000000xf32, #tpu.memory_space<hbm>> -> memref<1000000xf32, #tpu.memory_space<hbm>>
    tpu.wait_indirect_dma semaphore(%arg26 : memref<!tpu.dma_semaphore, #tpu.memory_space<semaphore_mem>>) src(%dma_wait3A_103 : memref<1000000xf32, #tpu.memory_space<hbm>>) dst(%arg22 : memref<512xf32, #tpu.memory_space<vmem>>)
    %scan3A_104 = arith.constant 0 : i32
    %scan3A_105 = arith.constant 0 : i32
    %scan3A_106 = arith.constant 32 : i32
    %scan3A_107 = arith.addi %scan3A_105, %scan3A_106 : i32
    %scan3A_108 = arith.constant 1 : i32
    scf.for %scan3A_110 = %scan3A_105 to %scan3A_107 step %scan3A_108  : i32 {
      %mul3A_111 = arith.constant 16 : i32
      %mul3A_112 = arith.muli %scan3A_110, %mul3A_111 : i32
      %get3A = arith.index_cast %mul3A_112 : i32 to index
      %get3A_113 = tpu.vector_load %arg23[%get3A] {strides = array<i32>} : memref<512xf32, #tpu.memory_space<vmem>>, vector<16xf32>,
      %get3A_114 = arith.index_cast %mul3A_112 : i32 to index
      %get3A_115 = tpu.vector_load %arg21[%get3A_114] {strides = array<i32>} : memref<512xf32, #tpu.memory_space<vmem>>, vector<16xf32>,
      %add3A_116 = arith.addf %get3A_113, %get3A_115 : vector<16xf32>
      %get3A_117 = arith.index_cast %mul3A_112 : i32 to index
      %get3A_118 = tpu.vector_load %arg22[%get3A_117] {strides = array<i32>} : memref<512xf32, #tpu.memory_space<vmem>>, vector<16xf32>,
      %add3A_119 = arith.addf %add3A_116, %get3A_118 : vector<16xf32>
      %swap3A = arith.index_cast %mul3A_112 : i32 to index
      %swap3A_120 = tpu.vector_load %arg23[%swap3A] {strides = array<i32>} : memref<512xf32, #tpu.memory_space<vmem>>, vector<16xf32>,
      tpu.vector_store %arg23[%swap3A], %add3A_119 {strides = array<i32>} : memref<512xf32, #tpu.memory_space<vmem>>, vector<16xf32>,
    }
    %scan3A_109 = arith.constant 32 : i32
    "tpu.region"() ({
      %run_scoped3A = tpu.sem_alloc : memref<!tpu.dma_semaphore, #tpu.memory_space<semaphore_mem>>
      %dma_start3A_110 = tpu.memref_slice %arg8[%mul3A_2] : memref<16384xf32, #tpu.memory_space<hbm>> -> memref<512xf32, #tpu.memory_space<hbm>>
      %dma_start3A_111 = tpu.memref_slice %arg8[%mul3A_2] : memref<16384xf32, #tpu.memory_space<hbm>> -> memref<512xf32, #tpu.memory_space<hbm>>
      tpu.enqueue_dma source(%arg23 : memref<512xf32, #tpu.memory_space<vmem>>) target(%dma_start3A_111 : memref<512xf32, #tpu.memory_space<hbm>>) target_semaphore(%run_scoped3A : memref<!tpu.dma_semaphore, #tpu.memory_space<semaphore_mem>>)
      %dma_wait3A_112 = tpu.memref_slice %arg8[%mul3A_2] : memref<16384xf32, #tpu.memory_space<hbm>> -> memref<512xf32, #tpu.memory_space<hbm>>
      %dma_wait3A_113 = tpu.memref_slice %arg8[%mul3A_2] : memref<16384xf32, #tpu.memory_space<hbm>> -> memref<512xf32, #tpu.memory_space<hbm>>
      tpu.wait_dma2 semaphore(%run_scoped3A : memref<!tpu.dma_semaphore, #tpu.memory_space<semaphore_mem>>) src(%arg23 : memref<512xf32, #tpu.memory_space<vmem>>) dst(%dma_wait3A_113 : memref<512xf32, #tpu.memory_space<hbm>>)
      tpu.yield
    }) : () -> ()
    return
  }
}

</mosaic_0001>

<sc_bundles>
// kernel: _mf_scores.3.cloned.1.call-start
scs
__scs_entry_jumppad:
0x0: {  	(pc) =	sbr.rel $0x88, $3  }
0x1: {  	(tag) =	ssettag $0x0;
	lr =	simm.s32 $0x1  }
0x2: {  	[smem:$0x3F9B] =	sst lr;
	_ =	strace $0xD0000000  }
0x3: {  	_ = 	snop  }
0x4: {  	_ = 	snop  }
0x5: {  	_ = 	snop  }
0x6: {  	_ = 	snop  }
0x7: {  	_ = 	snop  }
__scs_overlays_trampoline_lowered:
0x8: {  	[smem:$0x3FAA] =	sst s0  }
0x9: {  	[smem:$0x3FAB] =	sst s1  }
0xa: {  	[smem:$0x3FAC] =	sst s2  }
0xb: {  	[smem:$0x3FAD] =	sst s3  }
0xc: {  	[smem:$0x3FAE] =	sst s4  }
0xd: {  	[smem:$0x3FAF] =	sst s5  }
0xe: {  	[smem:$0x3FB0] =	sst s6  }
0xf: {  	[smem:$0x3FB1] =	sst s7  }
0x10: {  	[smem:$0x3FB2] =	sst s8  }
0x11: {  	[smem:$0x3FB3] =	sst s9;
	s0 =	simm.s32 @!p0 $0x0  }
0x12: {  	s1 =	sld [smem:$0x3F99];
	s0 =	simm.s32 @p0 $0x1  }
0x13: {  	[smem:$0x3FB4] =	sst s0;
	s0 =	simm.s32 @!p1 $0x0  }
0x14: {  	s2 =	sld [smem:$0x3F98];
	s0 =	simm.s32 @p1 $0x1  }
0x15: {  	[smem:$0x3FB5] =	sst s0;
	s0 =	simm.s32 @!p2 $0x0  }
0x16: {  	s3 =	sld [smem:$0x3FDB];
	s0 =	simm.s32 @p2 $0x1  }
0x17: {  	s4 =	simm.s32 $0x1BF5;
	[smem:$0x3FB7] =	sst s0  }
0x18: {  	s0 =	sld [smem:$0x3F9A];
	_ =	swait.ge [sflag:s4], $0x0  }
0x19: {  	s7 =	sld [smem:$0x3F9B]  }
0x1a: {  	s8 =	sadd.s32 $0xFFFFE003, lr  }
0x1b: {  	s9 =	sadd.s32 $0xFFFFFEF7, lr;
	s5 =	simm.s32 $0xFFFFFFFF;
	p2 =	slt.u32 s8, $0xFFFFF086  }
0x1c: {  	p1 =	slt.u32 s9, $0xF7A;
	s5 =	simm.s32 @!p2 $0x0  }
0x1d: {  	s5 =	simm.s32 @p1 $0x1;
	p0 =	seq.s32 s7, s2  }
0x1e: {  	s7 =	smul.u32 @!p0 $0xF7A, s2;
	p2 =	seq.s32 @!p0 s5, $0x0  }
0x1f: {  	s9 =	smul.u32 $0xF7A, s1;
	s8 =	simm.s32 @!p0 $0x1BF5;
	p2 =	por !p2, p0  }
0x20: {  	[sflag:s8] =	ssyncset.s32 @!p0 $0xFFFFF086;
	s6 =	sadd.s32 @!p0 s3, s7;
	s7 =	simm.s32 @!p0 $0x108  }
0x21: {  	s3 =	sadd.s32 s3, s9;
	s6 =	sadd.s32 @!p0 $0x88, s6;
	s7 =	simm.s32 @p2 $0x1082  }
0x22: {  	[simem:s7], [sflag:s8] =	dma.local @!p0 [hbm:s6], $0xF7A  }
0x23: {  	s9 =	sor.u32 $0xD0000000, s2;
	s6 =	simm.s32 $0x108;
	_ =	swait.ge @!p0 [sflag:s8], $0x0  }
0x24: {  	s3 =	sadd.s32 $0x88, s3;
	s6 =	simm.s32 @!p1 $0x1082;
	[sflag:s4] =	ssyncset.s32 $0xFFFFF086  }
0x25: {  	[simem:s6], [sflag:s4] =	dma.local [hbm:s3], $0xF7A  }
0x26: {  	[smem:$0x3F9B] =	sst s1;
	(tag) =	ssettag s2;
	_ =	strace s9  }
0x27: {  	s1 =	sld [smem:$0x3FAB]  }
0x28: {  	s2 =	sld [smem:$0x3FAC]  }
0x29: {  	s4 =	sld [smem:$0x3FAE]  }
0x2a: {  	p0 =	seq.s32 s5, $0x0;
	s5 =	sld [smem:$0x3FAF]  }
0x2b: {  	s6 =	sld [smem:$0x3FB0]  }
0x2c: {  	s7 =	sld [smem:$0x3FB1]  }
0x2d: {  	s3 =	simm.s32 $0x108;
	s8 =	sld [smem:$0x3FB2]  }
0x2e: {  	s3 =	simm.s32 @!p0 $0x1082;
	s9 =	sld [smem:$0x3FB3]  }
0x2f: {  	lr =	sadd.s32 s0, s3;
	s0 =	sld [smem:$0x3FAA]  }
0x30: {  	s3 =	sld [smem:$0x3FAD]  }
0x31: {  	[smem:$0x3FB6] =	sst s10  }
0x32: {  	s10 =	sld [smem:$0x3FB4];
	_ =	sdelay $0x3  }
0x33: {  	p0 =	seq.s32 s10, $0x1;
	s10 =	sld [smem:$0x3FB6];
	_ =	sdelay $0x3  }
0x34: {  	[smem:$0x3FB6] =	sst s10  }
0x35: {  	s10 =	sld [smem:$0x3FB5];
	_ =	sdelay $0x3  }
0x36: {  	p1 =	seq.s32 s10, $0x1;
	s10 =	sld [smem:$0x3FB6];
	_ =	sdelay $0x3  }
0x37: {  	[smem:$0x3FB6] =	sst s10  }
0x38: {  	s10 =	sld [smem:$0x3FB7]  }
0x39: {  	_ = 	snop;
	(pc) =	sbr.ind lr, $3  }
0x3a: {  	_ = 	snop  }
0x3b: {  	_ = 	snop  }
0x3c: {  	p2 =	seq.s32 s10, $0x1;
	s10 =	sld [smem:$0x3FB6]  }
0x3d: {  	_ =	shalt  }
0x3e: {  	_ =	shalt  }
0x3f: {  	_ =	shalt  }
0x40: {  	_ =	shalt  }
0x41: {  	_ =	shalt  }
0x42: {  	_ =	shalt  }
0x43: {  	_ =	shalt  }
0x44: {  	_ =	shalt  }
0x45: {  	_ =	shalt  }
0x46: {  	_ =	shalt  }
0x47: {  	_ =	shalt  }
0x48: {  	_ =	shalt  }
0x49: {  	_ =	shalt  }
0x4a: {  	_ =	shalt  }
0x4b: {  	_ =	shalt  }
0x4c: {  	_ =	shalt  }
0x4d: {  	_ =	shalt  }
0x4e: {  	_ =	shalt  }
0x4f: {  	_ =	shalt  }
0x50: {  	_ =	shalt  }
0x51: {  	_ =	shalt  }
0x52: {  	_ =	shalt  }
0x53: {  	_ =	shalt  }
0x54: {  	_ =	shalt  }
0x55: {  	_ =	shalt  }
0x56: {  	_ =	shalt  }
0x57: {  	_ =	shalt  }
0x58: {  	_ =	shalt  }
0x59: {  	_ =	shalt  }
0x5a: {  	_ =	shalt  }
0x5b: {  	_ =	shalt  }
0x5c: {  	_ =	shalt  }
0x5d: {  	_ =	shalt  }
0x5e: {  	_ =	shalt  }
0x5f: {  	_ =	shalt  }
0x60: {  	_ =	shalt  }
0x61: {  	_ =	shalt  }
0x62: {  	_ =	shalt  }
0x63: {  	_ =	shalt  }
0x64: {  	_ =	shalt  }
0x65: {  	_ =	shalt  }
0x66: {  	_ =	shalt  }
0x67: {  	_ =	shalt  }
0x68: {  	_ =	shalt  }
0x69: {  	_ =	shalt  }
0x6a: {  	_ =	shalt  }
0x6b: {  	_ =	shalt  }
0x6c: {  	_ =	shalt  }
0x6d: {  	_ =	shalt  }
0x6e: {  	_ =	shalt  }
0x6f: {  	_ =	shalt  }
0x70: {  	_ =	shalt  }
0x71: {  	_ =	shalt  }
0x72: {  	_ =	shalt  }
0x73: {  	_ =	shalt  }
0x74: {  	_ =	shalt  }
0x75: {  	_ =	shalt  }
0x76: {  	_ =	shalt  }
0x77: {  	_ =	shalt  }
0x78: {  	_ =	shalt  }
0x79: {  	_ =	shalt  }
0x7a: {  	_ =	shalt  }
0x7b: {  	_ =	shalt  }
0x7c: {  	_ =	shalt  }
0x7d: {  	_ =	shalt  }
0x7e: {  	_ =	shalt  }
0x7f: {  	_ =	shalt  }
0x80: {  	_ =	shalt  }
0x81: {  	_ =	shalt  }
0x82: {  	_ =	shalt  }
0x83: {  	_ =	shalt  }
0x84: {  	_ =	shalt  }
0x85: {  	_ =	shalt  }
0x86: {  	_ =	shalt  }
0x87: {  	_ =	shalt  }
.Lfunc_end0:
.L_simem_size_0:
called_computation_lowered:
.L_overlay_start_0:
0x88: {  	s2 =	sld [smem:$0x3FD9]  }
0x89: {  	s3 =	sld [smem:$0x3FFE];
	_ =	sdelay $0x1  }
0x8a: {  	s1 =	srdreg.scid  }
0x8b: {  	s0 =	sand.u32 $0x1, s1  }
0x8c: {  	s18 =	sshll.u32 s0, $0xA;
	s2 =	sadd.s32 s3, s2  }
0x8d: {  	s2 =	sadd.s32 s2, s18  }
0x8e: {  	[smem:$0x3FC2] =	sst s2  }
0x8f: {  	_ = 	snop  }
0x90: {  	s2 =	sld [smem:$0x3FC9]  }
0x91: {  	s19 =	sld [smem:$0x3FC8]  }
0x92: {  	s4 =	sld [smem:$0x3FC7]  }
0x93: {  	s5 =	sld [smem:$0x3FC6]  }
0x94: {  	s6 =	sld [smem:$0x3FC5]  }
0x95: {  	s7 =	sld [smem:$0x3FC4]  }
0x96: {  	s8 =	sld [smem:$0x3FD0];
	(tm) =	ssettm $0x1  }
0x97: {  	s9 =	sld [smem:$0x3FFB];
	_ =	sdelay $0x3  }
0x98: {  	_ =	strace s9  }
0x99: {  	s9 =	sld [smem:$0x3FFC];
	_ =	sdelay $0x3  }
0x9a: {  	_ =	strace s9  }
0x9b: {  	s9 =	sld [smem:$0x3FFD];
	_ =	sdelay $0x3  }
0x9c: {  	_ =	strace s9  }
0x9d: {  	_ =	strace $0x8FFFFFFF  }
0x9e: {  	s20 =	sld [smem:$0x3FDB];
	_ =	sdelay $0x1  }
0x9f: {  	s10 =	simm.s32 $_scs_section_size  }
0xa0: {  	s11 =	simm.s32 $_size__tile_overlayer_lowered;
	s12 =	simm.s32 $_tile_overlayer_lowered  }
0xa1: {  	s23 =	simm.s32 $0x1BFF;
	s22 =	sshll.u32 s12, $0x1;
	s9 =	sadd.s32 s10, s20  }
0xa2: {  	s13 =	simm.s32 $0x0;
	s21 =	sshll.u32 s11, $0x1;
	s11 =	sadd.s32 s22, s9  }
0xa3: {  	[timem:s13], [sflag:s23] =	dma.local [hbm:s11], s21  }
0xa4: {  	_ =	swait.ge [sflag:s23], s21  }
0xa5: {  	s10 =	ssub.s32 $0x0, s21;
	[sflag:s23] =	ssyncset.done $0x0  }
0xa6: {  	[sflag:s23] =	ssyncadd.s32 s10;
	_ =	sdelay $0x1  }
0xa7: {  	s24 =	simm.s32 $0x1B8B  }
0xa8: {  	_ =	swait.ge [sflag:s24], $0x1  }
0xa9: {  	[sflag:s24] =	ssyncset.done $0x0  }
0xaa: {  	s25 =	simm.s32 $0x1B8E;
	[sflag:s24] =	ssyncadd.s32 $0xFFFFFFFF  }
0xab: {  	s26 =	simm.s32 $execute0_lowered;
	[smem:$0x3FD2] =	sst s25  }
0xac: {  	s10 =	sshll.u32 s26, $0x1;
	_ =	strace $0x80000046;
	[dreg:$0x1] =	wrdreg $0xFFFFFFFF  }
0xad: {  	s28 =	simm.s32 $_size_execute0_lowered;
	s9 =	sadd.s32 s9, s10;
	[dreg:$0x0] =	wrdreg $0x0  }
0xae: {  	s10 =	sshll.u32 s28, $0x1;
	[dreg:$0x2] =	wrdreg s9  }
0xaf: {  	[dreg:$0x3] =	wrdreg s10  }
0xb0: {  	[dreg:$0x4] =	wrdreg $0xC0  }
0xb1: {  	_ =	task [dreg:s13], $0x5FFFF  }
0xb2: {  	[dreg:$0x1] =	wrdreg $0xFFFFFFFF  }
0xb3: {  	[dreg:$0x0] =	wrdreg $0x60  }
0xb4: {  	[dreg:$0x2] =	wrdreg s2  }
0xb5: {  	[dreg:$0x3] =	wrdreg s19  }
0xb6: {  	[dreg:$0x4] =	wrdreg s4  }
0xb7: {  	[dreg:$0x5] =	wrdreg s5  }
0xb8: {  	[dreg:$0x6] =	wrdreg s6  }
0xb9: {  	[dreg:$0x7] =	wrdreg s7  }
0xba: {  	[dreg:$0x8] =	wrdreg s8  }
0xbb: {  	[dreg:$0x9] =	wrdreg $0x9  }
0xbc: {  	_ =	task.clear_ibuf [dreg:s13], $0xAFFFF;
	_ =	strace $0x90000046  }
0xbd: {  	s29 =	simm.s32 $0x9;
	_ =	strace $0x80000048  }
0xbe: {  	_ =	swait.ge [sflag:s29], $0x1  }
0xbf: {  	[sflag:s29] =	ssyncadd.s32 $0xFFFFFFFF  }
0xc0: {  	_ =	strace $0x90000048  }
0xc1: {  	_ =	sfence  }
0xc2: {  	s30 =	sld [smem:$0x0];
	_ =	sdelay $0x2  }
0xc3: {  	s31 =	sshll.u32 s1, $0xD;
	s1 =	sshrl.u32 s1, $0x2  }
0xc4: {  	s3 =	sand.u32 $0x4000, s31;
	s1 =	sadd.s32 s1, s30  }
0xc5: {  	s0 =	sor.u32 s3, s0;
	s1 =	sshll.u32 s1, $0x11  }
0xc6: {  	s0 =	sor.u32 s1, s0  }
0xc7: {  	s0 =	sadd.s32 $0x8F2B, s0  }
0xc8: {  	[sflag:s0] =	ssyncadd.remote.s32 $0x1  }
0xc9: {  	_ =	sfence.sel $0xFFFF  }
0xca: {  	[dreg:$0x0] =	wrdreg $0xFFFFFFFF;
	(pc) =	sbr.abs _section_cstart, $3  }
0xcb: {  	[dreg:$0x1] =	wrdreg $0xFFFFFFFF  }
0xcc: {  	_ =	task.clear_ibuf [dreg:s13], $0x2FFFF;
	_ =	strace $0x9FFFFFFF  }
0xcd: {  	(tm) =	ssettm $0x7FFFFFFF  }
tec
execute0_lowered:
.L_overlay_start_1:
0x0: {  	(tag) =	ssettag $0x1  }
0x1: {  	s0 =	rddreg [dreg:$0x0]  }
0x2: {  	s5 =	rddreg [dreg:$0x1]  }
0x3: {  	s1 =	rddreg [dreg:$0x2]  }
0x4: {  	s2 =	rddreg [dreg:$0x3]  }
0x5: {  	s3 =	rddreg [dreg:$0x4]  }
0x6: {  	s4 =	rddreg [dreg:$0x5]  }
0x7: {  	s9 =	rddreg [dreg:$0x6];
	s7 =	srdreg.scid  }
0x8: {  	s6 =	simm.s32 $0x0;
	s10 =	stileid.u32;
	s12 =	simm.s32 $0x200  }
0x9: {  	s13 =	simm.s32 $0x10800;
	s14 =	simm.s32 $0x10A00;
	s15 =	simm.s32 $0x80  }
0xa: {  	s16 =	simm.s32 $0x400;
	s17 =	simm.s32 $0x800;
	s18 =	simm.s32 $0x500  }
0xb: {  	s19 =	simm.s32 $0x8800;
	s20 =	simm.s32 $0x480;
	s21 =	simm.s32 $0x4800  }
0xc: {  	s22 =	simm.s32 $0x580;
	s23 =	simm.s32 $0xC800;
	s24 =	simm.s32 $0x1  }
0xd: {  	s25 =	simm.s32 $0x2;
	s26 =	simm.s32 $0x3;
	s28 =	simm.s32 $0x10C00  }
0xe: {  	s29 =	simm.s32 $0x0;
	s7 =	sand.u32 $0x1, s7;
	s10 =	sshll.u32 s10, $0x7  }
0xf: {  	v0 =	vlaneseq.u32;
	[smem:$0x7FF] =	sst s6;
	s8 =	ssub.s32 $0x2, s7;
	s7 =	sshll.u32 s7, $0x6  }
0x10: {  	v0 =	vmul.u32 $0x80, v0;
	_ =	strace $0x80000047;
	s11 =	sshrl.u32 s8, $0x1;
	s10 =	sor.u32 s7, s10  }
0x11: {  	s11 =	ssub.s32 s8, s11;
	s7 =	sadd.s32 s0, s10;
	s8 =	sadd.s32 s5, s10  }
0x12: {  	[tilespmem:$0x1FFF0] =	vst v0;
	s9 =	sadd.s32 s9, s10;
	s10 =	smax.u32 s11, $0x1;
	s11 =	simm.s32 $0x4  }
.LBB2_1:
0x13: {  	[tilespmem:s6], [sflag:$0x4] =	stream.linear.gather [hbm4b:s7+s6], $0x200, $0x38;
	[tilespmem:$0x10E00] =	vst v63  }
0x14: {  	_ =	swait.ge [sflag:s11], $0x200  }
0x15: {  	[sflag:s11] =	ssyncset.done $0x0  }
0x16: {  	[sflag:s11] =	ssyncadd.s32 $0xFFFFFE00  }
0x17: {  	[tilespmem:s12], [sflag:$0x4] =	stream.linear.gather [hbm4b:s8+s6], $0x200, $0x38;
	[tilespmem:$0x10E00] =	vst v63  }
0x18: {  	_ =	swait.ge [sflag:s11], $0x200  }
0x19: {  	[sflag:s11] =	ssyncset.done $0x0  }
0x1a: {  	[sflag:s11] =	ssyncadd.s32 $0xFFFFFE00  }
0x1b: {  	[tilespmem:s13], [sflag:$0x3] =	stream.indirect.gather [hbm4b:s3+s12], $0x1, s6, s12, $0xb8;
	[tilespmem:$0x10E00] =	vst v63  }
0x1c: {  	_ = 	snop  }
0x1d: {  	[tilespmem:s14], [sflag:$0x3] =	stream.indirect.gather [hbm4b:s4+s12], $0x1, s12, s12, $0xb8;
	[tilespmem:$0x10E00] =	vst v63  }
0x1e: {  	v1 =	vld [tilespmem:$0x0];
	_ =	sdelay $0x1  }
0x1f: {  	v2 =	vld [tilespmem:$0x200];
	_ =	sdelay $0x1  }
0x20: {  	v3 =	vld [tilespmem:$0x10]  }
0x21: {  	v4 =	vshra.s32 v1, $0x2;
	v1 =	vshll.u32 v1, $0x5  }
0x22: {  	[tilespmem:$0x400] =	vst v4;
	v1 =	vand.u32 $0x60, v1;
	v4 =	vld [tilespmem:$0x210]  }
0x23: {  	[tilespmem:$0x600] =	vst v1;
	v1 =	vshra.s32 v2, $0x2;
	v2 =	vshll.u32 v2, $0x5  }
0x24: {  	[tilespmem:$0x500] =	vst v1;
	v1 =	vand.u32 $0x60, v2;
	v2 =	vld [tilespmem:$0x20]  }
0x25: {  	[tilespmem:$0x700] =	vst v1;
	v1 =	vshra.s32 v3, $0x2;
	v3 =	vshll.u32 v3, $0x5  }
0x26: {  	[tilespmem:$0x410] =	vst v1;
	v1 =	vand.u32 $0x60, v3;
	v3 =	vld [tilespmem:$0x220]  }
0x27: {  	[tilespmem:$0x610] =	vst v1;
	v1 =	vshra.s32 v4, $0x2;
	v4 =	vshll.u32 v4, $0x5  }
0x28: {  	[tilespmem:$0x510] =	vst v1;
	v1 =	vand.u32 $0x60, v4;
	v4 =	vld [tilespmem:$0x30]  }
0x29: {  	[tilespmem:$0x710] =	vst v1;
	v1 =	vshra.s32 v2, $0x2;
	v2 =	vshll.u32 v2, $0x5  }
0x2a: {  	[tilespmem:$0x420] =	vst v1;
	v1 =	vand.u32 $0x60, v2;
	v2 =	vld [tilespmem:$0x230]  }
0x2b: {  	[tilespmem:$0x620] =	vst v1;
	v1 =	vshra.s32 v3, $0x2;
	v3 =	vshll.u32 v3, $0x5  }
0x2c: {  	[tilespmem:$0x520] =	vst v1;
	v1 =	vand.u32 $0x60, v3;
	v3 =	vld [tilespmem:$0x40]  }
0x2d: {  	[tilespmem:$0x720] =	vst v1;
	v1 =	vshra.s32 v4, $0x2;
	v4 =	vshll.u32 v4, $0x5  }
0x2e: {  	[tilespmem:$0x430] =	vst v1;
	v1 =	vand.u32 $0x60, v4;
	v4 =	vld [tilespmem:$0x240]  }
0x2f: {  	[tilespmem:$0x630] =	vst v1;
	v1 =	vshra.s32 v2, $0x2;
	v2 =	vshll.u32 v2, $0x5  }
0x30: {  	[tilespmem:$0x530] =	vst v1;
	v1 =	vand.u32 $0x60, v2;
	v2 =	vld [tilespmem:$0x50]  }
0x31: {  	[tilespmem:$0x730] =	vst v1;
	v1 =	vshra.s32 v3, $0x2;
	v3 =	vshll.u32 v3, $0x5  }
0x32: {  	[tilespmem:$0x440] =	vst v1;
	v1 =	vand.u32 $0x60, v3;
	v3 =	vld [tilespmem:$0x250]  }
0x33: {  	[tilespmem:$0x640] =	vst v1;
	v1 =	vshra.s32 v4, $0x2;
	v4 =	vshll.u32 v4, $0x5  }
0x34: {  	[tilespmem:$0x540] =	vst v1;
	v1 =	vand.u32 $0x60, v4;
	v4 =	vld [tilespmem:$0x60]  }
0x35: {  	[tilespmem:$0x740] =	vst v1;
	v1 =	vshra.s32 v2, $0x2;
	v2 =	vshll.u32 v2, $0x5  }
0x36: {  	[tilespmem:$0x450] =	vst v1;
	v1 =	vand.u32 $0x60, v2;
	v2 =	vld [tilespmem:$0x260]  }
0x37: {  	[tilespmem:$0x650] =	vst v1;
	v1 =	vshra.s32 v3, $0x2;
	v3 =	vshll.u32 v3, $0x5  }
0x38: {  	[tilespmem:$0x550] =	vst v1;
	v1 =	vand.u32 $0x60, v3;
	v3 =	vld [tilespmem:$0x70]  }
0x39: {  	[tilespmem:$0x750] =	vst v1;
	v1 =	vshra.s32 v4, $0x2;
	v4 =	vshll.u32 v4, $0x5  }
0x3a: {  	[tilespmem:$0x460] =	vst v1;
	v1 =	vand.u32 $0x60, v4;
	v4 =	vld [tilespmem:$0x270]  }
0x3b: {  	[tilespmem:$0x660] =	vst v1;
	v1 =	vshra.s32 v2, $0x2;
	v2 =	vshll.u32 v2, $0x5  }
0x3c: {  	[tilespmem:$0x560] =	vst v1;
	v1 =	vand.u32 $0x60, v2  }
0x3d: {  	[tilespmem:$0x760] =	vst v1;
	v1 =	vshra.s32 v3, $0x2;
	v2 =	vshll.u32 v3, $0x5  }
0x3e: {  	[tilespmem:$0x470] =	vst v1;
	v1 =	vand.u32 $0x60, v2  }
0x3f: {  	[tilespmem:$0x670] =	vst v1;
	v1 =	vshra.s32 v4, $0x2;
	v2 =	vshll.u32 v4, $0x5  }
0x40: {  	[tilespmem:$0x570] =	vst v1;
	v1 =	vand.u32 $0x60, v2  }
0x41: {  	[tilespmem:$0x770] =	vst v1  }
0x42: {  	[tilespmem:s17], [sflag:$0x1] =	stream.indirect.gather [hbm4b:s1+s15], $0x80, s16, s15, $0xb8;
	[tilespmem:$0x10E00] =	vst v63  }
0x43: {  	_ = 	snop  }
0x44: {  	[tilespmem:s19], [sflag:$0x1] =	stream.indirect.gather [hbm4b:s2+s15], $0x80, s18, s15, $0xb8;
	[tilespmem:$0x10E00] =	vst v63  }
0x45: {  	v1 =	vld [tilespmem:$0x80];
	_ =	sdelay $0x1  }
0x46: {  	v2 =	vld [tilespmem:$0x280];
	_ =	sdelay $0x1  }
0x47: {  	v3 =	vld [tilespmem:$0x90]  }
0x48: {  	v4 =	vshra.s32 v1, $0x2;
	v1 =	vshll.u32 v1, $0x5  }
0x49: {  	[tilespmem:$0x480] =	vst v4;
	v1 =	vand.u32 $0x60, v1;
	v4 =	vld [tilespmem:$0x290]  }
0x4a: {  	[tilespmem:$0x680] =	vst v1;
	v1 =	vshra.s32 v2, $0x2;
	v2 =	vshll.u32 v2, $0x5  }
0x4b: {  	[tilespmem:$0x580] =	vst v1;
	v1 =	vand.u32 $0x60, v2;
	v2 =	vld [tilespmem:$0xA0]  }
0x4c: {  	[tilespmem:$0x780] =	vst v1;
	v1 =	vshra.s32 v3, $0x2;
	v3 =	vshll.u32 v3, $0x5  }
0x4d: {  	[tilespmem:$0x490] =	vst v1;
	v1 =	vand.u32 $0x60, v3;
	v3 =	vld [tilespmem:$0x2A0]  }
0x4e: {  	[tilespmem:$0x690] =	vst v1;
	v1 =	vshra.s32 v4, $0x2;
	v4 =	vshll.u32 v4, $0x5  }
0x4f: {  	[tilespmem:$0x590] =	vst v1;
	v1 =	vand.u32 $0x60, v4;
	v4 =	vld [tilespmem:$0xB0]  }
0x50: {  	[tilespmem:$0x790] =	vst v1;
	v1 =	vshra.s32 v2, $0x2;
	v2 =	vshll.u32 v2, $0x5  }
0x51: {  	[tilespmem:$0x4A0] =	vst v1;
	v1 =	vand.u32 $0x60, v2;
	v2 =	vld [tilespmem:$0x2B0]  }
0x52: {  	[tilespmem:$0x6A0] =	vst v1;
	v1 =	vshra.s32 v3, $0x2;
	v3 =	vshll.u32 v3, $0x5  }
0x53: {  	[tilespmem:$0x5A0] =	vst v1;
	v1 =	vand.u32 $0x60, v3;
	v3 =	vld [tilespmem:$0xC0]  }
0x54: {  	[tilespmem:$0x7A0] =	vst v1;
	v1 =	vshra.s32 v4, $0x2;
	v4 =	vshll.u32 v4, $0x5  }
0x55: {  	[tilespmem:$0x4B0] =	vst v1;
	v1 =	vand.u32 $0x60, v4;
	v4 =	vld [tilespmem:$0x2C0]  }
0x56: {  	[tilespmem:$0x6B0] =	vst v1;
	v1 =	vshra.s32 v2, $0x2;
	v2 =	vshll.u32 v2, $0x5  }
0x57: {  	[tilespmem:$0x5B0] =	vst v1;
	v1 =	vand.u32 $0x60, v2;
	v2 =	vld [tilespmem:$0xD0]  }
0x58: {  	[tilespmem:$0x7B0] =	vst v1;
	v1 =	vshra.s32 v3, $0x2;
	v3 =	vshll.u32 v3, $0x5  }
0x59: {  	[tilespmem:$0x4C0] =	vst v1;
	v1 =	vand.u32 $0x60, v3;
	v3 =	vld [tilespmem:$0x2D0]  }
0x5a: {  	[tilespmem:$0x6C0] =	vst v1;
	v1 =	vshra.s32 v4, $0x2;
	v4 =	vshll.u32 v4, $0x5  }
0x5b: {  	[tilespmem:$0x5C0] =	vst v1;
	v1 =	vand.u32 $0x60, v4;
	v4 =	vld [tilespmem:$0xE0]  }
0x5c: {  	[tilespmem:$0x7C0] =	vst v1;
	v1 =	vshra.s32 v2, $0x2;
	v2 =	vshll.u32 v2, $0x5  }
0x5d: {  	[tilespmem:$0x4D0] =	vst v1;
	v1 =	vand.u32 $0x60, v2;
	v2 =	vld [tilespmem:$0x2E0]  }
0x5e: {  	[tilespmem:$0x6D0] =	vst v1;
	v1 =	vshra.s32 v3, $0x2;
	v3 =	vshll.u32 v3, $0x5  }
0x5f: {  	[tilespmem:$0x5D0] =	vst v1;
	v1 =	vand.u32 $0x60, v3;
	v3 =	vld [tilespmem:$0xF0]  }
0x60: {  	[tilespmem:$0x7D0] =	vst v1;
	v1 =	vshra.s32 v4, $0x2;
	v4 =	vshll.u32 v4, $0x5  }
0x61: {  	[tilespmem:$0x4E0] =	vst v1;
	v1 =	vand.u32 $0x60, v4;
	v4 =	vld [tilespmem:$0x2F0]  }
0x62: {  	[tilespmem:$0x6E0] =	vst v1;
	v1 =	vshra.s32 v2, $0x2;
	v2 =	vshll.u32 v2, $0x5  }
0x63: {  	[tilespmem:$0x5E0] =	vst v1;
	v1 =	vand.u32 $0x60, v2  }
0x64: {  	[tilespmem:$0x7E0] =	vst v1;
	v1 =	vshra.s32 v3, $0x2;
	v2 =	vshll.u32 v3, $0x5  }
0x65: {  	[tilespmem:$0x4F0] =	vst v1;
	v1 =	vand.u32 $0x60, v2  }
0x66: {  	[tilespmem:$0x6F0] =	vst v1;
	v1 =	vshra.s32 v4, $0x2;
	v2 =	vshll.u32 v4, $0x5  }
0x67: {  	[tilespmem:$0x5F0] =	vst v1;
	v1 =	vand.u32 $0x60, v2  }
0x68: {  	[tilespmem:$0x7F0] =	vst v1  }
0x69: {  	[tilespmem:s21], [sflag:$0x2] =	stream.indirect.gather [hbm4b:s1+s15], $0x80, s20, s15, $0xb8;
	[tilespmem:$0x10E00] =	vst v63  }
0x6a: {  	_ = 	snop  }
0x6b: {  	[tilespmem:s23], [sflag:$0x2] =	stream.indirect.gather [hbm4b:s2+s15], $0x80, s22, s15, $0xb8;
	[tilespmem:$0x10E00] =	vst v63  }
0x6c: {  	_ =	swait.ge [sflag:s24], $0x4000  }
0x6d: {  	[sflag:s24] =	ssyncset.done $0x0  }
0x6e: {  	[sflag:s24] =	ssyncadd.s32 $0xFFFFC000  }
0x6f: {  	_ =	swait.ge [sflag:s24], $0x4000  }
0x70: {  	[sflag:s24] =	ssyncset.done $0x0  }
0x71: {  	s0 =	simm.s32 $0x600;
	[sflag:s24] =	ssyncadd.s32 $0xFFFFC000  }
0x72: {  	v16 =	vld [tilespmem:s0+$0x0];
	_ =	sdelay $0x2  }
0x73: {  	v1 =	vmov s6  }
0x74: {  	v1 =	vshll.u32 v1, $0x7  }
0x75: {  	v1 =	vor.u32 v0, v1;
	v2 =	vadd.s32 $0x1B, v16;
	v3 =	vadd.s32 $0x1C, v16  }
0x76: {  	v4 =	vadd.s32 $0x1D, v16;
	v5 =	vadd.s32 $0x18, v16;
	v6 =	vadd.s32 $0x19, v16  }
0x77: {  	v7 =	vadd.s32 $0x1A, v16;
	v8 =	vadd.s32 $0x15, v16;
	v9 =	vadd.s32 $0x16, v16  }
0x78: {  	v10 =	vadd.s32 $0x17, v16;
	v11 =	vadd.s32 $0x12, v16;
	v12 =	vadd.s32 $0x13, v16  }
0x79: {  	v13 =	vadd.s32 $0x14, v16;
	v14 =	vadd.s32 $0xF, v16;
	v15 =	vadd.s32 $0x10, v16  }
0x7a: {  	v17 =	vadd.s32 $0x11, v16;
	v18 =	vadd.s32 $0xC, v16;
	v19 =	vadd.s32 $0xD, v16  }
0x7b: {  	v20 =	vadd.s32 $0xE, v16;
	v21 =	vadd.s32 $0x9, v16;
	v22 =	vadd.s32 $0xA, v16  }
0x7c: {  	v23 =	vadd.s32 $0xB, v16;
	v24 =	vadd.s32 $0x6, v16;
	v25 =	vadd.s32 $0x7, v16  }
0x7d: {  	v26 =	vadd.s32 $0x8, v16;
	v27 =	vadd.s32 $0x3, v16;
	v28 =	vadd.s32 $0x4, v16  }
0x7e: {  	v29 =	vadd.s32 $0x5, v16;
	v30 =	vand.u32 $0x7F, v16;
	v31 =	vadd.s32 $0x1, v16  }
0x7f: {  	v32 =	vadd.s32 $0x2, v16;
	v33 =	vand.u32 $0xFFFFFF80, v16;
	v34 =	vand.u32 $0x7F, v4  }
0x80: {  	v35 =	vand.u32 $0xFFFFFF80, v3;
	v3 =	vand.u32 $0x7F, v3;
	v4 =	vand.u32 $0xFFFFFF80, v4  }
0x81: {  	v36 =	vand.u32 $0x7F, v7;
	v37 =	vand.u32 $0xFFFFFF80, v2;
	v38 =	vand.u32 $0x7F, v2  }
0x82: {  	v39 =	vand.u32 $0xFFFFFF80, v6;
	v6 =	vand.u32 $0x7F, v6;
	v7 =	vand.u32 $0xFFFFFF80, v7  }
0x83: {  	v40 =	vand.u32 $0x7F, v10;
	v41 =	vand.u32 $0xFFFFFF80, v5;
	v2 =	vadd.s32 v1, v33  }
0x84: {  	v63 =	vand.u32 $0x7F, v5;
	v42 =	vand.u32 $0xFFFFFF80, v9;
	v9 =	vand.u32 $0x7F, v9  }
0x85: {  	v10 =	vand.u32 $0xFFFFFF80, v10;
	v45 =	vand.u32 $0x7F, v13;
	v46 =	vand.u32 $0xFFFFFF80, v8  }
0x86: {  	v47 =	vand.u32 $0x7F, v8;
	v48 =	vand.u32 $0xFFFFFF80, v12;
	v43 =	vand.u32 $0x7F, v12  }
0x87: {  	v12 =	vand.u32 $0xFFFFFF80, v13;
	v13 =	vand.u32 $0x7F, v17;
	v49 =	vand.u32 $0xFFFFFF80, v11  }
0x88: {  	v50 =	vand.u32 $0x7F, v11;
	v51 =	vand.u32 $0xFFFFFF80, v15;
	v52 =	vand.u32 $0x7F, v15  }
0x89: {  	v15 =	vand.u32 $0xFFFFFF80, v17;
	v17 =	vand.u32 $0x7F, v20;
	v53 =	vand.u32 $0xFFFFFF80, v14  }
0x8a: {  	v54 =	vand.u32 $0x7F, v14;
	v55 =	vand.u32 $0xFFFFFF80, v19;
	v56 =	vand.u32 $0x7F, v19  }
0x8b: {  	v19 =	vand.u32 $0xFFFFFF80, v20;
	v20 =	vand.u32 $0xFFFFFF80, v18;
	v57 =	vand.u32 $0x7F, v18  }
0x8c: {  	v58 =	vand.u32 $0xFFFFFF80, v22;
	v22 =	vand.u32 $0x7F, v22;
	v59 =	vand.u32 $0x7F, v26  }
0x8d: {  	v60 =	vand.u32 $0xFFFFFF80, v21;
	v21 =	vand.u32 $0x7F, v21;
	v61 =	vand.u32 $0xFFFFFF80, v25  }
0x8e: {  	v25 =	vand.u32 $0x7F, v25;
	v62 =	vand.u32 $0xFFFFFF80, v26;
	v44 =	vand.u32 $0xFFFFFF80, v24  }
0x8f: {  	v30 =	vor.u32 v30, v2;
	v2 =	vadd.s32 v1, v4;
	v4 =	vadd.s32 v1, v7  }
0x90: {  	v7 =	vadd.s32 v1, v35;
	v14 =	vadd.s32 v1, v15;
	v18 =	vadd.s32 v1, v19  }
0x91: {  	v2 =	vor.u32 v34, v2;
	v5 =	vor.u32 v36, v4;
	v4 =	vadd.s32 v1, v37  }
0x92: {  	v3 =	vor.u32 v3, v7;
	v7 =	vadd.s32 v1, v10;
	v10 =	vadd.s32 v1, v39  }
0x93: {  	v15 =	vor.u32 v13, v14;
	v13 =	vadd.s32 v1, v49;
	v19 =	vor.u32 v17, v18  }
0x94: {  	v17 =	vadd.s32 v1, v53;
	v36 =	vadd.s32 v1, v62;
	v49 =	vadd.s32 v1, v44  }
0x95: {  	v34 =	vadd.s32 v1, v61;
	v4 =	vor.u32 v38, v4;
	v8 =	vor.u32 v40, v7  }
0x96: {  	v7 =	vadd.s32 v1, v41;
	v6 =	vor.u32 v6, v10;
	v10 =	vadd.s32 v1, v12  }
0x97: {  	v14 =	vor.u32 v50, v13;
	v13 =	vadd.s32 v1, v48;
	v18 =	vor.u32 v54, v17  }
0x98: {  	v17 =	vadd.s32 v1, v51;
	v36 =	vor.u32 v59, v36;
	v48 =	vadd.s32 v1, v58  }
0x99: {  	v25 =	vor.u32 v25, v34;
	v7 =	vor.u32 v63, v7;
	v12 =	vor.u32 v45, v10  }
0x9a: {  	v10 =	vadd.s32 v1, v46;
	v13 =	vor.u32 v43, v13;
	v17 =	vor.u32 v52, v17  }
0x9b: {  	v63 =	vand.u32 $0x7F, v29;
	v45 =	vand.u32 $0xFFFFFF80, v28;
	v28 =	vand.u32 $0x7F, v28  }
0x9c: {  	v29 =	vand.u32 $0xFFFFFF80, v29;
	v46 =	vadd.s32 v1, v60;
	v38 =	vor.u32 v22, v48  }
0x9d: {  	v22 =	vand.u32 $0xFFFFFF80, v31;
	v11 =	vor.u32 v47, v10;
	v10 =	vadd.s32 v1, v42  }
0x9e: {  	v10 =	vor.u32 v9, v10;
	v9 =	vand.u32 $0x7F, v23;
	v23 =	vand.u32 $0xFFFFFF80, v23  }
0x9f: {  	v31 =	vand.u32 $0x7F, v31;
	v47 =	vand.u32 $0x7F, v32;
	v23 =	vadd.s32 v1, v23  }
0xa0: {  	v37 =	vor.u32 v21, v46;
	v26 =	vor.u32 v9, v23;
	v9 =	vadd.s32 v1, v20  }
0xa1: {  	s5 =	simm.s32 $0x700;
	v20 =	vand.u32 $0x7F, v24;
	v24 =	vor.u32 v57, v9;
	v9 =	vadd.s32 v1, v55  }
0xa2: {  	v21 =	vand.u32 $0xFFFFFF80, v27;
	v27 =	vand.u32 $0x7F, v27;
	v23 =	vor.u32 v56, v9;
	v9 =	vld [tilespmem:s5+$0x0]  }
0xa3: {  	v32 =	vand.u32 $0xFFFFFF80, v32;
	v29 =	vadd.s32 v1, v29;
	v22 =	vadd.s32 v1, v22  }
0xa4: {  	v35 =	vadd.s32 v1, v45;
	v29 =	vor.u32 v63, v29;
	v22 =	vor.u32 v31, v22  }
0xa5: {  	v21 =	vadd.s32 v1, v21;
	v32 =	vadd.s32 v1, v32;
	v28 =	vor.u32 v28, v35  }
0xa6: {  	v32 =	vor.u32 v47, v32;
	v21 =	vor.u32 v27, v21;
	v20 =	vor.u32 v20, v49  }
0xa7: {  	v31 =	vand.u32 $0xFFFFFF80, v9;
	v50 =	vand.u32 $0x7F, v9;
	v51 =	vadd.s32 $0x1, v9  }
0xa8: {  	v53 =	vadd.s32 $0x2, v9;
	v56 =	vadd.s32 $0x3, v9;
	v59 =	vadd.s32 $0x4, v9  }
0xa9: {  	v62 =	vadd.s32 $0x5, v9;
	v45 =	vadd.s32 $0x8, v9;
	v31 =	vadd.s32 v1, v31  }
0xaa: {  	v46 =	vadd.s32 $0x7, v9;
	v52 =	vand.u32 $0xFFFFFF80, v51;
	v31 =	vor.u32 v50, v31  }
0xab: {  	v48 =	vadd.s32 $0x9, v9;
	v40 =	vand.u32 $0x7F, v51;
	v33 =	vadd.s32 v1, v52  }
0xac: {  	v30 =	vld.idx.msk [tilespmem:v30+s17+$0x0], $0xffff;
	v41 =	vadd.s32 $0xE, v9;
	v43 =	vadd.s32 $0x15, v9;
	v33 =	vor.u32 v40, v33  }
0xad: {  	v22 =	vld.idx.msk [tilespmem:v22+s17+$0x0], $0xffff;
	v54 =	vand.u32 $0xFFFFFF80, v53;
	v55 =	vand.u32 $0x7F, v53;
	v57 =	vand.u32 $0xFFFFFF80, v56  }
0xae: {  	v28 =	vld.idx.msk [tilespmem:v28+s17+$0x0], $0xffff;
	v58 =	vand.u32 $0x7F, v56;
	v60 =	vand.u32 $0xFFFFFF80, v59;
	v34 =	vadd.s32 v1, v54  }
0xaf: {  	v61 =	vand.u32 $0x7F, v59;
	v35 =	vadd.s32 v1, v60;
	v27 =	vor.u32 v55, v34;
	v31 =	vld.idx.msk [tilespmem:v31+s19+$0x0], $0xffff  }
0xb0: {  	v32 =	vld.idx.msk [tilespmem:v32+s17+$0x0], $0xffff;
	v63 =	vand.u32 $0xFFFFFF80, v62;
	v34 =	vadd.s32 v1, v57;
	v35 =	vor.u32 v61, v35  }
0xb1: {  	v47 =	vand.u32 $0xFFFFFF80, v45;
	v49 =	vand.u32 $0xFFFFFF80, v48;
	v34 =	vor.u32 v58, v34;
	v33 =	vld.idx.msk [tilespmem:v33+s19+$0x0], $0xffff  }
0xb2: {  	v59 =	vld.idx.msk [tilespmem:v26+s17+$0x0], $0xffff;
	v26 =	vadd.s32 $0x1D, v9;
	v39 =	vadd.s32 v1, v63;
	v40 =	vand.u32 $0x7F, v62  }
0xb3: {  	v21 =	vld.idx.msk [tilespmem:v21+s17+$0x0], $0xffff;
	v42 =	vand.u32 $0xFFFFFF80, v41;
	v50 =	vadd.s32 $0xA, v9;
	v39 =	vor.u32 v40, v39  }
0xb4: {  	v63 =	vadd.s32 $0x19, v9;
	v58 =	vadd.s32 $0xD, v9;
	v27 =	vld.idx.msk [tilespmem:v27+s19+$0x0], $0xffff;
	v30 =	vmul.f32 v31, v30  }
0xb5: {  	v62 =	vadd.s32 $0x18, v9;
	v60 =	vand.u32 $0xFFFFFF80, v58;
	v35 =	vld.idx.msk [tilespmem:v35+s19+$0x0], $0xffff;
	v31 =	vadd.s32 $0x6, v9  }
0xb6: {  	v34 =	vld.idx.msk [tilespmem:v34+s19+$0x0], $0xffff;
	v44 =	vand.u32 $0xFFFFFF80, v31;
	v22 =	vmul.f32 v33, v22;
	v30 =	vadd.f32 $0.0e+00, v30  }
0xb7: {  	v29 =	vld.idx.msk [tilespmem:v29+s17+$0x0], $0xffff;
	v61 =	vand.u32 $0x7F, v58;
	v31 =	vand.u32 $0x7F, v31;
	v40 =	vadd.s32 v1, v44  }
0xb8: {  	v39 =	vld.idx.msk [tilespmem:v39+s19+$0x0], $0xffff;
	v31 =	vor.u32 v31, v40;
	v22 =	vadd.f32 v22, v30;
	v30 =	vand.u32 $0xFFFFFF80, v46  }
0xb9: {  	v27 =	vmul.f32 v27, v32;
	v40 =	vand.u32 $0x7F, v46;
	v30 =	vadd.s32 v1, v30  }
0xba: {  	v33 =	vand.u32 $0x7F, v45;
	v32 =	vadd.s32 v1, v47;
	v30 =	vor.u32 v40, v30  }
0xbb: {  	v52 =	vld.idx.msk [tilespmem:v20+s17+$0x0], $0xffff;
	v20 =	vmul.f32 v35, v28;
	v21 =	vmul.f32 v34, v21;
	v22 =	vadd.f32 v27, v22  }
0xbc: {  	v32 =	vor.u32 v33, v32;
	v33 =	vand.u32 $0x7F, v48;
	v34 =	vadd.s32 v1, v49  }
0xbd: {  	v29 =	vmul.f32 v39, v29;
	v21 =	vadd.f32 v21, v22;
	v22 =	vand.u32 $0xFFFFFF80, v50;
	v28 =	vld.idx.msk [tilespmem:v31+s19+$0x0], $0xffff  }
0xbe: {  	v53 =	vld.idx.msk [tilespmem:v25+s17+$0x0], $0xffff;
	v33 =	vor.u32 v33, v34;
	v31 =	vand.u32 $0x7F, v50;
	v22 =	vadd.s32 v1, v22  }
0xbf: {  	v27 =	vadd.s32 $0x1E, v16;
	v31 =	vor.u32 v31, v22;
	v22 =	vadd.s32 $0xB, v9;
	v30 =	vld.idx.msk [tilespmem:v30+s19+$0x0], $0xffff  }
0xc0: {  	v36 =	vld.idx.msk [tilespmem:v36+s17+$0x0], $0xffff;
	v25 =	vadd.f32 v20, v21;
	v20 =	vand.u32 $0xFFFFFF80, v27;
	v54 =	vand.u32 $0xFFFFFF80, v22  }
0xc1: {  	v32 =	vld.idx.msk [tilespmem:v32+s19+$0x0], $0xffff;
	v21 =	vand.u32 $0x7F, v27;
	v27 =	vand.u32 $0x7F, v22;
	v35 =	vadd.s32 v1, v54  }
0xc2: {  	v37 =	vld.idx.msk [tilespmem:v37+s17+$0x0], $0xffff;
	v29 =	vadd.f32 v29, v25;
	v35 =	vor.u32 v27, v35;
	v28 =	vmul.f32 v28, v52  }
0xc3: {  	v45 =	vadd.s32 $0x10, v9;
	v47 =	vadd.s32 $0x11, v9;
	v33 =	vld.idx.msk [tilespmem:v33+s19+$0x0], $0xffff;
	v27 =	vadd.s32 $0xC, v9  }
0xc4: {  	v38 =	vld.idx.msk [tilespmem:v38+s17+$0x0], $0xffff;
	v55 =	vand.u32 $0xFFFFFF80, v27;
	v28 =	vadd.f32 v28, v29;
	v29 =	vmul.f32 v30, v53  }
0xc5: {  	v48 =	vadd.s32 $0x12, v9;
	v56 =	vand.u32 $0x7F, v27;
	v39 =	vadd.s32 v1, v55;
	v31 =	vld.idx.msk [tilespmem:v31+s19+$0x0], $0xffff  }
0xc6: {  	v57 =	vor.u32 v56, v39;
	v28 =	vadd.f32 v29, v28;
	v29 =	vmul.f32 v32, v36  }
0xc7: {  	v44 =	vadd.s32 $0xF, v9;
	v49 =	vand.u32 $0xFFFFFF80, v48;
	v46 =	vand.u32 $0xFFFFFF80, v45;
	v35 =	vld.idx.msk [tilespmem:v35+s19+$0x0], $0xffff  }
0xc8: {  	v16 =	vadd.s32 $0x1F, v16;
	v28 =	vadd.f32 v29, v28;
	v29 =	vmul.f32 v33, v37  }
0xc9: {  	v51 =	vand.u32 $0xFFFFFF80, v16;
	v16 =	vand.u32 $0x7F, v16;
	v32 =	vadd.s32 v1, v60  }
0xca: {  	v24 =	vld.idx.msk [tilespmem:v24+s17+$0x0], $0xffff;
	v32 =	vor.u32 v61, v32;
	v28 =	vadd.f32 v29, v28;
	v29 =	vmul.f32 v31, v38  }
0xcb: {  	v50 =	vadd.s32 $0x13, v9;
	v22 =	vadd.s32 v1, v20;
	v36 =	vand.u32 $0x7F, v41;
	v34 =	vld.idx.msk [tilespmem:v57+s19+$0x0], $0xffff  }
0xcc: {  	v38 =	vadd.s32 v1, v42;
	v28 =	vadd.f32 v29, v28;
	v29 =	vmul.f32 v35, v59  }
0xcd: {  	v20 =	vadd.s32 v1, v51;
	v51 =	vadd.s32 $0x14, v9;
	v36 =	vor.u32 v36, v38  }
0xce: {  	v23 =	vld.idx.msk [tilespmem:v23+s17+$0x0], $0xffff;
	v25 =	vadd.s32 $0x1E, v9;
	v28 =	vadd.f32 v29, v28;
	v29 =	vand.u32 $0xFFFFFF80, v44  }
0xcf: {  	v54 =	vadd.s32 $0x17, v9;
	v39 =	vand.u32 $0x7F, v44;
	v32 =	vld.idx.msk [tilespmem:v32+s19+$0x0], $0xffff;
	v29 =	vadd.s32 v1, v29  }
0xd0: {  	v52 =	vand.u32 $0xFFFFFF80, v51;
	v24 =	vmul.f32 v34, v24;
	v29 =	vor.u32 v39, v29  }
0xd1: {  	v19 =	vld.idx.msk [tilespmem:v19+s17+$0x0], $0xffff;
	v58 =	vand.u32 $0x7F, v54;
	v38 =	vand.u32 $0x7F, v45;
	v34 =	vadd.s32 v1, v46  }
0xd2: {  	v34 =	vor.u32 v38, v34;
	v24 =	vadd.f32 v24, v28;
	v28 =	vand.u32 $0xFFFFFF80, v47;
	v36 =	vld.idx.msk [tilespmem:v36+s19+$0x0], $0xffff  }
0xd3: {  	v15 =	vld.idx.msk [tilespmem:v15+s17+$0x0], $0xffff;
	v27 =	vadd.s32 $0x1C, v9;
	v39 =	vand.u32 $0x7F, v47;
	v28 =	vadd.s32 v1, v28  }
0xd4: {  	v18 =	vld.idx.msk [tilespmem:v18+s17+$0x0], $0xffff;
	v30 =	vadd.s32 $0x1B, v9;
	v23 =	vmul.f32 v32, v23;
	v28 =	vor.u32 v39, v28  }
0xd5: {  	v53 =	vadd.s32 $0x16, v9;
	v38 =	vand.u32 $0x7F, v48;
	v32 =	vadd.s32 v1, v49;
	v29 =	vld.idx.msk [tilespmem:v29+s19+$0x0], $0xffff  }
0xd6: {  	v17 =	vld.idx.msk [tilespmem:v17+s17+$0x0], $0xffff;
	v32 =	vor.u32 v38, v32;
	v23 =	vadd.f32 v23, v24;
	v24 =	vand.u32 $0xFFFFFF80, v50  }
0xd7: {  	v39 =	vand.u32 $0x7F, v50;
	v34 =	vld.idx.msk [tilespmem:v34+s19+$0x0], $0xffff;
	v24 =	vadd.s32 v1, v24;
	v19 =	vmul.f32 v36, v19  }
0xd8: {  	v14 =	vld.idx.msk [tilespmem:v14+s17+$0x0], $0xffff;
	v38 =	vand.u32 $0x7F, v51;
	v36 =	vadd.s32 v1, v52;
	v24 =	vor.u32 v39, v24  }
0xd9: {  	v36 =	vor.u32 v38, v36;
	v28 =	vld.idx.msk [tilespmem:v28+s19+$0x0], $0xffff;
	v19 =	vadd.f32 v19, v23;
	v23 =	vand.u32 $0xFFFFFF80, v43  }
0xda: {  	v13 =	vld.idx.msk [tilespmem:v13+s17+$0x0], $0xffff;
	v35 =	vand.u32 $0x7F, v43;
	v23 =	vadd.s32 v1, v23;
	v18 =	vmul.f32 v29, v18  }
0xdb: {  	v55 =	vand.u32 $0xFFFFFF80, v53;
	v56 =	vand.u32 $0x7F, v53;
	v23 =	vor.u32 v35, v23;
	v29 =	vld.idx.msk [tilespmem:v32+s19+$0x0], $0xffff  }
0xdc: {  	v12 =	vld.idx.msk [tilespmem:v12+s17+$0x0], $0xffff;
	v60 =	vand.u32 $0x7F, v63;
	v17 =	vmul.f32 v34, v17;
	v18 =	vadd.f32 v18, v19  }
0xdd: {  	v33 =	vand.u32 $0x7F, v62;
	v57 =	vand.u32 $0xFFFFFF80, v54;
	v24 =	vld.idx.msk [tilespmem:v24+s19+$0x0], $0xffff;
	v19 =	vadd.s32 v1, v55  }
0xde: {  	v15 =	vmul.f32 v28, v15;
	v28 =	vld.idx.msk [tilespmem:v36+s19+$0x0], $0xffff;
	v19 =	vor.u32 v56, v19;
	v17 =	vadd.f32 v17, v18  }
0xdf: {  	v11 =	vld.idx.msk [tilespmem:v11+s17+$0x0], $0xffff;
	v31 =	vadd.s32 $0x1A, v9;
	v59 =	vand.u32 $0xFFFFFF80, v62;
	v18 =	vadd.s32 v1, v57  }
0xe0: {  	v23 =	vld.idx.msk [tilespmem:v23+s19+$0x0], $0xffff;
	v18 =	vor.u32 v58, v18;
	v14 =	vmul.f32 v29, v14;
	v15 =	vadd.f32 v15, v17  }
0xe1: {  	v9 =	vadd.s32 $0x1F, v9;
	v29 =	vand.u32 $0xFFFFFF80, v63;
	v17 =	vadd.s32 v1, v59  }
0xe2: {  	v10 =	vld.idx.msk [tilespmem:v10+s17+$0x0], $0xffff;
	v13 =	vmul.f32 v24, v13;
	v17 =	vor.u32 v33, v17;
	v14 =	vadd.f32 v14, v15  }
0xe3: {  	v24 =	vand.u32 $0xFFFFFF80, v31;
	v12 =	vmul.f32 v28, v12;
	v15 =	vadd.s32 v1, v29;
	v19 =	vld.idx.msk [tilespmem:v19+s19+$0x0], $0xffff  }
0xe4: {  	v8 =	vld.idx.msk [tilespmem:v8+s17+$0x0], $0xffff;
	v28 =	vand.u32 $0x7F, v30;
	v15 =	vor.u32 v60, v15;
	v13 =	vadd.f32 v13, v14  }
0xe5: {  	v29 =	vand.u32 $0x7F, v31;
	v11 =	vmul.f32 v23, v11;
	v14 =	vadd.s32 v1, v24;
	v18 =	vld.idx.msk [tilespmem:v18+s19+$0x0], $0xffff  }
0xe6: {  	v7 =	vld.idx.msk [tilespmem:v7+s17+$0x0], $0xffff;
	v24 =	vand.u32 $0xFFFFFF80, v30;
	v14 =	vor.u32 v29, v14;
	v12 =	vadd.f32 v12, v13  }
0xe7: {  	v23 =	vand.u32 $0xFFFFFF80, v27;
	v13 =	vadd.s32 v1, v24;
	v17 =	vld.idx.msk [tilespmem:v17+s19+$0x0], $0xffff;
	v24 =	vand.u32 $0x7F, v27  }
0xe8: {  	v6 =	vld.idx.msk [tilespmem:v6+s17+$0x0], $0xffff;
	v13 =	vor.u32 v28, v13;
	v10 =	vmul.f32 v19, v10;
	v11 =	vadd.f32 v11, v12  }
0xe9: {  	v19 =	vand.u32 $0xFFFFFF80, v26;
	v12 =	vadd.s32 v1, v23;
	v15 =	vld.idx.msk [tilespmem:v15+s19+$0x0], $0xffff;
	v23 =	vand.u32 $0x7F, v26  }
0xea: {  	v5 =	vld.idx.msk [tilespmem:v5+s17+$0x0], $0xffff;
	v12 =	vor.u32 v24, v12;
	v8 =	vmul.f32 v18, v8;
	v10 =	vadd.f32 v10, v11  }
0xeb: {  	v18 =	vand.u32 $0xFFFFFF80, v25;
	v11 =	vadd.s32 v1, v19;
	v14 =	vld.idx.msk [tilespmem:v14+s19+$0x0], $0xffff;
	v19 =	vand.u32 $0x7F, v25  }
0xec: {  	v4 =	vld.idx.msk [tilespmem:v4+s17+$0x0], $0xffff;
	v11 =	vor.u32 v23, v11;
	v7 =	vmul.f32 v17, v7;
	v8 =	vadd.f32 v8, v10  }
0xed: {  	v17 =	vor.u32 v21, v22;
	v10 =	vadd.s32 v1, v18;
	v13 =	vld.idx.msk [tilespmem:v13+s19+$0x0], $0xffff;
	v18 =	vand.u32 $0xFFFFFF80, v9  }
0xee: {  	v3 =	vld.idx.msk [tilespmem:v3+s17+$0x0], $0xffff;
	v10 =	vor.u32 v19, v10;
	v6 =	vmul.f32 v15, v6;
	v7 =	vadd.f32 v7, v8  }
0xef: {  	v9 =	vand.u32 $0x7F, v9;
	v1 =	vadd.s32 v1, v18;
	v8 =	vor.u32 v16, v20;
	v12 =	vld.idx.msk [tilespmem:v12+s19+$0x0], $0xffff  }
0xf0: {  	v2 =	vld.idx.msk [tilespmem:v2+s17+$0x0], $0xffff;
	v1 =	vor.u32 v9, v1;
	v5 =	vmul.f32 v14, v5;
	v6 =	vadd.f32 v6, v7  }
0xf1: {  	v7 =	vld.idx.msk [tilespmem:v11+s19+$0x0], $0xffff  }
0xf2: {  	v9 =	vld.idx.msk [tilespmem:v17+s17+$0x0], $0xffff;
	v4 =	vmul.f32 v13, v4;
	v5 =	vadd.f32 v5, v6  }
0xf3: {  	v6 =	vld.idx.msk [tilespmem:v10+s19+$0x0], $0xffff  }
0xf4: {  	v8 =	vld.idx.msk [tilespmem:v8+s17+$0x0], $0xffff;
	v3 =	vmul.f32 v12, v3;
	v4 =	vadd.f32 v4, v5  }
0xf5: {  	v1 =	vld.idx.msk [tilespmem:v1+s19+$0x0], $0xffff  }
0xf6: {  	v2 =	vmul.f32 v7, v2;
	v3 =	vadd.f32 v3, v4;
	_ =	sdelay $0x1  }
0xf7: {  	v2 =	vadd.f32 v2, v3;
	v3 =	vmul.f32 v6, v9;
	_ =	sdelay $0x1  }
0xf8: {  	v1 =	vmul.f32 v1, v8;
	v2 =	vadd.f32 v3, v2;
	_ =	sdelay $0x1  }
0xf9: {  	v1 =	vadd.f32 v1, v2;
	_ =	sdelay $0x1  }
0xfa: {  	s31 =	simm.s32 $0x610;
	[tilespmem:s28+$0x0] =	vst v1  }
0xfb: {  	v2 =	vld [tilespmem:s31+$0x0];
	_ =	sdelay $0x1  }
0xfc: {  	s5 =	simm.s32 $0x10  }
0xfd: {  	v1 =	vmov s5  }
0xfe: {  	v1 =	vshll.u32 v1, $0x7  }
0xff: {  	v1 =	vor.u32 v0, v1;
	v3 =	vadd.s32 $0x1E, v2;
	v4 =	vadd.s32 $0x1F, v2  }
0x100: {  	v5 =	vadd.s32 $0x1B, v2;
	v6 =	vadd.s32 $0x1C, v2;
	v7 =	vadd.s32 $0x1D, v2  }
0x101: {  	v8 =	vadd.s32 $0x18, v2;
	v9 =	vadd.s32 $0x19, v2;
	v10 =	vadd.s32 $0x1A, v2  }
0x102: {  	v11 =	vadd.s32 $0x15, v2;
	v12 =	vadd.s32 $0x16, v2;
	v13 =	vadd.s32 $0x17, v2  }
0x103: {  	v14 =	vadd.s32 $0x12, v2;
	v15 =	vadd.s32 $0x13, v2;
	v16 =	vadd.s32 $0x14, v2  }
0x104: {  	v17 =	vadd.s32 $0xF, v2;
	v18 =	vadd.s32 $0x10, v2;
	v19 =	vadd.s32 $0x11, v2  }
0x105: {  	v22 =	vadd.s32 $0xC, v2;
	v20 =	vadd.s32 $0xD, v2;
	v23 =	vadd.s32 $0xE, v2  }
0x106: {  	v25 =	vadd.s32 $0x9, v2;
	v26 =	vadd.s32 $0xA, v2;
	v27 =	vadd.s32 $0xB, v2  }
0x107: {  	v28 =	vadd.s32 $0x6, v2;
	v29 =	vadd.s32 $0x7, v2;
	v30 =	vadd.s32 $0x8, v2  }
0x108: {  	v35 =	vadd.s32 $0x3, v2;
	v32 =	vadd.s32 $0x4, v2;
	v34 =	vadd.s32 $0x5, v2  }
0x109: {  	v21 =	vand.u32 $0x7F, v2;
	v36 =	vadd.s32 $0x1, v2;
	v37 =	vadd.s32 $0x2, v2  }
0x10a: {  	v2 =	vand.u32 $0xFFFFFF80, v2;
	v24 =	vand.u32 $0xFFFFFF80, v4;
	v61 =	vand.u32 $0x7F, v4  }
0x10b: {  	v4 =	vand.u32 $0x7F, v7;
	v62 =	vand.u32 $0xFFFFFF80, v3;
	v3 =	vand.u32 $0x7F, v3  }
0x10c: {  	v63 =	vand.u32 $0xFFFFFF80, v6;
	v45 =	vand.u32 $0x7F, v6;
	v2 =	vadd.s32 v1, v2  }
0x10d: {  	v6 =	vand.u32 $0xFFFFFF80, v7;
	v0 =	vand.u32 $0x7F, v10;
	v46 =	vand.u32 $0xFFFFFF80, v9  }
0x10e: {  	v47 =	vand.u32 $0x7F, v9;
	v48 =	vand.u32 $0x7F, v16;
	v49 =	vand.u32 $0x7F, v15  }
0x10f: {  	v50 =	vand.u32 $0x7F, v19;
	v51 =	vand.u32 $0x7F, v14;
	v52 =	vand.u32 $0xFFFFFF80, v18  }
0x110: {  	v18 =	vand.u32 $0x7F, v18;
	v19 =	vand.u32 $0xFFFFFF80, v19;
	v53 =	vand.u32 $0xFFFFFF80, v17  }
0x111: {  	v17 =	vand.u32 $0x7F, v17;
	v54 =	vand.u32 $0xFFFFFF80, v20;
	v55 =	vand.u32 $0x7F, v20  }
0x112: {  	v56 =	vand.u32 $0x7F, v22;
	v57 =	vand.u32 $0x7F, v26;
	v58 =	vand.u32 $0x7F, v25  }
0x113: {  	v44 =	vand.u32 $0x7F, v29;
	v59 =	vand.u32 $0xFFFFFF80, v28;
	v60 =	vand.u32 $0x7F, v28  }
0x114: {  	v31 =	vor.u32 v21, v2;
	v21 =	vand.u32 $0xFFFFFF80, v5;
	v5 =	vand.u32 $0x7F, v5  }
0x115: {  	v2 =	vadd.s32 v1, v6;
	v6 =	vand.u32 $0xFFFFFF80, v10;
	v9 =	vadd.s32 v1, v24  }
0x116: {  	v10 =	vand.u32 $0x7F, v13;
	v24 =	vand.u32 $0xFFFFFF80, v12;
	v12 =	vand.u32 $0x7F, v12  }
0x117: {  	v13 =	vand.u32 $0xFFFFFF80, v13;
	v19 =	vadd.s32 v1, v19;
	v2 =	vor.u32 v4, v2  }
0x118: {  	v6 =	vadd.s32 v1, v6;
	v13 =	vadd.s32 v1, v13;
	[tilespmem:$0x1FF60] =	vst v2;
	v2 =	vadd.s32 v1, v62  }
0x119: {  	v0 =	vor.u32 v0, v6;
	v62 =	vand.u32 $0x7F, v36;
	v2 =	vor.u32 v3, v2  }
0x11a: {  	[tilespmem:$0x1FF90] =	vst v0;
	v0 =	vadd.s32 v1, v21;
	v21 =	vadd.s32 v1, v63;
	v63 =	vand.u32 $0xFFFFFF80, v37  }
0x11b: {  	[tilespmem:$0x1FF70] =	vst v2;
	v2 =	vor.u32 v61, v9;
	v9 =	vand.u32 $0xFFFFFF80, v8;
	v0 =	vor.u32 v5, v0  }
0x11c: {  	v8 =	vand.u32 $0x7F, v8;
	v61 =	vadd.s32 v1, v59;
	[tilespmem:$0x1FFA0] =	vst v0;
	v0 =	vor.u32 v45, v21  }
0x11d: {  	v21 =	vand.u32 $0xFFFFFF80, v11;
	v11 =	vand.u32 $0x7F, v11;
	v9 =	vadd.s32 v1, v9  }
0x11e: {  	v40 =	vor.u32 v60, v61;
	[tilespmem:$0x1FFB0] =	vst v0;
	v0 =	vor.u32 v10, v13;
	v13 =	vand.u32 $0xFFFFFF80, v15  }
0x11f: {  	v15 =	vand.u32 $0xFFFFFF80, v16;
	v16 =	vadd.s32 v1, v46;
	[tilespmem:$0x1FFC0] =	vst v0;
	v0 =	vor.u32 v8, v9  }
0x120: {  	v8 =	vor.u32 v50, v19;
	v13 =	vadd.s32 v1, v13;
	[tilespmem:$0x1FFD0] =	vst v0;
	v0 =	vor.u32 v47, v16  }
0x121: {  	v16 =	vand.u32 $0xFFFFFF80, v14;
	v14 =	vadd.s32 v1, v15;
	v9 =	vor.u32 v49, v13  }
0x122: {  	v13 =	vand.u32 $0xFFFFFF80, v22;
	[tilespmem:$0x1FFE0] =	vst v0;
	v5 =	vor.u32 v48, v14;
	v0 =	vadd.s32 v1, v21  }
0x123: {  	v21 =	vadd.s32 v1, v24;
	v16 =	vadd.s32 v1, v16;
	v13 =	vadd.s32 v1, v13  }
0x124: {  	v14 =	vor.u32 v11, v0;
	v11 =	vand.u32 $0x7F, v23;
	v45 =	vor.u32 v12, v21  }
0x125: {  	v23 =	vand.u32 $0xFFFFFF80, v23;
	v15 =	vor.u32 v51, v16;
	v16 =	vand.u32 $0x7F, v27  }
0x126: {  	v21 =	vor.u32 v56, v13;
	v13 =	vand.u32 $0x7F, v34;
	v22 =	vadd.s32 v1, v23  }
0x127: {  	v0 =	vand.u32 $0x7F, v35;
	v10 =	vor.u32 v11, v22;
	v11 =	vand.u32 $0xFFFFFF80, v26  }
0x128: {  	v26 =	vand.u32 $0xFFFFFF80, v27;
	v22 =	vadd.s32 v1, v53;
	v27 =	vadd.s32 v1, v52  }
0x129: {  	v20 =	vor.u32 v17, v22;
	v17 =	vand.u32 $0x7F, v30;
	v6 =	vor.u32 v18, v27  }
0x12a: {  	v18 =	vand.u32 $0xFFFFFF80, v25;
	v25 =	vadd.s32 v1, v26;
	v11 =	vadd.s32 v1, v11  }
0x12b: {  	v23 =	vor.u32 v16, v25;
	v16 =	vand.u32 $0xFFFFFF80, v29;
	v29 =	vand.u32 $0xFFFFFF80, v30  }
0x12c: {  	v25 =	vadd.s32 v1, v54;
	v18 =	vadd.s32 v1, v18;
	v4 =	vor.u32 v57, v11  }
0x12d: {  	v11 =	vand.u32 $0xFFFFFF80, v35;
	v28 =	vadd.s32 v1, v29;
	v29 =	vand.u32 $0xFFFFFF80, v34  }
0x12e: {  	s0 =	simm.s32 $0x710;
	v12 =	vor.u32 v55, v25;
	v24 =	vor.u32 v58, v18;
	v29 =	vadd.s32 v1, v29  }
0x12f: {  	v18 =	vand.u32 $0x7F, v37;
	v16 =	vadd.s32 v1, v16;
	v43 =	vor.u32 v13, v29;
	v29 =	vld [tilespmem:s0+$0x0]  }
0x130: {  	v11 =	vadd.s32 v1, v11;
	v26 =	vor.u32 v17, v28;
	v17 =	vand.u32 $0xFFFFFF80, v32  }
0x131: {  	v32 =	vand.u32 $0x7F, v32;
	v39 =	vor.u32 v44, v16;
	v50 =	vor.u32 v0, v11  }
0x132: {  	v13 =	vand.u32 $0xFFFFFF80, v36;
	v17 =	vadd.s32 v1, v17;
	v36 =	vadd.s32 v1, v63  }
0x133: {  	v13 =	vadd.s32 v1, v13;
	v51 =	vor.u32 v18, v36;
	v48 =	vor.u32 v32, v17  }
0x134: {  	v52 =	vor.u32 v62, v13;
	v13 =	vadd.s32 $0x1E, v29;
	v11 =	vadd.s32 $0x1F, v29  }
0x135: {  	s30 =	simm.s32 $0x10C00;
	s5 =	simm.s32 $0x20;
	[tilespmem:$0x1FF80] =	vst v2;
	v18 =	vadd.s32 $0x1B, v29;
	v17 =	vadd.s32 $0x1C, v29;
	v16 =	vadd.s32 $0x1D, v29  }
.LBB2_2:
0x136: {  	v34 =	vadd.s32 $0x18, v29;
	v32 =	vadd.s32 $0x19, v29;
	v7 =	vadd.s32 $0x1A, v29  }
0x137: {  	v38 =	vadd.s32 $0x15, v29;
	v37 =	vadd.s32 $0x16, v29;
	v36 =	vadd.s32 $0x17, v29  }
0x138: {  	v44 =	vadd.s32 $0x12, v29;
	v42 =	vadd.s32 $0x13, v29;
	v41 =	vadd.s32 $0x14, v29  }
0x139: {  	v47 =	vadd.s32 $0xF, v29;
	v46 =	vadd.s32 $0x10, v29;
	v19 =	vmovc v9;
	v9 =	vmovc v45;
	v45 =	vadd.s32 $0x11, v29;
	v35 =	vld.idx.msk [tilespmem:v31+s17+$0x0], $0xffff  }
0x13a: {  	v53 =	vand.u32 $0xFFFFFF80, v29;
	v54 =	vadd.s32 $0xD, v29;
	v49 =	vadd.s32 $0xE, v29;
	v52 =	vld.idx.msk [tilespmem:v52+s17+$0x0], $0xffff  }
0x13b: {  	v55 =	vand.u32 $0x7F, v29;
	v56 =	vadd.s32 $0x1, v29;
	v57 =	vadd.s32 $0xC, v29;
	v51 =	vld.idx.msk [tilespmem:v51+s17+$0x0], $0xffff  }
0x13c: {  	v58 =	vadd.s32 $0x2, v29;
	v59 =	vadd.s32 $0xB, v29;
	v50 =	vld.idx.msk [tilespmem:v50+s17+$0x0], $0xffff;
	v53 =	vadd.s32 v1, v53  }
0x13d: {  	v60 =	vadd.s32 $0x3, v29;
	v48 =	vld.idx.msk [tilespmem:v48+s17+$0x0], $0xffff;
	v62 =	vand.u32 $0xFFFFFF80, v56;
	v53 =	vor.u32 v55, v53  }
0x13e: {  	v61 =	vadd.s32 $0xA, v29;
	v43 =	vld.idx.msk [tilespmem:v43+s17+$0x0], $0xffff;
	v56 =	vand.u32 $0x7F, v56;
	v55 =	vadd.s32 v1, v62  }
0x13f: {  	v0 =	vadd.s32 $0x5, v29;
	v40 =	vld.idx.msk [tilespmem:v40+s17+$0x0], $0xffff;
	v63 =	vand.u32 $0xFFFFFF80, v58;
	v55 =	vor.u32 v56, v55  }
0x140: {  	v2 =	vadd.s32 $0x8, v29;
	v39 =	vld.idx.msk [tilespmem:v39+s17+$0x0], $0xffff;
	v58 =	vand.u32 $0x7F, v58;
	v56 =	vadd.s32 v1, v63  }
0x141: {  	v3 =	vadd.s32 $0x6, v29;
	v30 =	vld.idx.msk [tilespmem:v24+s17+$0x0], $0xffff;
	v33 =	vand.u32 $0xFFFFFF80, v60;
	v56 =	vor.u32 v58, v56  }
0x142: {  	v60 =	vand.u32 $0x7F, v60;
	v62 =	vadd.s32 $0x4, v29;
	v58 =	vadd.s32 v1, v33;
	v53 =	vld.idx.msk [tilespmem:v53+s19+$0x0], $0xffff  }
0x143: {  	v28 =	vld.idx.msk [tilespmem:v4+s17+$0x0], $0xffff;
	v63 =	vadd.s32 $0x9, v29;
	v33 =	vand.u32 $0xFFFFFF80, v62;
	v58 =	vor.u32 v60, v58  }
0x144: {  	v62 =	vand.u32 $0x7F, v62;
	v60 =	vadd.s32 v1, v33;
	v33 =	vand.u32 $0xFFFFFF80, v0;
	v55 =	vld.idx.msk [tilespmem:v55+s19+$0x0], $0xffff  }
0x145: {  	v4 =	vld [tilespmem:$0x1FFC0];
	v0 =	vand.u32 $0x7F, v0;
	v60 =	vor.u32 v62, v60;
	v62 =	vadd.s32 v1, v33  }
0x146: {  	v29 =	vadd.s32 $0x7, v29;
	v0 =	vor.u32 v0, v62;
	v62 =	vand.u32 $0xFFFFFF80, v3;
	v56 =	vld.idx.msk [tilespmem:v56+s19+$0x0], $0xffff  }
0x147: {  	v27 =	vld.idx.msk [tilespmem:v23+s17+$0x0], $0xffff;
	v3 =	vand.u32 $0x7F, v3;
	v33 =	vadd.s32 v1, v62;
	v35 =	vmul.f32 v53, v35  }
0x148: {  	v62 =	vand.u32 $0xFFFFFF80, v29;
	v29 =	vand.u32 $0x7F, v29;
	v3 =	vor.u32 v3, v33;
	v53 =	vld.idx.msk [tilespmem:v58+s19+$0x0], $0xffff  }
0x149: {  	v25 =	vld.idx.msk [tilespmem:v12+s17+$0x0], $0xffff;
	v58 =	vadd.s32 v1, v62;
	v52 =	vmul.f32 v55, v52;
	v35 =	vadd.f32 $0.0e+00, v35  }
0x14a: {  	v62 =	vand.u32 $0xFFFFFF80, v2;
	v2 =	vand.u32 $0x7F, v2;
	v55 =	vld.idx.msk [tilespmem:v60+s19+$0x0], $0xffff;
	v29 =	vor.u32 v29, v58  }
0x14b: {  	v24 =	vld.idx.msk [tilespmem:v10+s17+$0x0], $0xffff;
	v60 =	vadd.s32 v1, v62;
	v51 =	vmul.f32 v56, v51;
	v35 =	vadd.f32 v52, v35  }
0x14c: {  	v0 =	vld.idx.msk [tilespmem:v0+s19+$0x0], $0xffff;
	v62 =	vand.u32 $0xFFFFFF80, v63;
	v63 =	vand.u32 $0x7F, v63;
	v58 =	vand.u32 $0xFFFFFF80, v61  }
0x14d: {  	v10 =	vld.idx.msk [tilespmem:v4+s17+$0x0], $0xffff;
	v2 =	vor.u32 v2, v60;
	v50 =	vmul.f32 v53, v50;
	v35 =	vadd.f32 v51, v35  }
0x14e: {  	v3 =	vld.idx.msk [tilespmem:v3+s19+$0x0], $0xffff;
	v33 =	vadd.s32 v1, v62;
	v60 =	vand.u32 $0x7F, v61;
	v61 =	vadd.s32 v1, v58  }
0x14f: {  	v4 =	vld [tilespmem:$0x1FFD0];
	v51 =	vor.u32 v63, v33;
	v48 =	vmul.f32 v55, v48;
	v35 =	vadd.f32 v50, v35  }
0x150: {  	v62 =	vand.u32 $0xFFFFFF80, v59;
	v56 =	vand.u32 $0xFFFFFF80, v57;
	v57 =	vand.u32 $0x7F, v57;
	v29 =	vld.idx.msk [tilespmem:v29+s19+$0x0], $0xffff  }
0x151: {  	v0 =	vmul.f32 v0, v43;
	v33 =	vld.idx.msk [tilespmem:v26+s17+$0x0], $0xffff;
	v50 =	vor.u32 v60, v61;
	v35 =	vadd.f32 v48, v35  }
0x152: {  	v63 =	vand.u32 $0x7F, v59;
	v55 =	vadd.s32 v1, v62;
	v59 =	vadd.s32 v1, v56;
	v2 =	vld.idx.msk [tilespmem:v2+s19+$0x0], $0xffff  }
0x153: {  	v23 =	vld.idx.msk [tilespmem:v20+s17+$0x0], $0xffff;
	v43 =	vor.u32 v63, v55;
	v3 =	vmul.f32 v3, v40;
	v0 =	vadd.f32 v0, v35  }
0x154: {  	v53 =	vand.u32 $0xFFFFFF80, v47;
	v47 =	vand.u32 $0x7F, v47;
	v40 =	vor.u32 v57, v59;
	v58 =	vld.idx.msk [tilespmem:v51+s19+$0x0], $0xffff  }
0x155: {  	v12 =	vld.idx.msk [tilespmem:v9+s17+$0x0], $0xffff;
	v60 =	vand.u32 $0xFFFFFF80, v54;
	v0 =	vadd.f32 v3, v0;
	v3 =	vmul.f32 v29, v39  }
0x156: {  	v63 =	vand.u32 $0xFFFFFF80, v49;
	v61 =	vand.u32 $0x7F, v54;
	v62 =	vadd.s32 v1, v60;
	v29 =	vld.idx.msk [tilespmem:v50+s19+$0x0], $0xffff  }
0x157: {  	v9 =	vld.idx.msk [tilespmem:v4+s17+$0x0], $0xffff;
	v2 =	vmul.f32 v2, v33;
	v39 =	vor.u32 v61, v62;
	v0 =	vadd.f32 v3, v0  }
0x158: {  	v49 =	vand.u32 $0x7F, v49;
	v52 =	vadd.s32 v1, v63;
	v54 =	vadd.s32 v1, v53;
	v3 =	vld.idx.msk [tilespmem:v43+s19+$0x0], $0xffff  }
0x159: {  	v26 =	vld.idx.msk [tilespmem:v21+s17+$0x0], $0xffff;
	v33 =	vor.u32 v49, v52;
	v0 =	vadd.f32 v2, v0;
	v2 =	vmul.f32 v58, v30  }
0x15a: {  	v56 =	vand.u32 $0x7F, v46;
	v55 =	vand.u32 $0xFFFFFF80, v46;
	v35 =	vor.u32 v47, v54;
	v30 =	vld.idx.msk [tilespmem:v40+s19+$0x0], $0xffff  }
0x15b: {  	v4 =	vld [tilespmem:$0x1FFE0];
	v0 =	vadd.f32 v2, v0;
	v2 =	vmul.f32 v29, v28;
	v29 =	vadd.s32 v1, v55  }
0x15c: {  	v57 =	vand.u32 $0xFFFFFF80, v45;
	v58 =	vand.u32 $0x7F, v45;
	v28 =	vld.idx.msk [tilespmem:v39+s19+$0x0], $0xffff;
	v29 =	vor.u32 v56, v29  }
0x15d: {  	v22 =	vld.idx.msk [tilespmem:v6+s17+$0x0], $0xffff;
	v0 =	vadd.f32 v2, v0;
	v2 =	vmul.f32 v3, v27;
	v27 =	vadd.s32 v1, v57  }
0x15e: {  	v59 =	vand.u32 $0xFFFFFF80, v44;
	v60 =	vand.u32 $0x7F, v44;
	v3 =	vld.idx.msk [tilespmem:v33+s19+$0x0], $0xffff;
	v27 =	vor.u32 v58, v27  }
0x15f: {  	v20 =	vld.idx.msk [tilespmem:v15+s17+$0x0], $0xffff;
	v0 =	vadd.f32 v2, v0;
	v2 =	vmul.f32 v30, v26;
	v30 =	vadd.s32 v1, v59  }
0x160: {  	v61 =	vand.u32 $0xFFFFFF80, v42;
	v62 =	vand.u32 $0x7F, v42;
	v26 =	vld.idx.msk [tilespmem:v35+s19+$0x0], $0xffff;
	v30 =	vor.u32 v60, v30  }
0x161: {  	v21 =	vld.idx.msk [tilespmem:v8+s17+$0x0], $0xffff;
	v0 =	vadd.f32 v2, v0;
	v2 =	vmul.f32 v28, v25;
	v28 =	vadd.s32 v1, v61  }
0x162: {  	v63 =	vand.u32 $0x7F, v41;
	v25 =	vld.idx.msk [tilespmem:v29+s19+$0x0], $0xffff;
	v29 =	vand.u32 $0xFFFFFF80, v41;
	v28 =	vor.u32 v62, v28  }
0x163: {  	v8 =	vld.idx.msk [tilespmem:v4+s17+$0x0], $0xffff;
	v0 =	vadd.f32 v2, v0;
	v2 =	vmul.f32 v3, v24;
	v24 =	vadd.s32 v1, v29  }
0x164: {  	v3 =	vld.idx.msk [tilespmem:v27+s19+$0x0], $0xffff;
	v27 =	vand.u32 $0xFFFFFF80, v38;
	v29 =	vand.u32 $0x7F, v38;
	v24 =	vor.u32 v63, v24  }
0x165: {  	v4 =	vld [tilespmem:$0x1FF90];
	v0 =	vadd.f32 v2, v0;
	v2 =	vmul.f32 v26, v23;
	v26 =	vadd.s32 v1, v27  }
0x166: {  	v23 =	vld.idx.msk [tilespmem:v30+s19+$0x0], $0xffff;
	v27 =	vand.u32 $0xFFFFFF80, v37;
	v26 =	vor.u32 v29, v26;
	v29 =	vand.u32 $0x7F, v37  }
0x167: {  	v19 =	vld.idx.msk [tilespmem:v19+s17+$0x0], $0xffff;
	v0 =	vadd.f32 v2, v0;
	v2 =	vmul.f32 v25, v22;
	v25 =	vadd.s32 v1, v27  }
0x168: {  	v22 =	vld.idx.msk [tilespmem:v28+s19+$0x0], $0xffff;
	v25 =	vor.u32 v29, v25  }
0x169: {  	v0 =	vadd.f32 v2, v0;
	v2 =	vmul.f32 v3, v21;
	_ =	sdelay $0x1  }
0x16a: {  	v3 =	vld.idx.msk [tilespmem:v24+s19+$0x0], $0xffff;
	v24 =	vand.u32 $0xFFFFFF80, v34;
	v0 =	vadd.f32 v2, v0;
	v2 =	vmul.f32 v23, v20  }
0x16b: {  	v23 =	vadd.s32 v1, v24  }
0x16c: {  	v24 =	vand.u32 $0xFFFFFF80, v32;
	v0 =	vadd.f32 v2, v0;
	v2 =	vmul.f32 v22, v19;
	v19 =	vld.idx.msk [tilespmem:v25+s19+$0x0], $0xffff  }
0x16d: {  	v22 =	vadd.s32 v1, v24;
	v24 =	vand.u32 $0xFFFFFF80, v7;
	v25 =	vand.u32 $0x7F, v7;
	v7 =	vld.idx.msk [tilespmem:v4+s17+$0x0], $0xffff  }
0x16e: {  	v27 =	vand.u32 $0xFFFFFF80, v36;
	v4 =	vld [tilespmem:$0x1FFA0]  }
0x16f: {  	v28 =	vand.u32 $0x7F, v36;
	v21 =	vadd.s32 v1, v27  }
0x170: {  	v15 =	vld.idx.msk [tilespmem:v5+s17+$0x0], $0xffff;
	v21 =	vor.u32 v28, v21;
	_ =	sdelay $0x1  }
0x171: {  	v14 =	vld.idx.msk [tilespmem:v14+s17+$0x0], $0xffff  }
0x172: {  	v27 =	vand.u32 $0x7F, v34;
	v20 =	vld.idx.msk [tilespmem:v26+s19+$0x0], $0xffff  }
0x173: {  	v23 =	vor.u32 v27, v23  }
0x174: {  	v26 =	vand.u32 $0x7F, v32;
	v0 =	vadd.f32 v2, v0;
	v2 =	vmul.f32 v3, v15;
	v3 =	vld.idx.msk [tilespmem:v21+s19+$0x0], $0xffff  }
0x175: {  	v22 =	vor.u32 v26, v22;
	v15 =	vadd.s32 v1, v24;
	v6 =	vld.idx.msk [tilespmem:v4+s17+$0x0], $0xffff  }
0x176: {  	v21 =	vand.u32 $0xFFFFFF80, v18;
	v18 =	vand.u32 $0x7F, v18;
	v15 =	vor.u32 v25, v15;
	v4 =	vld [tilespmem:$0x1FFB0]  }
0x177: {  	v0 =	vadd.f32 v2, v0;
	v2 =	vmul.f32 v20, v14;
	v20 =	vadd.s32 v1, v21  }
0x178: {  	v14 =	vld.idx.msk [tilespmem:v23+s19+$0x0], $0xffff;
	v18 =	vor.u32 v18, v20  }
0x179: {  	v0 =	vadd.f32 v2, v0;
	v2 =	vmul.f32 v19, v12  }
0x17a: {  	v12 =	vld.idx.msk [tilespmem:v22+s19+$0x0], $0xffff  }
0x17b: {  	v0 =	vadd.f32 v2, v0;
	v2 =	vmul.f32 v3, v10  }
0x17c: {  	v20 =	vand.u32 $0xFFFFFF80, v17;
	v17 =	vand.u32 $0x7F, v17;
	v3 =	vld.idx.msk [tilespmem:v15+s19+$0x0], $0xffff  }
0x17d: {  	v19 =	vadd.s32 v1, v20;
	v0 =	vadd.f32 v2, v0;
	v2 =	vmul.f32 v14, v9;
	v9 =	vld.idx.msk [tilespmem:v18+s19+$0x0], $0xffff  }
0x17e: {  	v17 =	vor.u32 v17, v19;
	v19 =	vand.u32 $0xFFFFFF80, v16;
	v16 =	vand.u32 $0x7F, v16;
	v5 =	vld.idx.msk [tilespmem:v4+s17+$0x0], $0xffff  }
0x17f: {  	v10 =	vadd.s32 v1, v19;
	v0 =	vadd.f32 v2, v0;
	v2 =	vmul.f32 v12, v8;
	v4 =	vld [tilespmem:$0x1FF60]  }
0x180: {  	v15 =	vand.u32 $0xFFFFFF80, v13;
	v13 =	vand.u32 $0x7F, v13;
	v10 =	vor.u32 v16, v10  }
0x181: {  	v14 =	vadd.s32 v1, v15;
	v0 =	vadd.f32 v2, v0;
	v2 =	vmul.f32 v3, v7;
	v7 =	vld [tilespmem:$0x1FF70]  }
0x182: {  	v13 =	vor.u32 v13, v14  }
0x183: {  	v14 =	vand.u32 $0xFFFFFF80, v11;
	v0 =	vadd.f32 v2, v0;
	v2 =	vmul.f32 v9, v6;
	v9 =	vld [tilespmem:$0x1FF80]  }
0x184: {  	v11 =	vand.u32 $0x7F, v11;
	v1 =	vadd.s32 v1, v14  }
0x185: {  	v8 =	vld.idx.msk [tilespmem:v17+s19+$0x0], $0xffff;
	v1 =	vor.u32 v11, v1  }
0x186: {  	v3 =	vld.idx.msk [tilespmem:v10+s19+$0x0], $0xffff  }
0x187: {  	v4 =	vld.idx.msk [tilespmem:v4+s17+$0x0], $0xffff  }
0x188: {  	v6 =	vld.idx.msk [tilespmem:v13+s19+$0x0], $0xffff  }
0x189: {  	v7 =	vld.idx.msk [tilespmem:v7+s17+$0x0], $0xffff  }
0x18a: {  	v0 =	vadd.f32 v2, v0;
	v1 =	vld.idx.msk [tilespmem:v1+s19+$0x0], $0xffff;
	v2 =	vmul.f32 v8, v5  }
0x18b: {  	v9 =	vld.idx.msk [tilespmem:v9+s17+$0x0], $0xffff  }
0x18c: {  	v0 =	vadd.f32 v2, v0;
	v2 =	vmul.f32 v3, v4;
	_ =	sdelay $0x1  }
0x18d: {  	v0 =	vadd.f32 v2, v0;
	v2 =	vmul.f32 v6, v7;
	_ =	sdelay $0x1  }
0x18e: {  	v1 =	vmul.f32 v1, v9;
	v0 =	vadd.f32 v2, v0;
	_ =	sdelay $0x1  }
0x18f: {  	v0 =	vadd.f32 v1, v0  }
0x190: {  	s30 =	sadd.s32 $0x10, s30  }
0x191: {  	s31 =	sadd.s32 $0x10, s31;
	v2 =	vld [tilespmem:$0x1FFF0];
	[tilespmem:s30+$0x0] =	vst v0  }
0x192: {  	v0 =	vld [tilespmem:s31+$0x0];
	_ =	sdelay $0x2  }
0x193: {  	v1 =	vmov s5  }
0x194: {  	v1 =	vshll.u32 v1, $0x7  }
0x195: {  	v1 =	vor.u32 v2, v1;
	v2 =	vadd.s32 $0x1E, v0;
	v3 =	vadd.s32 $0x1F, v0  }
0x196: {  	v4 =	vadd.s32 $0x1B, v0;
	v5 =	vadd.s32 $0x1C, v0;
	v6 =	vadd.s32 $0x1D, v0  }
0x197: {  	v7 =	vadd.s32 $0x18, v0;
	v8 =	vadd.s32 $0x19, v0;
	v9 =	vadd.s32 $0x1A, v0  }
0x198: {  	v10 =	vadd.s32 $0x15, v0;
	v11 =	vadd.s32 $0x16, v0;
	v12 =	vadd.s32 $0x17, v0  }
0x199: {  	v13 =	vadd.s32 $0x12, v0;
	v14 =	vadd.s32 $0x13, v0;
	v15 =	vadd.s32 $0x14, v0  }
0x19a: {  	v16 =	vadd.s32 $0xF, v0;
	v17 =	vadd.s32 $0x10, v0;
	v18 =	vadd.s32 $0x11, v0  }
0x19b: {  	v19 =	vadd.s32 $0xC, v0;
	v20 =	vadd.s32 $0xD, v0;
	v21 =	vadd.s32 $0xE, v0  }
0x19c: {  	v22 =	vadd.s32 $0x9, v0;
	v23 =	vadd.s32 $0xA, v0;
	v24 =	vadd.s32 $0xB, v0  }
0x19d: {  	v25 =	vadd.s32 $0x6, v0;
	v26 =	vadd.s32 $0x7, v0;
	v27 =	vadd.s32 $0x8, v0  }
0x19e: {  	v28 =	vadd.s32 $0x3, v0;
	v29 =	vadd.s32 $0x4, v0;
	v30 =	vadd.s32 $0x5, v0  }
0x19f: {  	v31 =	vand.u32 $0x7F, v0;
	v32 =	vadd.s32 $0x1, v0;
	v33 =	vadd.s32 $0x2, v0  }
0x1a0: {  	[tilespmem:$0x1FF40] =	vst v31;
	v31 =	vand.u32 $0xFFFFFF80, v0;
	v34 =	vand.u32 $0xFFFFFF80, v3;
	v0 =	vand.u32 $0x7F, v3  }
0x1a1: {  	v36 =	vand.u32 $0x7F, v6;
	v35 =	vand.u32 $0xFFFFFF80, v2;
	v3 =	vand.u32 $0x7F, v2  }
0x1a2: {  	v37 =	vand.u32 $0xFFFFFF80, v5;
	v5 =	vand.u32 $0x7F, v5;
	v6 =	vand.u32 $0xFFFFFF80, v6  }
0x1a3: {  	v38 =	vand.u32 $0x7F, v9;
	v39 =	vand.u32 $0xFFFFFF80, v4;
	v40 =	vand.u32 $0x7F, v4  }
0x1a4: {  	v4 =	vand.u32 $0xFFFFFF80, v8;
	v8 =	vand.u32 $0x7F, v8;
	v9 =	vand.u32 $0xFFFFFF80, v9  }
0x1a5: {  	v41 =	vand.u32 $0x7F, v12;
	v42 =	vand.u32 $0xFFFFFF80, v7;
	v43 =	vand.u32 $0x7F, v7  }
0x1a6: {  	v7 =	vand.u32 $0xFFFFFF80, v11;
	v11 =	vand.u32 $0x7F, v11;
	v12 =	vand.u32 $0xFFFFFF80, v12  }
0x1a7: {  	v44 =	vand.u32 $0x7F, v15;
	v45 =	vand.u32 $0xFFFFFF80, v10;
	v46 =	vand.u32 $0x7F, v10  }
0x1a8: {  	v10 =	vand.u32 $0xFFFFFF80, v14;
	v47 =	vand.u32 $0x7F, v14;
	v14 =	vand.u32 $0xFFFFFF80, v15  }
0x1a9: {  	v48 =	vand.u32 $0x7F, v18;
	v15 =	vand.u32 $0xFFFFFF80, v13;
	v13 =	vand.u32 $0x7F, v13  }
0x1aa: {  	v49 =	vand.u32 $0xFFFFFF80, v17;
	v17 =	vand.u32 $0x7F, v17;
	v18 =	vand.u32 $0xFFFFFF80, v18  }
0x1ab: {  	v50 =	vand.u32 $0x7F, v21;
	v51 =	vand.u32 $0xFFFFFF80, v16;
	v16 =	vand.u32 $0x7F, v16  }
0x1ac: {  	v52 =	vand.u32 $0xFFFFFF80, v20;
	v53 =	vand.u32 $0x7F, v20;
	v20 =	vand.u32 $0xFFFFFF80, v21  }
0x1ad: {  	v54 =	vand.u32 $0x7F, v24;
	v21 =	vand.u32 $0xFFFFFF80, v19;
	v55 =	vand.u32 $0x7F, v19  }
0x1ae: {  	v19 =	vand.u32 $0xFFFFFF80, v23;
	v56 =	vand.u32 $0x7F, v23;
	v23 =	vand.u32 $0xFFFFFF80, v24  }
0x1af: {  	v57 =	vand.u32 $0x7F, v27;
	v24 =	vand.u32 $0xFFFFFF80, v22;
	v58 =	vand.u32 $0x7F, v22  }
0x1b0: {  	v22 =	vand.u32 $0xFFFFFF80, v26;
	v59 =	vand.u32 $0x7F, v26;
	v26 =	vand.u32 $0xFFFFFF80, v27  }
0x1b1: {  	v60 =	vand.u32 $0x7F, v30;
	v27 =	vand.u32 $0xFFFFFF80, v25;
	v61 =	vand.u32 $0x7F, v25  }
0x1b2: {  	v25 =	vand.u32 $0xFFFFFF80, v29;
	v62 =	vand.u32 $0x7F, v29;
	v29 =	vand.u32 $0xFFFFFF80, v30  }
0x1b3: {  	v63 =	vand.u32 $0x7F, v33;
	v30 =	vand.u32 $0xFFFFFF80, v28;
	v28 =	vand.u32 $0x7F, v28  }
0x1b4: {  	v33 =	vand.u32 $0xFFFFFF80, v33;
	[tilespmem:$0x1FF50] =	vst v0;
	v0 =	vand.u32 $0xFFFFFF80, v32;
	v32 =	vand.u32 $0x7F, v32  }
0x1b5: {  	v31 =	vadd.s32 v1, v31;
	v35 =	vadd.s32 v1, v35;
	v34 =	vadd.s32 v1, v34  }
0x1b6: {  	v39 =	vadd.s32 v1, v39;
	v37 =	vadd.s32 v1, v37;
	v6 =	vadd.s32 v1, v6  }
0x1b7: {  	v42 =	vadd.s32 v1, v42;
	v4 =	vadd.s32 v1, v4;
	v9 =	vadd.s32 v1, v9  }
0x1b8: {  	v45 =	vadd.s32 v1, v45;
	v2 =	vadd.s32 v1, v7;
	v12 =	vadd.s32 v1, v12  }
0x1b9: {  	v15 =	vadd.s32 v1, v15;
	v10 =	vadd.s32 v1, v10;
	v14 =	vadd.s32 v1, v14  }
0x1ba: {  	v51 =	vadd.s32 v1, v51;
	v49 =	vadd.s32 v1, v49;
	v18 =	vadd.s32 v1, v18  }
0x1bb: {  	v21 =	vadd.s32 v1, v21;
	v52 =	vadd.s32 v1, v52;
	v20 =	vadd.s32 v1, v20  }
0x1bc: {  	v24 =	vadd.s32 v1, v24;
	v7 =	vadd.s32 v1, v29;
	v29 =	vld [tilespmem:$0x1FF40];
	v3 =	vor.u32 v3, v35  }
0x1bd: {  	v19 =	vadd.s32 v1, v19;
	v23 =	vadd.s32 v1, v23;
	v27 =	vadd.s32 v1, v27;
	[tilespmem:$0x1FF70] =	vst v3;
	v3 =	vld [tilespmem:$0x1FF50]  }
0x1be: {  	v22 =	vadd.s32 v1, v22;
	v26 =	vadd.s32 v1, v26;
	v30 =	vadd.s32 v1, v30  }
0x1bf: {  	v25 =	vadd.s32 v1, v25;
	v33 =	vadd.s32 v1, v33;
	v0 =	vadd.s32 v1, v0  }
0x1c0: {  	v6 =	vor.u32 v36, v6;
	v15 =	vor.u32 v13, v15;
	v23 =	vor.u32 v54, v23  }
0x1c1: {  	s0 =	sadd.s32 $0x10, s0;
	v21 =	vor.u32 v55, v21;
	v26 =	vor.u32 v57, v26;
	v24 =	vor.u32 v58, v24  }
0x1c2: {  	[tilespmem:$0x1FF60] =	vst v6;
	v6 =	vor.u32 v17, v49;
	v31 =	vor.u32 v29, v31;
	v29 =	vld [tilespmem:s0+$0x0];
	v3 =	vor.u32 v3, v34  }
0x1c3: {  	[tilespmem:$0x1FF80] =	vst v3;
	v3 =	vor.u32 v38, v9;
	v9 =	vor.u32 v47, v10;
	v10 =	vor.u32 v50, v20  }
0x1c4: {  	v20 =	vor.u32 v16, v51;
	v51 =	vor.u32 v63, v33;
	v50 =	vor.u32 v28, v30  }
0x1c5: {  	[tilespmem:$0x1FF90] =	vst v3;
	v3 =	vor.u32 v40, v39;
	v40 =	vor.u32 v61, v27;
	v39 =	vor.u32 v59, v22  }
0x1c6: {  	p0 =	sne.s32 s5, $0x70;
	[tilespmem:$0x1FFA0] =	vst v3;
	v3 =	vor.u32 v5, v37;
	v5 =	vor.u32 v44, v14;
	v14 =	vor.u32 v46, v45  }
.Ltmp0:
0x1c7: {  	v45 =	vor.u32 v11, v2;
	v13 =	vadd.s32 $0x1E, v29;
	v11 =	vadd.s32 $0x1F, v29;
	(pc) =	sbr.rel @p0 .LBB2_2-.Ltmp0, $4  }
0x1c8: {  	v17 =	vadd.s32 $0x1C, v29;
	v16 =	vadd.s32 $0x1D, v29;
	[tilespmem:$0x1FFB0] =	vst v3;
	v3 =	vor.u32 v41, v12  }
0x1c9: {  	v12 =	vor.u32 v53, v52;
	v52 =	vor.u32 v32, v0;
	[tilespmem:$0x1FFC0] =	vst v3;
	v3 =	vor.u32 v43, v42  }
0x1ca: {  	v43 =	vor.u32 v60, v7;
	[tilespmem:$0x1FFD0] =	vst v3;
	v3 =	vor.u32 v8, v4;
	v8 =	vor.u32 v48, v18  }
0x1cb: {  	s5 =	sadd.s32 $0x10, s5;
	v4 =	vor.u32 v56, v19;
	v48 =	vor.u32 v62, v25;
	v18 =	vadd.s32 $0x1B, v29;
	[tilespmem:$0x1FFE0] =	vst v3  }
0x1cc: {  	v0 =	vand.u32 $0xFFFFFF80, v29  }
0x1cd: {  	v2 =	vand.u32 $0x7F, v29;
	v3 =	vadd.s32 $0x1, v29;
	v0 =	vadd.s32 v1, v0  }
0x1ce: {  	v0 =	vor.u32 v2, v0;
	v2 =	vand.u32 $0xFFFFFF80, v3  }
0x1cf: {  	v3 =	vand.u32 $0x7F, v3;
	v2 =	vadd.s32 v1, v2  }
0x1d0: {  	v7 =	vadd.s32 $0x2, v29;
	v2 =	vor.u32 v3, v2  }
0x1d1: {  	v3 =	vand.u32 $0xFFFFFF80, v7  }
0x1d2: {  	v19 =	vadd.s32 $0x3, v29;
	v22 =	vld.idx.msk [tilespmem:v31+s17+$0x0], $0xffff;
	v7 =	vand.u32 $0x7F, v7;
	v3 =	vadd.s32 v1, v3  }
0x1d3: {  	v3 =	vor.u32 v7, v3;
	v7 =	vand.u32 $0xFFFFFF80, v19;
	v0 =	vld.idx.msk [tilespmem:v0+s19+$0x0], $0xffff  }
0x1d4: {  	v25 =	vadd.s32 $0x4, v29;
	v27 =	vld.idx.msk [tilespmem:v52+s17+$0x0], $0xffff;
	v19 =	vand.u32 $0x7F, v19;
	v7 =	vadd.s32 v1, v7  }
0x1d5: {  	v7 =	vor.u32 v19, v7;
	v19 =	vand.u32 $0xFFFFFF80, v25;
	v2 =	vld.idx.msk [tilespmem:v2+s19+$0x0], $0xffff  }
0x1d6: {  	v28 =	vadd.s32 $0x5, v29;
	v25 =	vand.u32 $0x7F, v25;
	v19 =	vadd.s32 v1, v19  }
0x1d7: {  	v30 =	vld.idx.msk [tilespmem:v51+s17+$0x0], $0xffff;
	v19 =	vor.u32 v25, v19;
	v25 =	vand.u32 $0xFFFFFF80, v28  }
0x1d8: {  	v28 =	vand.u32 $0x7F, v28;
	v3 =	vld.idx.msk [tilespmem:v3+s19+$0x0], $0xffff;
	v25 =	vadd.s32 v1, v25;
	v0 =	vmul.f32 v0, v22  }
0x1d9: {  	v31 =	vld.idx.msk [tilespmem:v50+s17+$0x0], $0xffff;
	v22 =	vadd.s32 $0x6, v29;
	v25 =	vor.u32 v28, v25  }
0x1da: {  	v28 =	vand.u32 $0xFFFFFF80, v22;
	v7 =	vld.idx.msk [tilespmem:v7+s19+$0x0], $0xffff;
	v0 =	vadd.f32 $0.0e+00, v0;
	v2 =	vmul.f32 v2, v27  }
0x1db: {  	v32 =	vld.idx.msk [tilespmem:v48+s17+$0x0], $0xffff;
	v22 =	vand.u32 $0x7F, v22;
	v27 =	vadd.s32 $0x7, v29;
	v28 =	vadd.s32 v1, v28  }
0x1dc: {  	v22 =	vor.u32 v22, v28;
	v19 =	vld.idx.msk [tilespmem:v19+s19+$0x0], $0xffff;
	v0 =	vadd.f32 v2, v0;
	v2 =	vand.u32 $0xFFFFFF80, v27  }
0x1dd: {  	v3 =	vmul.f32 v3, v30;
	v27 =	vand.u32 $0x7F, v27;
	v2 =	vadd.s32 v1, v2  }
0x1de: {  	v28 =	vld.idx.msk [tilespmem:v43+s17+$0x0], $0xffff;
	v2 =	vor.u32 v27, v2;
	v27 =	vadd.s32 $0x8, v29  }
0x1df: {  	v25 =	vld.idx.msk [tilespmem:v25+s19+$0x0], $0xffff;
	v0 =	vadd.f32 v3, v0;
	v3 =	vmul.f32 v7, v31;
	v7 =	vand.u32 $0xFFFFFF80, v27  }
0x1e0: {  	v30 =	vld.idx.msk [tilespmem:v40+s17+$0x0], $0xffff;
	v27 =	vand.u32 $0x7F, v27;
	v7 =	vadd.s32 v1, v7  }
0x1e1: {  	v0 =	vadd.f32 v3, v0;
	v3 =	vld.idx.msk [tilespmem:v22+s19+$0x0], $0xffff;
	v19 =	vmul.f32 v19, v32;
	v7 =	vor.u32 v27, v7  }
0x1e2: {  	v22 =	vadd.s32 $0x9, v29;
	v27 =	vld.idx.msk [tilespmem:v39+s17+$0x0], $0xffff  }
0x1e3: {  	v0 =	vadd.f32 v19, v0;
	v19 =	vand.u32 $0xFFFFFF80, v22;
	v2 =	vld.idx.msk [tilespmem:v2+s19+$0x0], $0xffff  }
0x1e4: {  	v25 =	vmul.f32 v25, v28;
	v22 =	vand.u32 $0x7F, v22;
	v19 =	vadd.s32 v1, v19  }
0x1e5: {  	v19 =	vor.u32 v22, v19;
	v22 =	vld.idx.msk [tilespmem:v26+s17+$0x0], $0xffff  }
0x1e6: {  	v26 =	vadd.s32 $0xA, v29;
	v0 =	vadd.f32 v25, v0;
	v3 =	vmul.f32 v3, v30;
	v7 =	vld.idx.msk [tilespmem:v7+s19+$0x0], $0xffff  }
0x1e7: {  	v28 =	vand.u32 $0xFFFFFF80, v26;
	v26 =	vand.u32 $0x7F, v26  }
0x1e8: {  	v28 =	vadd.s32 v1, v28;
	v0 =	vadd.f32 v3, v0;
	v2 =	vmul.f32 v2, v27  }
0x1e9: {  	v24 =	vld.idx.msk [tilespmem:v24+s17+$0x0], $0xffff;
	v25 =	vadd.s32 $0x18, v29;
	v3 =	vadd.s32 $0x19, v29;
	v26 =	vor.u32 v26, v28  }
0x1ea: {  	v28 =	vadd.s32 $0xC, v29;
	v27 =	vadd.s32 $0xB, v29;
	v19 =	vld.idx.msk [tilespmem:v19+s19+$0x0], $0xffff;
	v0 =	vadd.f32 v2, v0  }
0x1eb: {  	v2 =	vand.u32 $0xFFFFFF80, v27;
	v27 =	vand.u32 $0x7F, v27;
	v7 =	vmul.f32 v7, v22  }
0x1ec: {  	v22 =	vand.u32 $0xFFFFFF80, v28;
	v2 =	vadd.s32 v1, v2;
	v28 =	vand.u32 $0x7F, v28  }
0x1ed: {  	v4 =	vld.idx.msk [tilespmem:v4+s17+$0x0], $0xffff;
	v22 =	vadd.s32 v1, v22;
	v2 =	vor.u32 v27, v2;
	v27 =	vadd.s32 $0xD, v29  }
0x1ee: {  	v26 =	vld.idx.msk [tilespmem:v26+s19+$0x0], $0xffff;
	v22 =	vor.u32 v28, v22;
	v28 =	vadd.s32 $0xE, v29;
	v0 =	vadd.f32 v7, v0  }
0x1ef: {  	v7 =	vand.u32 $0xFFFFFF80, v27;
	v27 =	vand.u32 $0x7F, v27;
	v19 =	vmul.f32 v19, v24  }
0x1f0: {  	v24 =	vand.u32 $0xFFFFFF80, v28;
	v7 =	vadd.s32 v1, v7;
	v28 =	vand.u32 $0x7F, v28  }
0x1f1: {  	v23 =	vld.idx.msk [tilespmem:v23+s17+$0x0], $0xffff;
	v24 =	vadd.s32 v1, v24;
	v7 =	vor.u32 v27, v7;
	v27 =	vadd.s32 $0xF, v29  }
0x1f2: {  	v24 =	vor.u32 v28, v24;
	v28 =	vadd.s32 $0x10, v29;
	v0 =	vadd.f32 v19, v0;
	v2 =	vld.idx.msk [tilespmem:v2+s19+$0x0], $0xffff  }
0x1f3: {  	v21 =	vld.idx.msk [tilespmem:v21+s17+$0x0], $0xffff;
	v19 =	vand.u32 $0xFFFFFF80, v27;
	v27 =	vand.u32 $0x7F, v27;
	v4 =	vmul.f32 v26, v4  }
0x1f4: {  	v12 =	vld.idx.msk [tilespmem:v12+s17+$0x0], $0xffff;
	v26 =	vand.u32 $0xFFFFFF80, v28;
	v19 =	vadd.s32 v1, v19;
	v28 =	vand.u32 $0x7F, v28  }
0x1f5: {  	v22 =	vld.idx.msk [tilespmem:v22+s19+$0x0], $0xffff;
	v26 =	vadd.s32 v1, v26;
	v19 =	vor.u32 v27, v19;
	v27 =	vadd.s32 $0x11, v29  }
0x1f6: {  	v26 =	vor.u32 v28, v26;
	v0 =	vadd.f32 v4, v0;
	v4 =	vand.u32 $0xFFFFFF80, v27;
	v7 =	vld.idx.msk [tilespmem:v7+s19+$0x0], $0xffff  }
0x1f7: {  	v27 =	vand.u32 $0x7F, v27;
	v4 =	vadd.s32 v1, v4;
	v2 =	vmul.f32 v2, v23  }
0x1f8: {  	v10 =	vld.idx.msk [tilespmem:v10+s17+$0x0], $0xffff;
	v28 =	vadd.s32 $0x1A, v29;
	v4 =	vor.u32 v27, v4;
	v27 =	vadd.s32 $0x12, v29  }
0x1f9: {  	v24 =	vld.idx.msk [tilespmem:v24+s19+$0x0], $0xffff;
	v23 =	vadd.s32 $0x15, v29;
	v0 =	vadd.f32 v2, v0;
	v2 =	vand.u32 $0xFFFFFF80, v27  }
0x1fa: {  	v20 =	vld.idx.msk [tilespmem:v20+s17+$0x0], $0xffff;
	v21 =	vmul.f32 v22, v21;
	v27 =	vand.u32 $0x7F, v27;
	v2 =	vadd.s32 v1, v2  }
0x1fb: {  	v6 =	vld.idx.msk [tilespmem:v6+s17+$0x0], $0xffff;
	v22 =	vadd.s32 $0x16, v29;
	v7 =	vmul.f32 v7, v12;
	v2 =	vor.u32 v27, v2  }
0x1fc: {  	v19 =	vld.idx.msk [tilespmem:v19+s19+$0x0], $0xffff;
	v27 =	vadd.s32 $0x13, v29;
	v0 =	vadd.f32 v21, v0;
	v21 =	vadd.s32 $0x17, v29  }
0x1fd: {  	v26 =	vld.idx.msk [tilespmem:v26+s19+$0x0], $0xffff;
	v29 =	vadd.s32 $0x14, v29;
	v12 =	vand.u32 $0xFFFFFF80, v27;
	v27 =	vand.u32 $0x7F, v27  }
0x1fe: {  	v8 =	vld.idx.msk [tilespmem:v8+s17+$0x0], $0xffff;
	v12 =	vadd.s32 v1, v12;
	v0 =	vadd.f32 v7, v0;
	v7 =	vmul.f32 v24, v10  }
0x1ff: {  	v4 =	vld.idx.msk [tilespmem:v4+s19+$0x0], $0xffff;
	v24 =	vand.u32 $0xFFFFFF80, v23;
	v12 =	vor.u32 v27, v12;
	v27 =	vand.u32 $0xFFFFFF80, v29  }
0x200: {  	v23 =	vand.u32 $0x7F, v23;
	v29 =	vand.u32 $0x7F, v29;
	v10 =	vadd.s32 v1, v27  }
0x201: {  	v15 =	vld.idx.msk [tilespmem:v15+s17+$0x0], $0xffff;
	v0 =	vadd.f32 v7, v0;
	v7 =	vmul.f32 v19, v20;
	v10 =	vor.u32 v29, v10  }
0x202: {  	v6 =	vmul.f32 v26, v6;
	v19 =	vadd.s32 v1, v24;
	v20 =	vand.u32 $0xFFFFFF80, v22;
	v2 =	vld.idx.msk [tilespmem:v2+s19+$0x0], $0xffff  }
0x203: {  	v9 =	vld.idx.msk [tilespmem:v9+s17+$0x0], $0xffff;
	v22 =	vand.u32 $0x7F, v22;
	v19 =	vor.u32 v23, v19;
	v0 =	vadd.f32 v7, v0  }
0x204: {  	v4 =	vmul.f32 v4, v8;
	v7 =	vadd.s32 v1, v20;
	v20 =	vand.u32 $0xFFFFFF80, v21;
	v12 =	vld.idx.msk [tilespmem:v12+s19+$0x0], $0xffff  }
0x205: {  	v5 =	vld.idx.msk [tilespmem:v5+s17+$0x0], $0xffff;
	v21 =	vand.u32 $0x7F, v21;
	v0 =	vadd.f32 v6, v0;
	v6 =	vadd.s32 v1, v20  }
0x206: {  	v7 =	vor.u32 v22, v7;
	v6 =	vor.u32 v21, v6;
	v8 =	vld.idx.msk [tilespmem:v10+s19+$0x0], $0xffff  }
0x207: {  	v14 =	vld.idx.msk [tilespmem:v14+s17+$0x0], $0xffff;
	v10 =	vand.u32 $0xFFFFFF80, v25;
	v0 =	vadd.f32 v4, v0;
	v2 =	vmul.f32 v2, v15  }
0x208: {  	v15 =	vand.u32 $0xFFFFFF80, v3;
	v3 =	vand.u32 $0x7F, v3;
	v4 =	vadd.s32 v1, v10;
	v10 =	vld.idx.msk [tilespmem:v19+s19+$0x0], $0xffff  }
0x209: {  	v19 =	vld.idx.msk [tilespmem:v45+s17+$0x0], $0xffff;
	v0 =	vadd.f32 v2, v0;
	v2 =	vmul.f32 v12, v9;
	v9 =	vadd.s32 v1, v15  }
0x20a: {  	v12 =	vand.u32 $0x7F, v28;
	v15 =	vld [tilespmem:$0x1FFC0];
	v3 =	vor.u32 v3, v9;
	v9 =	vand.u32 $0xFFFFFF80, v28  }
0x20b: {  	v7 =	vld.idx.msk [tilespmem:v7+s19+$0x0], $0xffff;
	v0 =	vadd.f32 v2, v0;
	v2 =	vmul.f32 v8, v5;
	v5 =	vadd.s32 v1, v9  }
0x20c: {  	v20 =	vand.u32 $0x7F, v25;
	v5 =	vor.u32 v12, v5;
	v12 =	vld [tilespmem:$0x1FFD0]  }
0x20d: {  	v4 =	vor.u32 v20, v4;
	v8 =	vand.u32 $0xFFFFFF80, v18;
	v9 =	vand.u32 $0x7F, v18  }
0x20e: {  	v8 =	vadd.s32 v1, v8;
	v0 =	vadd.f32 v2, v0;
	v2 =	vmul.f32 v10, v14  }
0x20f: {  	v8 =	vor.u32 v9, v8;
	v9 =	vand.u32 $0xFFFFFF80, v17;
	v10 =	vand.u32 $0x7F, v17;
	v14 =	vld [tilespmem:$0x1FFE0]  }
0x210: {  	v6 =	vld.idx.msk [tilespmem:v6+s19+$0x0], $0xffff;
	v0 =	vadd.f32 v2, v0;
	v2 =	vmul.f32 v7, v19;
	v7 =	vadd.s32 v1, v9  }
0x211: {  	v9 =	vand.u32 $0xFFFFFF80, v16;
	v7 =	vor.u32 v10, v7;
	v10 =	vand.u32 $0x7F, v16;
	v16 =	vld [tilespmem:$0x1FF90]  }
0x212: {  	v15 =	vld.idx.msk [tilespmem:v15+s17+$0x0], $0xffff  }
0x213: {  	v4 =	vld.idx.msk [tilespmem:v4+s19+$0x0], $0xffff  }
0x214: {  	v12 =	vld.idx.msk [tilespmem:v12+s17+$0x0], $0xffff  }
0x215: {  	v3 =	vld.idx.msk [tilespmem:v3+s19+$0x0], $0xffff  }
0x216: {  	v5 =	vld.idx.msk [tilespmem:v5+s19+$0x0], $0xffff  }
0x217: {  	v0 =	vadd.f32 v2, v0;
	v14 =	vld.idx.msk [tilespmem:v14+s17+$0x0], $0xffff;
	v2 =	vmul.f32 v6, v15;
	v6 =	vadd.s32 v1, v9  }
0x218: {  	v9 =	vand.u32 $0xFFFFFF80, v13;
	v6 =	vor.u32 v10, v6;
	v10 =	vand.u32 $0x7F, v13;
	v13 =	vld [tilespmem:$0x1FFA0]  }
0x219: {  	v16 =	vld.idx.msk [tilespmem:v16+s17+$0x0], $0xffff;
	v0 =	vadd.f32 v2, v0;
	v2 =	vmul.f32 v4, v12  }
0x21a: {  	v4 =	vadd.s32 v1, v9;
	v9 =	vld [tilespmem:$0x1FFB0]  }
0x21b: {  	v8 =	vld.idx.msk [tilespmem:v8+s19+$0x0], $0xffff;
	v4 =	vor.u32 v10, v4;
	v10 =	vand.u32 $0xFFFFFF80, v11;
	v0 =	vadd.f32 v2, v0  }
0x21c: {  	v2 =	vmul.f32 v3, v14;
	v3 =	vand.u32 $0x7F, v11;
	v1 =	vadd.s32 v1, v10;
	v10 =	vld [tilespmem:$0x1FF60]  }
0x21d: {  	v1 =	vor.u32 v3, v1;
	v3 =	vld.idx.msk [tilespmem:v6+s19+$0x0], $0xffff  }
0x21e: {  	v0 =	vadd.f32 v2, v0;
	v2 =	vmul.f32 v5, v16;
	v5 =	vld [tilespmem:$0x1FF70]  }
0x21f: {  	v6 =	vld [tilespmem:$0x1FF80]  }
0x220: {  	v13 =	vld.idx.msk [tilespmem:v13+s17+$0x0], $0xffff  }
0x221: {  	v7 =	vld.idx.msk [tilespmem:v7+s19+$0x0], $0xffff  }
0x222: {  	v9 =	vld.idx.msk [tilespmem:v9+s17+$0x0], $0xffff;
	_ =	sdelay $0x1  }
0x223: {  	v10 =	vld.idx.msk [tilespmem:v10+s17+$0x0], $0xffff  }
0x224: {  	v0 =	vadd.f32 v2, v0;
	v4 =	vld.idx.msk [tilespmem:v4+s19+$0x0], $0xffff;
	v2 =	vmul.f32 v8, v13  }
0x225: {  	v5 =	vld.idx.msk [tilespmem:v5+s17+$0x0], $0xffff  }
0x226: {  	v1 =	vld.idx.msk [tilespmem:v1+s19+$0x0], $0xffff;
	v0 =	vadd.f32 v2, v0;
	v2 =	vmul.f32 v7, v9  }
0x227: {  	v6 =	vld.idx.msk [tilespmem:v6+s17+$0x0], $0xffff  }
0x228: {  	v0 =	vadd.f32 v2, v0;
	v2 =	vmul.f32 v3, v10;
	_ =	sdelay $0x1  }
0x229: {  	v0 =	vadd.f32 v2, v0;
	v2 =	vmul.f32 v4, v5;
	_ =	sdelay $0x1  }
0x22a: {  	v1 =	vmul.f32 v1, v6;
	v0 =	vadd.f32 v2, v0;
	_ =	sdelay $0x1  }
0x22b: {  	v0 =	vadd.f32 v1, v0  }
0x22c: {  	s0 =	sadd.s32 $0x10, s30  }
0x22d: {  	[tilespmem:s0+$0x0] =	vst v0  }
0x22e: {  	v0 =	vld [tilespmem:$0x100];
	_ =	sdelay $0x1  }
0x22f: {  	v1 =	vld [tilespmem:$0x300];
	_ =	sdelay $0x1  }
0x230: {  	v2 =	vld [tilespmem:$0x110]  }
0x231: {  	v3 =	vshra.s32 v0, $0x2;
	v0 =	vshll.u32 v0, $0x5  }
0x232: {  	[tilespmem:$0x400] =	vst v3;
	v0 =	vand.u32 $0x60, v0;
	v3 =	vld [tilespmem:$0x310]  }
0x233: {  	[tilespmem:$0x600] =	vst v0;
	v0 =	vshra.s32 v1, $0x2;
	v1 =	vshll.u32 v1, $0x5  }
0x234: {  	[tilespmem:$0x500] =	vst v0;
	v0 =	vand.u32 $0x60, v1;
	v1 =	vld [tilespmem:$0x120]  }
0x235: {  	[tilespmem:$0x700] =	vst v0;
	v0 =	vshra.s32 v2, $0x2;
	v2 =	vshll.u32 v2, $0x5  }
0x236: {  	[tilespmem:$0x410] =	vst v0;
	v0 =	vand.u32 $0x60, v2;
	v2 =	vld [tilespmem:$0x320]  }
0x237: {  	[tilespmem:$0x610] =	vst v0;
	v0 =	vshra.s32 v3, $0x2;
	v3 =	vshll.u32 v3, $0x5  }
0x238: {  	[tilespmem:$0x510] =	vst v0;
	v0 =	vand.u32 $0x60, v3;
	v3 =	vld [tilespmem:$0x130]  }
0x239: {  	[tilespmem:$0x710] =	vst v0;
	v0 =	vshra.s32 v1, $0x2;
	v1 =	vshll.u32 v1, $0x5  }
0x23a: {  	[tilespmem:$0x420] =	vst v0;
	v0 =	vand.u32 $0x60, v1;
	v1 =	vld [tilespmem:$0x330]  }
0x23b: {  	[tilespmem:$0x620] =	vst v0;
	v0 =	vshra.s32 v2, $0x2;
	v2 =	vshll.u32 v2, $0x5  }
0x23c: {  	[tilespmem:$0x520] =	vst v0;
	v0 =	vand.u32 $0x60, v2;
	v2 =	vld [tilespmem:$0x140]  }
0x23d: {  	[tilespmem:$0x720] =	vst v0;
	v0 =	vshra.s32 v3, $0x2;
	v3 =	vshll.u32 v3, $0x5  }
0x23e: {  	[tilespmem:$0x430] =	vst v0;
	v0 =	vand.u32 $0x60, v3;
	v3 =	vld [tilespmem:$0x340]  }
0x23f: {  	[tilespmem:$0x630] =	vst v0;
	v0 =	vshra.s32 v1, $0x2;
	v1 =	vshll.u32 v1, $0x5  }
0x240: {  	[tilespmem:$0x530] =	vst v0;
	v0 =	vand.u32 $0x60, v1;
	v1 =	vld [tilespmem:$0x150]  }
0x241: {  	[tilespmem:$0x730] =	vst v0;
	v0 =	vshra.s32 v2, $0x2;
	v2 =	vshll.u32 v2, $0x5  }
0x242: {  	[tilespmem:$0x440] =	vst v0;
	v0 =	vand.u32 $0x60, v2;
	v2 =	vld [tilespmem:$0x350]  }
0x243: {  	[tilespmem:$0x640] =	vst v0;
	v0 =	vshra.s32 v3, $0x2;
	v3 =	vshll.u32 v3, $0x5  }
0x244: {  	[tilespmem:$0x540] =	vst v0;
	v0 =	vand.u32 $0x60, v3;
	v3 =	vld [tilespmem:$0x160]  }
0x245: {  	[tilespmem:$0x740] =	vst v0;
	v0 =	vshra.s32 v1, $0x2;
	v1 =	vshll.u32 v1, $0x5  }
0x246: {  	[tilespmem:$0x450] =	vst v0;
	v0 =	vand.u32 $0x60, v1;
	v1 =	vld [tilespmem:$0x360]  }
0x247: {  	[tilespmem:$0x650] =	vst v0;
	v0 =	vshra.s32 v2, $0x2;
	v2 =	vshll.u32 v2, $0x5  }
0x248: {  	[tilespmem:$0x550] =	vst v0;
	v0 =	vand.u32 $0x60, v2;
	v2 =	vld [tilespmem:$0x170]  }
0x249: {  	[tilespmem:$0x750] =	vst v0;
	v0 =	vshra.s32 v3, $0x2;
	v3 =	vshll.u32 v3, $0x5  }
0x24a: {  	[tilespmem:$0x460] =	vst v0;
	v0 =	vand.u32 $0x60, v3;
	v3 =	vld [tilespmem:$0x370]  }
0x24b: {  	[tilespmem:$0x660] =	vst v0;
	v0 =	vshra.s32 v1, $0x2;
	v1 =	vshll.u32 v1, $0x5  }
0x24c: {  	[tilespmem:$0x560] =	vst v0;
	v0 =	vand.u32 $0x60, v1  }
0x24d: {  	[tilespmem:$0x760] =	vst v0;
	v0 =	vshra.s32 v2, $0x2;
	v1 =	vshll.u32 v2, $0x5  }
0x24e: {  	[tilespmem:$0x470] =	vst v0;
	v0 =	vand.u32 $0x60, v1  }
0x24f: {  	[tilespmem:$0x670] =	vst v0;
	v0 =	vshra.s32 v3, $0x2;
	v1 =	vshll.u32 v3, $0x5  }
0x250: {  	[tilespmem:$0x570] =	vst v0;
	v0 =	vand.u32 $0x60, v1  }
0x251: {  	[tilespmem:$0x770] =	vst v0  }
0x252: {  	[tilespmem:s17], [sflag:$0x1] =	stream.indirect.gather [hbm4b:s1+s15], $0x80, s16, s15, $0xb8;
	[tilespmem:$0x10E00] =	vst v63  }
0x253: {  	_ = 	snop  }
0x254: {  	[tilespmem:s19], [sflag:$0x1] =	stream.indirect.gather [hbm4b:s2+s15], $0x80, s18, s15, $0xb8;
	[tilespmem:$0x10E00] =	vst v63  }
0x255: {  	_ =	swait.ge [sflag:s25], $0x4000  }
0x256: {  	[sflag:s25] =	ssyncset.done $0x0  }
0x257: {  	[sflag:s25] =	ssyncadd.s32 $0xFFFFC000  }
0x258: {  	_ =	swait.ge [sflag:s25], $0x4000  }
0x259: {  	[sflag:s25] =	ssyncset.done $0x0  }
0x25a: {  	s5 =	simm.s32 $0x680;
	v44 =	vld [tilespmem:$0x1FFF0];
	[sflag:s25] =	ssyncadd.s32 $0xFFFFC000  }
0x25b: {  	v16 =	vld [tilespmem:s5+$0x0];
	_ =	sdelay $0x1  }
0x25c: {  	s5 =	simm.s32 $0x0  }
0x25d: {  	v0 =	vmov s5  }
0x25e: {  	v0 =	vshll.u32 v0, $0x7  }
0x25f: {  	v1 =	vor.u32 v44, v0;
	v0 =	vadd.s32 $0x1B, v16;
	v2 =	vadd.s32 $0x1C, v16  }
0x260: {  	v3 =	vadd.s32 $0x1D, v16;
	v4 =	vadd.s32 $0x18, v16;
	v5 =	vadd.s32 $0x19, v16  }
0x261: {  	v6 =	vadd.s32 $0x1A, v16;
	v7 =	vadd.s32 $0x15, v16;
	v8 =	vadd.s32 $0x16, v16  }
0x262: {  	v9 =	vadd.s32 $0x17, v16;
	v10 =	vadd.s32 $0x12, v16;
	v11 =	vadd.s32 $0x13, v16  }
0x263: {  	v12 =	vadd.s32 $0x14, v16;
	v13 =	vadd.s32 $0xF, v16;
	v14 =	vadd.s32 $0x10, v16  }
0x264: {  	v15 =	vadd.s32 $0x11, v16;
	v17 =	vadd.s32 $0xC, v16;
	v18 =	vadd.s32 $0xD, v16  }
0x265: {  	v19 =	vadd.s32 $0xE, v16;
	v20 =	vadd.s32 $0x9, v16;
	v21 =	vadd.s32 $0xA, v16  }
0x266: {  	v22 =	vadd.s32 $0xB, v16;
	v23 =	vadd.s32 $0x6, v16;
	v24 =	vadd.s32 $0x7, v16  }
0x267: {  	v25 =	vadd.s32 $0x8, v16;
	v27 =	vadd.s32 $0x3, v16;
	v28 =	vadd.s32 $0x4, v16  }
0x268: {  	v29 =	vadd.s32 $0x5, v16;
	v26 =	vand.u32 $0x7F, v16;
	v30 =	vadd.s32 $0x1, v16  }
0x269: {  	v31 =	vadd.s32 $0x2, v16;
	v58 =	vand.u32 $0xFFFFFF80, v16;
	v33 =	vand.u32 $0x7F, v3  }
0x26a: {  	v34 =	vand.u32 $0xFFFFFF80, v2;
	v35 =	vand.u32 $0x7F, v2;
	v2 =	vand.u32 $0xFFFFFF80, v3  }
0x26b: {  	v3 =	vand.u32 $0x7F, v6;
	v36 =	vand.u32 $0xFFFFFF80, v0;
	v0 =	vand.u32 $0x7F, v0  }
0x26c: {  	v37 =	vand.u32 $0xFFFFFF80, v5;
	v38 =	vand.u32 $0x7F, v5;
	v5 =	vand.u32 $0xFFFFFF80, v6  }
0x26d: {  	v6 =	vand.u32 $0x7F, v9;
	v59 =	vand.u32 $0xFFFFFF80, v4;
	v32 =	vadd.s32 v1, v58  }
0x26e: {  	v60 =	vand.u32 $0x7F, v4;
	v41 =	vand.u32 $0x7F, v8;
	v61 =	vand.u32 $0xFFFFFF80, v7  }
0x26f: {  	v62 =	vand.u32 $0x7F, v7;
	v42 =	vand.u32 $0x7F, v11;
	v63 =	vand.u32 $0x7F, v15  }
0x270: {  	v45 =	vand.u32 $0xFFFFFF80, v10;
	v46 =	vand.u32 $0x7F, v10;
	v47 =	vand.u32 $0xFFFFFF80, v14  }
0x271: {  	v48 =	vand.u32 $0x7F, v14;
	v14 =	vand.u32 $0xFFFFFF80, v15;
	v49 =	vand.u32 $0x7F, v19  }
0x272: {  	v50 =	vand.u32 $0x7F, v13;
	v51 =	vand.u32 $0xFFFFFF80, v18;
	v52 =	vand.u32 $0x7F, v18  }
0x273: {  	v18 =	vand.u32 $0xFFFFFF80, v19;
	v53 =	vand.u32 $0xFFFFFF80, v17;
	v54 =	vand.u32 $0x7F, v17  }
0x274: {  	v55 =	vand.u32 $0xFFFFFF80, v21;
	v21 =	vand.u32 $0x7F, v21;
	v56 =	vand.u32 $0xFFFFFF80, v20  }
0x275: {  	v20 =	vand.u32 $0x7F, v20;
	v57 =	vand.u32 $0xFFFFFF80, v24;
	v58 =	vand.u32 $0x7F, v24  }
0x276: {  	v32 =	vor.u32 v26, v32;
	v26 =	vand.u32 $0xFFFFFF80, v8;
	v8 =	vand.u32 $0xFFFFFF80, v9  }
0x277: {  	v2 =	vadd.s32 v1, v2;
	v9 =	vand.u32 $0x7F, v12;
	v4 =	vadd.s32 v1, v5  }
0x278: {  	v17 =	vadd.s32 v1, v18;
	v24 =	vadd.s32 v1, v53;
	v2 =	vor.u32 v33, v2  }
0x279: {  	v5 =	vor.u32 v3, v4;
	v3 =	vadd.s32 v1, v36;
	v7 =	vadd.s32 v1, v8  }
0x27a: {  	v19 =	vor.u32 v49, v17;
	v17 =	vadd.s32 v1, v47;
	v24 =	vor.u32 v54, v24  }
0x27b: {  	v33 =	vadd.s32 v1, v57;
	v4 =	vor.u32 v0, v3;
	v0 =	vand.u32 $0xFFFFFF80, v11  }
0x27c: {  	v11 =	vand.u32 $0xFFFFFF80, v12;
	v3 =	vadd.s32 v1, v34;
	v8 =	vor.u32 v6, v7  }
0x27d: {  	v6 =	vadd.s32 v1, v59;
	v17 =	vor.u32 v48, v17;
	v59 =	vand.u32 $0x7F, v23  }
0x27e: {  	v33 =	vor.u32 v58, v33;
	v3 =	vor.u32 v35, v3;
	v7 =	vor.u32 v60, v6  }
0x27f: {  	v6 =	vadd.s32 v1, v37;
	v10 =	vadd.s32 v1, v11;
	v0 =	vadd.s32 v1, v0  }
0x280: {  	v60 =	vand.u32 $0xFFFFFF80, v28;
	v28 =	vand.u32 $0x7F, v28;
	v6 =	vor.u32 v38, v6  }
0x281: {  	v12 =	vor.u32 v9, v10;
	v9 =	vand.u32 $0xFFFFFF80, v13;
	v10 =	vadd.s32 v1, v61  }
0x282: {  	v13 =	vadd.s32 v1, v14;
	v61 =	vadd.s32 v1, v56;
	v35 =	vadd.s32 v1, v60  }
0x283: {  	v11 =	vor.u32 v62, v10;
	v10 =	vadd.s32 v1, v26;
	v26 =	vand.u32 $0x7F, v22  }
0x284: {  	v15 =	vor.u32 v63, v13;
	v13 =	vadd.s32 v1, v45;
	v22 =	vand.u32 $0xFFFFFF80, v22  }
0x285: {  	v9 =	vadd.s32 v1, v9;
	v62 =	vand.u32 $0x7F, v31;
	v36 =	vor.u32 v20, v61  }
0x286: {  	v20 =	vand.u32 $0xFFFFFF80, v27;
	v27 =	vand.u32 $0x7F, v27;
	v63 =	vadd.s32 v1, v55  }
0x287: {  	v31 =	vand.u32 $0xFFFFFF80, v31;
	v28 =	vor.u32 v28, v35;
	v10 =	vor.u32 v41, v10  }
0x288: {  	v14 =	vor.u32 v46, v13;
	v13 =	vor.u32 v42, v0;
	v0 =	vand.u32 $0x7F, v25  }
0x289: {  	v18 =	vor.u32 v50, v9;
	v9 =	vand.u32 $0xFFFFFF80, v25;
	v25 =	vand.u32 $0x7F, v29  }
0x28a: {  	v22 =	vadd.s32 v1, v22;
	v29 =	vand.u32 $0xFFFFFF80, v29;
	v38 =	vor.u32 v21, v63  }
0x28b: {  	s5 =	simm.s32 $0x780;
	v21 =	vand.u32 $0xFFFFFF80, v30;
	v30 =	vand.u32 $0x7F, v30;
	v9 =	vadd.s32 v1, v9  }
0x28c: {  	v20 =	vadd.s32 v1, v20;
	v31 =	vadd.s32 v1, v31;
	v0 =	vor.u32 v0, v9;
	v9 =	vld [tilespmem:s5+$0x0]  }
0x28d: {  	v26 =	vor.u32 v26, v22;
	v22 =	vand.u32 $0xFFFFFF80, v23;
	v23 =	vadd.s32 v1, v51  }
0x28e: {  	v29 =	vadd.s32 v1, v29;
	v21 =	vadd.s32 v1, v21;
	v31 =	vor.u32 v62, v31  }
0x28f: {  	v20 =	vor.u32 v27, v20;
	v23 =	vor.u32 v52, v23;
	v22 =	vadd.s32 v1, v22  }
0x290: {  	v25 =	vor.u32 v25, v29;
	v21 =	vor.u32 v30, v21;
	v22 =	vor.u32 v59, v22  }
0x291: {  	v29 =	vand.u32 $0xFFFFFF80, v9;
	v30 =	vand.u32 $0x7F, v9;
	v39 =	vadd.s32 $0x1, v9  }
0x292: {  	v40 =	vadd.s32 $0x2, v9;
	v42 =	vadd.s32 $0x3, v9;
	v46 =	vadd.s32 $0x4, v9  }
0x293: {  	v49 =	vadd.s32 $0x5, v9;
	v51 =	vadd.s32 $0x6, v9;
	v29 =	vadd.s32 v1, v29  }
0x294: {  	v53 =	vadd.s32 $0x7, v9;
	v29 =	vor.u32 v30, v29;
	v30 =	vand.u32 $0xFFFFFF80, v39  }
0x295: {  	v55 =	vadd.s32 $0xA, v9;
	v34 =	vand.u32 $0x7F, v39;
	v30 =	vadd.s32 v1, v30  }
0x296: {  	v63 =	vadd.s32 $0x1B, v9;
	v41 =	vand.u32 $0xFFFFFF80, v40;
	v30 =	vor.u32 v34, v30  }
0x297: {  	v32 =	vld.idx.msk [tilespmem:v32+s21+$0x0], $0xffff;
	v43 =	vand.u32 $0xFFFFFF80, v42;
	v37 =	vadd.s32 v1, v41;
	v34 =	vand.u32 $0x7F, v40  }
0x298: {  	v21 =	vld.idx.msk [tilespmem:v21+s21+$0x0], $0xffff;
	v45 =	vand.u32 $0x7F, v42;
	v47 =	vand.u32 $0xFFFFFF80, v46;
	v27 =	vor.u32 v34, v37  }
0x299: {  	v48 =	vand.u32 $0x7F, v46;
	v50 =	vand.u32 $0xFFFFFF80, v49;
	v34 =	vadd.s32 v1, v43;
	v29 =	vld.idx.msk [tilespmem:v29+s23+$0x0], $0xffff  }
0x29a: {  	v52 =	vand.u32 $0xFFFFFF80, v51;
	v57 =	vld.idx.msk [tilespmem:v22+s21+$0x0], $0xffff;
	v22 =	vand.u32 $0xFFFFFF80, v55;
	v34 =	vor.u32 v45, v34  }
0x29b: {  	v58 =	vand.u32 $0x7F, v55;
	v46 =	vadd.s32 $0x19, v9;
	v55 =	vadd.s32 $0x13, v9;
	v30 =	vld.idx.msk [tilespmem:v30+s23+$0x0], $0xffff  }
0x29c: {  	v31 =	vld.idx.msk [tilespmem:v31+s21+$0x0], $0xffff;
	v35 =	vadd.s32 v1, v47;
	v39 =	vand.u32 $0x7F, v49;
	v22 =	vadd.s32 v1, v22  }
0x29d: {  	v47 =	vadd.s32 $0x1A, v9;
	v35 =	vor.u32 v48, v35;
	v37 =	vadd.s32 v1, v50;
	v27 =	vld.idx.msk [tilespmem:v27+s23+$0x0], $0xffff  }
0x29e: {  	v20 =	vld.idx.msk [tilespmem:v20+s21+$0x0], $0xffff;
	v49 =	vadd.s32 $0x15, v9;
	v37 =	vor.u32 v39, v37;
	v29 =	vmul.f32 v29, v32  }
0x29f: {  	v43 =	vadd.s32 $0xD, v9;
	v50 =	vadd.s32 $0xF, v9;
	v39 =	vadd.s32 v1, v52;
	v34 =	vld.idx.msk [tilespmem:v34+s23+$0x0], $0xffff  }
0x2a0: {  	v28 =	vld.idx.msk [tilespmem:v28+s21+$0x0], $0xffff;
	v32 =	vand.u32 $0x7F, v51;
	v29 =	vadd.f32 $0.0e+00, v29;
	v21 =	vmul.f32 v30, v21  }
0x2a1: {  	v25 =	vld.idx.msk [tilespmem:v25+s21+$0x0], $0xffff;
	v32 =	vor.u32 v32, v39;
	v39 =	vand.u32 $0x7F, v53;
	v30 =	vadd.s32 $0x8, v9  }
0x2a2: {  	v35 =	vld.idx.msk [tilespmem:v35+s23+$0x0], $0xffff;
	v27 =	vmul.f32 v27, v31;
	v21 =	vadd.f32 v21, v29;
	v29 =	vand.u32 $0xFFFFFF80, v53  }
0x2a3: {  	v37 =	vld.idx.msk [tilespmem:v37+s23+$0x0], $0xffff;
	v31 =	vand.u32 $0xFFFFFF80, v30;
	v30 =	vand.u32 $0x7F, v30;
	v29 =	vadd.s32 v1, v29  }
0x2a4: {  	v31 =	vadd.s32 v1, v31;
	v20 =	vmul.f32 v34, v20;
	v29 =	vor.u32 v39, v29  }
0x2a5: {  	v30 =	vor.u32 v30, v31;
	v31 =	vadd.s32 $0x9, v9;
	v21 =	vadd.f32 v27, v21  }
0x2a6: {  	v45 =	vld.idx.msk [tilespmem:v26+s21+$0x0], $0xffff;
	v26 =	vadd.s32 $0x1D, v9;
	v54 =	vand.u32 $0xFFFFFF80, v31;
	v31 =	vand.u32 $0x7F, v31  }
0x2a7: {  	v34 =	vadd.s32 v1, v54;
	v20 =	vadd.f32 v20, v21;
	v21 =	vmul.f32 v35, v28;
	v28 =	vld.idx.msk [tilespmem:v32+s23+$0x0], $0xffff  }
0x2a8: {  	v33 =	vld.idx.msk [tilespmem:v33+s21+$0x0], $0xffff;
	v51 =	vadd.s32 $0x10, v9;
	v25 =	vmul.f32 v37, v25;
	v31 =	vor.u32 v31, v34  }
0x2a9: {  	v27 =	vadd.s32 $0x1E, v16;
	v32 =	vor.u32 v58, v22;
	v22 =	vadd.s32 $0xB, v9;
	v29 =	vld.idx.msk [tilespmem:v29+s23+$0x0], $0xffff  }
0x2aa: {  	v0 =	vld.idx.msk [tilespmem:v0+s21+$0x0], $0xffff;
	v60 =	vand.u32 $0xFFFFFF80, v22;
	v59 =	vadd.f32 v21, v20;
	v20 =	vand.u32 $0xFFFFFF80, v27  }
0x2ab: {  	v21 =	vand.u32 $0x7F, v27;
	v27 =	vand.u32 $0x7F, v22;
	v35 =	vadd.s32 v1, v60;
	v30 =	vld.idx.msk [tilespmem:v30+s23+$0x0], $0xffff  }
0x2ac: {  	v36 =	vld.idx.msk [tilespmem:v36+s21+$0x0], $0xffff;
	v35 =	vor.u32 v27, v35;
	v34 =	vadd.f32 v25, v59;
	v28 =	vmul.f32 v28, v57  }
0x2ad: {  	v52 =	vand.u32 $0xFFFFFF80, v51;
	v53 =	vadd.s32 $0x11, v9;
	v27 =	vadd.s32 $0xC, v9;
	v31 =	vld.idx.msk [tilespmem:v31+s23+$0x0], $0xffff  }
0x2ae: {  	v38 =	vld.idx.msk [tilespmem:v38+s21+$0x0], $0xffff;
	v61 =	vand.u32 $0xFFFFFF80, v27;
	v28 =	vadd.f32 v28, v34;
	v29 =	vmul.f32 v29, v33  }
0x2af: {  	v16 =	vadd.s32 $0x1F, v16;
	v62 =	vand.u32 $0x7F, v27;
	v37 =	vadd.s32 v1, v61;
	v32 =	vld.idx.msk [tilespmem:v32+s23+$0x0], $0xffff  }
0x2b0: {  	v42 =	vor.u32 v62, v37;
	v0 =	vmul.f32 v30, v0;
	v28 =	vadd.f32 v29, v28  }
0x2b1: {  	v56 =	vand.u32 $0xFFFFFF80, v16;
	v30 =	vand.u32 $0x7F, v43;
	v35 =	vld.idx.msk [tilespmem:v35+s23+$0x0], $0xffff;
	v29 =	vand.u32 $0xFFFFFF80, v43  }
0x2b2: {  	v29 =	vadd.s32 v1, v29;
	v0 =	vadd.f32 v0, v28;
	v28 =	vmul.f32 v31, v36  }
0x2b3: {  	v16 =	vand.u32 $0x7F, v16;
	v54 =	vadd.s32 $0x12, v9;
	v29 =	vor.u32 v30, v29  }
0x2b4: {  	v24 =	vld.idx.msk [tilespmem:v24+s21+$0x0], $0xffff;
	v30 =	vadd.s32 $0xE, v9;
	v0 =	vadd.f32 v28, v0;
	v28 =	vmul.f32 v32, v38  }
0x2b5: {  	v58 =	vadd.s32 $0x17, v9;
	v34 =	vld.idx.msk [tilespmem:v42+s23+$0x0], $0xffff;
	v48 =	vand.u32 $0xFFFFFF80, v30;
	v30 =	vand.u32 $0x7F, v30  }
0x2b6: {  	v37 =	vadd.s32 v1, v48;
	v0 =	vadd.f32 v28, v0;
	v28 =	vmul.f32 v35, v45  }
0x2b7: {  	v60 =	vand.u32 $0x7F, v58;
	v22 =	vadd.s32 v1, v20;
	v30 =	vor.u32 v30, v37  }
0x2b8: {  	v23 =	vld.idx.msk [tilespmem:v23+s21+$0x0], $0xffff;
	v20 =	vadd.s32 v1, v56;
	v0 =	vadd.f32 v28, v0;
	v28 =	vand.u32 $0xFFFFFF80, v50  }
0x2b9: {  	v56 =	vadd.s32 $0x14, v9;
	v38 =	vand.u32 $0x7F, v50;
	v29 =	vld.idx.msk [tilespmem:v29+s23+$0x0], $0xffff;
	v28 =	vadd.s32 v1, v28  }
0x2ba: {  	v25 =	vadd.s32 $0x1E, v9;
	v24 =	vmul.f32 v34, v24;
	v28 =	vor.u32 v38, v28  }
0x2bb: {  	v19 =	vld.idx.msk [tilespmem:v19+s21+$0x0], $0xffff;
	v27 =	vadd.s32 $0x1C, v9;
	v37 =	vand.u32 $0x7F, v51;
	v34 =	vadd.s32 v1, v52  }
0x2bc: {  	v34 =	vor.u32 v37, v34;
	v0 =	vadd.f32 v24, v0;
	v24 =	vand.u32 $0xFFFFFF80, v53;
	v30 =	vld.idx.msk [tilespmem:v30+s23+$0x0], $0xffff  }
0x2bd: {  	v17 =	vld.idx.msk [tilespmem:v17+s21+$0x0], $0xffff;
	v57 =	vadd.s32 $0x16, v9;
	v38 =	vand.u32 $0x7F, v53;
	v24 =	vadd.s32 v1, v24  }
0x2be: {  	v18 =	vld.idx.msk [tilespmem:v18+s21+$0x0], $0xffff;
	v23 =	vmul.f32 v29, v23;
	v29 =	vand.u32 $0xFFFFFF80, v54;
	v24 =	vor.u32 v38, v24  }
0x2bf: {  	v37 =	vand.u32 $0x7F, v54;
	v38 =	vand.u32 $0x7F, v55;
	v29 =	vadd.s32 v1, v29;
	v28 =	vld.idx.msk [tilespmem:v28+s23+$0x0], $0xffff  }
0x2c0: {  	v12 =	vld.idx.msk [tilespmem:v12+s21+$0x0], $0xffff;
	v29 =	vor.u32 v37, v29;
	v0 =	vadd.f32 v23, v0;
	v23 =	vand.u32 $0xFFFFFF80, v55  }
0x2c1: {  	v34 =	vld.idx.msk [tilespmem:v34+s23+$0x0], $0xffff;
	v19 =	vmul.f32 v30, v19;
	v30 =	vand.u32 $0xFFFFFF80, v56;
	v23 =	vadd.s32 v1, v23  }
0x2c2: {  	v15 =	vld.idx.msk [tilespmem:v15+s21+$0x0], $0xffff;
	v37 =	vand.u32 $0x7F, v56;
	v30 =	vadd.s32 v1, v30;
	v23 =	vor.u32 v38, v23  }
0x2c3: {  	v30 =	vor.u32 v37, v30;
	v24 =	vld.idx.msk [tilespmem:v24+s23+$0x0], $0xffff;
	v0 =	vadd.f32 v19, v0;
	v19 =	vand.u32 $0xFFFFFF80, v49  }
0x2c4: {  	v14 =	vld.idx.msk [tilespmem:v14+s21+$0x0], $0xffff;
	v35 =	vand.u32 $0x7F, v49;
	v19 =	vadd.s32 v1, v19;
	v18 =	vmul.f32 v28, v18  }
0x2c5: {  	v59 =	vand.u32 $0x7F, v57;
	v31 =	vadd.s32 $0x18, v9;
	v19 =	vor.u32 v35, v19;
	v28 =	vld.idx.msk [tilespmem:v29+s23+$0x0], $0xffff  }
0x2c6: {  	v13 =	vld.idx.msk [tilespmem:v13+s21+$0x0], $0xffff;
	v17 =	vmul.f32 v34, v17;
	v29 =	vand.u32 $0xFFFFFF80, v57;
	v0 =	vadd.f32 v18, v0  }
0x2c7: {  	v9 =	vadd.s32 $0x1F, v9;
	v23 =	vld.idx.msk [tilespmem:v23+s23+$0x0], $0xffff;
	v18 =	vadd.s32 v1, v29;
	v29 =	vand.u32 $0xFFFFFF80, v58  }
0x2c8: {  	v15 =	vmul.f32 v24, v15;
	v24 =	vld.idx.msk [tilespmem:v30+s23+$0x0], $0xffff;
	v18 =	vor.u32 v59, v18;
	v0 =	vadd.f32 v17, v0  }
0x2c9: {  	v11 =	vld.idx.msk [tilespmem:v11+s21+$0x0], $0xffff;
	v30 =	vand.u32 $0x7F, v31;
	v17 =	vadd.s32 v1, v29;
	v29 =	vand.u32 $0xFFFFFF80, v31  }
0x2ca: {  	v19 =	vld.idx.msk [tilespmem:v19+s23+$0x0], $0xffff;
	v17 =	vor.u32 v60, v17;
	v14 =	vmul.f32 v28, v14;
	v0 =	vadd.f32 v15, v0  }
0x2cb: {  	v28 =	vand.u32 $0xFFFFFF80, v46;
	v15 =	vadd.s32 v1, v29;
	v29 =	vand.u32 $0x7F, v46  }
0x2cc: {  	v10 =	vld.idx.msk [tilespmem:v10+s21+$0x0], $0xffff;
	v13 =	vmul.f32 v23, v13;
	v15 =	vor.u32 v30, v15;
	v0 =	vadd.f32 v14, v0  }
0x2cd: {  	v23 =	vand.u32 $0xFFFFFF80, v47;
	v12 =	vmul.f32 v24, v12;
	v14 =	vadd.s32 v1, v28;
	v18 =	vld.idx.msk [tilespmem:v18+s23+$0x0], $0xffff  }
0x2ce: {  	v8 =	vld.idx.msk [tilespmem:v8+s21+$0x0], $0xffff;
	v24 =	vand.u32 $0x7F, v63;
	v14 =	vor.u32 v29, v14;
	v0 =	vadd.f32 v13, v0  }
0x2cf: {  	v28 =	vand.u32 $0x7F, v47;
	v11 =	vmul.f32 v19, v11;
	v13 =	vadd.s32 v1, v23;
	v17 =	vld.idx.msk [tilespmem:v17+s23+$0x0], $0xffff  }
0x2d0: {  	v7 =	vld.idx.msk [tilespmem:v7+s21+$0x0], $0xffff;
	v23 =	vand.u32 $0xFFFFFF80, v63;
	v13 =	vor.u32 v28, v13;
	v0 =	vadd.f32 v12, v0  }
0x2d1: {  	v19 =	vand.u32 $0xFFFFFF80, v27;
	v12 =	vadd.s32 v1, v23;
	v15 =	vld.idx.msk [tilespmem:v15+s23+$0x0], $0xffff;
	v23 =	vand.u32 $0x7F, v27  }
0x2d2: {  	v6 =	vld.idx.msk [tilespmem:v6+s21+$0x0], $0xffff;
	v12 =	vor.u32 v24, v12;
	v10 =	vmul.f32 v18, v10;
	v0 =	vadd.f32 v11, v0  }
0x2d3: {  	v18 =	vand.u32 $0xFFFFFF80, v26;
	v11 =	vadd.s32 v1, v19;
	v14 =	vld.idx.msk [tilespmem:v14+s23+$0x0], $0xffff;
	v19 =	vand.u32 $0x7F, v26  }
0x2d4: {  	v5 =	vld.idx.msk [tilespmem:v5+s21+$0x0], $0xffff;
	v11 =	vor.u32 v23, v11;
	v8 =	vmul.f32 v17, v8;
	v0 =	vadd.f32 v10, v0  }
0x2d5: {  	v17 =	vand.u32 $0xFFFFFF80, v25;
	v10 =	vadd.s32 v1, v18;
	v13 =	vld.idx.msk [tilespmem:v13+s23+$0x0], $0xffff;
	v18 =	vand.u32 $0x7F, v25  }
0x2d6: {  	v4 =	vld.idx.msk [tilespmem:v4+s21+$0x0], $0xffff;
	v10 =	vor.u32 v19, v10;
	v7 =	vmul.f32 v15, v7;
	v0 =	vadd.f32 v8, v0  }
0x2d7: {  	v15 =	vor.u32 v21, v22;
	v8 =	vadd.s32 v1, v17;
	v12 =	vld.idx.msk [tilespmem:v12+s23+$0x0], $0xffff;
	v17 =	vand.u32 $0xFFFFFF80, v9  }
0x2d8: {  	v3 =	vld.idx.msk [tilespmem:v3+s21+$0x0], $0xffff;
	v8 =	vor.u32 v18, v8;
	v6 =	vmul.f32 v14, v6;
	v0 =	vadd.f32 v7, v0  }
0x2d9: {  	v9 =	vand.u32 $0x7F, v9;
	v1 =	vadd.s32 v1, v17;
	v7 =	vor.u32 v16, v20;
	v11 =	vld.idx.msk [tilespmem:v11+s23+$0x0], $0xffff  }
0x2da: {  	v2 =	vld.idx.msk [tilespmem:v2+s21+$0x0], $0xffff;
	v1 =	vor.u32 v9, v1;
	v5 =	vmul.f32 v13, v5;
	v0 =	vadd.f32 v6, v0  }
0x2db: {  	v6 =	vld.idx.msk [tilespmem:v10+s23+$0x0], $0xffff  }
0x2dc: {  	v9 =	vld.idx.msk [tilespmem:v15+s21+$0x0], $0xffff;
	v4 =	vmul.f32 v12, v4;
	v0 =	vadd.f32 v5, v0  }
0x2dd: {  	v5 =	vld.idx.msk [tilespmem:v8+s23+$0x0], $0xffff  }
0x2de: {  	v7 =	vld.idx.msk [tilespmem:v7+s21+$0x0], $0xffff;
	v3 =	vmul.f32 v11, v3;
	v0 =	vadd.f32 v4, v0  }
0x2df: {  	v1 =	vld.idx.msk [tilespmem:v1+s23+$0x0], $0xffff  }
0x2e0: {  	v2 =	vmul.f32 v6, v2;
	v0 =	vadd.f32 v3, v0;
	_ =	sdelay $0x1  }
0x2e1: {  	v0 =	vadd.f32 v2, v0;
	v2 =	vmul.f32 v5, v9;
	_ =	sdelay $0x1  }
0x2e2: {  	v1 =	vmul.f32 v1, v7;
	v0 =	vadd.f32 v2, v0;
	_ =	sdelay $0x1  }
0x2e3: {  	v0 =	vadd.f32 v1, v0  }
0x2e4: {  	s30 =	simm.s32 $0x10C80  }
0x2e5: {  	s31 =	simm.s32 $0x690;
	[tilespmem:s30+$0x0] =	vst v0  }
0x2e6: {  	v0 =	vld [tilespmem:s31+$0x0];
	_ =	sdelay $0x1  }
0x2e7: {  	s5 =	simm.s32 $0x10  }
0x2e8: {  	v1 =	vmov s5  }
0x2e9: {  	v1 =	vshll.u32 v1, $0x7  }
0x2ea: {  	v1 =	vor.u32 v44, v1;
	v2 =	vadd.s32 $0x1E, v0;
	v3 =	vadd.s32 $0x1F, v0  }
0x2eb: {  	v4 =	vadd.s32 $0x1B, v0;
	v5 =	vadd.s32 $0x1C, v0;
	v6 =	vadd.s32 $0x1D, v0  }
0x2ec: {  	v61 =	vadd.s32 $0x18, v0;
	v8 =	vadd.s32 $0x19, v0;
	v9 =	vadd.s32 $0x1A, v0  }
0x2ed: {  	v10 =	vadd.s32 $0x15, v0;
	v11 =	vadd.s32 $0x16, v0;
	v12 =	vadd.s32 $0x17, v0  }
0x2ee: {  	v13 =	vadd.s32 $0x12, v0;
	v14 =	vadd.s32 $0x13, v0;
	v15 =	vadd.s32 $0x14, v0  }
0x2ef: {  	v16 =	vadd.s32 $0xF, v0;
	v17 =	vadd.s32 $0x10, v0;
	v18 =	vadd.s32 $0x11, v0  }
0x2f0: {  	v22 =	vadd.s32 $0xC, v0;
	v19 =	vadd.s32 $0xD, v0;
	v20 =	vadd.s32 $0xE, v0  }
0x2f1: {  	v25 =	vadd.s32 $0x9, v0;
	v23 =	vadd.s32 $0xA, v0;
	v26 =	vadd.s32 $0xB, v0  }
0x2f2: {  	v28 =	vadd.s32 $0x6, v0;
	v29 =	vadd.s32 $0x7, v0;
	v30 =	vadd.s32 $0x8, v0  }
0x2f3: {  	v7 =	vadd.s32 $0x3, v0;
	v32 =	vadd.s32 $0x4, v0;
	v34 =	vadd.s32 $0x5, v0  }
0x2f4: {  	v21 =	vand.u32 $0x7F, v0;
	v62 =	vadd.s32 $0x1, v0;
	v63 =	vadd.s32 $0x2, v0  }
0x2f5: {  	v0 =	vand.u32 $0xFFFFFF80, v0;
	v24 =	vand.u32 $0xFFFFFF80, v3;
	v27 =	vand.u32 $0x7F, v3  }
0x2f6: {  	v3 =	vand.u32 $0x7F, v6;
	v46 =	vand.u32 $0xFFFFFF80, v2;
	v2 =	vand.u32 $0x7F, v2  }
0x2f7: {  	v47 =	vand.u32 $0xFFFFFF80, v5;
	v5 =	vand.u32 $0x7F, v5;
	v0 =	vadd.s32 v1, v0  }
0x2f8: {  	v6 =	vand.u32 $0xFFFFFF80, v6;
	v48 =	vand.u32 $0x7F, v9;
	v49 =	vand.u32 $0xFFFFFF80, v8  }
0x2f9: {  	v8 =	vand.u32 $0x7F, v8;
	v50 =	vand.u32 $0xFFFFFF80, v11;
	v11 =	vand.u32 $0x7F, v11  }
0x2fa: {  	v51 =	vand.u32 $0x7F, v10;
	v52 =	vand.u32 $0x7F, v14;
	v53 =	vand.u32 $0xFFFFFF80, v13  }
0x2fb: {  	v13 =	vand.u32 $0x7F, v13;
	v54 =	vand.u32 $0x7F, v20;
	v55 =	vand.u32 $0x7F, v19  }
0x2fc: {  	v56 =	vand.u32 $0xFFFFFF80, v22;
	v57 =	vand.u32 $0x7F, v22;
	v58 =	vand.u32 $0xFFFFFF80, v23  }
0x2fd: {  	v59 =	vand.u32 $0x7F, v23;
	v60 =	vand.u32 $0x7F, v34;
	v31 =	vor.u32 v21, v0  }
0x2fe: {  	v0 =	vand.u32 $0xFFFFFF80, v4;
	v21 =	vand.u32 $0x7F, v4;
	v4 =	vadd.s32 v1, v6  }
0x2ff: {  	v6 =	vand.u32 $0xFFFFFF80, v9;
	v9 =	vadd.s32 v1, v24;
	v24 =	vand.u32 $0x7F, v12  }
0x300: {  	v12 =	vand.u32 $0xFFFFFF80, v12;
	v38 =	vadd.s32 v1, v47;
	v3 =	vor.u32 v3, v4  }
0x301: {  	v6 =	vadd.s32 v1, v6;
	v0 =	vadd.s32 v1, v0;
	v35 =	vor.u32 v5, v38  }
0x302: {  	[tilespmem:$0x1FEC0] =	vst v3;
	v3 =	vadd.s32 v1, v46;
	v0 =	vor.u32 v21, v0;
	v21 =	vand.u32 $0xFFFFFF80, v10  }
0x303: {  	v10 =	vadd.s32 v1, v12;
	v12 =	vand.u32 $0xFFFFFF80, v15;
	v2 =	vor.u32 v2, v3;
	[tilespmem:$0x1FF00] =	vst v0  }
0x304: {  	v0 =	vand.u32 $0x7F, v15;
	v12 =	vadd.s32 v1, v12;
	[tilespmem:$0x1FED0] =	vst v2;
	v2 =	vor.u32 v27, v9  }
0x305: {  	v9 =	vand.u32 $0xFFFFFF80, v61;
	v27 =	vand.u32 $0x7F, v61;
	v5 =	vor.u32 v0, v12  }
0x306: {  	v0 =	vand.u32 $0xFFFFFF80, v17;
	v17 =	vand.u32 $0x7F, v17;
	v12 =	vadd.s32 v1, v21  }
0x307: {  	v21 =	vadd.s32 v1, v50;
	v61 =	vand.u32 $0x7F, v28;
	[tilespmem:$0x1FEE0] =	vst v2;
	v2 =	vor.u32 v48, v6  }
0x308: {  	v9 =	vadd.s32 v1, v9;
	v44 =	vor.u32 v11, v21;
	v11 =	vand.u32 $0xFFFFFF80, v16  }
0x309: {  	v16 =	vand.u32 $0x7F, v16;
	v0 =	vadd.s32 v1, v0;
	[tilespmem:$0x1FEF0] =	vst v2;
	v2 =	vor.u32 v24, v10  }
0x30a: {  	v24 =	vand.u32 $0xFFFFFF80, v14;
	v14 =	vadd.s32 v1, v49;
	v11 =	vadd.s32 v1, v11  }
0x30b: {  	v6 =	vor.u32 v17, v0;
	v0 =	vand.u32 $0xFFFFFF80, v25;
	[tilespmem:$0x1FF10] =	vst v2;
	v2 =	vor.u32 v27, v9  }
0x30c: {  	v27 =	vand.u32 $0x7F, v18;
	v18 =	vand.u32 $0xFFFFFF80, v18;
	v24 =	vadd.s32 v1, v24  }
0x30d: {  	v0 =	vadd.s32 v1, v0;
	[tilespmem:$0x1FF20] =	vst v2;
	v2 =	vor.u32 v8, v14;
	v18 =	vadd.s32 v1, v18  }
0x30e: {  	v14 =	vor.u32 v51, v12;
	v9 =	vor.u32 v52, v24;
	v8 =	vor.u32 v27, v18  }
0x30f: {  	v18 =	vand.u32 $0xFFFFFF80, v19;
	v27 =	vand.u32 $0xFFFFFF80, v20;
	v19 =	vadd.s32 v1, v53  }
0x310: {  	v20 =	vor.u32 v16, v11;
	v11 =	vand.u32 $0x7F, v30;
	v16 =	vand.u32 $0x7F, v25  }
0x311: {  	[tilespmem:$0x1FF30] =	vst v2;
	v25 =	vadd.s32 v1, v56;
	v2 =	vand.u32 $0x7F, v7;
	v15 =	vor.u32 v13, v19  }
0x312: {  	v13 =	vand.u32 $0x7F, v26;
	v22 =	vadd.s32 v1, v27;
	v26 =	vand.u32 $0xFFFFFF80, v26  }
0x313: {  	v18 =	vadd.s32 v1, v18;
	v21 =	vor.u32 v57, v25;
	v24 =	vor.u32 v16, v0  }
0x314: {  	v0 =	vand.u32 $0x7F, v63;
	v16 =	vand.u32 $0xFFFFFF80, v7;
	v63 =	vand.u32 $0xFFFFFF80, v63  }
0x315: {  	v10 =	vor.u32 v54, v22;
	v17 =	vadd.s32 v1, v26;
	v12 =	vor.u32 v55, v18  }
0x316: {  	v18 =	vand.u32 $0xFFFFFF80, v28;
	v16 =	vadd.s32 v1, v16;
	v23 =	vor.u32 v13, v17  }
0x317: {  	v13 =	vand.u32 $0xFFFFFF80, v29;
	v17 =	vand.u32 $0x7F, v29;
	v29 =	vand.u32 $0xFFFFFF80, v30  }
0x318: {  	v36 =	vadd.s32 v1, v63;
	v28 =	vadd.s32 v1, v29;
	v29 =	vand.u32 $0xFFFFFF80, v34  }
0x319: {  	s0 =	simm.s32 $0x790;
	v18 =	vadd.s32 v1, v18;
	v51 =	vor.u32 v0, v36;
	v29 =	vadd.s32 v1, v29  }
0x31a: {  	v50 =	vor.u32 v2, v16;
	v41 =	vor.u32 v61, v18;
	v43 =	vor.u32 v60, v29;
	v29 =	vld [tilespmem:s0+$0x0]  }
0x31b: {  	v18 =	vand.u32 $0xFFFFFF80, v62;
	v62 =	vand.u32 $0x7F, v62;
	v13 =	vadd.s32 v1, v13  }
0x31c: {  	v26 =	vor.u32 v11, v28;
	v11 =	vand.u32 $0xFFFFFF80, v32;
	v32 =	vand.u32 $0x7F, v32  }
0x31d: {  	v28 =	vadd.s32 v1, v58;
	v18 =	vadd.s32 v1, v18;
	v39 =	vor.u32 v17, v13  }
0x31e: {  	v4 =	vor.u32 v59, v28;
	v11 =	vadd.s32 v1, v11;
	v52 =	vor.u32 v62, v18  }
0x31f: {  	v48 =	vor.u32 v32, v11;
	v13 =	vadd.s32 $0x1E, v29;
	v11 =	vadd.s32 $0x1F, v29  }
0x320: {  	s5 =	simm.s32 $0x20;
	v18 =	vadd.s32 $0x1B, v29;
	v17 =	vadd.s32 $0x1C, v29;
	v16 =	vadd.s32 $0x1D, v29  }
.LBB2_4:
0x321: {  	v34 =	vadd.s32 $0x18, v29;
	v32 =	vadd.s32 $0x19, v29;
	v7 =	vadd.s32 $0x1A, v29  }
0x322: {  	[tilespmem:$0x1FE90] =	vst v35;
	v38 =	vadd.s32 $0x15, v29;
	v37 =	vadd.s32 $0x16, v29;
	v36 =	vadd.s32 $0x17, v29;
	v35 =	vld.idx.msk [tilespmem:v31+s21+$0x0], $0xffff  }
0x323: {  	[tilespmem:$0x1FE80] =	vst v44;
	v44 =	vadd.s32 $0x12, v29;
	v42 =	vadd.s32 $0x13, v29;
	v40 =	vadd.s32 $0x14, v29;
	v52 =	vld.idx.msk [tilespmem:v52+s21+$0x0], $0xffff  }
0x324: {  	v47 =	vadd.s32 $0xF, v29;
	v46 =	vadd.s32 $0x10, v29;
	v45 =	vadd.s32 $0x11, v29;
	v51 =	vld.idx.msk [tilespmem:v51+s21+$0x0], $0xffff  }
0x325: {  	v0 =	vand.u32 $0xFFFFFF80, v29;
	v53 =	vadd.s32 $0xD, v29;
	v49 =	vadd.s32 $0xE, v29;
	v50 =	vld.idx.msk [tilespmem:v50+s21+$0x0], $0xffff  }
0x326: {  	v54 =	vand.u32 $0x7F, v29;
	v55 =	vadd.s32 $0x1, v29;
	v57 =	vadd.s32 $0x2, v29;
	v48 =	vld.idx.msk [tilespmem:v48+s21+$0x0], $0xffff  }
0x327: {  	v28 =	vld.idx.msk [tilespmem:v4+s21+$0x0], $0xffff;
	v0 =	vadd.s32 v1, v0;
	v62 =	vand.u32 $0xFFFFFF80, v55;
	v55 =	vand.u32 $0x7F, v55  }
0x328: {  	v63 =	vand.u32 $0xFFFFFF80, v57;
	v4 =	vld [tilespmem:$0x1FE80];
	v0 =	vor.u32 v54, v0;
	v54 =	vadd.s32 v1, v62  }
0x329: {  	v43 =	vld.idx.msk [tilespmem:v43+s21+$0x0], $0xffff;
	v57 =	vand.u32 $0x7F, v57;
	v54 =	vor.u32 v55, v54;
	v55 =	vadd.s32 v1, v63  }
0x32a: {  	v56 =	vadd.s32 $0xC, v29;
	v58 =	vadd.s32 $0xB, v29;
	v41 =	vld.idx.msk [tilespmem:v41+s21+$0x0], $0xffff;
	v55 =	vor.u32 v57, v55  }
0x32b: {  	v59 =	vadd.s32 $0x3, v29;
	v60 =	vadd.s32 $0xA, v29;
	v61 =	vadd.s32 $0x4, v29;
	v39 =	vld.idx.msk [tilespmem:v39+s21+$0x0], $0xffff  }
0x32c: {  	v2 =	vadd.s32 $0x8, v29;
	v3 =	vadd.s32 $0x6, v29;
	v25 =	vld.idx.msk [tilespmem:v12+s21+$0x0], $0xffff;
	v33 =	vand.u32 $0xFFFFFF80, v59  }
0x32d: {  	v59 =	vand.u32 $0x7F, v59;
	v62 =	vadd.s32 $0x9, v29;
	v57 =	vadd.s32 v1, v33;
	v0 =	vld.idx.msk [tilespmem:v0+s23+$0x0], $0xffff  }
0x32e: {  	v63 =	vadd.s32 $0x5, v29;
	v33 =	vand.u32 $0xFFFFFF80, v61;
	v57 =	vor.u32 v59, v57;
	v54 =	vld.idx.msk [tilespmem:v54+s23+$0x0], $0xffff  }
0x32f: {  	v61 =	vand.u32 $0x7F, v61;
	v59 =	vadd.s32 v1, v33;
	v33 =	vand.u32 $0xFFFFFF80, v63;
	v55 =	vld.idx.msk [tilespmem:v55+s23+$0x0], $0xffff  }
0x330: {  	v63 =	vand.u32 $0x7F, v63;
	v59 =	vor.u32 v61, v59;
	v61 =	vadd.s32 v1, v33;
	v12 =	vld.idx.msk [tilespmem:v4+s21+$0x0], $0xffff  }
0x331: {  	v29 =	vadd.s32 $0x7, v29;
	v61 =	vor.u32 v63, v61;
	v63 =	vand.u32 $0xFFFFFF80, v3;
	v4 =	vld [tilespmem:$0x1FF10]  }
0x332: {  	v30 =	vld.idx.msk [tilespmem:v24+s21+$0x0], $0xffff;
	v3 =	vand.u32 $0x7F, v3;
	v33 =	vadd.s32 v1, v63;
	v0 =	vmul.f32 v0, v35  }
0x333: {  	v63 =	vand.u32 $0xFFFFFF80, v29;
	v29 =	vand.u32 $0x7F, v29;
	v3 =	vor.u32 v3, v33;
	v35 =	vld.idx.msk [tilespmem:v57+s23+$0x0], $0xffff  }
0x334: {  	v24 =	vld.idx.msk [tilespmem:v10+s21+$0x0], $0xffff;
	v57 =	vadd.s32 v1, v63;
	v52 =	vmul.f32 v54, v52;
	v0 =	vadd.f32 $0.0e+00, v0  }
0x335: {  	v33 =	vand.u32 $0xFFFFFF80, v2;
	v2 =	vand.u32 $0x7F, v2;
	v54 =	vld.idx.msk [tilespmem:v59+s23+$0x0], $0xffff;
	v29 =	vor.u32 v29, v57  }
0x336: {  	v59 =	vadd.s32 v1, v33;
	v33 =	vld.idx.msk [tilespmem:v26+s21+$0x0], $0xffff;
	v51 =	vmul.f32 v55, v51;
	v0 =	vadd.f32 v52, v0  }
0x337: {  	v63 =	vand.u32 $0x7F, v62;
	v2 =	vor.u32 v2, v59;
	v52 =	vld.idx.msk [tilespmem:v61+s23+$0x0], $0xffff;
	v61 =	vand.u32 $0xFFFFFF80, v62  }
0x338: {  	v3 =	vld.idx.msk [tilespmem:v3+s23+$0x0], $0xffff;
	v35 =	vmul.f32 v35, v50;
	v59 =	vadd.s32 v1, v61;
	v0 =	vadd.f32 v51, v0  }
0x339: {  	v62 =	vand.u32 $0x7F, v60;
	v61 =	vand.u32 $0xFFFFFF80, v60;
	v10 =	vld.idx.msk [tilespmem:v4+s21+$0x0], $0xffff;
	v50 =	vor.u32 v63, v59  }
0x33a: {  	v4 =	vld [tilespmem:$0x1FF20];
	v63 =	vmul.f32 v54, v48;
	v57 =	vadd.s32 v1, v61;
	v0 =	vadd.f32 v35, v0  }
0x33b: {  	v60 =	vand.u32 $0x7F, v58;
	v29 =	vld.idx.msk [tilespmem:v29+s23+$0x0], $0xffff;
	v59 =	vand.u32 $0xFFFFFF80, v58;
	v48 =	vor.u32 v62, v57  }
0x33c: {  	v2 =	vld.idx.msk [tilespmem:v2+s23+$0x0], $0xffff;
	v62 =	vadd.s32 v1, v59;
	v61 =	vmul.f32 v52, v43;
	v0 =	vadd.f32 v63, v0  }
0x33d: {  	v27 =	vld.idx.msk [tilespmem:v23+s21+$0x0], $0xffff;
	v57 =	vand.u32 $0x7F, v56;
	v3 =	vmul.f32 v3, v41;
	v43 =	vor.u32 v60, v62  }
0x33e: {  	v23 =	vld.idx.msk [tilespmem:v20+s21+$0x0], $0xffff;
	v60 =	vand.u32 $0xFFFFFF80, v53;
	v63 =	vand.u32 $0xFFFFFF80, v56;
	v0 =	vadd.f32 v61, v0  }
0x33f: {  	v62 =	vadd.s32 v1, v60;
	v58 =	vld.idx.msk [tilespmem:v50+s23+$0x0], $0xffff;
	v59 =	vadd.s32 v1, v63;
	v63 =	vand.u32 $0xFFFFFF80, v49  }
0x340: {  	v19 =	vld.idx.msk [tilespmem:v9+s21+$0x0], $0xffff;
	v41 =	vor.u32 v57, v59;
	v0 =	vadd.f32 v3, v0;
	v3 =	vmul.f32 v29, v39  }
0x341: {  	v49 =	vand.u32 $0x7F, v49;
	v61 =	vand.u32 $0x7F, v53;
	v2 =	vmul.f32 v2, v33;
	v29 =	vld.idx.msk [tilespmem:v48+s23+$0x0], $0xffff  }
0x342: {  	v26 =	vld.idx.msk [tilespmem:v21+s21+$0x0], $0xffff;
	v52 =	vadd.s32 v1, v63;
	v39 =	vor.u32 v61, v62;
	v0 =	vadd.f32 v3, v0  }
0x343: {  	v53 =	vand.u32 $0xFFFFFF80, v47;
	v47 =	vand.u32 $0x7F, v47;
	v33 =	vor.u32 v49, v52;
	v3 =	vld.idx.msk [tilespmem:v43+s23+$0x0], $0xffff  }
0x344: {  	v54 =	vadd.s32 v1, v53;
	v9 =	vld.idx.msk [tilespmem:v4+s21+$0x0], $0xffff;
	v0 =	vadd.f32 v2, v0;
	v2 =	vmul.f32 v58, v30  }
0x345: {  	v55 =	vand.u32 $0xFFFFFF80, v46;
	v56 =	vand.u32 $0x7F, v46;
	v35 =	vor.u32 v47, v54;
	v30 =	vld.idx.msk [tilespmem:v41+s23+$0x0], $0xffff  }
0x346: {  	v4 =	vld [tilespmem:$0x1FF30];
	v0 =	vadd.f32 v2, v0;
	v2 =	vmul.f32 v29, v28;
	v29 =	vadd.s32 v1, v55  }
0x347: {  	v57 =	vand.u32 $0xFFFFFF80, v45;
	v58 =	vand.u32 $0x7F, v45;
	v28 =	vld.idx.msk [tilespmem:v39+s23+$0x0], $0xffff;
	v29 =	vor.u32 v56, v29  }
0x348: {  	v22 =	vld.idx.msk [tilespmem:v6+s21+$0x0], $0xffff;
	v0 =	vadd.f32 v2, v0;
	v2 =	vmul.f32 v3, v27;
	v27 =	vadd.s32 v1, v57  }
0x349: {  	v60 =	vand.u32 $0x7F, v44;
	v59 =	vand.u32 $0xFFFFFF80, v44;
	v3 =	vld.idx.msk [tilespmem:v33+s23+$0x0], $0xffff;
	v27 =	vor.u32 v58, v27  }
0x34a: {  	v20 =	vld.idx.msk [tilespmem:v15+s21+$0x0], $0xffff;
	v0 =	vadd.f32 v2, v0;
	v2 =	vmul.f32 v30, v26;
	v30 =	vadd.s32 v1, v59  }
0x34b: {  	v61 =	vand.u32 $0xFFFFFF80, v42;
	v62 =	vand.u32 $0x7F, v42;
	v26 =	vld.idx.msk [tilespmem:v35+s23+$0x0], $0xffff;
	v30 =	vor.u32 v60, v30  }
0x34c: {  	v21 =	vld.idx.msk [tilespmem:v8+s21+$0x0], $0xffff;
	v0 =	vadd.f32 v2, v0;
	v2 =	vmul.f32 v28, v25;
	v28 =	vadd.s32 v1, v61  }
0x34d: {  	v63 =	vand.u32 $0x7F, v40;
	v25 =	vld.idx.msk [tilespmem:v29+s23+$0x0], $0xffff;
	v29 =	vand.u32 $0xFFFFFF80, v40;
	v28 =	vor.u32 v62, v28  }
0x34e: {  	v8 =	vld.idx.msk [tilespmem:v4+s21+$0x0], $0xffff;
	v0 =	vadd.f32 v2, v0;
	v2 =	vmul.f32 v3, v24;
	v24 =	vadd.s32 v1, v29  }
0x34f: {  	v3 =	vld.idx.msk [tilespmem:v27+s23+$0x0], $0xffff;
	v27 =	vand.u32 $0xFFFFFF80, v38;
	v29 =	vand.u32 $0x7F, v38;
	v24 =	vor.u32 v63, v24  }
0x350: {  	v4 =	vld [tilespmem:$0x1FEF0];
	v0 =	vadd.f32 v2, v0;
	v2 =	vmul.f32 v26, v23;
	v26 =	vadd.s32 v1, v27  }
0x351: {  	v23 =	vld.idx.msk [tilespmem:v30+s23+$0x0], $0xffff;
	v27 =	vand.u32 $0xFFFFFF80, v37;
	v26 =	vor.u32 v29, v26;
	v29 =	vand.u32 $0x7F, v37  }
0x352: {  	v0 =	vadd.f32 v2, v0;
	v2 =	vmul.f32 v25, v22;
	v25 =	vadd.s32 v1, v27  }
0x353: {  	v22 =	vld.idx.msk [tilespmem:v28+s23+$0x0], $0xffff;
	v25 =	vor.u32 v29, v25  }
0x354: {  	v0 =	vadd.f32 v2, v0;
	v2 =	vmul.f32 v3, v21;
	_ =	sdelay $0x1  }
0x355: {  	v3 =	vld.idx.msk [tilespmem:v24+s23+$0x0], $0xffff;
	v24 =	vand.u32 $0xFFFFFF80, v34;
	v0 =	vadd.f32 v2, v0;
	v2 =	vmul.f32 v23, v20  }
0x356: {  	v23 =	vadd.s32 v1, v24  }
0x357: {  	v24 =	vand.u32 $0xFFFFFF80, v32;
	v0 =	vadd.f32 v2, v0;
	v2 =	vmul.f32 v22, v19;
	v19 =	vld.idx.msk [tilespmem:v25+s23+$0x0], $0xffff  }
0x358: {  	v22 =	vadd.s32 v1, v24;
	v24 =	vand.u32 $0xFFFFFF80, v7;
	v25 =	vand.u32 $0x7F, v7;
	v7 =	vld.idx.msk [tilespmem:v4+s21+$0x0], $0xffff  }
0x359: {  	v27 =	vand.u32 $0xFFFFFF80, v36;
	v4 =	vld [tilespmem:$0x1FF00]  }
0x35a: {  	v28 =	vand.u32 $0x7F, v36;
	v21 =	vadd.s32 v1, v27  }
0x35b: {  	v15 =	vld.idx.msk [tilespmem:v5+s21+$0x0], $0xffff;
	v21 =	vor.u32 v28, v21;
	_ =	sdelay $0x1  }
0x35c: {  	v14 =	vld.idx.msk [tilespmem:v14+s21+$0x0], $0xffff  }
0x35d: {  	v27 =	vand.u32 $0x7F, v34;
	v20 =	vld.idx.msk [tilespmem:v26+s23+$0x0], $0xffff  }
0x35e: {  	v23 =	vor.u32 v27, v23  }
0x35f: {  	v26 =	vand.u32 $0x7F, v32;
	v0 =	vadd.f32 v2, v0;
	v2 =	vmul.f32 v3, v15;
	v3 =	vld.idx.msk [tilespmem:v21+s23+$0x0], $0xffff  }
0x360: {  	v22 =	vor.u32 v26, v22;
	v15 =	vadd.s32 v1, v24;
	v6 =	vld.idx.msk [tilespmem:v4+s21+$0x0], $0xffff  }
0x361: {  	v21 =	vand.u32 $0xFFFFFF80, v18;
	v18 =	vand.u32 $0x7F, v18;
	v15 =	vor.u32 v25, v15;
	v4 =	vld [tilespmem:$0x1FE90]  }
0x362: {  	v0 =	vadd.f32 v2, v0;
	v2 =	vmul.f32 v20, v14;
	v20 =	vadd.s32 v1, v21  }
0x363: {  	v14 =	vld.idx.msk [tilespmem:v23+s23+$0x0], $0xffff;
	v18 =	vor.u32 v18, v20  }
0x364: {  	v0 =	vadd.f32 v2, v0;
	v2 =	vmul.f32 v19, v12  }
0x365: {  	v12 =	vld.idx.msk [tilespmem:v22+s23+$0x0], $0xffff  }
0x366: {  	v0 =	vadd.f32 v2, v0;
	v2 =	vmul.f32 v3, v10  }
0x367: {  	v20 =	vand.u32 $0xFFFFFF80, v17;
	v17 =	vand.u32 $0x7F, v17;
	v3 =	vld.idx.msk [tilespmem:v15+s23+$0x0], $0xffff  }
0x368: {  	v19 =	vadd.s32 v1, v20;
	v0 =	vadd.f32 v2, v0;
	v2 =	vmul.f32 v14, v9;
	v9 =	vld.idx.msk [tilespmem:v18+s23+$0x0], $0xffff  }
0x369: {  	v17 =	vor.u32 v17, v19;
	v19 =	vand.u32 $0xFFFFFF80, v16;
	v16 =	vand.u32 $0x7F, v16;
	v5 =	vld.idx.msk [tilespmem:v4+s21+$0x0], $0xffff  }
0x36a: {  	v10 =	vadd.s32 v1, v19;
	v0 =	vadd.f32 v2, v0;
	v2 =	vmul.f32 v12, v8;
	v4 =	vld [tilespmem:$0x1FEC0]  }
0x36b: {  	v15 =	vand.u32 $0xFFFFFF80, v13;
	v13 =	vand.u32 $0x7F, v13;
	v10 =	vor.u32 v16, v10  }
0x36c: {  	v14 =	vadd.s32 v1, v15;
	v0 =	vadd.f32 v2, v0;
	v2 =	vmul.f32 v3, v7;
	v7 =	vld [tilespmem:$0x1FED0]  }
0x36d: {  	v13 =	vor.u32 v13, v14  }
0x36e: {  	v14 =	vand.u32 $0xFFFFFF80, v11;
	v0 =	vadd.f32 v2, v0;
	v2 =	vmul.f32 v9, v6;
	v9 =	vld [tilespmem:$0x1FEE0]  }
0x36f: {  	v11 =	vand.u32 $0x7F, v11;
	v1 =	vadd.s32 v1, v14  }
0x370: {  	v8 =	vld.idx.msk [tilespmem:v17+s23+$0x0], $0xffff;
	v1 =	vor.u32 v11, v1  }
0x371: {  	v3 =	vld.idx.msk [tilespmem:v10+s23+$0x0], $0xffff  }
0x372: {  	v4 =	vld.idx.msk [tilespmem:v4+s21+$0x0], $0xffff  }
0x373: {  	v6 =	vld.idx.msk [tilespmem:v13+s23+$0x0], $0xffff  }
0x374: {  	v7 =	vld.idx.msk [tilespmem:v7+s21+$0x0], $0xffff  }
0x375: {  	v0 =	vadd.f32 v2, v0;
	v1 =	vld.idx.msk [tilespmem:v1+s23+$0x0], $0xffff;
	v2 =	vmul.f32 v8, v5  }
0x376: {  	v9 =	vld.idx.msk [tilespmem:v9+s21+$0x0], $0xffff  }
0x377: {  	v0 =	vadd.f32 v2, v0;
	v2 =	vmul.f32 v3, v4;
	_ =	sdelay $0x1  }
0x378: {  	v0 =	vadd.f32 v2, v0;
	v2 =	vmul.f32 v6, v7;
	_ =	sdelay $0x1  }
0x379: {  	v1 =	vmul.f32 v1, v9;
	v0 =	vadd.f32 v2, v0;
	_ =	sdelay $0x1  }
0x37a: {  	v0 =	vadd.f32 v1, v0  }
0x37b: {  	s30 =	sadd.s32 $0x10, s30  }
0x37c: {  	s31 =	sadd.s32 $0x10, s31;
	v2 =	vld [tilespmem:$0x1FFF0];
	[tilespmem:s30+$0x0] =	vst v0  }
0x37d: {  	v0 =	vld [tilespmem:s31+$0x0];
	_ =	sdelay $0x2  }
0x37e: {  	v1 =	vmov s5  }
0x37f: {  	v1 =	vshll.u32 v1, $0x7  }
0x380: {  	v1 =	vor.u32 v2, v1;
	v2 =	vadd.s32 $0x1E, v0;
	v3 =	vadd.s32 $0x1F, v0  }
0x381: {  	v4 =	vadd.s32 $0x1B, v0;
	v5 =	vadd.s32 $0x1C, v0;
	v6 =	vadd.s32 $0x1D, v0  }
0x382: {  	v7 =	vadd.s32 $0x18, v0;
	v8 =	vadd.s32 $0x19, v0;
	v9 =	vadd.s32 $0x1A, v0  }
0x383: {  	v10 =	vadd.s32 $0x15, v0;
	v11 =	vadd.s32 $0x16, v0;
	v12 =	vadd.s32 $0x17, v0  }
0x384: {  	v13 =	vadd.s32 $0x12, v0;
	v14 =	vadd.s32 $0x13, v0;
	v15 =	vadd.s32 $0x14, v0  }
0x385: {  	v16 =	vadd.s32 $0xF, v0;
	v17 =	vadd.s32 $0x10, v0;
	v18 =	vadd.s32 $0x11, v0  }
0x386: {  	v19 =	vadd.s32 $0xC, v0;
	v20 =	vadd.s32 $0xD, v0;
	v21 =	vadd.s32 $0xE, v0  }
0x387: {  	v22 =	vadd.s32 $0x9, v0;
	v23 =	vadd.s32 $0xA, v0;
	v24 =	vadd.s32 $0xB, v0  }
0x388: {  	v25 =	vadd.s32 $0x6, v0;
	v26 =	vadd.s32 $0x7, v0;
	v27 =	vadd.s32 $0x8, v0  }
0x389: {  	v28 =	vadd.s32 $0x3, v0;
	v29 =	vadd.s32 $0x4, v0;
	v30 =	vadd.s32 $0x5, v0  }
0x38a: {  	v31 =	vand.u32 $0x7F, v0;
	v32 =	vadd.s32 $0x1, v0;
	v33 =	vadd.s32 $0x2, v0  }
0x38b: {  	[tilespmem:$0x1FEA0] =	vst v31;
	v31 =	vand.u32 $0xFFFFFF80, v0;
	v34 =	vand.u32 $0xFFFFFF80, v3;
	v0 =	vand.u32 $0x7F, v3  }
0x38c: {  	v36 =	vand.u32 $0x7F, v6;
	v35 =	vand.u32 $0xFFFFFF80, v2;
	v3 =	vand.u32 $0x7F, v2  }
0x38d: {  	v37 =	vand.u32 $0xFFFFFF80, v5;
	v5 =	vand.u32 $0x7F, v5;
	v6 =	vand.u32 $0xFFFFFF80, v6  }
0x38e: {  	v38 =	vand.u32 $0x7F, v9;
	v39 =	vand.u32 $0xFFFFFF80, v4;
	v40 =	vand.u32 $0x7F, v4  }
0x38f: {  	v4 =	vand.u32 $0xFFFFFF80, v8;
	v8 =	vand.u32 $0x7F, v8;
	v9 =	vand.u32 $0xFFFFFF80, v9  }
0x390: {  	v41 =	vand.u32 $0x7F, v12;
	v42 =	vand.u32 $0xFFFFFF80, v7;
	v43 =	vand.u32 $0x7F, v7  }
0x391: {  	v7 =	vand.u32 $0xFFFFFF80, v11;
	v11 =	vand.u32 $0x7F, v11;
	v12 =	vand.u32 $0xFFFFFF80, v12  }
0x392: {  	v44 =	vand.u32 $0x7F, v15;
	v45 =	vand.u32 $0xFFFFFF80, v10;
	v46 =	vand.u32 $0x7F, v10  }
0x393: {  	v10 =	vand.u32 $0xFFFFFF80, v14;
	v47 =	vand.u32 $0x7F, v14;
	v14 =	vand.u32 $0xFFFFFF80, v15  }
0x394: {  	v48 =	vand.u32 $0x7F, v18;
	v15 =	vand.u32 $0xFFFFFF80, v13;
	v13 =	vand.u32 $0x7F, v13  }
0x395: {  	v49 =	vand.u32 $0xFFFFFF80, v17;
	v17 =	vand.u32 $0x7F, v17;
	v18 =	vand.u32 $0xFFFFFF80, v18  }
0x396: {  	v50 =	vand.u32 $0x7F, v21;
	v51 =	vand.u32 $0xFFFFFF80, v16;
	v16 =	vand.u32 $0x7F, v16  }
0x397: {  	v52 =	vand.u32 $0xFFFFFF80, v20;
	v53 =	vand.u32 $0x7F, v20;
	v20 =	vand.u32 $0xFFFFFF80, v21  }
0x398: {  	v54 =	vand.u32 $0x7F, v24;
	v21 =	vand.u32 $0xFFFFFF80, v19;
	v55 =	vand.u32 $0x7F, v19  }
0x399: {  	v19 =	vand.u32 $0xFFFFFF80, v23;
	v56 =	vand.u32 $0x7F, v23;
	v23 =	vand.u32 $0xFFFFFF80, v24  }
0x39a: {  	v57 =	vand.u32 $0x7F, v27;
	v24 =	vand.u32 $0xFFFFFF80, v22;
	v58 =	vand.u32 $0x7F, v22  }
0x39b: {  	v22 =	vand.u32 $0xFFFFFF80, v26;
	v59 =	vand.u32 $0x7F, v26;
	v26 =	vand.u32 $0xFFFFFF80, v27  }
0x39c: {  	v60 =	vand.u32 $0x7F, v30;
	v27 =	vand.u32 $0xFFFFFF80, v25;
	v61 =	vand.u32 $0x7F, v25  }
0x39d: {  	v25 =	vand.u32 $0xFFFFFF80, v29;
	v62 =	vand.u32 $0x7F, v29;
	v29 =	vand.u32 $0xFFFFFF80, v30  }
0x39e: {  	v63 =	vand.u32 $0x7F, v33;
	v30 =	vand.u32 $0xFFFFFF80, v28;
	v28 =	vand.u32 $0x7F, v28  }
0x39f: {  	v33 =	vand.u32 $0xFFFFFF80, v33;
	[tilespmem:$0x1FEB0] =	vst v0;
	v0 =	vand.u32 $0xFFFFFF80, v32;
	v32 =	vand.u32 $0x7F, v32  }
0x3a0: {  	v31 =	vadd.s32 v1, v31;
	v35 =	vadd.s32 v1, v35;
	v34 =	vadd.s32 v1, v34  }
0x3a1: {  	v39 =	vadd.s32 v1, v39;
	v37 =	vadd.s32 v1, v37;
	v6 =	vadd.s32 v1, v6  }
0x3a2: {  	v42 =	vadd.s32 v1, v42;
	v4 =	vadd.s32 v1, v4;
	v9 =	vadd.s32 v1, v9  }
0x3a3: {  	v45 =	vadd.s32 v1, v45;
	v2 =	vadd.s32 v1, v7;
	v12 =	vadd.s32 v1, v12  }
0x3a4: {  	v15 =	vadd.s32 v1, v15;
	v10 =	vadd.s32 v1, v10;
	v14 =	vadd.s32 v1, v14  }
0x3a5: {  	v51 =	vadd.s32 v1, v51;
	v49 =	vadd.s32 v1, v49;
	v18 =	vadd.s32 v1, v18  }
0x3a6: {  	v21 =	vadd.s32 v1, v21;
	v52 =	vadd.s32 v1, v52;
	v20 =	vadd.s32 v1, v20  }
0x3a7: {  	v24 =	vadd.s32 v1, v24;
	v19 =	vadd.s32 v1, v19;
	v23 =	vadd.s32 v1, v23  }
0x3a8: {  	v27 =	vadd.s32 v1, v27;
	v7 =	vadd.s32 v1, v29;
	v29 =	vld [tilespmem:$0x1FEA0];
	v3 =	vor.u32 v3, v35  }
0x3a9: {  	v22 =	vadd.s32 v1, v22;
	v26 =	vadd.s32 v1, v26;
	v30 =	vadd.s32 v1, v30;
	[tilespmem:$0x1FED0] =	vst v3;
	v3 =	vld [tilespmem:$0x1FEB0]  }
0x3aa: {  	v25 =	vadd.s32 v1, v25;
	v33 =	vadd.s32 v1, v33;
	v0 =	vadd.s32 v1, v0  }
0x3ab: {  	v6 =	vor.u32 v36, v6;
	v35 =	vor.u32 v5, v37;
	v5 =	vor.u32 v44, v14  }
0x3ac: {  	v14 =	vor.u32 v46, v45;
	v44 =	vor.u32 v11, v2;
	v15 =	vor.u32 v13, v15  }
0x3ad: {  	s0 =	sadd.s32 $0x10, s0;
	v23 =	vor.u32 v54, v23;
	v21 =	vor.u32 v55, v21;
	v26 =	vor.u32 v57, v26  }
0x3ae: {  	v24 =	vor.u32 v58, v24;
	[tilespmem:$0x1FEC0] =	vst v6;
	v31 =	vor.u32 v29, v31;
	v29 =	vld [tilespmem:s0+$0x0];
	v3 =	vor.u32 v3, v34  }
0x3af: {  	v6 =	vor.u32 v17, v49;
	[tilespmem:$0x1FEE0] =	vst v3;
	v3 =	vor.u32 v38, v9;
	v9 =	vor.u32 v47, v10  }
0x3b0: {  	v10 =	vor.u32 v50, v20;
	v20 =	vor.u32 v16, v51;
	v51 =	vor.u32 v63, v33  }
0x3b1: {  	p0 =	sne.s32 s5, $0x70;
	v50 =	vor.u32 v28, v30;
	[tilespmem:$0x1FEF0] =	vst v3;
	v3 =	vor.u32 v40, v39;
	v39 =	vor.u32 v59, v22  }
.Ltmp1:
0x3b2: {  	[tilespmem:$0x1FF00] =	vst v3;
	v3 =	vor.u32 v41, v12;
	v12 =	vor.u32 v53, v52;
	v41 =	vor.u32 v61, v27;
	(pc) =	sbr.rel @p0 .LBB2_4-.Ltmp1, $4  }
0x3b3: {  	v52 =	vor.u32 v32, v0;
	v13 =	vadd.s32 $0x1E, v29;
	v11 =	vadd.s32 $0x1F, v29  }
0x3b4: {  	v17 =	vadd.s32 $0x1C, v29;
	v16 =	vadd.s32 $0x1D, v29;
	[tilespmem:$0x1FF10] =	vst v3;
	v3 =	vor.u32 v43, v42  }
0x3b5: {  	v43 =	vor.u32 v60, v7;
	[tilespmem:$0x1FF20] =	vst v3;
	v3 =	vor.u32 v8, v4;
	v8 =	vor.u32 v48, v18  }
0x3b6: {  	s5 =	sadd.s32 $0x10, s5;
	v4 =	vor.u32 v56, v19;
	v48 =	vor.u32 v62, v25;
	v18 =	vadd.s32 $0x1B, v29;
	[tilespmem:$0x1FF30] =	vst v3  }
0x3b7: {  	v0 =	vand.u32 $0xFFFFFF80, v29  }
0x3b8: {  	v2 =	vand.u32 $0x7F, v29;
	v3 =	vadd.s32 $0x1, v29;
	v0 =	vadd.s32 v1, v0  }
0x3b9: {  	v0 =	vor.u32 v2, v0;
	v2 =	vand.u32 $0xFFFFFF80, v3  }
0x3ba: {  	v3 =	vand.u32 $0x7F, v3;
	v2 =	vadd.s32 v1, v2  }
0x3bb: {  	v7 =	vadd.s32 $0x2, v29;
	v2 =	vor.u32 v3, v2  }
0x3bc: {  	v3 =	vand.u32 $0xFFFFFF80, v7  }
0x3bd: {  	v19 =	vadd.s32 $0x3, v29;
	v22 =	vld.idx.msk [tilespmem:v31+s21+$0x0], $0xffff;
	v7 =	vand.u32 $0x7F, v7;
	v3 =	vadd.s32 v1, v3  }
0x3be: {  	v3 =	vor.u32 v7, v3;
	v7 =	vand.u32 $0xFFFFFF80, v19;
	v0 =	vld.idx.msk [tilespmem:v0+s23+$0x0], $0xffff  }
0x3bf: {  	v25 =	vadd.s32 $0x4, v29;
	v27 =	vld.idx.msk [tilespmem:v52+s21+$0x0], $0xffff;
	v19 =	vand.u32 $0x7F, v19;
	v7 =	vadd.s32 v1, v7  }
0x3c0: {  	v7 =	vor.u32 v19, v7;
	v19 =	vand.u32 $0xFFFFFF80, v25;
	v2 =	vld.idx.msk [tilespmem:v2+s23+$0x0], $0xffff  }
0x3c1: {  	v28 =	vadd.s32 $0x5, v29;
	v25 =	vand.u32 $0x7F, v25;
	v19 =	vadd.s32 v1, v19  }
0x3c2: {  	v30 =	vld.idx.msk [tilespmem:v51+s21+$0x0], $0xffff;
	v19 =	vor.u32 v25, v19;
	v25 =	vand.u32 $0xFFFFFF80, v28  }
0x3c3: {  	v28 =	vand.u32 $0x7F, v28;
	v3 =	vld.idx.msk [tilespmem:v3+s23+$0x0], $0xffff;
	v25 =	vadd.s32 v1, v25;
	v0 =	vmul.f32 v0, v22  }
0x3c4: {  	v31 =	vld.idx.msk [tilespmem:v50+s21+$0x0], $0xffff;
	v22 =	vadd.s32 $0x6, v29;
	v25 =	vor.u32 v28, v25  }
0x3c5: {  	v28 =	vand.u32 $0xFFFFFF80, v22;
	v7 =	vld.idx.msk [tilespmem:v7+s23+$0x0], $0xffff;
	v0 =	vadd.f32 $0.0e+00, v0;
	v2 =	vmul.f32 v2, v27  }
0x3c6: {  	v32 =	vld.idx.msk [tilespmem:v48+s21+$0x0], $0xffff;
	v22 =	vand.u32 $0x7F, v22;
	v27 =	vadd.s32 $0x7, v29;
	v28 =	vadd.s32 v1, v28  }
0x3c7: {  	v22 =	vor.u32 v22, v28;
	v19 =	vld.idx.msk [tilespmem:v19+s23+$0x0], $0xffff;
	v0 =	vadd.f32 v2, v0;
	v2 =	vand.u32 $0xFFFFFF80, v27  }
0x3c8: {  	v3 =	vmul.f32 v3, v30;
	v27 =	vand.u32 $0x7F, v27;
	v2 =	vadd.s32 v1, v2  }
0x3c9: {  	v28 =	vld.idx.msk [tilespmem:v43+s21+$0x0], $0xffff;
	v2 =	vor.u32 v27, v2;
	v27 =	vadd.s32 $0x8, v29  }
0x3ca: {  	v25 =	vld.idx.msk [tilespmem:v25+s23+$0x0], $0xffff;
	v0 =	vadd.f32 v3, v0;
	v3 =	vmul.f32 v7, v31;
	v7 =	vand.u32 $0xFFFFFF80, v27  }
0x3cb: {  	v30 =	vld.idx.msk [tilespmem:v41+s21+$0x0], $0xffff;
	v27 =	vand.u32 $0x7F, v27;
	v7 =	vadd.s32 v1, v7  }
0x3cc: {  	v0 =	vadd.f32 v3, v0;
	v3 =	vld.idx.msk [tilespmem:v22+s23+$0x0], $0xffff;
	v19 =	vmul.f32 v19, v32;
	v7 =	vor.u32 v27, v7  }
0x3cd: {  	v22 =	vadd.s32 $0x9, v29;
	v27 =	vld.idx.msk [tilespmem:v39+s21+$0x0], $0xffff  }
0x3ce: {  	v0 =	vadd.f32 v19, v0;
	v19 =	vand.u32 $0xFFFFFF80, v22;
	v2 =	vld.idx.msk [tilespmem:v2+s23+$0x0], $0xffff  }
0x3cf: {  	v25 =	vmul.f32 v25, v28;
	v22 =	vand.u32 $0x7F, v22;
	v19 =	vadd.s32 v1, v19  }
0x3d0: {  	v19 =	vor.u32 v22, v19;
	v22 =	vld.idx.msk [tilespmem:v26+s21+$0x0], $0xffff  }
0x3d1: {  	v26 =	vadd.s32 $0xA, v29;
	v0 =	vadd.f32 v25, v0;
	v3 =	vmul.f32 v3, v30;
	v7 =	vld.idx.msk [tilespmem:v7+s23+$0x0], $0xffff  }
0x3d2: {  	v28 =	vand.u32 $0xFFFFFF80, v26;
	v26 =	vand.u32 $0x7F, v26  }
0x3d3: {  	v28 =	vadd.s32 v1, v28;
	v0 =	vadd.f32 v3, v0;
	v2 =	vmul.f32 v2, v27  }
0x3d4: {  	v24 =	vld.idx.msk [tilespmem:v24+s21+$0x0], $0xffff;
	v25 =	vadd.s32 $0x18, v29;
	v3 =	vadd.s32 $0x19, v29;
	v26 =	vor.u32 v26, v28  }
0x3d5: {  	v28 =	vadd.s32 $0xC, v29;
	v27 =	vadd.s32 $0xB, v29;
	v19 =	vld.idx.msk [tilespmem:v19+s23+$0x0], $0xffff;
	v0 =	vadd.f32 v2, v0  }
0x3d6: {  	v2 =	vand.u32 $0xFFFFFF80, v27;
	v27 =	vand.u32 $0x7F, v27;
	v7 =	vmul.f32 v7, v22  }
0x3d7: {  	v22 =	vand.u32 $0xFFFFFF80, v28;
	v2 =	vadd.s32 v1, v2;
	v28 =	vand.u32 $0x7F, v28  }
0x3d8: {  	v4 =	vld.idx.msk [tilespmem:v4+s21+$0x0], $0xffff;
	v22 =	vadd.s32 v1, v22;
	v2 =	vor.u32 v27, v2;
	v27 =	vadd.s32 $0xD, v29  }
0x3d9: {  	v26 =	vld.idx.msk [tilespmem:v26+s23+$0x0], $0xffff;
	v22 =	vor.u32 v28, v22;
	v28 =	vadd.s32 $0xE, v29;
	v0 =	vadd.f32 v7, v0  }
0x3da: {  	v7 =	vand.u32 $0xFFFFFF80, v27;
	v27 =	vand.u32 $0x7F, v27;
	v19 =	vmul.f32 v19, v24  }
0x3db: {  	v24 =	vand.u32 $0xFFFFFF80, v28;
	v7 =	vadd.s32 v1, v7;
	v28 =	vand.u32 $0x7F, v28  }
0x3dc: {  	v23 =	vld.idx.msk [tilespmem:v23+s21+$0x0], $0xffff;
	v24 =	vadd.s32 v1, v24;
	v7 =	vor.u32 v27, v7;
	v27 =	vadd.s32 $0xF, v29  }
0x3dd: {  	v24 =	vor.u32 v28, v24;
	v28 =	vadd.s32 $0x10, v29;
	v0 =	vadd.f32 v19, v0;
	v2 =	vld.idx.msk [tilespmem:v2+s23+$0x0], $0xffff  }
0x3de: {  	v21 =	vld.idx.msk [tilespmem:v21+s21+$0x0], $0xffff;
	v19 =	vand.u32 $0xFFFFFF80, v27;
	v27 =	vand.u32 $0x7F, v27;
	v4 =	vmul.f32 v26, v4  }
0x3df: {  	v12 =	vld.idx.msk [tilespmem:v12+s21+$0x0], $0xffff;
	v26 =	vand.u32 $0xFFFFFF80, v28;
	v19 =	vadd.s32 v1, v19;
	v28 =	vand.u32 $0x7F, v28  }
0x3e0: {  	v22 =	vld.idx.msk [tilespmem:v22+s23+$0x0], $0xffff;
	v26 =	vadd.s32 v1, v26;
	v19 =	vor.u32 v27, v19;
	v27 =	vadd.s32 $0x11, v29  }
0x3e1: {  	v26 =	vor.u32 v28, v26;
	v0 =	vadd.f32 v4, v0;
	v4 =	vand.u32 $0xFFFFFF80, v27;
	v7 =	vld.idx.msk [tilespmem:v7+s23+$0x0], $0xffff  }
0x3e2: {  	v27 =	vand.u32 $0x7F, v27;
	v4 =	vadd.s32 v1, v4;
	v2 =	vmul.f32 v2, v23  }
0x3e3: {  	v10 =	vld.idx.msk [tilespmem:v10+s21+$0x0], $0xffff;
	v28 =	vadd.s32 $0x1A, v29;
	v4 =	vor.u32 v27, v4;
	v27 =	vadd.s32 $0x12, v29  }
0x3e4: {  	v24 =	vld.idx.msk [tilespmem:v24+s23+$0x0], $0xffff;
	v23 =	vadd.s32 $0x15, v29;
	v0 =	vadd.f32 v2, v0;
	v2 =	vand.u32 $0xFFFFFF80, v27  }
0x3e5: {  	v20 =	vld.idx.msk [tilespmem:v20+s21+$0x0], $0xffff;
	v21 =	vmul.f32 v22, v21;
	v27 =	vand.u32 $0x7F, v27;
	v2 =	vadd.s32 v1, v2  }
0x3e6: {  	v6 =	vld.idx.msk [tilespmem:v6+s21+$0x0], $0xffff;
	v22 =	vadd.s32 $0x16, v29;
	v7 =	vmul.f32 v7, v12;
	v2 =	vor.u32 v27, v2  }
0x3e7: {  	v19 =	vld.idx.msk [tilespmem:v19+s23+$0x0], $0xffff;
	v27 =	vadd.s32 $0x13, v29;
	v0 =	vadd.f32 v21, v0;
	v21 =	vadd.s32 $0x17, v29  }
0x3e8: {  	v26 =	vld.idx.msk [tilespmem:v26+s23+$0x0], $0xffff;
	v29 =	vadd.s32 $0x14, v29;
	v12 =	vand.u32 $0xFFFFFF80, v27;
	v27 =	vand.u32 $0x7F, v27  }
0x3e9: {  	v8 =	vld.idx.msk [tilespmem:v8+s21+$0x0], $0xffff;
	v12 =	vadd.s32 v1, v12;
	v0 =	vadd.f32 v7, v0;
	v7 =	vmul.f32 v24, v10  }
0x3ea: {  	v4 =	vld.idx.msk [tilespmem:v4+s23+$0x0], $0xffff;
	v24 =	vand.u32 $0xFFFFFF80, v23;
	v12 =	vor.u32 v27, v12;
	v27 =	vand.u32 $0xFFFFFF80, v29  }
0x3eb: {  	v23 =	vand.u32 $0x7F, v23;
	v29 =	vand.u32 $0x7F, v29;
	v10 =	vadd.s32 v1, v27  }
0x3ec: {  	v15 =	vld.idx.msk [tilespmem:v15+s21+$0x0], $0xffff;
	v0 =	vadd.f32 v7, v0;
	v7 =	vmul.f32 v19, v20;
	v10 =	vor.u32 v29, v10  }
0x3ed: {  	v6 =	vmul.f32 v26, v6;
	v19 =	vadd.s32 v1, v24;
	v20 =	vand.u32 $0xFFFFFF80, v22;
	v2 =	vld.idx.msk [tilespmem:v2+s23+$0x0], $0xffff  }
0x3ee: {  	v9 =	vld.idx.msk [tilespmem:v9+s21+$0x0], $0xffff;
	v22 =	vand.u32 $0x7F, v22;
	v19 =	vor.u32 v23, v19;
	v0 =	vadd.f32 v7, v0  }
0x3ef: {  	v4 =	vmul.f32 v4, v8;
	v7 =	vadd.s32 v1, v20;
	v20 =	vand.u32 $0xFFFFFF80, v21;
	v12 =	vld.idx.msk [tilespmem:v12+s23+$0x0], $0xffff  }
0x3f0: {  	v5 =	vld.idx.msk [tilespmem:v5+s21+$0x0], $0xffff;
	v21 =	vand.u32 $0x7F, v21;
	v0 =	vadd.f32 v6, v0;
	v6 =	vadd.s32 v1, v20  }
0x3f1: {  	v7 =	vor.u32 v22, v7;
	v6 =	vor.u32 v21, v6;
	v8 =	vld.idx.msk [tilespmem:v10+s23+$0x0], $0xffff  }
0x3f2: {  	v14 =	vld.idx.msk [tilespmem:v14+s21+$0x0], $0xffff;
	v10 =	vand.u32 $0xFFFFFF80, v25;
	v0 =	vadd.f32 v4, v0;
	v2 =	vmul.f32 v2, v15  }
0x3f3: {  	v15 =	vand.u32 $0xFFFFFF80, v3;
	v3 =	vand.u32 $0x7F, v3;
	v4 =	vadd.s32 v1, v10;
	v10 =	vld.idx.msk [tilespmem:v19+s23+$0x0], $0xffff  }
0x3f4: {  	v19 =	vld.idx.msk [tilespmem:v44+s21+$0x0], $0xffff;
	v0 =	vadd.f32 v2, v0;
	v2 =	vmul.f32 v12, v9;
	v9 =	vadd.s32 v1, v15  }
0x3f5: {  	v12 =	vand.u32 $0x7F, v28;
	v15 =	vld [tilespmem:$0x1FF10];
	v3 =	vor.u32 v3, v9;
	v9 =	vand.u32 $0xFFFFFF80, v28  }
0x3f6: {  	v7 =	vld.idx.msk [tilespmem:v7+s23+$0x0], $0xffff;
	v0 =	vadd.f32 v2, v0;
	v2 =	vmul.f32 v8, v5;
	v5 =	vadd.s32 v1, v9  }
0x3f7: {  	v20 =	vand.u32 $0x7F, v25;
	v5 =	vor.u32 v12, v5;
	v12 =	vld [tilespmem:$0x1FF20]  }
0x3f8: {  	v4 =	vor.u32 v20, v4;
	v8 =	vand.u32 $0xFFFFFF80, v18;
	v9 =	vand.u32 $0x7F, v18  }
0x3f9: {  	v8 =	vadd.s32 v1, v8;
	v0 =	vadd.f32 v2, v0;
	v2 =	vmul.f32 v10, v14  }
0x3fa: {  	v8 =	vor.u32 v9, v8;
	v9 =	vand.u32 $0xFFFFFF80, v17;
	v10 =	vand.u32 $0x7F, v17;
	v14 =	vld [tilespmem:$0x1FF30]  }
0x3fb: {  	v6 =	vld.idx.msk [tilespmem:v6+s23+$0x0], $0xffff;
	v0 =	vadd.f32 v2, v0;
	v2 =	vmul.f32 v7, v19;
	v7 =	vadd.s32 v1, v9  }
0x3fc: {  	v9 =	vand.u32 $0xFFFFFF80, v16;
	v7 =	vor.u32 v10, v7;
	v10 =	vand.u32 $0x7F, v16;
	v16 =	vld [tilespmem:$0x1FEF0]  }
0x3fd: {  	v15 =	vld.idx.msk [tilespmem:v15+s21+$0x0], $0xffff  }
0x3fe: {  	v4 =	vld.idx.msk [tilespmem:v4+s23+$0x0], $0xffff  }
0x3ff: {  	v12 =	vld.idx.msk [tilespmem:v12+s21+$0x0], $0xffff  }
0x400: {  	v3 =	vld.idx.msk [tilespmem:v3+s23+$0x0], $0xffff  }
0x401: {  	v5 =	vld.idx.msk [tilespmem:v5+s23+$0x0], $0xffff  }
0x402: {  	v0 =	vadd.f32 v2, v0;
	v14 =	vld.idx.msk [tilespmem:v14+s21+$0x0], $0xffff;
	v2 =	vmul.f32 v6, v15;
	v6 =	vadd.s32 v1, v9  }
0x403: {  	v9 =	vand.u32 $0xFFFFFF80, v13;
	v6 =	vor.u32 v10, v6;
	v10 =	vand.u32 $0x7F, v13;
	v13 =	vld [tilespmem:$0x1FF00]  }
0x404: {  	v16 =	vld.idx.msk [tilespmem:v16+s21+$0x0], $0xffff;
	v0 =	vadd.f32 v2, v0;
	v2 =	vmul.f32 v4, v12  }
0x405: {  	v4 =	vadd.s32 v1, v9  }
0x406: {  	v8 =	vld.idx.msk [tilespmem:v8+s23+$0x0], $0xffff;
	v4 =	vor.u32 v10, v4;
	v10 =	vand.u32 $0xFFFFFF80, v11;
	v0 =	vadd.f32 v2, v0  }
0x407: {  	v2 =	vmul.f32 v3, v14;
	v3 =	vand.u32 $0x7F, v11;
	v1 =	vadd.s32 v1, v10;
	v10 =	vld [tilespmem:$0x1FEC0]  }
0x408: {  	v1 =	vor.u32 v3, v1;
	v3 =	vld.idx.msk [tilespmem:v6+s23+$0x0], $0xffff  }
0x409: {  	v0 =	vadd.f32 v2, v0;
	v2 =	vmul.f32 v5, v16;
	v5 =	vld [tilespmem:$0x1FED0]  }
0x40a: {  	v6 =	vld [tilespmem:$0x1FEE0]  }
0x40b: {  	v13 =	vld.idx.msk [tilespmem:v13+s21+$0x0], $0xffff  }
0x40c: {  	v7 =	vld.idx.msk [tilespmem:v7+s23+$0x0], $0xffff  }
0x40d: {  	v9 =	vld.idx.msk [tilespmem:v35+s21+$0x0], $0xffff;
	_ =	sdelay $0x1  }
0x40e: {  	v10 =	vld.idx.msk [tilespmem:v10+s21+$0x0], $0xffff  }
0x40f: {  	v0 =	vadd.f32 v2, v0;
	v4 =	vld.idx.msk [tilespmem:v4+s23+$0x0], $0xffff;
	v2 =	vmul.f32 v8, v13  }
0x410: {  	v5 =	vld.idx.msk [tilespmem:v5+s21+$0x0], $0xffff  }
0x411: {  	v1 =	vld.idx.msk [tilespmem:v1+s23+$0x0], $0xffff;
	v0 =	vadd.f32 v2, v0;
	v2 =	vmul.f32 v7, v9  }
0x412: {  	v6 =	vld.idx.msk [tilespmem:v6+s21+$0x0], $0xffff  }
0x413: {  	v0 =	vadd.f32 v2, v0;
	v2 =	vmul.f32 v3, v10;
	_ =	sdelay $0x1  }
0x414: {  	v0 =	vadd.f32 v2, v0;
	v2 =	vmul.f32 v4, v5;
	_ =	sdelay $0x1  }
0x415: {  	v1 =	vmul.f32 v1, v6;
	v0 =	vadd.f32 v2, v0;
	_ =	sdelay $0x1  }
0x416: {  	v0 =	vadd.f32 v1, v0  }
0x417: {  	s0 =	sadd.s32 $0x10, s30  }
0x418: {  	[tilespmem:s0+$0x0] =	vst v0  }
0x419: {  	v0 =	vld [tilespmem:$0x180];
	_ =	sdelay $0x1  }
0x41a: {  	v1 =	vld [tilespmem:$0x380];
	_ =	sdelay $0x1  }
0x41b: {  	v2 =	vld [tilespmem:$0x190]  }
0x41c: {  	v3 =	vshra.s32 v0, $0x2;
	v0 =	vshll.u32 v0, $0x5  }
0x41d: {  	[tilespmem:$0x480] =	vst v3;
	v0 =	vand.u32 $0x60, v0;
	v3 =	vld [tilespmem:$0x390]  }
0x41e: {  	[tilespmem:$0x680] =	vst v0;
	v0 =	vshra.s32 v1, $0x2;
	v1 =	vshll.u32 v1, $0x5  }
0x41f: {  	[tilespmem:$0x580] =	vst v0;
	v0 =	vand.u32 $0x60, v1;
	v1 =	vld [tilespmem:$0x1A0]  }
0x420: {  	[tilespmem:$0x780] =	vst v0;
	v0 =	vshra.s32 v2, $0x2;
	v2 =	vshll.u32 v2, $0x5  }
0x421: {  	[tilespmem:$0x490] =	vst v0;
	v0 =	vand.u32 $0x60, v2;
	v2 =	vld [tilespmem:$0x3A0]  }
0x422: {  	[tilespmem:$0x690] =	vst v0;
	v0 =	vshra.s32 v3, $0x2;
	v3 =	vshll.u32 v3, $0x5  }
0x423: {  	[tilespmem:$0x590] =	vst v0;
	v0 =	vand.u32 $0x60, v3;
	v3 =	vld [tilespmem:$0x1B0]  }
0x424: {  	[tilespmem:$0x790] =	vst v0;
	v0 =	vshra.s32 v1, $0x2;
	v1 =	vshll.u32 v1, $0x5  }
0x425: {  	[tilespmem:$0x4A0] =	vst v0;
	v0 =	vand.u32 $0x60, v1;
	v1 =	vld [tilespmem:$0x3B0]  }
0x426: {  	[tilespmem:$0x6A0] =	vst v0;
	v0 =	vshra.s32 v2, $0x2;
	v2 =	vshll.u32 v2, $0x5  }
0x427: {  	[tilespmem:$0x5A0] =	vst v0;
	v0 =	vand.u32 $0x60, v2;
	v2 =	vld [tilespmem:$0x1C0]  }
0x428: {  	[tilespmem:$0x7A0] =	vst v0;
	v0 =	vshra.s32 v3, $0x2;
	v3 =	vshll.u32 v3, $0x5  }
0x429: {  	[tilespmem:$0x4B0] =	vst v0;
	v0 =	vand.u32 $0x60, v3;
	v3 =	vld [tilespmem:$0x3C0]  }
0x42a: {  	[tilespmem:$0x6B0] =	vst v0;
	v0 =	vshra.s32 v1, $0x2;
	v1 =	vshll.u32 v1, $0x5  }
0x42b: {  	[tilespmem:$0x5B0] =	vst v0;
	v0 =	vand.u32 $0x60, v1;
	v1 =	vld [tilespmem:$0x1D0]  }
0x42c: {  	[tilespmem:$0x7B0] =	vst v0;
	v0 =	vshra.s32 v2, $0x2;
	v2 =	vshll.u32 v2, $0x5  }
0x42d: {  	[tilespmem:$0x4C0] =	vst v0;
	v0 =	vand.u32 $0x60, v2;
	v2 =	vld [tilespmem:$0x3D0]  }
0x42e: {  	[tilespmem:$0x6C0] =	vst v0;
	v0 =	vshra.s32 v3, $0x2;
	v3 =	vshll.u32 v3, $0x5  }
0x42f: {  	[tilespmem:$0x5C0] =	vst v0;
	v0 =	vand.u32 $0x60, v3;
	v3 =	vld [tilespmem:$0x1E0]  }
0x430: {  	[tilespmem:$0x7C0] =	vst v0;
	v0 =	vshra.s32 v1, $0x2;
	v1 =	vshll.u32 v1, $0x5  }
0x431: {  	[tilespmem:$0x4D0] =	vst v0;
	v0 =	vand.u32 $0x60, v1;
	v1 =	vld [tilespmem:$0x3E0]  }
0x432: {  	[tilespmem:$0x6D0] =	vst v0;
	v0 =	vshra.s32 v2, $0x2;
	v2 =	vshll.u32 v2, $0x5  }
0x433: {  	[tilespmem:$0x5D0] =	vst v0;
	v0 =	vand.u32 $0x60, v2;
	v2 =	vld [tilespmem:$0x1F0]  }
0x434: {  	[tilespmem:$0x7D0] =	vst v0;
	v0 =	vshra.s32 v3, $0x2;
	v3 =	vshll.u32 v3, $0x5  }
0x435: {  	[tilespmem:$0x4E0] =	vst v0;
	v0 =	vand.u32 $0x60, v3;
	v3 =	vld [tilespmem:$0x3F0]  }
0x436: {  	[tilespmem:$0x6E0] =	vst v0;
	v0 =	vshra.s32 v1, $0x2;
	v1 =	vshll.u32 v1, $0x5  }
0x437: {  	[tilespmem:$0x5E0] =	vst v0;
	v0 =	vand.u32 $0x60, v1  }
0x438: {  	[tilespmem:$0x7E0] =	vst v0;
	v0 =	vshra.s32 v2, $0x2;
	v1 =	vshll.u32 v2, $0x5  }
0x439: {  	[tilespmem:$0x4F0] =	vst v0;
	v0 =	vand.u32 $0x60, v1  }
0x43a: {  	[tilespmem:$0x6F0] =	vst v0;
	v0 =	vshra.s32 v3, $0x2;
	v1 =	vshll.u32 v3, $0x5  }
0x43b: {  	[tilespmem:$0x5F0] =	vst v0;
	v0 =	vand.u32 $0x60, v1  }
0x43c: {  	[tilespmem:$0x7F0] =	vst v0  }
0x43d: {  	[tilespmem:s21], [sflag:$0x2] =	stream.indirect.gather [hbm4b:s1+s15], $0x80, s20, s15, $0xb8;
	[tilespmem:$0x10E00] =	vst v63  }
0x43e: {  	_ = 	snop  }
0x43f: {  	[tilespmem:s23], [sflag:$0x2] =	stream.indirect.gather [hbm4b:s2+s15], $0x80, s22, s15, $0xb8;
	[tilespmem:$0x10E00] =	vst v63  }
0x440: {  	_ =	swait.ge [sflag:s24], $0x4000  }
0x441: {  	[sflag:s24] =	ssyncset.done $0x0  }
0x442: {  	[sflag:s24] =	ssyncadd.s32 $0xFFFFC000  }
0x443: {  	_ =	swait.ge [sflag:s24], $0x4000  }
0x444: {  	[sflag:s24] =	ssyncset.done $0x0  }
0x445: {  	s5 =	simm.s32 $0x600;
	v44 =	vld [tilespmem:$0x1FFF0];
	[sflag:s24] =	ssyncadd.s32 $0xFFFFC000  }
0x446: {  	v16 =	vld [tilespmem:s5+$0x0];
	_ =	sdelay $0x1  }
0x447: {  	s5 =	simm.s32 $0x0  }
0x448: {  	v0 =	vmov s5  }
0x449: {  	v0 =	vshll.u32 v0, $0x7  }
0x44a: {  	v1 =	vor.u32 v44, v0;
	v0 =	vadd.s32 $0x1B, v16;
	v2 =	vadd.s32 $0x1C, v16  }
0x44b: {  	v3 =	vadd.s32 $0x1D, v16;
	v4 =	vadd.s32 $0x18, v16;
	v5 =	vadd.s32 $0x19, v16  }
0x44c: {  	v6 =	vadd.s32 $0x1A, v16;
	v7 =	vadd.s32 $0x15, v16;
	v8 =	vadd.s32 $0x16, v16  }
0x44d: {  	v9 =	vadd.s32 $0x17, v16;
	v10 =	vadd.s32 $0x12, v16;
	v11 =	vadd.s32 $0x13, v16  }
0x44e: {  	v12 =	vadd.s32 $0x14, v16;
	v13 =	vadd.s32 $0xF, v16;
	v14 =	vadd.s32 $0x10, v16  }
0x44f: {  	v15 =	vadd.s32 $0x11, v16;
	v17 =	vadd.s32 $0xC, v16;
	v18 =	vadd.s32 $0xD, v16  }
0x450: {  	v19 =	vadd.s32 $0xE, v16;
	v20 =	vadd.s32 $0x9, v16;
	v21 =	vadd.s32 $0xA, v16  }
0x451: {  	v22 =	vadd.s32 $0xB, v16;
	v23 =	vadd.s32 $0x6, v16;
	v24 =	vadd.s32 $0x7, v16  }
0x452: {  	v25 =	vadd.s32 $0x8, v16;
	v27 =	vadd.s32 $0x3, v16;
	v28 =	vadd.s32 $0x4, v16  }
0x453: {  	v29 =	vadd.s32 $0x5, v16;
	v26 =	vand.u32 $0x7F, v16;
	v30 =	vadd.s32 $0x1, v16  }
0x454: {  	v31 =	vadd.s32 $0x2, v16;
	v57 =	vand.u32 $0xFFFFFF80, v16;
	v33 =	vand.u32 $0x7F, v3  }
0x455: {  	v34 =	vand.u32 $0xFFFFFF80, v2;
	v58 =	vand.u32 $0x7F, v2;
	v2 =	vand.u32 $0xFFFFFF80, v3  }
0x456: {  	v3 =	vand.u32 $0x7F, v6;
	v36 =	vand.u32 $0xFFFFFF80, v0;
	v0 =	vand.u32 $0x7F, v0  }
0x457: {  	v37 =	vand.u32 $0xFFFFFF80, v5;
	v38 =	vand.u32 $0x7F, v5;
	v5 =	vand.u32 $0xFFFFFF80, v6  }
0x458: {  	v6 =	vand.u32 $0x7F, v9;
	v59 =	vand.u32 $0xFFFFFF80, v4;
	v32 =	vadd.s32 v1, v57  }
0x459: {  	v40 =	vand.u32 $0x7F, v4;
	v60 =	vand.u32 $0x7F, v8;
	v61 =	vand.u32 $0xFFFFFF80, v7  }
0x45a: {  	v62 =	vand.u32 $0x7F, v7;
	v42 =	vand.u32 $0x7F, v11;
	v63 =	vand.u32 $0x7F, v15  }
0x45b: {  	v45 =	vand.u32 $0xFFFFFF80, v10;
	v46 =	vand.u32 $0x7F, v10;
	v47 =	vand.u32 $0xFFFFFF80, v14  }
0x45c: {  	v48 =	vand.u32 $0x7F, v14;
	v14 =	vand.u32 $0xFFFFFF80, v15;
	v49 =	vand.u32 $0x7F, v19  }
0x45d: {  	v50 =	vand.u32 $0x7F, v13;
	v51 =	vand.u32 $0xFFFFFF80, v18;
	v52 =	vand.u32 $0x7F, v18  }
0x45e: {  	v18 =	vand.u32 $0xFFFFFF80, v19;
	v53 =	vand.u32 $0xFFFFFF80, v17;
	v54 =	vand.u32 $0x7F, v17  }
0x45f: {  	v55 =	vand.u32 $0xFFFFFF80, v21;
	v21 =	vand.u32 $0x7F, v21;
	v56 =	vand.u32 $0xFFFFFF80, v20  }
0x460: {  	v20 =	vand.u32 $0x7F, v20;
	v57 =	vand.u32 $0xFFFFFF80, v24;
	v32 =	vor.u32 v26, v32  }
0x461: {  	v26 =	vand.u32 $0xFFFFFF80, v8;
	v8 =	vand.u32 $0xFFFFFF80, v9;
	v2 =	vadd.s32 v1, v2  }
0x462: {  	v9 =	vand.u32 $0x7F, v12;
	v4 =	vadd.s32 v1, v5;
	v17 =	vadd.s32 v1, v18  }
0x463: {  	v2 =	vor.u32 v33, v2;
	v5 =	vor.u32 v3, v4;
	v3 =	vadd.s32 v1, v36  }
0x464: {  	v7 =	vadd.s32 v1, v8;
	v19 =	vor.u32 v49, v17;
	v17 =	vadd.s32 v1, v47  }
0x465: {  	v33 =	vadd.s32 v1, v57;
	v4 =	vor.u32 v0, v3;
	v0 =	vand.u32 $0xFFFFFF80, v11  }
0x466: {  	v11 =	vand.u32 $0xFFFFFF80, v12;
	v3 =	vadd.s32 v1, v34;
	v8 =	vor.u32 v6, v7  }
0x467: {  	v6 =	vadd.s32 v1, v59;
	v17 =	vor.u32 v48, v17;
	v59 =	vand.u32 $0x7F, v23  }
0x468: {  	v3 =	vor.u32 v58, v3;
	v7 =	vor.u32 v40, v6;
	v6 =	vadd.s32 v1, v37  }
0x469: {  	v10 =	vadd.s32 v1, v11;
	v0 =	vadd.s32 v1, v0;
	v58 =	vand.u32 $0x7F, v24  }
0x46a: {  	v24 =	vadd.s32 v1, v53;
	v6 =	vor.u32 v38, v6;
	v12 =	vor.u32 v9, v10  }
0x46b: {  	v9 =	vand.u32 $0xFFFFFF80, v13;
	v10 =	vadd.s32 v1, v61;
	v13 =	vadd.s32 v1, v14  }
0x46c: {  	v24 =	vor.u32 v54, v24;
	v61 =	vadd.s32 v1, v56;
	v33 =	vor.u32 v58, v33  }
0x46d: {  	v11 =	vor.u32 v62, v10;
	v10 =	vadd.s32 v1, v26;
	v26 =	vand.u32 $0x7F, v22  }
0x46e: {  	v15 =	vor.u32 v63, v13;
	v13 =	vadd.s32 v1, v45;
	v22 =	vand.u32 $0xFFFFFF80, v22  }
0x46f: {  	v9 =	vadd.s32 v1, v9;
	v62 =	vand.u32 $0x7F, v31;
	v36 =	vor.u32 v20, v61  }
0x470: {  	v20 =	vand.u32 $0xFFFFFF80, v27;
	v27 =	vand.u32 $0x7F, v27;
	v63 =	vadd.s32 v1, v55  }
0x471: {  	v31 =	vand.u32 $0xFFFFFF80, v31;
	v10 =	vor.u32 v60, v10;
	v14 =	vor.u32 v46, v13  }
0x472: {  	v13 =	vor.u32 v42, v0;
	v0 =	vand.u32 $0x7F, v25;
	v18 =	vor.u32 v50, v9  }
0x473: {  	v9 =	vand.u32 $0xFFFFFF80, v25;
	v25 =	vand.u32 $0x7F, v29;
	v22 =	vadd.s32 v1, v22  }
0x474: {  	v60 =	vand.u32 $0xFFFFFF80, v28;
	v28 =	vand.u32 $0x7F, v28;
	v29 =	vand.u32 $0xFFFFFF80, v29  }
0x475: {  	v38 =	vor.u32 v21, v63;
	v21 =	vand.u32 $0xFFFFFF80, v30;
	v30 =	vand.u32 $0x7F, v30  }
0x476: {  	s5 =	simm.s32 $0x700;
	v20 =	vadd.s32 v1, v20;
	v31 =	vadd.s32 v1, v31;
	v9 =	vadd.s32 v1, v9  }
0x477: {  	v26 =	vor.u32 v26, v22;
	v22 =	vand.u32 $0xFFFFFF80, v23;
	v0 =	vor.u32 v0, v9;
	v9 =	vld [tilespmem:s5+$0x0]  }
0x478: {  	v23 =	vadd.s32 v1, v51;
	v29 =	vadd.s32 v1, v29;
	v21 =	vadd.s32 v1, v21  }
0x479: {  	v35 =	vadd.s32 v1, v60;
	v31 =	vor.u32 v62, v31;
	v20 =	vor.u32 v27, v20  }
0x47a: {  	v23 =	vor.u32 v52, v23;
	v22 =	vadd.s32 v1, v22;
	v25 =	vor.u32 v25, v29  }
0x47b: {  	v21 =	vor.u32 v30, v21;
	v28 =	vor.u32 v28, v35;
	v22 =	vor.u32 v59, v22  }
0x47c: {  	v29 =	vand.u32 $0xFFFFFF80, v9;
	v30 =	vand.u32 $0x7F, v9;
	v39 =	vadd.s32 $0x1, v9  }
0x47d: {  	v40 =	vadd.s32 $0x2, v9;
	v42 =	vadd.s32 $0x3, v9;
	v46 =	vadd.s32 $0x4, v9  }
0x47e: {  	v49 =	vadd.s32 $0x5, v9;
	v51 =	vadd.s32 $0x6, v9;
	v29 =	vadd.s32 v1, v29  }
0x47f: {  	v53 =	vadd.s32 $0x7, v9;
	v29 =	vor.u32 v30, v29;
	v30 =	vand.u32 $0xFFFFFF80, v39  }
0x480: {  	v55 =	vadd.s32 $0xA, v9;
	v34 =	vand.u32 $0x7F, v39;
	v30 =	vadd.s32 v1, v30  }
0x481: {  	v63 =	vadd.s32 $0x1B, v9;
	v41 =	vand.u32 $0xFFFFFF80, v40;
	v30 =	vor.u32 v34, v30  }
0x482: {  	v32 =	vld.idx.msk [tilespmem:v32+s17+$0x0], $0xffff;
	v43 =	vand.u32 $0xFFFFFF80, v42;
	v37 =	vadd.s32 v1, v41;
	v34 =	vand.u32 $0x7F, v40  }
0x483: {  	v21 =	vld.idx.msk [tilespmem:v21+s17+$0x0], $0xffff;
	v45 =	vand.u32 $0x7F, v42;
	v47 =	vand.u32 $0xFFFFFF80, v46;
	v27 =	vor.u32 v34, v37  }
0x484: {  	v48 =	vand.u32 $0x7F, v46;
	v50 =	vand.u32 $0xFFFFFF80, v49;
	v34 =	vadd.s32 v1, v43;
	v29 =	vld.idx.msk [tilespmem:v29+s19+$0x0], $0xffff  }
0x485: {  	v52 =	vand.u32 $0xFFFFFF80, v51;
	v57 =	vld.idx.msk [tilespmem:v22+s17+$0x0], $0xffff;
	v22 =	vand.u32 $0xFFFFFF80, v55;
	v34 =	vor.u32 v45, v34  }
0x486: {  	v58 =	vand.u32 $0x7F, v55;
	v46 =	vadd.s32 $0x19, v9;
	v55 =	vadd.s32 $0x13, v9;
	v30 =	vld.idx.msk [tilespmem:v30+s19+$0x0], $0xffff  }
0x487: {  	v31 =	vld.idx.msk [tilespmem:v31+s17+$0x0], $0xffff;
	v35 =	vadd.s32 v1, v47;
	v39 =	vand.u32 $0x7F, v49;
	v22 =	vadd.s32 v1, v22  }
0x488: {  	v47 =	vadd.s32 $0x1A, v9;
	v35 =	vor.u32 v48, v35;
	v37 =	vadd.s32 v1, v50;
	v27 =	vld.idx.msk [tilespmem:v27+s19+$0x0], $0xffff  }
0x489: {  	v20 =	vld.idx.msk [tilespmem:v20+s17+$0x0], $0xffff;
	v49 =	vadd.s32 $0x15, v9;
	v37 =	vor.u32 v39, v37;
	v29 =	vmul.f32 v29, v32  }
0x48a: {  	v43 =	vadd.s32 $0xD, v9;
	v50 =	vadd.s32 $0xF, v9;
	v39 =	vadd.s32 v1, v52;
	v34 =	vld.idx.msk [tilespmem:v34+s19+$0x0], $0xffff  }
0x48b: {  	v28 =	vld.idx.msk [tilespmem:v28+s17+$0x0], $0xffff;
	v32 =	vand.u32 $0x7F, v51;
	v29 =	vadd.f32 $0.0e+00, v29;
	v21 =	vmul.f32 v30, v21  }
0x48c: {  	v25 =	vld.idx.msk [tilespmem:v25+s17+$0x0], $0xffff;
	v32 =	vor.u32 v32, v39;
	v39 =	vand.u32 $0x7F, v53;
	v30 =	vadd.s32 $0x8, v9  }
0x48d: {  	v35 =	vld.idx.msk [tilespmem:v35+s19+$0x0], $0xffff;
	v27 =	vmul.f32 v27, v31;
	v21 =	vadd.f32 v21, v29;
	v29 =	vand.u32 $0xFFFFFF80, v53  }
0x48e: {  	v37 =	vld.idx.msk [tilespmem:v37+s19+$0x0], $0xffff;
	v31 =	vand.u32 $0xFFFFFF80, v30;
	v30 =	vand.u32 $0x7F, v30;
	v29 =	vadd.s32 v1, v29  }
0x48f: {  	v31 =	vadd.s32 v1, v31;
	v20 =	vmul.f32 v34, v20;
	v29 =	vor.u32 v39, v29  }
0x490: {  	v30 =	vor.u32 v30, v31;
	v31 =	vadd.s32 $0x9, v9;
	v21 =	vadd.f32 v27, v21  }
0x491: {  	v45 =	vld.idx.msk [tilespmem:v26+s17+$0x0], $0xffff;
	v26 =	vadd.s32 $0x1D, v9;
	v54 =	vand.u32 $0xFFFFFF80, v31;
	v31 =	vand.u32 $0x7F, v31  }
0x492: {  	v34 =	vadd.s32 v1, v54;
	v20 =	vadd.f32 v20, v21;
	v21 =	vmul.f32 v35, v28;
	v28 =	vld.idx.msk [tilespmem:v32+s19+$0x0], $0xffff  }
0x493: {  	v33 =	vld.idx.msk [tilespmem:v33+s17+$0x0], $0xffff;
	v51 =	vadd.s32 $0x10, v9;
	v25 =	vmul.f32 v37, v25;
	v31 =	vor.u32 v31, v34  }
0x494: {  	v27 =	vadd.s32 $0x1E, v16;
	v32 =	vor.u32 v58, v22;
	v22 =	vadd.s32 $0xB, v9;
	v29 =	vld.idx.msk [tilespmem:v29+s19+$0x0], $0xffff  }
0x495: {  	v0 =	vld.idx.msk [tilespmem:v0+s17+$0x0], $0xffff;
	v60 =	vand.u32 $0xFFFFFF80, v22;
	v59 =	vadd.f32 v21, v20;
	v20 =	vand.u32 $0xFFFFFF80, v27  }
0x496: {  	v21 =	vand.u32 $0x7F, v27;
	v27 =	vand.u32 $0x7F, v22;
	v35 =	vadd.s32 v1, v60;
	v30 =	vld.idx.msk [tilespmem:v30+s19+$0x0], $0xffff  }
0x497: {  	v36 =	vld.idx.msk [tilespmem:v36+s17+$0x0], $0xffff;
	v35 =	vor.u32 v27, v35;
	v34 =	vadd.f32 v25, v59;
	v28 =	vmul.f32 v28, v57  }
0x498: {  	v52 =	vand.u32 $0xFFFFFF80, v51;
	v53 =	vadd.s32 $0x11, v9;
	v27 =	vadd.s32 $0xC, v9;
	v31 =	vld.idx.msk [tilespmem:v31+s19+$0x0], $0xffff  }
0x499: {  	v38 =	vld.idx.msk [tilespmem:v38+s17+$0x0], $0xffff;
	v61 =	vand.u32 $0xFFFFFF80, v27;
	v28 =	vadd.f32 v28, v34;
	v29 =	vmul.f32 v29, v33  }
0x49a: {  	v16 =	vadd.s32 $0x1F, v16;
	v62 =	vand.u32 $0x7F, v27;
	v37 =	vadd.s32 v1, v61;
	v32 =	vld.idx.msk [tilespmem:v32+s19+$0x0], $0xffff  }
0x49b: {  	v42 =	vor.u32 v62, v37;
	v0 =	vmul.f32 v30, v0;
	v28 =	vadd.f32 v29, v28  }
0x49c: {  	v56 =	vand.u32 $0xFFFFFF80, v16;
	v30 =	vand.u32 $0x7F, v43;
	v35 =	vld.idx.msk [tilespmem:v35+s19+$0x0], $0xffff;
	v29 =	vand.u32 $0xFFFFFF80, v43  }
0x49d: {  	v29 =	vadd.s32 v1, v29;
	v0 =	vadd.f32 v0, v28;
	v28 =	vmul.f32 v31, v36  }
0x49e: {  	v16 =	vand.u32 $0x7F, v16;
	v54 =	vadd.s32 $0x12, v9;
	v29 =	vor.u32 v30, v29  }
0x49f: {  	v24 =	vld.idx.msk [tilespmem:v24+s17+$0x0], $0xffff;
	v30 =	vadd.s32 $0xE, v9;
	v0 =	vadd.f32 v28, v0;
	v28 =	vmul.f32 v32, v38  }
0x4a0: {  	v58 =	vadd.s32 $0x17, v9;
	v34 =	vld.idx.msk [tilespmem:v42+s19+$0x0], $0xffff;
	v48 =	vand.u32 $0xFFFFFF80, v30;
	v30 =	vand.u32 $0x7F, v30  }
0x4a1: {  	v37 =	vadd.s32 v1, v48;
	v0 =	vadd.f32 v28, v0;
	v28 =	vmul.f32 v35, v45  }
0x4a2: {  	v60 =	vand.u32 $0x7F, v58;
	v22 =	vadd.s32 v1, v20;
	v30 =	vor.u32 v30, v37  }
0x4a3: {  	v23 =	vld.idx.msk [tilespmem:v23+s17+$0x0], $0xffff;
	v20 =	vadd.s32 v1, v56;
	v0 =	vadd.f32 v28, v0;
	v28 =	vand.u32 $0xFFFFFF80, v50  }
0x4a4: {  	v56 =	vadd.s32 $0x14, v9;
	v38 =	vand.u32 $0x7F, v50;
	v29 =	vld.idx.msk [tilespmem:v29+s19+$0x0], $0xffff;
	v28 =	vadd.s32 v1, v28  }
0x4a5: {  	v25 =	vadd.s32 $0x1E, v9;
	v24 =	vmul.f32 v34, v24;
	v28 =	vor.u32 v38, v28  }
0x4a6: {  	v19 =	vld.idx.msk [tilespmem:v19+s17+$0x0], $0xffff;
	v27 =	vadd.s32 $0x1C, v9;
	v37 =	vand.u32 $0x7F, v51;
	v34 =	vadd.s32 v1, v52  }
0x4a7: {  	v34 =	vor.u32 v37, v34;
	v0 =	vadd.f32 v24, v0;
	v24 =	vand.u32 $0xFFFFFF80, v53;
	v30 =	vld.idx.msk [tilespmem:v30+s19+$0x0], $0xffff  }
0x4a8: {  	v17 =	vld.idx.msk [tilespmem:v17+s17+$0x0], $0xffff;
	v57 =	vadd.s32 $0x16, v9;
	v38 =	vand.u32 $0x7F, v53;
	v24 =	vadd.s32 v1, v24  }
0x4a9: {  	v18 =	vld.idx.msk [tilespmem:v18+s17+$0x0], $0xffff;
	v23 =	vmul.f32 v29, v23;
	v29 =	vand.u32 $0xFFFFFF80, v54;
	v24 =	vor.u32 v38, v24  }
0x4aa: {  	v37 =	vand.u32 $0x7F, v54;
	v38 =	vand.u32 $0x7F, v55;
	v29 =	vadd.s32 v1, v29;
	v28 =	vld.idx.msk [tilespmem:v28+s19+$0x0], $0xffff  }
0x4ab: {  	v12 =	vld.idx.msk [tilespmem:v12+s17+$0x0], $0xffff;
	v29 =	vor.u32 v37, v29;
	v0 =	vadd.f32 v23, v0;
	v23 =	vand.u32 $0xFFFFFF80, v55  }
0x4ac: {  	v34 =	vld.idx.msk [tilespmem:v34+s19+$0x0], $0xffff;
	v19 =	vmul.f32 v30, v19;
	v30 =	vand.u32 $0xFFFFFF80, v56;
	v23 =	vadd.s32 v1, v23  }
0x4ad: {  	v15 =	vld.idx.msk [tilespmem:v15+s17+$0x0], $0xffff;
	v37 =	vand.u32 $0x7F, v56;
	v30 =	vadd.s32 v1, v30;
	v23 =	vor.u32 v38, v23  }
0x4ae: {  	v30 =	vor.u32 v37, v30;
	v24 =	vld.idx.msk [tilespmem:v24+s19+$0x0], $0xffff;
	v0 =	vadd.f32 v19, v0;
	v19 =	vand.u32 $0xFFFFFF80, v49  }
0x4af: {  	v14 =	vld.idx.msk [tilespmem:v14+s17+$0x0], $0xffff;
	v35 =	vand.u32 $0x7F, v49;
	v19 =	vadd.s32 v1, v19;
	v18 =	vmul.f32 v28, v18  }
0x4b0: {  	v59 =	vand.u32 $0x7F, v57;
	v31 =	vadd.s32 $0x18, v9;
	v19 =	vor.u32 v35, v19;
	v28 =	vld.idx.msk [tilespmem:v29+s19+$0x0], $0xffff  }
0x4b1: {  	v13 =	vld.idx.msk [tilespmem:v13+s17+$0x0], $0xffff;
	v17 =	vmul.f32 v34, v17;
	v29 =	vand.u32 $0xFFFFFF80, v57;
	v0 =	vadd.f32 v18, v0  }
0x4b2: {  	v9 =	vadd.s32 $0x1F, v9;
	v23 =	vld.idx.msk [tilespmem:v23+s19+$0x0], $0xffff;
	v18 =	vadd.s32 v1, v29;
	v29 =	vand.u32 $0xFFFFFF80, v58  }
0x4b3: {  	v15 =	vmul.f32 v24, v15;
	v24 =	vld.idx.msk [tilespmem:v30+s19+$0x0], $0xffff;
	v18 =	vor.u32 v59, v18;
	v0 =	vadd.f32 v17, v0  }
0x4b4: {  	v11 =	vld.idx.msk [tilespmem:v11+s17+$0x0], $0xffff;
	v30 =	vand.u32 $0x7F, v31;
	v17 =	vadd.s32 v1, v29;
	v29 =	vand.u32 $0xFFFFFF80, v31  }
0x4b5: {  	v19 =	vld.idx.msk [tilespmem:v19+s19+$0x0], $0xffff;
	v17 =	vor.u32 v60, v17;
	v14 =	vmul.f32 v28, v14;
	v0 =	vadd.f32 v15, v0  }
0x4b6: {  	v28 =	vand.u32 $0xFFFFFF80, v46;
	v15 =	vadd.s32 v1, v29;
	v29 =	vand.u32 $0x7F, v46  }
0x4b7: {  	v10 =	vld.idx.msk [tilespmem:v10+s17+$0x0], $0xffff;
	v13 =	vmul.f32 v23, v13;
	v15 =	vor.u32 v30, v15;
	v0 =	vadd.f32 v14, v0  }
0x4b8: {  	v23 =	vand.u32 $0xFFFFFF80, v47;
	v12 =	vmul.f32 v24, v12;
	v14 =	vadd.s32 v1, v28;
	v18 =	vld.idx.msk [tilespmem:v18+s19+$0x0], $0xffff  }
0x4b9: {  	v8 =	vld.idx.msk [tilespmem:v8+s17+$0x0], $0xffff;
	v24 =	vand.u32 $0x7F, v63;
	v14 =	vor.u32 v29, v14;
	v0 =	vadd.f32 v13, v0  }
0x4ba: {  	v28 =	vand.u32 $0x7F, v47;
	v11 =	vmul.f32 v19, v11;
	v13 =	vadd.s32 v1, v23;
	v17 =	vld.idx.msk [tilespmem:v17+s19+$0x0], $0xffff  }
0x4bb: {  	v7 =	vld.idx.msk [tilespmem:v7+s17+$0x0], $0xffff;
	v23 =	vand.u32 $0xFFFFFF80, v63;
	v13 =	vor.u32 v28, v13;
	v0 =	vadd.f32 v12, v0  }
0x4bc: {  	v19 =	vand.u32 $0xFFFFFF80, v27;
	v12 =	vadd.s32 v1, v23;
	v15 =	vld.idx.msk [tilespmem:v15+s19+$0x0], $0xffff;
	v23 =	vand.u32 $0x7F, v27  }
0x4bd: {  	v6 =	vld.idx.msk [tilespmem:v6+s17+$0x0], $0xffff;
	v12 =	vor.u32 v24, v12;
	v10 =	vmul.f32 v18, v10;
	v0 =	vadd.f32 v11, v0  }
0x4be: {  	v18 =	vand.u32 $0xFFFFFF80, v26;
	v11 =	vadd.s32 v1, v19;
	v14 =	vld.idx.msk [tilespmem:v14+s19+$0x0], $0xffff;
	v19 =	vand.u32 $0x7F, v26  }
0x4bf: {  	v5 =	vld.idx.msk [tilespmem:v5+s17+$0x0], $0xffff;
	v11 =	vor.u32 v23, v11;
	v8 =	vmul.f32 v17, v8;
	v0 =	vadd.f32 v10, v0  }
0x4c0: {  	v17 =	vand.u32 $0xFFFFFF80, v25;
	v10 =	vadd.s32 v1, v18;
	v13 =	vld.idx.msk [tilespmem:v13+s19+$0x0], $0xffff;
	v18 =	vand.u32 $0x7F, v25  }
0x4c1: {  	v4 =	vld.idx.msk [tilespmem:v4+s17+$0x0], $0xffff;
	v10 =	vor.u32 v19, v10;
	v7 =	vmul.f32 v15, v7;
	v0 =	vadd.f32 v8, v0  }
0x4c2: {  	v15 =	vor.u32 v21, v22;
	v8 =	vadd.s32 v1, v17;
	v12 =	vld.idx.msk [tilespmem:v12+s19+$0x0], $0xffff;
	v17 =	vand.u32 $0xFFFFFF80, v9  }
0x4c3: {  	v3 =	vld.idx.msk [tilespmem:v3+s17+$0x0], $0xffff;
	v8 =	vor.u32 v18, v8;
	v6 =	vmul.f32 v14, v6;
	v0 =	vadd.f32 v7, v0  }
0x4c4: {  	v9 =	vand.u32 $0x7F, v9;
	v1 =	vadd.s32 v1, v17;
	v7 =	vor.u32 v16, v20;
	v11 =	vld.idx.msk [tilespmem:v11+s19+$0x0], $0xffff  }
0x4c5: {  	v2 =	vld.idx.msk [tilespmem:v2+s17+$0x0], $0xffff;
	v1 =	vor.u32 v9, v1;
	v5 =	vmul.f32 v13, v5;
	v0 =	vadd.f32 v6, v0  }
0x4c6: {  	v6 =	vld.idx.msk [tilespmem:v10+s19+$0x0], $0xffff  }
0x4c7: {  	v9 =	vld.idx.msk [tilespmem:v15+s17+$0x0], $0xffff;
	v4 =	vmul.f32 v12, v4;
	v0 =	vadd.f32 v5, v0  }
0x4c8: {  	v5 =	vld.idx.msk [tilespmem:v8+s19+$0x0], $0xffff  }
0x4c9: {  	v7 =	vld.idx.msk [tilespmem:v7+s17+$0x0], $0xffff;
	v3 =	vmul.f32 v11, v3;
	v0 =	vadd.f32 v4, v0  }
0x4ca: {  	v1 =	vld.idx.msk [tilespmem:v1+s19+$0x0], $0xffff  }
0x4cb: {  	v2 =	vmul.f32 v6, v2;
	v0 =	vadd.f32 v3, v0;
	_ =	sdelay $0x1  }
0x4cc: {  	v0 =	vadd.f32 v2, v0;
	v2 =	vmul.f32 v5, v9;
	_ =	sdelay $0x1  }
0x4cd: {  	v1 =	vmul.f32 v1, v7;
	v0 =	vadd.f32 v2, v0;
	_ =	sdelay $0x1  }
0x4ce: {  	v0 =	vadd.f32 v1, v0  }
0x4cf: {  	s30 =	simm.s32 $0x10D00  }
0x4d0: {  	s31 =	simm.s32 $0x610;
	[tilespmem:s30+$0x0] =	vst v0  }
0x4d1: {  	v0 =	vld [tilespmem:s31+$0x0];
	_ =	sdelay $0x1  }
0x4d2: {  	s5 =	simm.s32 $0x10  }
0x4d3: {  	v1 =	vmov s5  }
0x4d4: {  	v1 =	vshll.u32 v1, $0x7  }
0x4d5: {  	v1 =	vor.u32 v44, v1;
	v2 =	vadd.s32 $0x1E, v0;
	v3 =	vadd.s32 $0x1F, v0  }
0x4d6: {  	v4 =	vadd.s32 $0x1B, v0;
	v5 =	vadd.s32 $0x1C, v0;
	v6 =	vadd.s32 $0x1D, v0  }
0x4d7: {  	v61 =	vadd.s32 $0x18, v0;
	v8 =	vadd.s32 $0x19, v0;
	v9 =	vadd.s32 $0x1A, v0  }
0x4d8: {  	v10 =	vadd.s32 $0x15, v0;
	v11 =	vadd.s32 $0x16, v0;
	v12 =	vadd.s32 $0x17, v0  }
0x4d9: {  	v13 =	vadd.s32 $0x12, v0;
	v14 =	vadd.s32 $0x13, v0;
	v15 =	vadd.s32 $0x14, v0  }
0x4da: {  	v16 =	vadd.s32 $0xF, v0;
	v17 =	vadd.s32 $0x10, v0;
	v18 =	vadd.s32 $0x11, v0  }
0x4db: {  	v22 =	vadd.s32 $0xC, v0;
	v19 =	vadd.s32 $0xD, v0;
	v20 =	vadd.s32 $0xE, v0  }
0x4dc: {  	v25 =	vadd.s32 $0x9, v0;
	v23 =	vadd.s32 $0xA, v0;
	v26 =	vadd.s32 $0xB, v0  }
0x4dd: {  	v28 =	vadd.s32 $0x6, v0;
	v29 =	vadd.s32 $0x7, v0;
	v30 =	vadd.s32 $0x8, v0  }
0x4de: {  	v7 =	vadd.s32 $0x3, v0;
	v32 =	vadd.s32 $0x4, v0;
	v34 =	vadd.s32 $0x5, v0  }
0x4df: {  	v21 =	vand.u32 $0x7F, v0;
	v62 =	vadd.s32 $0x1, v0;
	v63 =	vadd.s32 $0x2, v0  }
0x4e0: {  	v0 =	vand.u32 $0xFFFFFF80, v0;
	v24 =	vand.u32 $0xFFFFFF80, v3;
	v27 =	vand.u32 $0x7F, v3  }
0x4e1: {  	v3 =	vand.u32 $0x7F, v6;
	v46 =	vand.u32 $0xFFFFFF80, v2;
	v2 =	vand.u32 $0x7F, v2  }
0x4e2: {  	v47 =	vand.u32 $0xFFFFFF80, v5;
	v5 =	vand.u32 $0x7F, v5;
	v0 =	vadd.s32 v1, v0  }
0x4e3: {  	v6 =	vand.u32 $0xFFFFFF80, v6;
	v48 =	vand.u32 $0x7F, v9;
	v49 =	vand.u32 $0xFFFFFF80, v8  }
0x4e4: {  	v8 =	vand.u32 $0x7F, v8;
	v50 =	vand.u32 $0xFFFFFF80, v11;
	v11 =	vand.u32 $0x7F, v11  }
0x4e5: {  	v51 =	vand.u32 $0x7F, v10;
	v52 =	vand.u32 $0x7F, v14;
	v53 =	vand.u32 $0xFFFFFF80, v13  }
0x4e6: {  	v13 =	vand.u32 $0x7F, v13;
	v54 =	vand.u32 $0x7F, v20;
	v55 =	vand.u32 $0x7F, v19  }
0x4e7: {  	v56 =	vand.u32 $0xFFFFFF80, v22;
	v57 =	vand.u32 $0x7F, v22;
	v58 =	vand.u32 $0xFFFFFF80, v23  }
0x4e8: {  	v59 =	vand.u32 $0x7F, v23;
	v60 =	vand.u32 $0x7F, v34;
	v31 =	vor.u32 v21, v0  }
0x4e9: {  	v0 =	vand.u32 $0xFFFFFF80, v4;
	v21 =	vand.u32 $0x7F, v4;
	v4 =	vadd.s32 v1, v6  }
0x4ea: {  	v6 =	vand.u32 $0xFFFFFF80, v9;
	v9 =	vadd.s32 v1, v24;
	v24 =	vand.u32 $0x7F, v12  }
0x4eb: {  	v12 =	vand.u32 $0xFFFFFF80, v12;
	v38 =	vadd.s32 v1, v47;
	v3 =	vor.u32 v3, v4  }
0x4ec: {  	v6 =	vadd.s32 v1, v6;
	v0 =	vadd.s32 v1, v0;
	v35 =	vor.u32 v5, v38  }
0x4ed: {  	[tilespmem:$0x1FE00] =	vst v3;
	v3 =	vadd.s32 v1, v46;
	v0 =	vor.u32 v21, v0;
	v21 =	vand.u32 $0xFFFFFF80, v10  }
0x4ee: {  	v10 =	vadd.s32 v1, v12;
	v12 =	vand.u32 $0xFFFFFF80, v15;
	v2 =	vor.u32 v2, v3;
	[tilespmem:$0x1FE40] =	vst v0  }
0x4ef: {  	v0 =	vand.u32 $0x7F, v15;
	v12 =	vadd.s32 v1, v12;
	[tilespmem:$0x1FE10] =	vst v2;
	v2 =	vor.u32 v27, v9  }
0x4f0: {  	v9 =	vand.u32 $0xFFFFFF80, v61;
	v27 =	vand.u32 $0x7F, v61;
	v5 =	vor.u32 v0, v12  }
0x4f1: {  	v0 =	vand.u32 $0xFFFFFF80, v17;
	v17 =	vand.u32 $0x7F, v17;
	v12 =	vadd.s32 v1, v21  }
0x4f2: {  	v21 =	vadd.s32 v1, v50;
	v61 =	vand.u32 $0x7F, v28;
	[tilespmem:$0x1FE20] =	vst v2;
	v2 =	vor.u32 v48, v6  }
0x4f3: {  	v9 =	vadd.s32 v1, v9;
	v44 =	vor.u32 v11, v21;
	v11 =	vand.u32 $0xFFFFFF80, v16  }
0x4f4: {  	v16 =	vand.u32 $0x7F, v16;
	v0 =	vadd.s32 v1, v0;
	[tilespmem:$0x1FE30] =	vst v2;
	v2 =	vor.u32 v24, v10  }
0x4f5: {  	v24 =	vand.u32 $0xFFFFFF80, v14;
	v14 =	vadd.s32 v1, v49;
	v11 =	vadd.s32 v1, v11  }
0x4f6: {  	v6 =	vor.u32 v17, v0;
	v0 =	vand.u32 $0xFFFFFF80, v25;
	[tilespmem:$0x1FE50] =	vst v2;
	v2 =	vor.u32 v27, v9  }
0x4f7: {  	v27 =	vand.u32 $0x7F, v18;
	v18 =	vand.u32 $0xFFFFFF80, v18;
	v24 =	vadd.s32 v1, v24  }
0x4f8: {  	v0 =	vadd.s32 v1, v0;
	[tilespmem:$0x1FE60] =	vst v2;
	v2 =	vor.u32 v8, v14;
	v18 =	vadd.s32 v1, v18  }
0x4f9: {  	v14 =	vor.u32 v51, v12;
	v9 =	vor.u32 v52, v24;
	v8 =	vor.u32 v27, v18  }
0x4fa: {  	v18 =	vand.u32 $0xFFFFFF80, v19;
	v27 =	vand.u32 $0xFFFFFF80, v20;
	v19 =	vadd.s32 v1, v53  }
0x4fb: {  	v20 =	vor.u32 v16, v11;
	v11 =	vand.u32 $0x7F, v30;
	v16 =	vand.u32 $0x7F, v25  }
0x4fc: {  	[tilespmem:$0x1FE70] =	vst v2;
	v25 =	vadd.s32 v1, v56;
	v2 =	vand.u32 $0x7F, v7;
	v15 =	vor.u32 v13, v19  }
0x4fd: {  	v13 =	vand.u32 $0x7F, v26;
	v22 =	vadd.s32 v1, v27;
	v26 =	vand.u32 $0xFFFFFF80, v26  }
0x4fe: {  	v18 =	vadd.s32 v1, v18;
	v21 =	vor.u32 v57, v25;
	v24 =	vor.u32 v16, v0  }
0x4ff: {  	v0 =	vand.u32 $0x7F, v63;
	v16 =	vand.u32 $0xFFFFFF80, v7;
	v63 =	vand.u32 $0xFFFFFF80, v63  }
0x500: {  	v10 =	vor.u32 v54, v22;
	v17 =	vadd.s32 v1, v26;
	v12 =	vor.u32 v55, v18  }
0x501: {  	v18 =	vand.u32 $0xFFFFFF80, v28;
	v16 =	vadd.s32 v1, v16;
	v23 =	vor.u32 v13, v17  }
0x502: {  	v13 =	vand.u32 $0xFFFFFF80, v29;
	v17 =	vand.u32 $0x7F, v29;
	v29 =	vand.u32 $0xFFFFFF80, v30  }
0x503: {  	v36 =	vadd.s32 v1, v63;
	v28 =	vadd.s32 v1, v29;
	v29 =	vand.u32 $0xFFFFFF80, v34  }
0x504: {  	s0 =	simm.s32 $0x710;
	v18 =	vadd.s32 v1, v18;
	v51 =	vor.u32 v0, v36;
	v29 =	vadd.s32 v1, v29  }
0x505: {  	v50 =	vor.u32 v2, v16;
	v41 =	vor.u32 v61, v18;
	v43 =	vor.u32 v60, v29;
	v29 =	vld [tilespmem:s0+$0x0]  }
0x506: {  	v18 =	vand.u32 $0xFFFFFF80, v62;
	v62 =	vand.u32 $0x7F, v62;
	v13 =	vadd.s32 v1, v13  }
0x507: {  	v26 =	vor.u32 v11, v28;
	v11 =	vand.u32 $0xFFFFFF80, v32;
	v32 =	vand.u32 $0x7F, v32  }
0x508: {  	v28 =	vadd.s32 v1, v58;
	v18 =	vadd.s32 v1, v18;
	v39 =	vor.u32 v17, v13  }
0x509: {  	v4 =	vor.u32 v59, v28;
	v11 =	vadd.s32 v1, v11;
	v52 =	vor.u32 v62, v18  }
0x50a: {  	v48 =	vor.u32 v32, v11;
	v13 =	vadd.s32 $0x1E, v29;
	v11 =	vadd.s32 $0x1F, v29  }
0x50b: {  	s5 =	simm.s32 $0x20;
	v18 =	vadd.s32 $0x1B, v29;
	v17 =	vadd.s32 $0x1C, v29;
	v16 =	vadd.s32 $0x1D, v29  }
.LBB2_6:
0x50c: {  	v34 =	vadd.s32 $0x18, v29;
	v32 =	vadd.s32 $0x19, v29;
	v7 =	vadd.s32 $0x1A, v29  }
0x50d: {  	[tilespmem:$0x1FDD0] =	vst v35;
	v38 =	vadd.s32 $0x15, v29;
	v37 =	vadd.s32 $0x16, v29;
	v36 =	vadd.s32 $0x17, v29;
	v35 =	vld.idx.msk [tilespmem:v31+s17+$0x0], $0xffff  }
0x50e: {  	[tilespmem:$0x1FDC0] =	vst v44;
	v44 =	vadd.s32 $0x12, v29;
	v42 =	vadd.s32 $0x13, v29;
	v40 =	vadd.s32 $0x14, v29;
	v52 =	vld.idx.msk [tilespmem:v52+s17+$0x0], $0xffff  }
0x50f: {  	v47 =	vadd.s32 $0xF, v29;
	v46 =	vadd.s32 $0x10, v29;
	v45 =	vadd.s32 $0x11, v29;
	v51 =	vld.idx.msk [tilespmem:v51+s17+$0x0], $0xffff  }
0x510: {  	v0 =	vand.u32 $0xFFFFFF80, v29;
	v53 =	vadd.s32 $0xD, v29;
	v49 =	vadd.s32 $0xE, v29;
	v50 =	vld.idx.msk [tilespmem:v50+s17+$0x0], $0xffff  }
0x511: {  	v54 =	vand.u32 $0x7F, v29;
	v55 =	vadd.s32 $0x1, v29;
	v57 =	vadd.s32 $0x2, v29;
	v48 =	vld.idx.msk [tilespmem:v48+s17+$0x0], $0xffff  }
0x512: {  	v28 =	vld.idx.msk [tilespmem:v4+s17+$0x0], $0xffff;
	v0 =	vadd.s32 v1, v0;
	v62 =	vand.u32 $0xFFFFFF80, v55;
	v55 =	vand.u32 $0x7F, v55  }
0x513: {  	v63 =	vand.u32 $0xFFFFFF80, v57;
	v4 =	vld [tilespmem:$0x1FDC0];
	v0 =	vor.u32 v54, v0;
	v54 =	vadd.s32 v1, v62  }
0x514: {  	v43 =	vld.idx.msk [tilespmem:v43+s17+$0x0], $0xffff;
	v57 =	vand.u32 $0x7F, v57;
	v54 =	vor.u32 v55, v54;
	v55 =	vadd.s32 v1, v63  }
0x515: {  	v56 =	vadd.s32 $0xC, v29;
	v58 =	vadd.s32 $0xB, v29;
	v41 =	vld.idx.msk [tilespmem:v41+s17+$0x0], $0xffff;
	v55 =	vor.u32 v57, v55  }
0x516: {  	v59 =	vadd.s32 $0x3, v29;
	v60 =	vadd.s32 $0xA, v29;
	v61 =	vadd.s32 $0x4, v29;
	v39 =	vld.idx.msk [tilespmem:v39+s17+$0x0], $0xffff  }
0x517: {  	v2 =	vadd.s32 $0x8, v29;
	v3 =	vadd.s32 $0x6, v29;
	v25 =	vld.idx.msk [tilespmem:v12+s17+$0x0], $0xffff;
	v33 =	vand.u32 $0xFFFFFF80, v59  }
0x518: {  	v59 =	vand.u32 $0x7F, v59;
	v62 =	vadd.s32 $0x9, v29;
	v57 =	vadd.s32 v1, v33;
	v0 =	vld.idx.msk [tilespmem:v0+s19+$0x0], $0xffff  }
0x519: {  	v63 =	vadd.s32 $0x5, v29;
	v33 =	vand.u32 $0xFFFFFF80, v61;
	v57 =	vor.u32 v59, v57;
	v54 =	vld.idx.msk [tilespmem:v54+s19+$0x0], $0xffff  }
0x51a: {  	v61 =	vand.u32 $0x7F, v61;
	v59 =	vadd.s32 v1, v33;
	v33 =	vand.u32 $0xFFFFFF80, v63;
	v55 =	vld.idx.msk [tilespmem:v55+s19+$0x0], $0xffff  }
0x51b: {  	v63 =	vand.u32 $0x7F, v63;
	v59 =	vor.u32 v61, v59;
	v61 =	vadd.s32 v1, v33;
	v12 =	vld.idx.msk [tilespmem:v4+s17+$0x0], $0xffff  }
0x51c: {  	v29 =	vadd.s32 $0x7, v29;
	v61 =	vor.u32 v63, v61;
	v63 =	vand.u32 $0xFFFFFF80, v3;
	v4 =	vld [tilespmem:$0x1FE50]  }
0x51d: {  	v30 =	vld.idx.msk [tilespmem:v24+s17+$0x0], $0xffff;
	v3 =	vand.u32 $0x7F, v3;
	v33 =	vadd.s32 v1, v63;
	v0 =	vmul.f32 v0, v35  }
0x51e: {  	v63 =	vand.u32 $0xFFFFFF80, v29;
	v29 =	vand.u32 $0x7F, v29;
	v3 =	vor.u32 v3, v33;
	v35 =	vld.idx.msk [tilespmem:v57+s19+$0x0], $0xffff  }
0x51f: {  	v24 =	vld.idx.msk [tilespmem:v10+s17+$0x0], $0xffff;
	v57 =	vadd.s32 v1, v63;
	v52 =	vmul.f32 v54, v52;
	v0 =	vadd.f32 $0.0e+00, v0  }
0x520: {  	v33 =	vand.u32 $0xFFFFFF80, v2;
	v2 =	vand.u32 $0x7F, v2;
	v54 =	vld.idx.msk [tilespmem:v59+s19+$0x0], $0xffff;
	v29 =	vor.u32 v29, v57  }
0x521: {  	v59 =	vadd.s32 v1, v33;
	v33 =	vld.idx.msk [tilespmem:v26+s17+$0x0], $0xffff;
	v51 =	vmul.f32 v55, v51;
	v0 =	vadd.f32 v52, v0  }
0x522: {  	v63 =	vand.u32 $0x7F, v62;
	v2 =	vor.u32 v2, v59;
	v52 =	vld.idx.msk [tilespmem:v61+s19+$0x0], $0xffff;
	v61 =	vand.u32 $0xFFFFFF80, v62  }
0x523: {  	v3 =	vld.idx.msk [tilespmem:v3+s19+$0x0], $0xffff;
	v35 =	vmul.f32 v35, v50;
	v59 =	vadd.s32 v1, v61;
	v0 =	vadd.f32 v51, v0  }
0x524: {  	v62 =	vand.u32 $0x7F, v60;
	v61 =	vand.u32 $0xFFFFFF80, v60;
	v10 =	vld.idx.msk [tilespmem:v4+s17+$0x0], $0xffff;
	v50 =	vor.u32 v63, v59  }
0x525: {  	v4 =	vld [tilespmem:$0x1FE60];
	v63 =	vmul.f32 v54, v48;
	v57 =	vadd.s32 v1, v61;
	v0 =	vadd.f32 v35, v0  }
0x526: {  	v60 =	vand.u32 $0x7F, v58;
	v29 =	vld.idx.msk [tilespmem:v29+s19+$0x0], $0xffff;
	v59 =	vand.u32 $0xFFFFFF80, v58;
	v48 =	vor.u32 v62, v57  }
0x527: {  	v2 =	vld.idx.msk [tilespmem:v2+s19+$0x0], $0xffff;
	v62 =	vadd.s32 v1, v59;
	v61 =	vmul.f32 v52, v43;
	v0 =	vadd.f32 v63, v0  }
0x528: {  	v27 =	vld.idx.msk [tilespmem:v23+s17+$0x0], $0xffff;
	v57 =	vand.u32 $0x7F, v56;
	v3 =	vmul.f32 v3, v41;
	v43 =	vor.u32 v60, v62  }
0x529: {  	v23 =	vld.idx.msk [tilespmem:v20+s17+$0x0], $0xffff;
	v60 =	vand.u32 $0xFFFFFF80, v53;
	v63 =	vand.u32 $0xFFFFFF80, v56;
	v0 =	vadd.f32 v61, v0  }
0x52a: {  	v62 =	vadd.s32 v1, v60;
	v58 =	vld.idx.msk [tilespmem:v50+s19+$0x0], $0xffff;
	v59 =	vadd.s32 v1, v63;
	v63 =	vand.u32 $0xFFFFFF80, v49  }
0x52b: {  	v19 =	vld.idx.msk [tilespmem:v9+s17+$0x0], $0xffff;
	v41 =	vor.u32 v57, v59;
	v0 =	vadd.f32 v3, v0;
	v3 =	vmul.f32 v29, v39  }
0x52c: {  	v49 =	vand.u32 $0x7F, v49;
	v61 =	vand.u32 $0x7F, v53;
	v2 =	vmul.f32 v2, v33;
	v29 =	vld.idx.msk [tilespmem:v48+s19+$0x0], $0xffff  }
0x52d: {  	v26 =	vld.idx.msk [tilespmem:v21+s17+$0x0], $0xffff;
	v52 =	vadd.s32 v1, v63;
	v39 =	vor.u32 v61, v62;
	v0 =	vadd.f32 v3, v0  }
0x52e: {  	v53 =	vand.u32 $0xFFFFFF80, v47;
	v47 =	vand.u32 $0x7F, v47;
	v33 =	vor.u32 v49, v52;
	v3 =	vld.idx.msk [tilespmem:v43+s19+$0x0], $0xffff  }
0x52f: {  	v54 =	vadd.s32 v1, v53;
	v9 =	vld.idx.msk [tilespmem:v4+s17+$0x0], $0xffff;
	v0 =	vadd.f32 v2, v0;
	v2 =	vmul.f32 v58, v30  }
0x530: {  	v55 =	vand.u32 $0xFFFFFF80, v46;
	v56 =	vand.u32 $0x7F, v46;
	v35 =	vor.u32 v47, v54;
	v30 =	vld.idx.msk [tilespmem:v41+s19+$0x0], $0xffff  }
0x531: {  	v4 =	vld [tilespmem:$0x1FE70];
	v0 =	vadd.f32 v2, v0;
	v2 =	vmul.f32 v29, v28;
	v29 =	vadd.s32 v1, v55  }
0x532: {  	v57 =	vand.u32 $0xFFFFFF80, v45;
	v58 =	vand.u32 $0x7F, v45;
	v28 =	vld.idx.msk [tilespmem:v39+s19+$0x0], $0xffff;
	v29 =	vor.u32 v56, v29  }
0x533: {  	v22 =	vld.idx.msk [tilespmem:v6+s17+$0x0], $0xffff;
	v0 =	vadd.f32 v2, v0;
	v2 =	vmul.f32 v3, v27;
	v27 =	vadd.s32 v1, v57  }
0x534: {  	v60 =	vand.u32 $0x7F, v44;
	v59 =	vand.u32 $0xFFFFFF80, v44;
	v3 =	vld.idx.msk [tilespmem:v33+s19+$0x0], $0xffff;
	v27 =	vor.u32 v58, v27  }
0x535: {  	v20 =	vld.idx.msk [tilespmem:v15+s17+$0x0], $0xffff;
	v0 =	vadd.f32 v2, v0;
	v2 =	vmul.f32 v30, v26;
	v30 =	vadd.s32 v1, v59  }
0x536: {  	v61 =	vand.u32 $0xFFFFFF80, v42;
	v62 =	vand.u32 $0x7F, v42;
	v26 =	vld.idx.msk [tilespmem:v35+s19+$0x0], $0xffff;
	v30 =	vor.u32 v60, v30  }
0x537: {  	v21 =	vld.idx.msk [tilespmem:v8+s17+$0x0], $0xffff;
	v0 =	vadd.f32 v2, v0;
	v2 =	vmul.f32 v28, v25;
	v28 =	vadd.s32 v1, v61  }
0x538: {  	v63 =	vand.u32 $0x7F, v40;
	v25 =	vld.idx.msk [tilespmem:v29+s19+$0x0], $0xffff;
	v29 =	vand.u32 $0xFFFFFF80, v40;
	v28 =	vor.u32 v62, v28  }
0x539: {  	v8 =	vld.idx.msk [tilespmem:v4+s17+$0x0], $0xffff;
	v0 =	vadd.f32 v2, v0;
	v2 =	vmul.f32 v3, v24;
	v24 =	vadd.s32 v1, v29  }
0x53a: {  	v3 =	vld.idx.msk [tilespmem:v27+s19+$0x0], $0xffff;
	v27 =	vand.u32 $0xFFFFFF80, v38;
	v29 =	vand.u32 $0x7F, v38;
	v24 =	vor.u32 v63, v24  }
0x53b: {  	v4 =	vld [tilespmem:$0x1FE30];
	v0 =	vadd.f32 v2, v0;
	v2 =	vmul.f32 v26, v23;
	v26 =	vadd.s32 v1, v27  }
0x53c: {  	v23 =	vld.idx.msk [tilespmem:v30+s19+$0x0], $0xffff;
	v27 =	vand.u32 $0xFFFFFF80, v37;
	v26 =	vor.u32 v29, v26;
	v29 =	vand.u32 $0x7F, v37  }
0x53d: {  	v0 =	vadd.f32 v2, v0;
	v2 =	vmul.f32 v25, v22;
	v25 =	vadd.s32 v1, v27  }
0x53e: {  	v22 =	vld.idx.msk [tilespmem:v28+s19+$0x0], $0xffff;
	v25 =	vor.u32 v29, v25  }
0x53f: {  	v0 =	vadd.f32 v2, v0;
	v2 =	vmul.f32 v3, v21;
	_ =	sdelay $0x1  }
0x540: {  	v3 =	vld.idx.msk [tilespmem:v24+s19+$0x0], $0xffff;
	v24 =	vand.u32 $0xFFFFFF80, v34;
	v0 =	vadd.f32 v2, v0;
	v2 =	vmul.f32 v23, v20  }
0x541: {  	v23 =	vadd.s32 v1, v24  }
0x542: {  	v24 =	vand.u32 $0xFFFFFF80, v32;
	v0 =	vadd.f32 v2, v0;
	v2 =	vmul.f32 v22, v19;
	v19 =	vld.idx.msk [tilespmem:v25+s19+$0x0], $0xffff  }
0x543: {  	v22 =	vadd.s32 v1, v24;
	v24 =	vand.u32 $0xFFFFFF80, v7;
	v25 =	vand.u32 $0x7F, v7;
	v7 =	vld.idx.msk [tilespmem:v4+s17+$0x0], $0xffff  }
0x544: {  	v27 =	vand.u32 $0xFFFFFF80, v36;
	v4 =	vld [tilespmem:$0x1FE40]  }
0x545: {  	v28 =	vand.u32 $0x7F, v36;
	v21 =	vadd.s32 v1, v27  }
0x546: {  	v15 =	vld.idx.msk [tilespmem:v5+s17+$0x0], $0xffff;
	v21 =	vor.u32 v28, v21;
	_ =	sdelay $0x1  }
0x547: {  	v14 =	vld.idx.msk [tilespmem:v14+s17+$0x0], $0xffff  }
0x548: {  	v27 =	vand.u32 $0x7F, v34;
	v20 =	vld.idx.msk [tilespmem:v26+s19+$0x0], $0xffff  }
0x549: {  	v23 =	vor.u32 v27, v23  }
0x54a: {  	v26 =	vand.u32 $0x7F, v32;
	v0 =	vadd.f32 v2, v0;
	v2 =	vmul.f32 v3, v15;
	v3 =	vld.idx.msk [tilespmem:v21+s19+$0x0], $0xffff  }
0x54b: {  	v22 =	vor.u32 v26, v22;
	v15 =	vadd.s32 v1, v24;
	v6 =	vld.idx.msk [tilespmem:v4+s17+$0x0], $0xffff  }
0x54c: {  	v21 =	vand.u32 $0xFFFFFF80, v18;
	v18 =	vand.u32 $0x7F, v18;
	v15 =	vor.u32 v25, v15;
	v4 =	vld [tilespmem:$0x1FDD0]  }
0x54d: {  	v0 =	vadd.f32 v2, v0;
	v2 =	vmul.f32 v20, v14;
	v20 =	vadd.s32 v1, v21  }
0x54e: {  	v14 =	vld.idx.msk [tilespmem:v23+s19+$0x0], $0xffff;
	v18 =	vor.u32 v18, v20  }
0x54f: {  	v0 =	vadd.f32 v2, v0;
	v2 =	vmul.f32 v19, v12  }
0x550: {  	v12 =	vld.idx.msk [tilespmem:v22+s19+$0x0], $0xffff  }
0x551: {  	v0 =	vadd.f32 v2, v0;
	v2 =	vmul.f32 v3, v10  }
0x552: {  	v20 =	vand.u32 $0xFFFFFF80, v17;
	v17 =	vand.u32 $0x7F, v17;
	v3 =	vld.idx.msk [tilespmem:v15+s19+$0x0], $0xffff  }
0x553: {  	v19 =	vadd.s32 v1, v20;
	v0 =	vadd.f32 v2, v0;
	v2 =	vmul.f32 v14, v9;
	v9 =	vld.idx.msk [tilespmem:v18+s19+$0x0], $0xffff  }
0x554: {  	v17 =	vor.u32 v17, v19;
	v19 =	vand.u32 $0xFFFFFF80, v16;
	v16 =	vand.u32 $0x7F, v16;
	v5 =	vld.idx.msk [tilespmem:v4+s17+$0x0], $0xffff  }
0x555: {  	v10 =	vadd.s32 v1, v19;
	v0 =	vadd.f32 v2, v0;
	v2 =	vmul.f32 v12, v8;
	v4 =	vld [tilespmem:$0x1FE00]  }
0x556: {  	v15 =	vand.u32 $0xFFFFFF80, v13;
	v13 =	vand.u32 $0x7F, v13;
	v10 =	vor.u32 v16, v10  }
0x557: {  	v14 =	vadd.s32 v1, v15;
	v0 =	vadd.f32 v2, v0;
	v2 =	vmul.f32 v3, v7;
	v7 =	vld [tilespmem:$0x1FE10]  }
0x558: {  	v13 =	vor.u32 v13, v14  }
0x559: {  	v14 =	vand.u32 $0xFFFFFF80, v11;
	v0 =	vadd.f32 v2, v0;
	v2 =	vmul.f32 v9, v6;
	v9 =	vld [tilespmem:$0x1FE20]  }
0x55a: {  	v11 =	vand.u32 $0x7F, v11;
	v1 =	vadd.s32 v1, v14  }
0x55b: {  	v8 =	vld.idx.msk [tilespmem:v17+s19+$0x0], $0xffff;
	v1 =	vor.u32 v11, v1  }
0x55c: {  	v3 =	vld.idx.msk [tilespmem:v10+s19+$0x0], $0xffff  }
0x55d: {  	v4 =	vld.idx.msk [tilespmem:v4+s17+$0x0], $0xffff  }
0x55e: {  	v6 =	vld.idx.msk [tilespmem:v13+s19+$0x0], $0xffff  }
0x55f: {  	v7 =	vld.idx.msk [tilespmem:v7+s17+$0x0], $0xffff  }
0x560: {  	v0 =	vadd.f32 v2, v0;
	v1 =	vld.idx.msk [tilespmem:v1+s19+$0x0], $0xffff;
	v2 =	vmul.f32 v8, v5  }
0x561: {  	v9 =	vld.idx.msk [tilespmem:v9+s17+$0x0], $0xffff  }
0x562: {  	v0 =	vadd.f32 v2, v0;
	v2 =	vmul.f32 v3, v4;
	_ =	sdelay $0x1  }
0x563: {  	v0 =	vadd.f32 v2, v0;
	v2 =	vmul.f32 v6, v7;
	_ =	sdelay $0x1  }
0x564: {  	v1 =	vmul.f32 v1, v9;
	v0 =	vadd.f32 v2, v0;
	_ =	sdelay $0x1  }
0x565: {  	v0 =	vadd.f32 v1, v0  }
0x566: {  	s30 =	sadd.s32 $0x10, s30  }
0x567: {  	s31 =	sadd.s32 $0x10, s31;
	v2 =	vld [tilespmem:$0x1FFF0];
	[tilespmem:s30+$0x0] =	vst v0  }
0x568: {  	v0 =	vld [tilespmem:s31+$0x0];
	_ =	sdelay $0x2  }
0x569: {  	v1 =	vmov s5  }
0x56a: {  	v1 =	vshll.u32 v1, $0x7  }
0x56b: {  	v1 =	vor.u32 v2, v1;
	v2 =	vadd.s32 $0x1E, v0;
	v3 =	vadd.s32 $0x1F, v0  }
0x56c: {  	v4 =	vadd.s32 $0x1B, v0;
	v5 =	vadd.s32 $0x1C, v0;
	v6 =	vadd.s32 $0x1D, v0  }
0x56d: {  	v7 =	vadd.s32 $0x18, v0;
	v8 =	vadd.s32 $0x19, v0;
	v9 =	vadd.s32 $0x1A, v0  }
0x56e: {  	v10 =	vadd.s32 $0x15, v0;
	v11 =	vadd.s32 $0x16, v0;
	v12 =	vadd.s32 $0x17, v0  }
0x56f: {  	v13 =	vadd.s32 $0x12, v0;
	v14 =	vadd.s32 $0x13, v0;
	v15 =	vadd.s32 $0x14, v0  }
0x570: {  	v16 =	vadd.s32 $0xF, v0;
	v17 =	vadd.s32 $0x10, v0;
	v18 =	vadd.s32 $0x11, v0  }
0x571: {  	v19 =	vadd.s32 $0xC, v0;
	v20 =	vadd.s32 $0xD, v0;
	v21 =	vadd.s32 $0xE, v0  }
0x572: {  	v22 =	vadd.s32 $0x9, v0;
	v23 =	vadd.s32 $0xA, v0;
	v24 =	vadd.s32 $0xB, v0  }
0x573: {  	v25 =	vadd.s32 $0x6, v0;
	v26 =	vadd.s32 $0x7, v0;
	v27 =	vadd.s32 $0x8, v0  }
0x574: {  	v28 =	vadd.s32 $0x3, v0;
	v29 =	vadd.s32 $0x4, v0;
	v30 =	vadd.s32 $0x5, v0  }
0x575: {  	v31 =	vand.u32 $0x7F, v0;
	v32 =	vadd.s32 $0x1, v0;
	v33 =	vadd.s32 $0x2, v0  }
0x576: {  	[tilespmem:$0x1FDE0] =	vst v31;
	v31 =	vand.u32 $0xFFFFFF80, v0;
	v34 =	vand.u32 $0xFFFFFF80, v3;
	v0 =	vand.u32 $0x7F, v3  }
0x577: {  	v36 =	vand.u32 $0x7F, v6;
	v35 =	vand.u32 $0xFFFFFF80, v2;
	v3 =	vand.u32 $0x7F, v2  }
0x578: {  	v37 =	vand.u32 $0xFFFFFF80, v5;
	v5 =	vand.u32 $0x7F, v5;
	v6 =	vand.u32 $0xFFFFFF80, v6  }
0x579: {  	v38 =	vand.u32 $0x7F, v9;
	v39 =	vand.u32 $0xFFFFFF80, v4;
	v40 =	vand.u32 $0x7F, v4  }
0x57a: {  	v4 =	vand.u32 $0xFFFFFF80, v8;
	v8 =	vand.u32 $0x7F, v8;
	v9 =	vand.u32 $0xFFFFFF80, v9  }
0x57b: {  	v41 =	vand.u32 $0x7F, v12;
	v42 =	vand.u32 $0xFFFFFF80, v7;
	v43 =	vand.u32 $0x7F, v7  }
0x57c: {  	v7 =	vand.u32 $0xFFFFFF80, v11;
	v11 =	vand.u32 $0x7F, v11;
	v12 =	vand.u32 $0xFFFFFF80, v12  }
0x57d: {  	v44 =	vand.u32 $0x7F, v15;
	v45 =	vand.u32 $0xFFFFFF80, v10;
	v46 =	vand.u32 $0x7F, v10  }
0x57e: {  	v10 =	vand.u32 $0xFFFFFF80, v14;
	v47 =	vand.u32 $0x7F, v14;
	v14 =	vand.u32 $0xFFFFFF80, v15  }
0x57f: {  	v48 =	vand.u32 $0x7F, v18;
	v15 =	vand.u32 $0xFFFFFF80, v13;
	v13 =	vand.u32 $0x7F, v13  }
0x580: {  	v49 =	vand.u32 $0xFFFFFF80, v17;
	v17 =	vand.u32 $0x7F, v17;
	v18 =	vand.u32 $0xFFFFFF80, v18  }
0x581: {  	v50 =	vand.u32 $0x7F, v21;
	v51 =	vand.u32 $0xFFFFFF80, v16;
	v16 =	vand.u32 $0x7F, v16  }
0x582: {  	v52 =	vand.u32 $0xFFFFFF80, v20;
	v53 =	vand.u32 $0x7F, v20;
	v20 =	vand.u32 $0xFFFFFF80, v21  }
0x583: {  	v54 =	vand.u32 $0x7F, v24;
	v21 =	vand.u32 $0xFFFFFF80, v19;
	v55 =	vand.u32 $0x7F, v19  }
0x584: {  	v19 =	vand.u32 $0xFFFFFF80, v23;
	v56 =	vand.u32 $0x7F, v23;
	v23 =	vand.u32 $0xFFFFFF80, v24  }
0x585: {  	v57 =	vand.u32 $0x7F, v27;
	v24 =	vand.u32 $0xFFFFFF80, v22;
	v58 =	vand.u32 $0x7F, v22  }
0x586: {  	v22 =	vand.u32 $0xFFFFFF80, v26;
	v59 =	vand.u32 $0x7F, v26;
	v26 =	vand.u32 $0xFFFFFF80, v27  }
0x587: {  	v60 =	vand.u32 $0x7F, v30;
	v27 =	vand.u32 $0xFFFFFF80, v25;
	v61 =	vand.u32 $0x7F, v25  }
0x588: {  	v25 =	vand.u32 $0xFFFFFF80, v29;
	v62 =	vand.u32 $0x7F, v29;
	v29 =	vand.u32 $0xFFFFFF80, v30  }
0x589: {  	v63 =	vand.u32 $0x7F, v33;
	v30 =	vand.u32 $0xFFFFFF80, v28;
	v28 =	vand.u32 $0x7F, v28  }
0x58a: {  	v33 =	vand.u32 $0xFFFFFF80, v33;
	[tilespmem:$0x1FDF0] =	vst v0;
	v0 =	vand.u32 $0xFFFFFF80, v32;
	v32 =	vand.u32 $0x7F, v32  }
0x58b: {  	v31 =	vadd.s32 v1, v31;
	v35 =	vadd.s32 v1, v35;
	v34 =	vadd.s32 v1, v34  }
0x58c: {  	v39 =	vadd.s32 v1, v39;
	v37 =	vadd.s32 v1, v37;
	v6 =	vadd.s32 v1, v6  }
0x58d: {  	v42 =	vadd.s32 v1, v42;
	v4 =	vadd.s32 v1, v4;
	v9 =	vadd.s32 v1, v9  }
0x58e: {  	v45 =	vadd.s32 v1, v45;
	v2 =	vadd.s32 v1, v7;
	v12 =	vadd.s32 v1, v12  }
0x58f: {  	v15 =	vadd.s32 v1, v15;
	v10 =	vadd.s32 v1, v10;
	v14 =	vadd.s32 v1, v14  }
0x590: {  	v51 =	vadd.s32 v1, v51;
	v49 =	vadd.s32 v1, v49;
	v18 =	vadd.s32 v1, v18  }
0x591: {  	v21 =	vadd.s32 v1, v21;
	v52 =	vadd.s32 v1, v52;
	v20 =	vadd.s32 v1, v20  }
0x592: {  	v24 =	vadd.s32 v1, v24;
	v19 =	vadd.s32 v1, v19;
	v23 =	vadd.s32 v1, v23  }
0x593: {  	v27 =	vadd.s32 v1, v27;
	v7 =	vadd.s32 v1, v29;
	v29 =	vld [tilespmem:$0x1FDE0];
	v3 =	vor.u32 v3, v35  }
0x594: {  	v22 =	vadd.s32 v1, v22;
	v26 =	vadd.s32 v1, v26;
	v30 =	vadd.s32 v1, v30;
	[tilespmem:$0x1FE10] =	vst v3;
	v3 =	vld [tilespmem:$0x1FDF0]  }
0x595: {  	v25 =	vadd.s32 v1, v25;
	v33 =	vadd.s32 v1, v33;
	v0 =	vadd.s32 v1, v0  }
0x596: {  	v6 =	vor.u32 v36, v6;
	v35 =	vor.u32 v5, v37;
	v5 =	vor.u32 v44, v14  }
0x597: {  	v14 =	vor.u32 v46, v45;
	v44 =	vor.u32 v11, v2;
	v15 =	vor.u32 v13, v15  }
0x598: {  	s0 =	sadd.s32 $0x10, s0;
	v23 =	vor.u32 v54, v23;
	v21 =	vor.u32 v55, v21;
	v26 =	vor.u32 v57, v26  }
0x599: {  	v24 =	vor.u32 v58, v24;
	[tilespmem:$0x1FE00] =	vst v6;
	v31 =	vor.u32 v29, v31;
	v29 =	vld [tilespmem:s0+$0x0];
	v3 =	vor.u32 v3, v34  }
0x59a: {  	v6 =	vor.u32 v17, v49;
	[tilespmem:$0x1FE20] =	vst v3;
	v3 =	vor.u32 v38, v9;
	v9 =	vor.u32 v47, v10  }
0x59b: {  	v10 =	vor.u32 v50, v20;
	v20 =	vor.u32 v16, v51;
	v51 =	vor.u32 v63, v33  }
0x59c: {  	p0 =	sne.s32 s5, $0x70;
	v50 =	vor.u32 v28, v30;
	[tilespmem:$0x1FE30] =	vst v3;
	v3 =	vor.u32 v40, v39;
	v39 =	vor.u32 v59, v22  }
.Ltmp2:
0x59d: {  	[tilespmem:$0x1FE40] =	vst v3;
	v3 =	vor.u32 v41, v12;
	v12 =	vor.u32 v53, v52;
	v41 =	vor.u32 v61, v27;
	(pc) =	sbr.rel @p0 .LBB2_6-.Ltmp2, $4  }
0x59e: {  	v52 =	vor.u32 v32, v0;
	v13 =	vadd.s32 $0x1E, v29;
	v11 =	vadd.s32 $0x1F, v29  }
0x59f: {  	v17 =	vadd.s32 $0x1C, v29;
	v16 =	vadd.s32 $0x1D, v29;
	[tilespmem:$0x1FE50] =	vst v3;
	v3 =	vor.u32 v43, v42  }
0x5a0: {  	v43 =	vor.u32 v60, v7;
	[tilespmem:$0x1FE60] =	vst v3;
	v3 =	vor.u32 v8, v4;
	v8 =	vor.u32 v48, v18  }
0x5a1: {  	s5 =	sadd.s32 $0x10, s5;
	v4 =	vor.u32 v56, v19;
	v48 =	vor.u32 v62, v25;
	v18 =	vadd.s32 $0x1B, v29;
	[tilespmem:$0x1FE70] =	vst v3  }
0x5a2: {  	v0 =	vand.u32 $0xFFFFFF80, v29  }
0x5a3: {  	v2 =	vand.u32 $0x7F, v29;
	v3 =	vadd.s32 $0x1, v29;
	v0 =	vadd.s32 v1, v0  }
0x5a4: {  	v0 =	vor.u32 v2, v0;
	v2 =	vand.u32 $0xFFFFFF80, v3  }
0x5a5: {  	v3 =	vand.u32 $0x7F, v3;
	v2 =	vadd.s32 v1, v2  }
0x5a6: {  	v7 =	vadd.s32 $0x2, v29;
	v2 =	vor.u32 v3, v2  }
0x5a7: {  	v3 =	vand.u32 $0xFFFFFF80, v7  }
0x5a8: {  	v19 =	vadd.s32 $0x3, v29;
	v22 =	vld.idx.msk [tilespmem:v31+s17+$0x0], $0xffff;
	v7 =	vand.u32 $0x7F, v7;
	v3 =	vadd.s32 v1, v3  }
0x5a9: {  	v3 =	vor.u32 v7, v3;
	v7 =	vand.u32 $0xFFFFFF80, v19;
	v0 =	vld.idx.msk [tilespmem:v0+s19+$0x0], $0xffff  }
0x5aa: {  	v25 =	vadd.s32 $0x4, v29;
	v27 =	vld.idx.msk [tilespmem:v52+s17+$0x0], $0xffff;
	v19 =	vand.u32 $0x7F, v19;
	v7 =	vadd.s32 v1, v7  }
0x5ab: {  	v7 =	vor.u32 v19, v7;
	v19 =	vand.u32 $0xFFFFFF80, v25;
	v2 =	vld.idx.msk [tilespmem:v2+s19+$0x0], $0xffff  }
0x5ac: {  	v28 =	vadd.s32 $0x5, v29;
	v25 =	vand.u32 $0x7F, v25;
	v19 =	vadd.s32 v1, v19  }
0x5ad: {  	v30 =	vld.idx.msk [tilespmem:v51+s17+$0x0], $0xffff;
	v19 =	vor.u32 v25, v19;
	v25 =	vand.u32 $0xFFFFFF80, v28  }
0x5ae: {  	v28 =	vand.u32 $0x7F, v28;
	v3 =	vld.idx.msk [tilespmem:v3+s19+$0x0], $0xffff;
	v25 =	vadd.s32 v1, v25;
	v0 =	vmul.f32 v0, v22  }
0x5af: {  	v31 =	vld.idx.msk [tilespmem:v50+s17+$0x0], $0xffff;
	v22 =	vadd.s32 $0x6, v29;
	v25 =	vor.u32 v28, v25  }
0x5b0: {  	v28 =	vand.u32 $0xFFFFFF80, v22;
	v7 =	vld.idx.msk [tilespmem:v7+s19+$0x0], $0xffff;
	v0 =	vadd.f32 $0.0e+00, v0;
	v2 =	vmul.f32 v2, v27  }
0x5b1: {  	v32 =	vld.idx.msk [tilespmem:v48+s17+$0x0], $0xffff;
	v22 =	vand.u32 $0x7F, v22;
	v27 =	vadd.s32 $0x7, v29;
	v28 =	vadd.s32 v1, v28  }
0x5b2: {  	v22 =	vor.u32 v22, v28;
	v19 =	vld.idx.msk [tilespmem:v19+s19+$0x0], $0xffff;
	v0 =	vadd.f32 v2, v0;
	v2 =	vand.u32 $0xFFFFFF80, v27  }
0x5b3: {  	v3 =	vmul.f32 v3, v30;
	v27 =	vand.u32 $0x7F, v27;
	v2 =	vadd.s32 v1, v2  }
0x5b4: {  	v28 =	vld.idx.msk [tilespmem:v43+s17+$0x0], $0xffff;
	v2 =	vor.u32 v27, v2;
	v27 =	vadd.s32 $0x8, v29  }
0x5b5: {  	v25 =	vld.idx.msk [tilespmem:v25+s19+$0x0], $0xffff;
	v0 =	vadd.f32 v3, v0;
	v3 =	vmul.f32 v7, v31;
	v7 =	vand.u32 $0xFFFFFF80, v27  }
0x5b6: {  	v30 =	vld.idx.msk [tilespmem:v41+s17+$0x0], $0xffff;
	v27 =	vand.u32 $0x7F, v27;
	v7 =	vadd.s32 v1, v7  }
0x5b7: {  	v0 =	vadd.f32 v3, v0;
	v3 =	vld.idx.msk [tilespmem:v22+s19+$0x0], $0xffff;
	v19 =	vmul.f32 v19, v32;
	v7 =	vor.u32 v27, v7  }
0x5b8: {  	v22 =	vadd.s32 $0x9, v29;
	v27 =	vld.idx.msk [tilespmem:v39+s17+$0x0], $0xffff  }
0x5b9: {  	v0 =	vadd.f32 v19, v0;
	v19 =	vand.u32 $0xFFFFFF80, v22;
	v2 =	vld.idx.msk [tilespmem:v2+s19+$0x0], $0xffff  }
0x5ba: {  	v25 =	vmul.f32 v25, v28;
	v22 =	vand.u32 $0x7F, v22;
	v19 =	vadd.s32 v1, v19  }
0x5bb: {  	v19 =	vor.u32 v22, v19;
	v22 =	vld.idx.msk [tilespmem:v26+s17+$0x0], $0xffff  }
0x5bc: {  	v26 =	vadd.s32 $0xA, v29;
	v0 =	vadd.f32 v25, v0;
	v3 =	vmul.f32 v3, v30;
	v7 =	vld.idx.msk [tilespmem:v7+s19+$0x0], $0xffff  }
0x5bd: {  	v28 =	vand.u32 $0xFFFFFF80, v26;
	v26 =	vand.u32 $0x7F, v26  }
0x5be: {  	v28 =	vadd.s32 v1, v28;
	v0 =	vadd.f32 v3, v0;
	v2 =	vmul.f32 v2, v27  }
0x5bf: {  	v24 =	vld.idx.msk [tilespmem:v24+s17+$0x0], $0xffff;
	v25 =	vadd.s32 $0x18, v29;
	v3 =	vadd.s32 $0x19, v29;
	v26 =	vor.u32 v26, v28  }
0x5c0: {  	v28 =	vadd.s32 $0xC, v29;
	v27 =	vadd.s32 $0xB, v29;
	v19 =	vld.idx.msk [tilespmem:v19+s19+$0x0], $0xffff;
	v0 =	vadd.f32 v2, v0  }
0x5c1: {  	v2 =	vand.u32 $0xFFFFFF80, v27;
	v27 =	vand.u32 $0x7F, v27;
	v7 =	vmul.f32 v7, v22  }
0x5c2: {  	v22 =	vand.u32 $0xFFFFFF80, v28;
	v2 =	vadd.s32 v1, v2;
	v28 =	vand.u32 $0x7F, v28  }
0x5c3: {  	v4 =	vld.idx.msk [tilespmem:v4+s17+$0x0], $0xffff;
	v22 =	vadd.s32 v1, v22;
	v2 =	vor.u32 v27, v2;
	v27 =	vadd.s32 $0xD, v29  }
0x5c4: {  	v26 =	vld.idx.msk [tilespmem:v26+s19+$0x0], $0xffff;
	v22 =	vor.u32 v28, v22;
	v28 =	vadd.s32 $0xE, v29;
	v0 =	vadd.f32 v7, v0  }
0x5c5: {  	v7 =	vand.u32 $0xFFFFFF80, v27;
	v27 =	vand.u32 $0x7F, v27;
	v19 =	vmul.f32 v19, v24  }
0x5c6: {  	v24 =	vand.u32 $0xFFFFFF80, v28;
	v7 =	vadd.s32 v1, v7;
	v28 =	vand.u32 $0x7F, v28  }
0x5c7: {  	v23 =	vld.idx.msk [tilespmem:v23+s17+$0x0], $0xffff;
	v24 =	vadd.s32 v1, v24;
	v7 =	vor.u32 v27, v7;
	v27 =	vadd.s32 $0xF, v29  }
0x5c8: {  	v24 =	vor.u32 v28, v24;
	v28 =	vadd.s32 $0x10, v29;
	v0 =	vadd.f32 v19, v0;
	v2 =	vld.idx.msk [tilespmem:v2+s19+$0x0], $0xffff  }
0x5c9: {  	v21 =	vld.idx.msk [tilespmem:v21+s17+$0x0], $0xffff;
	v19 =	vand.u32 $0xFFFFFF80, v27;
	v27 =	vand.u32 $0x7F, v27;
	v4 =	vmul.f32 v26, v4  }
0x5ca: {  	v12 =	vld.idx.msk [tilespmem:v12+s17+$0x0], $0xffff;
	v26 =	vand.u32 $0xFFFFFF80, v28;
	v19 =	vadd.s32 v1, v19;
	v28 =	vand.u32 $0x7F, v28  }
0x5cb: {  	v22 =	vld.idx.msk [tilespmem:v22+s19+$0x0], $0xffff;
	v26 =	vadd.s32 v1, v26;
	v19 =	vor.u32 v27, v19;
	v27 =	vadd.s32 $0x11, v29  }
0x5cc: {  	v26 =	vor.u32 v28, v26;
	v0 =	vadd.f32 v4, v0;
	v4 =	vand.u32 $0xFFFFFF80, v27;
	v7 =	vld.idx.msk [tilespmem:v7+s19+$0x0], $0xffff  }
0x5cd: {  	v27 =	vand.u32 $0x7F, v27;
	v4 =	vadd.s32 v1, v4;
	v2 =	vmul.f32 v2, v23  }
0x5ce: {  	v10 =	vld.idx.msk [tilespmem:v10+s17+$0x0], $0xffff;
	v28 =	vadd.s32 $0x1A, v29;
	v4 =	vor.u32 v27, v4;
	v27 =	vadd.s32 $0x12, v29  }
0x5cf: {  	v24 =	vld.idx.msk [tilespmem:v24+s19+$0x0], $0xffff;
	v23 =	vadd.s32 $0x15, v29;
	v0 =	vadd.f32 v2, v0;
	v2 =	vand.u32 $0xFFFFFF80, v27  }
0x5d0: {  	v20 =	vld.idx.msk [tilespmem:v20+s17+$0x0], $0xffff;
	v21 =	vmul.f32 v22, v21;
	v27 =	vand.u32 $0x7F, v27;
	v2 =	vadd.s32 v1, v2  }
0x5d1: {  	v6 =	vld.idx.msk [tilespmem:v6+s17+$0x0], $0xffff;
	v22 =	vadd.s32 $0x16, v29;
	v7 =	vmul.f32 v7, v12;
	v2 =	vor.u32 v27, v2  }
0x5d2: {  	v19 =	vld.idx.msk [tilespmem:v19+s19+$0x0], $0xffff;
	v27 =	vadd.s32 $0x13, v29;
	v0 =	vadd.f32 v21, v0;
	v21 =	vadd.s32 $0x17, v29  }
0x5d3: {  	v26 =	vld.idx.msk [tilespmem:v26+s19+$0x0], $0xffff;
	v29 =	vadd.s32 $0x14, v29;
	v12 =	vand.u32 $0xFFFFFF80, v27;
	v27 =	vand.u32 $0x7F, v27  }
0x5d4: {  	v8 =	vld.idx.msk [tilespmem:v8+s17+$0x0], $0xffff;
	v12 =	vadd.s32 v1, v12;
	v0 =	vadd.f32 v7, v0;
	v7 =	vmul.f32 v24, v10  }
0x5d5: {  	v4 =	vld.idx.msk [tilespmem:v4+s19+$0x0], $0xffff;
	v24 =	vand.u32 $0xFFFFFF80, v23;
	v12 =	vor.u32 v27, v12;
	v27 =	vand.u32 $0xFFFFFF80, v29  }
0x5d6: {  	v23 =	vand.u32 $0x7F, v23;
	v29 =	vand.u32 $0x7F, v29;
	v10 =	vadd.s32 v1, v27  }
0x5d7: {  	v15 =	vld.idx.msk [tilespmem:v15+s17+$0x0], $0xffff;
	v0 =	vadd.f32 v7, v0;
	v7 =	vmul.f32 v19, v20;
	v10 =	vor.u32 v29, v10  }
0x5d8: {  	v6 =	vmul.f32 v26, v6;
	v19 =	vadd.s32 v1, v24;
	v20 =	vand.u32 $0xFFFFFF80, v22;
	v2 =	vld.idx.msk [tilespmem:v2+s19+$0x0], $0xffff  }
0x5d9: {  	v9 =	vld.idx.msk [tilespmem:v9+s17+$0x0], $0xffff;
	v22 =	vand.u32 $0x7F, v22;
	v19 =	vor.u32 v23, v19;
	v0 =	vadd.f32 v7, v0  }
0x5da: {  	v4 =	vmul.f32 v4, v8;
	v7 =	vadd.s32 v1, v20;
	v20 =	vand.u32 $0xFFFFFF80, v21;
	v12 =	vld.idx.msk [tilespmem:v12+s19+$0x0], $0xffff  }
0x5db: {  	v5 =	vld.idx.msk [tilespmem:v5+s17+$0x0], $0xffff;
	v21 =	vand.u32 $0x7F, v21;
	v0 =	vadd.f32 v6, v0;
	v6 =	vadd.s32 v1, v20  }
0x5dc: {  	v7 =	vor.u32 v22, v7;
	v6 =	vor.u32 v21, v6;
	v8 =	vld.idx.msk [tilespmem:v10+s19+$0x0], $0xffff  }
0x5dd: {  	v14 =	vld.idx.msk [tilespmem:v14+s17+$0x0], $0xffff;
	v10 =	vand.u32 $0xFFFFFF80, v25;
	v0 =	vadd.f32 v4, v0;
	v2 =	vmul.f32 v2, v15  }
0x5de: {  	v15 =	vand.u32 $0xFFFFFF80, v3;
	v3 =	vand.u32 $0x7F, v3;
	v4 =	vadd.s32 v1, v10;
	v10 =	vld.idx.msk [tilespmem:v19+s19+$0x0], $0xffff  }
0x5df: {  	v19 =	vld.idx.msk [tilespmem:v44+s17+$0x0], $0xffff;
	v0 =	vadd.f32 v2, v0;
	v2 =	vmul.f32 v12, v9;
	v9 =	vadd.s32 v1, v15  }
0x5e0: {  	v12 =	vand.u32 $0x7F, v28;
	v15 =	vld [tilespmem:$0x1FE50];
	v3 =	vor.u32 v3, v9;
	v9 =	vand.u32 $0xFFFFFF80, v28  }
0x5e1: {  	v7 =	vld.idx.msk [tilespmem:v7+s19+$0x0], $0xffff;
	v0 =	vadd.f32 v2, v0;
	v2 =	vmul.f32 v8, v5;
	v5 =	vadd.s32 v1, v9  }
0x5e2: {  	v20 =	vand.u32 $0x7F, v25;
	v5 =	vor.u32 v12, v5;
	v12 =	vld [tilespmem:$0x1FE60]  }
0x5e3: {  	v4 =	vor.u32 v20, v4;
	v8 =	vand.u32 $0xFFFFFF80, v18;
	v9 =	vand.u32 $0x7F, v18  }
0x5e4: {  	v8 =	vadd.s32 v1, v8;
	v0 =	vadd.f32 v2, v0;
	v2 =	vmul.f32 v10, v14  }
0x5e5: {  	v8 =	vor.u32 v9, v8;
	v9 =	vand.u32 $0xFFFFFF80, v17;
	v10 =	vand.u32 $0x7F, v17;
	v14 =	vld [tilespmem:$0x1FE70]  }
0x5e6: {  	v6 =	vld.idx.msk [tilespmem:v6+s19+$0x0], $0xffff;
	v0 =	vadd.f32 v2, v0;
	v2 =	vmul.f32 v7, v19;
	v7 =	vadd.s32 v1, v9  }
0x5e7: {  	v9 =	vand.u32 $0xFFFFFF80, v16;
	v7 =	vor.u32 v10, v7;
	v10 =	vand.u32 $0x7F, v16;
	v16 =	vld [tilespmem:$0x1FE30]  }
0x5e8: {  	v15 =	vld.idx.msk [tilespmem:v15+s17+$0x0], $0xffff  }
0x5e9: {  	v4 =	vld.idx.msk [tilespmem:v4+s19+$0x0], $0xffff  }
0x5ea: {  	v12 =	vld.idx.msk [tilespmem:v12+s17+$0x0], $0xffff  }
0x5eb: {  	v3 =	vld.idx.msk [tilespmem:v3+s19+$0x0], $0xffff  }
0x5ec: {  	v5 =	vld.idx.msk [tilespmem:v5+s19+$0x0], $0xffff  }
0x5ed: {  	v0 =	vadd.f32 v2, v0;
	v14 =	vld.idx.msk [tilespmem:v14+s17+$0x0], $0xffff;
	v2 =	vmul.f32 v6, v15;
	v6 =	vadd.s32 v1, v9  }
0x5ee: {  	v9 =	vand.u32 $0xFFFFFF80, v13;
	v6 =	vor.u32 v10, v6;
	v10 =	vand.u32 $0x7F, v13;
	v13 =	vld [tilespmem:$0x1FE40]  }
0x5ef: {  	v16 =	vld.idx.msk [tilespmem:v16+s17+$0x0], $0xffff;
	v0 =	vadd.f32 v2, v0;
	v2 =	vmul.f32 v4, v12  }
0x5f0: {  	v4 =	vadd.s32 v1, v9  }
0x5f1: {  	v8 =	vld.idx.msk [tilespmem:v8+s19+$0x0], $0xffff;
	v4 =	vor.u32 v10, v4;
	v10 =	vand.u32 $0xFFFFFF80, v11;
	v0 =	vadd.f32 v2, v0  }
0x5f2: {  	v2 =	vmul.f32 v3, v14;
	v3 =	vand.u32 $0x7F, v11;
	v1 =	vadd.s32 v1, v10;
	v10 =	vld [tilespmem:$0x1FE00]  }
0x5f3: {  	v1 =	vor.u32 v3, v1;
	v3 =	vld.idx.msk [tilespmem:v6+s19+$0x0], $0xffff  }
0x5f4: {  	v0 =	vadd.f32 v2, v0;
	v2 =	vmul.f32 v5, v16;
	v5 =	vld [tilespmem:$0x1FE10]  }
0x5f5: {  	v6 =	vld [tilespmem:$0x1FE20]  }
0x5f6: {  	v13 =	vld.idx.msk [tilespmem:v13+s17+$0x0], $0xffff  }
0x5f7: {  	v7 =	vld.idx.msk [tilespmem:v7+s19+$0x0], $0xffff  }
0x5f8: {  	v9 =	vld.idx.msk [tilespmem:v35+s17+$0x0], $0xffff;
	_ =	sdelay $0x1  }
0x5f9: {  	v10 =	vld.idx.msk [tilespmem:v10+s17+$0x0], $0xffff  }
0x5fa: {  	v0 =	vadd.f32 v2, v0;
	v4 =	vld.idx.msk [tilespmem:v4+s19+$0x0], $0xffff;
	v2 =	vmul.f32 v8, v13  }
0x5fb: {  	v5 =	vld.idx.msk [tilespmem:v5+s17+$0x0], $0xffff  }
0x5fc: {  	v1 =	vld.idx.msk [tilespmem:v1+s19+$0x0], $0xffff;
	v0 =	vadd.f32 v2, v0;
	v2 =	vmul.f32 v7, v9  }
0x5fd: {  	v6 =	vld.idx.msk [tilespmem:v6+s17+$0x0], $0xffff  }
0x5fe: {  	v0 =	vadd.f32 v2, v0;
	v2 =	vmul.f32 v3, v10;
	_ =	sdelay $0x1  }
0x5ff: {  	v0 =	vadd.f32 v2, v0;
	v2 =	vmul.f32 v4, v5;
	_ =	sdelay $0x1  }
0x600: {  	v1 =	vmul.f32 v1, v6;
	v0 =	vadd.f32 v2, v0;
	_ =	sdelay $0x1  }
0x601: {  	v0 =	vadd.f32 v1, v0  }
0x602: {  	s0 =	sadd.s32 $0x10, s30  }
0x603: {  	[tilespmem:s0+$0x0] =	vst v0  }
0x604: {  	_ =	swait.ge [sflag:s25], $0x4000  }
0x605: {  	[sflag:s25] =	ssyncset.done $0x0  }
0x606: {  	[sflag:s25] =	ssyncadd.s32 $0xFFFFC000  }
0x607: {  	_ =	swait.ge [sflag:s25], $0x4000  }
0x608: {  	[sflag:s25] =	ssyncset.done $0x0  }
0x609: {  	s5 =	simm.s32 $0x680;
	v44 =	vld [tilespmem:$0x1FFF0];
	[sflag:s25] =	ssyncadd.s32 $0xFFFFC000  }
0x60a: {  	v16 =	vld [tilespmem:s5+$0x0];
	_ =	sdelay $0x1  }
0x60b: {  	s5 =	simm.s32 $0x0  }
0x60c: {  	v0 =	vmov s5  }
0x60d: {  	v0 =	vshll.u32 v0, $0x7  }
0x60e: {  	v1 =	vor.u32 v44, v0;
	v0 =	vadd.s32 $0x1B, v16;
	v2 =	vadd.s32 $0x1C, v16  }
0x60f: {  	v3 =	vadd.s32 $0x1D, v16;
	v4 =	vadd.s32 $0x18, v16;
	v5 =	vadd.s32 $0x19, v16  }
0x610: {  	v6 =	vadd.s32 $0x1A, v16;
	v7 =	vadd.s32 $0x15, v16;
	v8 =	vadd.s32 $0x16, v16  }
0x611: {  	v9 =	vadd.s32 $0x17, v16;
	v10 =	vadd.s32 $0x12, v16;
	v11 =	vadd.s32 $0x13, v16  }
0x612: {  	v12 =	vadd.s32 $0x14, v16;
	v13 =	vadd.s32 $0xF, v16;
	v14 =	vadd.s32 $0x10, v16  }
0x613: {  	v15 =	vadd.s32 $0x11, v16;
	v17 =	vadd.s32 $0xC, v16;
	v18 =	vadd.s32 $0xD, v16  }
0x614: {  	v19 =	vadd.s32 $0xE, v16;
	v20 =	vadd.s32 $0x9, v16;
	v21 =	vadd.s32 $0xA, v16  }
0x615: {  	v22 =	vadd.s32 $0xB, v16;
	v23 =	vadd.s32 $0x6, v16;
	v24 =	vadd.s32 $0x7, v16  }
0x616: {  	v25 =	vadd.s32 $0x8, v16;
	v27 =	vadd.s32 $0x3, v16;
	v28 =	vadd.s32 $0x4, v16  }
0x617: {  	v29 =	vadd.s32 $0x5, v16;
	v26 =	vand.u32 $0x7F, v16;
	v30 =	vadd.s32 $0x1, v16  }
0x618: {  	v31 =	vadd.s32 $0x2, v16;
	v57 =	vand.u32 $0xFFFFFF80, v16;
	v33 =	vand.u32 $0x7F, v3  }
0x619: {  	v34 =	vand.u32 $0xFFFFFF80, v2;
	v58 =	vand.u32 $0x7F, v2;
	v2 =	vand.u32 $0xFFFFFF80, v3  }
0x61a: {  	v3 =	vand.u32 $0x7F, v6;
	v36 =	vand.u32 $0xFFFFFF80, v0;
	v0 =	vand.u32 $0x7F, v0  }
0x61b: {  	v37 =	vand.u32 $0xFFFFFF80, v5;
	v38 =	vand.u32 $0x7F, v5;
	v5 =	vand.u32 $0xFFFFFF80, v6  }
0x61c: {  	v6 =	vand.u32 $0x7F, v9;
	v59 =	vand.u32 $0xFFFFFF80, v4;
	v32 =	vadd.s32 v1, v57  }
0x61d: {  	v40 =	vand.u32 $0x7F, v4;
	v60 =	vand.u32 $0x7F, v8;
	v61 =	vand.u32 $0xFFFFFF80, v7  }
0x61e: {  	v62 =	vand.u32 $0x7F, v7;
	v42 =	vand.u32 $0x7F, v11;
	v63 =	vand.u32 $0x7F, v15  }
0x61f: {  	v45 =	vand.u32 $0xFFFFFF80, v10;
	v46 =	vand.u32 $0x7F, v10;
	v47 =	vand.u32 $0xFFFFFF80, v14  }
0x620: {  	v48 =	vand.u32 $0x7F, v14;
	v14 =	vand.u32 $0xFFFFFF80, v15;
	v49 =	vand.u32 $0x7F, v19  }
0x621: {  	v50 =	vand.u32 $0x7F, v13;
	v51 =	vand.u32 $0xFFFFFF80, v18;
	v52 =	vand.u32 $0x7F, v18  }
0x622: {  	v18 =	vand.u32 $0xFFFFFF80, v19;
	v53 =	vand.u32 $0xFFFFFF80, v17;
	v54 =	vand.u32 $0x7F, v17  }
0x623: {  	v55 =	vand.u32 $0xFFFFFF80, v21;
	v21 =	vand.u32 $0x7F, v21;
	v56 =	vand.u32 $0xFFFFFF80, v20  }
0x624: {  	v20 =	vand.u32 $0x7F, v20;
	v57 =	vand.u32 $0xFFFFFF80, v24;
	v32 =	vor.u32 v26, v32  }
0x625: {  	v26 =	vand.u32 $0xFFFFFF80, v8;
	v8 =	vand.u32 $0xFFFFFF80, v9;
	v2 =	vadd.s32 v1, v2  }
0x626: {  	v9 =	vand.u32 $0x7F, v12;
	v4 =	vadd.s32 v1, v5;
	v17 =	vadd.s32 v1, v18  }
0x627: {  	v2 =	vor.u32 v33, v2;
	v5 =	vor.u32 v3, v4;
	v3 =	vadd.s32 v1, v36  }
0x628: {  	v7 =	vadd.s32 v1, v8;
	v19 =	vor.u32 v49, v17;
	v17 =	vadd.s32 v1, v47  }
0x629: {  	v33 =	vadd.s32 v1, v57;
	v4 =	vor.u32 v0, v3;
	v0 =	vand.u32 $0xFFFFFF80, v11  }
0x62a: {  	v11 =	vand.u32 $0xFFFFFF80, v12;
	v3 =	vadd.s32 v1, v34;
	v8 =	vor.u32 v6, v7  }
0x62b: {  	v6 =	vadd.s32 v1, v59;
	v17 =	vor.u32 v48, v17;
	v59 =	vand.u32 $0x7F, v23  }
0x62c: {  	v3 =	vor.u32 v58, v3;
	v7 =	vor.u32 v40, v6;
	v6 =	vadd.s32 v1, v37  }
0x62d: {  	v10 =	vadd.s32 v1, v11;
	v0 =	vadd.s32 v1, v0;
	v58 =	vand.u32 $0x7F, v24  }
0x62e: {  	v24 =	vadd.s32 v1, v53;
	v6 =	vor.u32 v38, v6;
	v12 =	vor.u32 v9, v10  }
0x62f: {  	v9 =	vand.u32 $0xFFFFFF80, v13;
	v10 =	vadd.s32 v1, v61;
	v13 =	vadd.s32 v1, v14  }
0x630: {  	v24 =	vor.u32 v54, v24;
	v61 =	vadd.s32 v1, v56;
	v33 =	vor.u32 v58, v33  }
0x631: {  	v11 =	vor.u32 v62, v10;
	v10 =	vadd.s32 v1, v26;
	v26 =	vand.u32 $0x7F, v22  }
0x632: {  	v15 =	vor.u32 v63, v13;
	v13 =	vadd.s32 v1, v45;
	v22 =	vand.u32 $0xFFFFFF80, v22  }
0x633: {  	v9 =	vadd.s32 v1, v9;
	v62 =	vand.u32 $0x7F, v31;
	v36 =	vor.u32 v20, v61  }
0x634: {  	v20 =	vand.u32 $0xFFFFFF80, v27;
	v27 =	vand.u32 $0x7F, v27;
	v63 =	vadd.s32 v1, v55  }
0x635: {  	v31 =	vand.u32 $0xFFFFFF80, v31;
	v10 =	vor.u32 v60, v10;
	v14 =	vor.u32 v46, v13  }
0x636: {  	v13 =	vor.u32 v42, v0;
	v0 =	vand.u32 $0x7F, v25;
	v18 =	vor.u32 v50, v9  }
0x637: {  	v9 =	vand.u32 $0xFFFFFF80, v25;
	v25 =	vand.u32 $0x7F, v29;
	v22 =	vadd.s32 v1, v22  }
0x638: {  	v60 =	vand.u32 $0xFFFFFF80, v28;
	v28 =	vand.u32 $0x7F, v28;
	v29 =	vand.u32 $0xFFFFFF80, v29  }
0x639: {  	v38 =	vor.u32 v21, v63;
	v21 =	vand.u32 $0xFFFFFF80, v30;
	v30 =	vand.u32 $0x7F, v30  }
0x63a: {  	s5 =	simm.s32 $0x780;
	v20 =	vadd.s32 v1, v20;
	v31 =	vadd.s32 v1, v31;
	v9 =	vadd.s32 v1, v9  }
0x63b: {  	v26 =	vor.u32 v26, v22;
	v22 =	vand.u32 $0xFFFFFF80, v23;
	v0 =	vor.u32 v0, v9;
	v9 =	vld [tilespmem:s5+$0x0]  }
0x63c: {  	v23 =	vadd.s32 v1, v51;
	v29 =	vadd.s32 v1, v29;
	v21 =	vadd.s32 v1, v21  }
0x63d: {  	v35 =	vadd.s32 v1, v60;
	v31 =	vor.u32 v62, v31;
	v20 =	vor.u32 v27, v20  }
0x63e: {  	v23 =	vor.u32 v52, v23;
	v22 =	vadd.s32 v1, v22;
	v25 =	vor.u32 v25, v29  }
0x63f: {  	v21 =	vor.u32 v30, v21;
	v28 =	vor.u32 v28, v35;
	v22 =	vor.u32 v59, v22  }
0x640: {  	v29 =	vand.u32 $0xFFFFFF80, v9;
	v30 =	vand.u32 $0x7F, v9;
	v39 =	vadd.s32 $0x1, v9  }
0x641: {  	v40 =	vadd.s32 $0x2, v9;
	v43 =	vadd.s32 $0x3, v9;
	v47 =	vadd.s32 $0x4, v9  }
0x642: {  	v50 =	vadd.s32 $0x5, v9;
	v52 =	vadd.s32 $0x6, v9;
	v29 =	vadd.s32 v1, v29  }
0x643: {  	v54 =	vadd.s32 $0x7, v9;
	v29 =	vor.u32 v30, v29;
	v30 =	vand.u32 $0xFFFFFF80, v39  }
0x644: {  	v56 =	vadd.s32 $0xA, v9;
	v34 =	vand.u32 $0x7F, v39;
	v30 =	vadd.s32 v1, v30  }
0x645: {  	v42 =	vand.u32 $0xFFFFFF80, v40;
	v45 =	vand.u32 $0xFFFFFF80, v43;
	v30 =	vor.u32 v34, v30  }
0x646: {  	v32 =	vld.idx.msk [tilespmem:v32+s21+$0x0], $0xffff;
	v46 =	vand.u32 $0x7F, v43;
	v37 =	vadd.s32 v1, v42;
	v34 =	vand.u32 $0x7F, v40  }
0x647: {  	v21 =	vld.idx.msk [tilespmem:v21+s21+$0x0], $0xffff;
	v48 =	vand.u32 $0xFFFFFF80, v47;
	v49 =	vand.u32 $0x7F, v47;
	v27 =	vor.u32 v34, v37  }
0x648: {  	v51 =	vand.u32 $0xFFFFFF80, v50;
	v53 =	vand.u32 $0xFFFFFF80, v52;
	v34 =	vadd.s32 v1, v45;
	v29 =	vld.idx.msk [tilespmem:v29+s23+$0x0], $0xffff  }
0x649: {  	v58 =	vld.idx.msk [tilespmem:v22+s21+$0x0], $0xffff;
	v22 =	vand.u32 $0xFFFFFF80, v56;
	v59 =	vand.u32 $0x7F, v56;
	v34 =	vor.u32 v46, v34  }
0x64a: {  	v47 =	vadd.s32 $0x19, v9;
	v56 =	vadd.s32 $0x13, v9;
	v35 =	vadd.s32 v1, v48;
	v30 =	vld.idx.msk [tilespmem:v30+s23+$0x0], $0xffff  }
0x64b: {  	v31 =	vld.idx.msk [tilespmem:v31+s21+$0x0], $0xffff;
	v39 =	vand.u32 $0x7F, v50;
	v22 =	vadd.s32 v1, v22;
	v42 =	vadd.s32 $0x1B, v9  }
0x64c: {  	v48 =	vadd.s32 $0x1A, v9;
	v35 =	vor.u32 v49, v35;
	v37 =	vadd.s32 v1, v51;
	v27 =	vld.idx.msk [tilespmem:v27+s23+$0x0], $0xffff  }
0x64d: {  	v20 =	vld.idx.msk [tilespmem:v20+s21+$0x0], $0xffff;
	v50 =	vadd.s32 $0x15, v9;
	v37 =	vor.u32 v39, v37;
	v29 =	vmul.f32 v29, v32  }
0x64e: {  	v45 =	vadd.s32 $0xD, v9;
	v51 =	vadd.s32 $0xF, v9;
	v39 =	vadd.s32 v1, v53;
	v34 =	vld.idx.msk [tilespmem:v34+s23+$0x0], $0xffff  }
0x64f: {  	v28 =	vld.idx.msk [tilespmem:v28+s21+$0x0], $0xffff;
	v32 =	vand.u32 $0x7F, v52;
	v29 =	vadd.f32 $0.0e+00, v29;
	v21 =	vmul.f32 v30, v21  }
0x650: {  	v25 =	vld.idx.msk [tilespmem:v25+s21+$0x0], $0xffff;
	v32 =	vor.u32 v32, v39;
	v39 =	vand.u32 $0x7F, v54;
	v30 =	vadd.s32 $0x8, v9  }
0x651: {  	v35 =	vld.idx.msk [tilespmem:v35+s23+$0x0], $0xffff;
	v27 =	vmul.f32 v27, v31;
	v21 =	vadd.f32 v21, v29;
	v29 =	vand.u32 $0xFFFFFF80, v54  }
0x652: {  	v37 =	vld.idx.msk [tilespmem:v37+s23+$0x0], $0xffff;
	v31 =	vand.u32 $0xFFFFFF80, v30;
	v30 =	vand.u32 $0x7F, v30;
	v29 =	vadd.s32 v1, v29  }
0x653: {  	v31 =	vadd.s32 v1, v31;
	v20 =	vmul.f32 v34, v20;
	v29 =	vor.u32 v39, v29  }
0x654: {  	v30 =	vor.u32 v30, v31;
	v31 =	vadd.s32 $0x9, v9;
	v21 =	vadd.f32 v27, v21  }
0x655: {  	v46 =	vld.idx.msk [tilespmem:v26+s21+$0x0], $0xffff;
	v26 =	vadd.s32 $0x1D, v9;
	v55 =	vand.u32 $0xFFFFFF80, v31;
	v31 =	vand.u32 $0x7F, v31  }
0x656: {  	v34 =	vadd.s32 v1, v55;
	v20 =	vadd.f32 v20, v21;
	v21 =	vmul.f32 v35, v28;
	v28 =	vld.idx.msk [tilespmem:v32+s23+$0x0], $0xffff  }
0x657: {  	v33 =	vld.idx.msk [tilespmem:v33+s21+$0x0], $0xffff;
	v52 =	vadd.s32 $0x10, v9;
	v25 =	vmul.f32 v37, v25;
	v31 =	vor.u32 v31, v34  }
0x658: {  	v27 =	vadd.s32 $0x1E, v16;
	v32 =	vor.u32 v59, v22;
	v22 =	vadd.s32 $0xB, v9;
	v29 =	vld.idx.msk [tilespmem:v29+s23+$0x0], $0xffff  }
0x659: {  	v0 =	vld.idx.msk [tilespmem:v0+s21+$0x0], $0xffff;
	v61 =	vand.u32 $0xFFFFFF80, v22;
	v60 =	vadd.f32 v21, v20;
	v20 =	vand.u32 $0xFFFFFF80, v27  }
0x65a: {  	v21 =	vand.u32 $0x7F, v27;
	v27 =	vand.u32 $0x7F, v22;
	v35 =	vadd.s32 v1, v61;
	v30 =	vld.idx.msk [tilespmem:v30+s23+$0x0], $0xffff  }
0x65b: {  	v36 =	vld.idx.msk [tilespmem:v36+s21+$0x0], $0xffff;
	v35 =	vor.u32 v27, v35;
	v34 =	vadd.f32 v25, v60;
	v28 =	vmul.f32 v28, v58  }
0x65c: {  	v53 =	vand.u32 $0xFFFFFF80, v52;
	v54 =	vadd.s32 $0x11, v9;
	v27 =	vadd.s32 $0xC, v9;
	v31 =	vld.idx.msk [tilespmem:v31+s23+$0x0], $0xffff  }
0x65d: {  	v38 =	vld.idx.msk [tilespmem:v38+s21+$0x0], $0xffff;
	v62 =	vand.u32 $0xFFFFFF80, v27;
	v28 =	vadd.f32 v28, v34;
	v29 =	vmul.f32 v29, v33  }
0x65e: {  	v16 =	vadd.s32 $0x1F, v16;
	v63 =	vand.u32 $0x7F, v27;
	v37 =	vadd.s32 v1, v62;
	v32 =	vld.idx.msk [tilespmem:v32+s23+$0x0], $0xffff  }
0x65f: {  	v43 =	vor.u32 v63, v37;
	v0 =	vmul.f32 v30, v0;
	v28 =	vadd.f32 v29, v28  }
0x660: {  	v57 =	vand.u32 $0xFFFFFF80, v16;
	v30 =	vand.u32 $0x7F, v45;
	v35 =	vld.idx.msk [tilespmem:v35+s23+$0x0], $0xffff;
	v29 =	vand.u32 $0xFFFFFF80, v45  }
0x661: {  	v29 =	vadd.s32 v1, v29;
	v0 =	vadd.f32 v0, v28;
	v28 =	vmul.f32 v31, v36  }
0x662: {  	v16 =	vand.u32 $0x7F, v16;
	v55 =	vadd.s32 $0x12, v9;
	v29 =	vor.u32 v30, v29  }
0x663: {  	v24 =	vld.idx.msk [tilespmem:v24+s21+$0x0], $0xffff;
	v30 =	vadd.s32 $0xE, v9;
	v0 =	vadd.f32 v28, v0;
	v28 =	vmul.f32 v32, v38  }
0x664: {  	v59 =	vadd.s32 $0x17, v9;
	v34 =	vld.idx.msk [tilespmem:v43+s23+$0x0], $0xffff;
	v49 =	vand.u32 $0xFFFFFF80, v30;
	v30 =	vand.u32 $0x7F, v30  }
0x665: {  	v37 =	vadd.s32 v1, v49;
	v0 =	vadd.f32 v28, v0;
	v28 =	vmul.f32 v35, v46  }
0x666: {  	v61 =	vand.u32 $0x7F, v59;
	v22 =	vadd.s32 v1, v20;
	v30 =	vor.u32 v30, v37  }
0x667: {  	v23 =	vld.idx.msk [tilespmem:v23+s21+$0x0], $0xffff;
	v20 =	vadd.s32 v1, v57;
	v0 =	vadd.f32 v28, v0;
	v28 =	vand.u32 $0xFFFFFF80, v51  }
0x668: {  	v57 =	vadd.s32 $0x14, v9;
	v38 =	vand.u32 $0x7F, v51;
	v29 =	vld.idx.msk [tilespmem:v29+s23+$0x0], $0xffff;
	v28 =	vadd.s32 v1, v28  }
0x669: {  	v25 =	vadd.s32 $0x1E, v9;
	v24 =	vmul.f32 v34, v24;
	v28 =	vor.u32 v38, v28  }
0x66a: {  	v19 =	vld.idx.msk [tilespmem:v19+s21+$0x0], $0xffff;
	v27 =	vadd.s32 $0x1C, v9;
	v37 =	vand.u32 $0x7F, v52;
	v34 =	vadd.s32 v1, v53  }
0x66b: {  	v34 =	vor.u32 v37, v34;
	v0 =	vadd.f32 v24, v0;
	v24 =	vand.u32 $0xFFFFFF80, v54;
	v30 =	vld.idx.msk [tilespmem:v30+s23+$0x0], $0xffff  }
0x66c: {  	v17 =	vld.idx.msk [tilespmem:v17+s21+$0x0], $0xffff;
	v58 =	vadd.s32 $0x16, v9;
	v38 =	vand.u32 $0x7F, v54;
	v24 =	vadd.s32 v1, v24  }
0x66d: {  	v18 =	vld.idx.msk [tilespmem:v18+s21+$0x0], $0xffff;
	v23 =	vmul.f32 v29, v23;
	v29 =	vand.u32 $0xFFFFFF80, v55;
	v24 =	vor.u32 v38, v24  }
0x66e: {  	v37 =	vand.u32 $0x7F, v55;
	v38 =	vand.u32 $0x7F, v56;
	v29 =	vadd.s32 v1, v29;
	v28 =	vld.idx.msk [tilespmem:v28+s23+$0x0], $0xffff  }
0x66f: {  	v12 =	vld.idx.msk [tilespmem:v12+s21+$0x0], $0xffff;
	v29 =	vor.u32 v37, v29;
	v0 =	vadd.f32 v23, v0;
	v23 =	vand.u32 $0xFFFFFF80, v56  }
0x670: {  	v34 =	vld.idx.msk [tilespmem:v34+s23+$0x0], $0xffff;
	v19 =	vmul.f32 v30, v19;
	v30 =	vand.u32 $0xFFFFFF80, v57;
	v23 =	vadd.s32 v1, v23  }
0x671: {  	v15 =	vld.idx.msk [tilespmem:v15+s21+$0x0], $0xffff;
	v37 =	vand.u32 $0x7F, v57;
	v30 =	vadd.s32 v1, v30;
	v23 =	vor.u32 v38, v23  }
0x672: {  	v30 =	vor.u32 v37, v30;
	v24 =	vld.idx.msk [tilespmem:v24+s23+$0x0], $0xffff;
	v0 =	vadd.f32 v19, v0;
	v19 =	vand.u32 $0xFFFFFF80, v50  }
0x673: {  	v14 =	vld.idx.msk [tilespmem:v14+s21+$0x0], $0xffff;
	v35 =	vand.u32 $0x7F, v50;
	v19 =	vadd.s32 v1, v19;
	v18 =	vmul.f32 v28, v18  }
0x674: {  	v60 =	vand.u32 $0x7F, v58;
	v31 =	vadd.s32 $0x18, v9;
	v19 =	vor.u32 v35, v19;
	v28 =	vld.idx.msk [tilespmem:v29+s23+$0x0], $0xffff  }
0x675: {  	v13 =	vld.idx.msk [tilespmem:v13+s21+$0x0], $0xffff;
	v17 =	vmul.f32 v34, v17;
	v29 =	vand.u32 $0xFFFFFF80, v58;
	v0 =	vadd.f32 v18, v0  }
0x676: {  	v9 =	vadd.s32 $0x1F, v9;
	v23 =	vld.idx.msk [tilespmem:v23+s23+$0x0], $0xffff;
	v18 =	vadd.s32 v1, v29;
	v29 =	vand.u32 $0xFFFFFF80, v59  }
0x677: {  	v15 =	vmul.f32 v24, v15;
	v24 =	vld.idx.msk [tilespmem:v30+s23+$0x0], $0xffff;
	v18 =	vor.u32 v60, v18;
	v0 =	vadd.f32 v17, v0  }
0x678: {  	v11 =	vld.idx.msk [tilespmem:v11+s21+$0x0], $0xffff;
	v30 =	vand.u32 $0x7F, v31;
	v17 =	vadd.s32 v1, v29;
	v29 =	vand.u32 $0xFFFFFF80, v31  }
0x679: {  	v19 =	vld.idx.msk [tilespmem:v19+s23+$0x0], $0xffff;
	v17 =	vor.u32 v61, v17;
	v14 =	vmul.f32 v28, v14;
	v0 =	vadd.f32 v15, v0  }
0x67a: {  	v28 =	vand.u32 $0xFFFFFF80, v47;
	v15 =	vadd.s32 v1, v29;
	v29 =	vand.u32 $0x7F, v47  }
0x67b: {  	v10 =	vld.idx.msk [tilespmem:v10+s21+$0x0], $0xffff;
	v13 =	vmul.f32 v23, v13;
	v15 =	vor.u32 v30, v15;
	v0 =	vadd.f32 v14, v0  }
0x67c: {  	v23 =	vand.u32 $0xFFFFFF80, v48;
	v12 =	vmul.f32 v24, v12;
	v14 =	vadd.s32 v1, v28;
	v18 =	vld.idx.msk [tilespmem:v18+s23+$0x0], $0xffff  }
0x67d: {  	v8 =	vld.idx.msk [tilespmem:v8+s21+$0x0], $0xffff;
	v24 =	vand.u32 $0x7F, v42;
	v14 =	vor.u32 v29, v14;
	v0 =	vadd.f32 v13, v0  }
0x67e: {  	v28 =	vand.u32 $0x7F, v48;
	v11 =	vmul.f32 v19, v11;
	v13 =	vadd.s32 v1, v23;
	v17 =	vld.idx.msk [tilespmem:v17+s23+$0x0], $0xffff  }
0x67f: {  	v7 =	vld.idx.msk [tilespmem:v7+s21+$0x0], $0xffff;
	v23 =	vand.u32 $0xFFFFFF80, v42;
	v13 =	vor.u32 v28, v13;
	v0 =	vadd.f32 v12, v0  }
0x680: {  	v19 =	vand.u32 $0xFFFFFF80, v27;
	v12 =	vadd.s32 v1, v23;
	v15 =	vld.idx.msk [tilespmem:v15+s23+$0x0], $0xffff;
	v23 =	vand.u32 $0x7F, v27  }
0x681: {  	v6 =	vld.idx.msk [tilespmem:v6+s21+$0x0], $0xffff;
	v12 =	vor.u32 v24, v12;
	v10 =	vmul.f32 v18, v10;
	v0 =	vadd.f32 v11, v0  }
0x682: {  	v18 =	vand.u32 $0xFFFFFF80, v26;
	v11 =	vadd.s32 v1, v19;
	v14 =	vld.idx.msk [tilespmem:v14+s23+$0x0], $0xffff;
	v19 =	vand.u32 $0x7F, v26  }
0x683: {  	v5 =	vld.idx.msk [tilespmem:v5+s21+$0x0], $0xffff;
	v11 =	vor.u32 v23, v11;
	v8 =	vmul.f32 v17, v8;
	v0 =	vadd.f32 v10, v0  }
0x684: {  	v17 =	vand.u32 $0xFFFFFF80, v25;
	v10 =	vadd.s32 v1, v18;
	v13 =	vld.idx.msk [tilespmem:v13+s23+$0x0], $0xffff;
	v18 =	vand.u32 $0x7F, v25  }
0x685: {  	v4 =	vld.idx.msk [tilespmem:v4+s21+$0x0], $0xffff;
	v10 =	vor.u32 v19, v10;
	v7 =	vmul.f32 v15, v7;
	v0 =	vadd.f32 v8, v0  }
0x686: {  	v15 =	vor.u32 v21, v22;
	v8 =	vadd.s32 v1, v17;
	v12 =	vld.idx.msk [tilespmem:v12+s23+$0x0], $0xffff;
	v17 =	vand.u32 $0xFFFFFF80, v9  }
0x687: {  	v3 =	vld.idx.msk [tilespmem:v3+s21+$0x0], $0xffff;
	v8 =	vor.u32 v18, v8;
	v6 =	vmul.f32 v14, v6;
	v0 =	vadd.f32 v7, v0  }
0x688: {  	v9 =	vand.u32 $0x7F, v9;
	v1 =	vadd.s32 v1, v17;
	v7 =	vor.u32 v16, v20;
	v11 =	vld.idx.msk [tilespmem:v11+s23+$0x0], $0xffff  }
0x689: {  	v2 =	vld.idx.msk [tilespmem:v2+s21+$0x0], $0xffff;
	v1 =	vor.u32 v9, v1;
	v5 =	vmul.f32 v13, v5;
	v0 =	vadd.f32 v6, v0  }
0x68a: {  	v6 =	vld.idx.msk [tilespmem:v10+s23+$0x0], $0xffff  }
0x68b: {  	v9 =	vld.idx.msk [tilespmem:v15+s21+$0x0], $0xffff;
	v4 =	vmul.f32 v12, v4;
	v0 =	vadd.f32 v5, v0  }
0x68c: {  	v5 =	vld.idx.msk [tilespmem:v8+s23+$0x0], $0xffff  }
0x68d: {  	v7 =	vld.idx.msk [tilespmem:v7+s21+$0x0], $0xffff;
	v3 =	vmul.f32 v11, v3;
	v0 =	vadd.f32 v4, v0  }
0x68e: {  	v1 =	vld.idx.msk [tilespmem:v1+s23+$0x0], $0xffff  }
0x68f: {  	v2 =	vmul.f32 v6, v2;
	v0 =	vadd.f32 v3, v0;
	_ =	sdelay $0x1  }
0x690: {  	v0 =	vadd.f32 v2, v0;
	v2 =	vmul.f32 v5, v9;
	_ =	sdelay $0x1  }
0x691: {  	v1 =	vmul.f32 v1, v7;
	v0 =	vadd.f32 v2, v0;
	_ =	sdelay $0x1  }
0x692: {  	v0 =	vadd.f32 v1, v0  }
0x693: {  	s30 =	simm.s32 $0x10D80  }
0x694: {  	s31 =	simm.s32 $0x690;
	[tilespmem:s30+$0x0] =	vst v0  }
0x695: {  	v0 =	vld [tilespmem:s31+$0x0];
	_ =	sdelay $0x1  }
0x696: {  	s5 =	simm.s32 $0x10  }
0x697: {  	v1 =	vmov s5  }
0x698: {  	v1 =	vshll.u32 v1, $0x7  }
0x699: {  	v1 =	vor.u32 v44, v1;
	v2 =	vadd.s32 $0x1E, v0;
	v3 =	vadd.s32 $0x1F, v0  }
0x69a: {  	v4 =	vadd.s32 $0x1B, v0;
	v5 =	vadd.s32 $0x1C, v0;
	v6 =	vadd.s32 $0x1D, v0  }
0x69b: {  	v7 =	vadd.s32 $0x18, v0;
	v8 =	vadd.s32 $0x19, v0;
	v9 =	vadd.s32 $0x1A, v0  }
0x69c: {  	v10 =	vadd.s32 $0x15, v0;
	v11 =	vadd.s32 $0x16, v0;
	v12 =	vadd.s32 $0x17, v0  }
0x69d: {  	v13 =	vadd.s32 $0x12, v0;
	v14 =	vadd.s32 $0x13, v0;
	v15 =	vadd.s32 $0x14, v0  }
0x69e: {  	v17 =	vadd.s32 $0xF, v0;
	v18 =	vadd.s32 $0x10, v0;
	v19 =	vadd.s32 $0x11, v0  }
0x69f: {  	v22 =	vadd.s32 $0xC, v0;
	v20 =	vadd.s32 $0xD, v0;
	v23 =	vadd.s32 $0xE, v0  }
0x6a0: {  	v25 =	vadd.s32 $0x9, v0;
	v26 =	vadd.s32 $0xA, v0;
	v27 =	vadd.s32 $0xB, v0  }
0x6a1: {  	v29 =	vadd.s32 $0x6, v0;
	v30 =	vadd.s32 $0x7, v0;
	v62 =	vadd.s32 $0x8, v0  }
0x6a2: {  	v33 =	vadd.s32 $0x3, v0;
	v34 =	vadd.s32 $0x4, v0;
	v63 =	vadd.s32 $0x5, v0  }
0x6a3: {  	v16 =	vand.u32 $0x7F, v0;
	v48 =	vadd.s32 $0x1, v0;
	v49 =	vadd.s32 $0x2, v0  }
0x6a4: {  	v0 =	vand.u32 $0xFFFFFF80, v0;
	v21 =	vand.u32 $0xFFFFFF80, v3;
	v24 =	vand.u32 $0x7F, v3  }
0x6a5: {  	v3 =	vand.u32 $0x7F, v6;
	v28 =	vand.u32 $0xFFFFFF80, v2;
	v2 =	vand.u32 $0x7F, v2  }
0x6a6: {  	v50 =	vand.u32 $0xFFFFFF80, v5;
	v5 =	vand.u32 $0x7F, v5;
	v0 =	vadd.s32 v1, v0  }
0x6a7: {  	v6 =	vand.u32 $0xFFFFFF80, v6;
	v51 =	vand.u32 $0x7F, v9;
	v52 =	vand.u32 $0xFFFFFF80, v8  }
0x6a8: {  	v8 =	vand.u32 $0x7F, v8;
	v53 =	vand.u32 $0xFFFFFF80, v10;
	v54 =	vand.u32 $0x7F, v10  }
0x6a9: {  	v55 =	vand.u32 $0xFFFFFF80, v14;
	v56 =	vand.u32 $0x7F, v14;
	v57 =	vand.u32 $0x7F, v20  }
0x6aa: {  	v58 =	vand.u32 $0xFFFFFF80, v22;
	v59 =	vand.u32 $0x7F, v22;
	v60 =	vand.u32 $0xFFFFFF80, v26  }
0x6ab: {  	v61 =	vand.u32 $0x7F, v26;
	v26 =	vand.u32 $0xFFFFFF80, v27;
	v31 =	vor.u32 v16, v0  }
0x6ac: {  	v0 =	vand.u32 $0xFFFFFF80, v4;
	v16 =	vand.u32 $0x7F, v4;
	v4 =	vadd.s32 v1, v6  }
0x6ad: {  	v6 =	vand.u32 $0xFFFFFF80, v9;
	v9 =	vadd.s32 v1, v21;
	v21 =	vand.u32 $0x7F, v12  }
0x6ae: {  	v12 =	vand.u32 $0xFFFFFF80, v12;
	v32 =	vadd.s32 v1, v50;
	v14 =	vadd.s32 v1, v52  }
0x6af: {  	v3 =	vor.u32 v3, v4;
	v6 =	vadd.s32 v1, v6;
	v0 =	vadd.s32 v1, v0  }
0x6b0: {  	v10 =	vadd.s32 v1, v12;
	v12 =	vand.u32 $0xFFFFFF80, v15;
	[tilespmem:$0x1FD30] =	vst v3;
	v3 =	vadd.s32 v1, v28  }
0x6b1: {  	v28 =	vand.u32 $0xFFFFFF80, v11;
	v11 =	vand.u32 $0x7F, v11;
	v0 =	vor.u32 v16, v0  }
0x6b2: {  	v12 =	vadd.s32 v1, v12;
	v2 =	vor.u32 v2, v3;
	[tilespmem:$0x1FD70] =	vst v0;
	v0 =	vand.u32 $0x7F, v15  }
0x6b3: {  	v15 =	vand.u32 $0x7F, v19;
	v19 =	vand.u32 $0xFFFFFF80, v19;
	[tilespmem:$0x1FD40] =	vst v2;
	v2 =	vor.u32 v24, v9  }
0x6b4: {  	v9 =	vand.u32 $0xFFFFFF80, v7;
	v24 =	vand.u32 $0x7F, v7;
	v19 =	vadd.s32 v1, v19  }
0x6b5: {  	[tilespmem:$0x1FD50] =	vst v2;
	v2 =	vor.u32 v51, v6;
	v9 =	vadd.s32 v1, v9;
	v6 =	vor.u32 v0, v12  }
0x6b6: {  	v0 =	vand.u32 $0xFFFFFF80, v18;
	v18 =	vand.u32 $0x7F, v18;
	v12 =	vadd.s32 v1, v53  }
0x6b7: {  	v7 =	vor.u32 v15, v19;
	v15 =	vand.u32 $0xFFFFFF80, v20;
	[tilespmem:$0x1FD60] =	vst v2;
	v2 =	vor.u32 v5, v32  }
0x6b8: {  	v45 =	vor.u32 v54, v12;
	v0 =	vadd.s32 v1, v0;
	v15 =	vadd.s32 v1, v15  }
0x6b9: {  	[tilespmem:$0x1FD80] =	vst v2;
	v2 =	vor.u32 v21, v10;
	v21 =	vadd.s32 v1, v28;
	v28 =	vand.u32 $0x7F, v23  }
0x6ba: {  	v23 =	vand.u32 $0xFFFFFF80, v23;
	v12 =	vor.u32 v18, v0;
	v0 =	vand.u32 $0xFFFFFF80, v25  }
0x6bb: {  	v18 =	vadd.s32 v1, v26;
	[tilespmem:$0x1FD90] =	vst v2;
	v2 =	vor.u32 v24, v9;
	v24 =	vand.u32 $0xFFFFFF80, v13  }
0x6bc: {  	v13 =	vand.u32 $0x7F, v13;
	v22 =	vadd.s32 v1, v23;
	v23 =	vor.u32 v57, v15  }
0x6bd: {  	v15 =	vand.u32 $0xFFFFFF80, v29;
	v0 =	vadd.s32 v1, v0;
	[tilespmem:$0x1FDA0] =	vst v2;
	v2 =	vor.u32 v8, v14  }
0x6be: {  	v14 =	vor.u32 v11, v21;
	v11 =	vand.u32 $0xFFFFFF80, v17;
	v17 =	vand.u32 $0x7F, v17  }
0x6bf: {  	v19 =	vadd.s32 v1, v24;
	v24 =	vadd.s32 v1, v55;
	v10 =	vor.u32 v28, v22  }
0x6c0: {  	v15 =	vadd.s32 v1, v15;
	v8 =	vor.u32 v13, v19;
	v13 =	vand.u32 $0x7F, v27  }
0x6c1: {  	v9 =	vor.u32 v56, v24;
	v11 =	vadd.s32 v1, v11;
	v27 =	vand.u32 $0xFFFFFF80, v62  }
0x6c2: {  	[tilespmem:$0x1FDB0] =	vst v2;
	v2 =	vand.u32 $0x7F, v63;
	v20 =	vor.u32 v17, v11;
	v11 =	vand.u32 $0x7F, v62  }
0x6c3: {  	v17 =	vand.u32 $0x7F, v25;
	v4 =	vor.u32 v13, v18;
	v13 =	vand.u32 $0xFFFFFF80, v30  }
0x6c4: {  	v18 =	vand.u32 $0x7F, v30;
	v25 =	vadd.s32 v1, v58;
	v62 =	vand.u32 $0x7F, v29  }
0x6c5: {  	v27 =	vadd.s32 v1, v27;
	v29 =	vadd.s32 v1, v60;
	v21 =	vor.u32 v59, v25  }
0x6c6: {  	v26 =	vor.u32 v11, v27;
	v11 =	vand.u32 $0xFFFFFF80, v34;
	v34 =	vand.u32 $0x7F, v34  }
0x6c7: {  	v27 =	vand.u32 $0xFFFFFF80, v63;
	v16 =	vor.u32 v17, v0;
	v0 =	vand.u32 $0x7F, v49  }
0x6c8: {  	s0 =	simm.s32 $0x790;
	v19 =	vor.u32 v61, v29;
	v17 =	vand.u32 $0xFFFFFF80, v33;
	v27 =	vadd.s32 v1, v27  }
0x6c9: {  	v33 =	vand.u32 $0x7F, v33;
	v41 =	vor.u32 v62, v15;
	v43 =	vor.u32 v2, v27;
	v27 =	vld [tilespmem:s0+$0x0]  }
0x6ca: {  	v15 =	vand.u32 $0xFFFFFF80, v48;
	v63 =	vand.u32 $0xFFFFFF80, v49;
	v13 =	vadd.s32 v1, v13  }
0x6cb: {  	v17 =	vadd.s32 v1, v17;
	v15 =	vadd.s32 v1, v15;
	v2 =	vand.u32 $0x7F, v48  }
0x6cc: {  	v11 =	vadd.s32 v1, v11;
	v35 =	vadd.s32 v1, v63;
	v52 =	vor.u32 v2, v15  }
0x6cd: {  	v39 =	vor.u32 v18, v13;
	v51 =	vor.u32 v0, v35;
	v50 =	vor.u32 v33, v17  }
0x6ce: {  	v48 =	vor.u32 v34, v11;
	v13 =	vadd.s32 $0x1E, v27;
	v11 =	vadd.s32 $0x1F, v27  }
0x6cf: {  	s5 =	simm.s32 $0x20;
	v18 =	vadd.s32 $0x1B, v27;
	v17 =	vadd.s32 $0x1C, v27;
	v15 =	vadd.s32 $0x1D, v27  }
.LBB2_8:
0x6d0: {  	v36 =	vld.idx.msk [tilespmem:v31+s21+$0x0], $0xffff  }
0x6d1: {  	v34 =	vadd.s32 $0x18, v27;
	v33 =	vadd.s32 $0x19, v27;
	v5 =	vadd.s32 $0x1A, v27;
	v52 =	vld.idx.msk [tilespmem:v52+s21+$0x0], $0xffff  }
0x6d2: {  	v38 =	vadd.s32 $0x15, v27;
	v37 =	vadd.s32 $0x16, v27;
	v35 =	vadd.s32 $0x17, v27;
	v51 =	vld.idx.msk [tilespmem:v51+s21+$0x0], $0xffff  }
0x6d3: {  	v44 =	vadd.s32 $0x12, v27;
	v42 =	vadd.s32 $0x13, v27;
	v40 =	vadd.s32 $0x14, v27;
	v50 =	vld.idx.msk [tilespmem:v50+s21+$0x0], $0xffff  }
0x6d4: {  	[tilespmem:$0x1FD00] =	vst v14;
	v47 =	vadd.s32 $0xF, v27;
	v0 =	vand.u32 $0xFFFFFF80, v27;
	v55 =	vadd.s32 $0x1, v27;
	v28 =	vld.idx.msk [tilespmem:v4+s21+$0x0], $0xffff  }
0x6d5: {  	v54 =	vand.u32 $0x7F, v27;
	v0 =	vadd.s32 v1, v0;
	v62 =	vand.u32 $0xFFFFFF80, v55;
	v4 =	vld [tilespmem:$0x1FD00]  }
0x6d6: {  	v48 =	vld.idx.msk [tilespmem:v48+s21+$0x0], $0xffff;
	v55 =	vand.u32 $0x7F, v55;
	v0 =	vor.u32 v54, v0;
	v54 =	vadd.s32 v1, v62  }
0x6d7: {  	v57 =	vadd.s32 $0x2, v27;
	v59 =	vadd.s32 $0x3, v27;
	v43 =	vld.idx.msk [tilespmem:v43+s21+$0x0], $0xffff;
	v54 =	vor.u32 v55, v54  }
0x6d8: {  	v61 =	vadd.s32 $0x4, v27;
	v3 =	vadd.s32 $0x6, v27;
	v41 =	vld.idx.msk [tilespmem:v41+s21+$0x0], $0xffff;
	v63 =	vand.u32 $0xFFFFFF80, v57  }
0x6d9: {  	v39 =	vld.idx.msk [tilespmem:v39+s21+$0x0], $0xffff;
	v57 =	vand.u32 $0x7F, v57;
	v32 =	vand.u32 $0xFFFFFF80, v59;
	v55 =	vadd.s32 v1, v63  }
0x6da: {  	v22 =	vld.idx.msk [tilespmem:v12+s21+$0x0], $0xffff;
	v59 =	vand.u32 $0x7F, v59;
	v63 =	vadd.s32 $0x5, v27;
	v55 =	vor.u32 v57, v55  }
0x6db: {  	v57 =	vadd.s32 v1, v32;
	v32 =	vand.u32 $0xFFFFFF80, v61;
	v61 =	vand.u32 $0x7F, v61;
	v0 =	vld.idx.msk [tilespmem:v0+s23+$0x0], $0xffff  }
0x6dc: {  	v57 =	vor.u32 v59, v57;
	v59 =	vadd.s32 v1, v32;
	v32 =	vand.u32 $0xFFFFFF80, v63;
	v54 =	vld.idx.msk [tilespmem:v54+s23+$0x0], $0xffff  }
0x6dd: {  	v59 =	vor.u32 v61, v59;
	v61 =	vadd.s32 v1, v32;
	v32 =	vand.u32 $0xFFFFFF80, v3;
	v12 =	vld.idx.msk [tilespmem:v4+s21+$0x0], $0xffff  }
0x6de: {  	v46 =	vadd.s32 $0x10, v27;
	v3 =	vand.u32 $0x7F, v3;
	v32 =	vadd.s32 v1, v32;
	v4 =	vld [tilespmem:$0x1FD90]  }
0x6df: {  	v14 =	vmovc v45;
	v45 =	vadd.s32 $0x11, v27;
	v30 =	vld.idx.msk [tilespmem:v16+s21+$0x0], $0xffff;
	v63 =	vand.u32 $0x7F, v63;
	v3 =	vor.u32 v3, v32  }
0x6e0: {  	v53 =	vadd.s32 $0xD, v27;
	v49 =	vadd.s32 $0xE, v27;
	v24 =	vld.idx.msk [tilespmem:v10+s21+$0x0], $0xffff;
	v61 =	vor.u32 v63, v61  }
0x6e1: {  	v56 =	vadd.s32 $0xC, v27;
	v58 =	vadd.s32 $0xB, v27;
	v55 =	vld.idx.msk [tilespmem:v55+s23+$0x0], $0xffff;
	v0 =	vmul.f32 v0, v36  }
0x6e2: {  	v60 =	vadd.s32 $0xA, v27;
	v2 =	vadd.s32 $0x8, v27;
	v62 =	vadd.s32 $0x9, v27;
	v36 =	vld.idx.msk [tilespmem:v57+s23+$0x0], $0xffff  }
0x6e3: {  	v27 =	vadd.s32 $0x7, v27;
	v52 =	vmul.f32 v54, v52;
	v54 =	vld.idx.msk [tilespmem:v59+s23+$0x0], $0xffff;
	v0 =	vadd.f32 $0.0e+00, v0  }
0x6e4: {  	v63 =	vand.u32 $0xFFFFFF80, v27;
	v3 =	vld.idx.msk [tilespmem:v3+s23+$0x0], $0xffff  }
0x6e5: {  	v27 =	vand.u32 $0x7F, v27;
	v32 =	vand.u32 $0xFFFFFF80, v2;
	v0 =	vadd.f32 v52, v0;
	v52 =	vld.idx.msk [tilespmem:v61+s23+$0x0], $0xffff  }
0x6e6: {  	v2 =	vand.u32 $0x7F, v2;
	v57 =	vadd.s32 v1, v63;
	v63 =	vand.u32 $0xFFFFFF80, v62;
	v10 =	vld.idx.msk [tilespmem:v4+s21+$0x0], $0xffff  }
0x6e7: {  	v27 =	vor.u32 v27, v57;
	v51 =	vmul.f32 v55, v51;
	v61 =	vadd.s32 v1, v32;
	v4 =	vld [tilespmem:$0x1FDA0]  }
0x6e8: {  	v29 =	vld.idx.msk [tilespmem:v19+s21+$0x0], $0xffff;
	v59 =	vadd.s32 v1, v63;
	v32 =	vand.u32 $0x7F, v62;
	v2 =	vor.u32 v2, v61  }
0x6e9: {  	v25 =	vld.idx.msk [tilespmem:v23+s21+$0x0], $0xffff;
	v36 =	vmul.f32 v36, v50;
	v50 =	vor.u32 v32, v59;
	v0 =	vadd.f32 v51, v0  }
0x6ea: {  	v19 =	vld.idx.msk [tilespmem:v9+s21+$0x0], $0xffff;
	v62 =	vand.u32 $0x7F, v60;
	v61 =	vand.u32 $0xFFFFFF80, v60;
	v59 =	vand.u32 $0xFFFFFF80, v58  }
0x6eb: {  	v32 =	vld.idx.msk [tilespmem:v26+s21+$0x0], $0xffff;
	v63 =	vmul.f32 v54, v48;
	v57 =	vadd.s32 v1, v61;
	v0 =	vadd.f32 v36, v0  }
0x6ec: {  	v60 =	vand.u32 $0x7F, v58;
	v27 =	vld.idx.msk [tilespmem:v27+s23+$0x0], $0xffff;
	v3 =	vmul.f32 v3, v41;
	v48 =	vor.u32 v62, v57  }
0x6ed: {  	v62 =	vadd.s32 v1, v59;
	v61 =	vmul.f32 v52, v43;
	v0 =	vadd.f32 v63, v0;
	v2 =	vld.idx.msk [tilespmem:v2+s23+$0x0], $0xffff  }
0x6ee: {  	v57 =	vand.u32 $0x7F, v56;
	v43 =	vor.u32 v60, v62;
	v63 =	vand.u32 $0xFFFFFF80, v56;
	v58 =	vld.idx.msk [tilespmem:v50+s23+$0x0], $0xffff  }
0x6ef: {  	v60 =	vand.u32 $0xFFFFFF80, v53;
	v59 =	vadd.s32 v1, v63;
	v0 =	vadd.f32 v61, v0;
	v9 =	vld.idx.msk [tilespmem:v4+s21+$0x0], $0xffff  }
0x6f0: {  	v62 =	vadd.s32 v1, v60;
	v41 =	vor.u32 v57, v59;
	v4 =	vld [tilespmem:$0x1FDB0]  }
0x6f1: {  	v23 =	vld.idx.msk [tilespmem:v20+s21+$0x0], $0xffff;
	v61 =	vand.u32 $0x7F, v53;
	v0 =	vadd.f32 v3, v0;
	v3 =	vmul.f32 v27, v39  }
0x6f2: {  	v27 =	vld.idx.msk [tilespmem:v48+s23+$0x0], $0xffff;
	v39 =	vor.u32 v61, v62  }
0x6f3: {  	v20 =	vld.idx.msk [tilespmem:v8+s21+$0x0], $0xffff;
	v2 =	vmul.f32 v2, v32;
	v0 =	vadd.f32 v3, v0  }
0x6f4: {  	v55 =	vand.u32 $0xFFFFFF80, v46;
	v26 =	vld.idx.msk [tilespmem:v21+s21+$0x0], $0xffff;
	v63 =	vand.u32 $0xFFFFFF80, v49;
	v49 =	vand.u32 $0x7F, v49  }
0x6f5: {  	v52 =	vadd.s32 v1, v63;
	v3 =	vld.idx.msk [tilespmem:v43+s23+$0x0], $0xffff;
	v0 =	vadd.f32 v2, v0;
	v2 =	vmul.f32 v58, v30  }
0x6f6: {  	v53 =	vand.u32 $0xFFFFFF80, v47;
	v47 =	vand.u32 $0x7F, v47;
	v32 =	vor.u32 v49, v52;
	v30 =	vld.idx.msk [tilespmem:v41+s23+$0x0], $0xffff  }
0x6f7: {  	v54 =	vadd.s32 v1, v53;
	v0 =	vadd.f32 v2, v0;
	v2 =	vmul.f32 v27, v29;
	v27 =	vld.idx.msk [tilespmem:v39+s23+$0x0], $0xffff  }
0x6f8: {  	v56 =	vand.u32 $0x7F, v46;
	v36 =	vor.u32 v47, v54;
	v29 =	vadd.s32 v1, v55;
	v8 =	vld.idx.msk [tilespmem:v4+s21+$0x0], $0xffff  }
0x6f9: {  	v57 =	vand.u32 $0xFFFFFF80, v45;
	v58 =	vand.u32 $0x7F, v45;
	v29 =	vor.u32 v56, v29;
	v4 =	vld [tilespmem:$0x1FD60]  }
0x6fa: {  	v0 =	vadd.f32 v2, v0;
	v2 =	vmul.f32 v3, v28;
	v28 =	vadd.s32 v1, v57  }
0x6fb: {  	v3 =	vld.idx.msk [tilespmem:v32+s23+$0x0], $0xffff;
	v28 =	vor.u32 v58, v28  }
0x6fc: {  	v59 =	vand.u32 $0xFFFFFF80, v44;
	v0 =	vadd.f32 v2, v0;
	v2 =	vmul.f32 v30, v26  }
0x6fd: {  	v60 =	vand.u32 $0x7F, v44;
	v61 =	vand.u32 $0xFFFFFF80, v42;
	v26 =	vld.idx.msk [tilespmem:v36+s23+$0x0], $0xffff;
	v30 =	vadd.s32 v1, v59  }
0x6fe: {  	v21 =	vld.idx.msk [tilespmem:v7+s21+$0x0], $0xffff;
	v30 =	vor.u32 v60, v30;
	v0 =	vadd.f32 v2, v0;
	v2 =	vmul.f32 v27, v25  }
0x6ff: {  	v62 =	vand.u32 $0x7F, v42;
	v25 =	vld.idx.msk [tilespmem:v29+s23+$0x0], $0xffff;
	v27 =	vadd.s32 v1, v61;
	v29 =	vand.u32 $0xFFFFFF80, v40  }
0x700: {  	v27 =	vor.u32 v62, v27;
	v0 =	vadd.f32 v2, v0;
	v2 =	vmul.f32 v3, v24;
	v3 =	vld.idx.msk [tilespmem:v28+s23+$0x0], $0xffff  }
0x701: {  	v63 =	vand.u32 $0x7F, v40;
	v24 =	vadd.s32 v1, v29;
	v28 =	vand.u32 $0xFFFFFF80, v38;
	v7 =	vld.idx.msk [tilespmem:v4+s21+$0x0], $0xffff  }
0x702: {  	v24 =	vor.u32 v63, v24;
	v4 =	vld [tilespmem:$0x1FD70];
	v0 =	vadd.f32 v2, v0;
	v2 =	vmul.f32 v26, v23  }
0x703: {  	v29 =	vand.u32 $0x7F, v38;
	v23 =	vld.idx.msk [tilespmem:v30+s23+$0x0], $0xffff;
	v26 =	vadd.s32 v1, v28;
	v28 =	vand.u32 $0xFFFFFF80, v37  }
0x704: {  	v26 =	vor.u32 v29, v26;
	v0 =	vadd.f32 v2, v0;
	v2 =	vmul.f32 v25, v22  }
0x705: {  	v29 =	vand.u32 $0x7F, v37;
	v22 =	vld.idx.msk [tilespmem:v27+s23+$0x0], $0xffff;
	v25 =	vadd.s32 v1, v28;
	v27 =	vand.u32 $0xFFFFFF80, v35  }
0x706: {  	v16 =	vld.idx.msk [tilespmem:v6+s21+$0x0], $0xffff;
	v25 =	vor.u32 v29, v25;
	v0 =	vadd.f32 v2, v0;
	v2 =	vmul.f32 v3, v21  }
0x707: {  	v28 =	vand.u32 $0x7F, v35;
	v3 =	vld.idx.msk [tilespmem:v24+s23+$0x0], $0xffff;
	v21 =	vadd.s32 v1, v27;
	v24 =	vand.u32 $0xFFFFFF80, v34  }
0x708: {  	v14 =	vld.idx.msk [tilespmem:v14+s21+$0x0], $0xffff;
	v21 =	vor.u32 v28, v21;
	v0 =	vadd.f32 v2, v0;
	v2 =	vmul.f32 v23, v20  }
0x709: {  	v27 =	vand.u32 $0x7F, v34;
	v20 =	vld.idx.msk [tilespmem:v26+s23+$0x0], $0xffff;
	v23 =	vadd.s32 v1, v24;
	v24 =	vand.u32 $0xFFFFFF80, v33  }
0x70a: {  	v23 =	vor.u32 v27, v23;
	v6 =	vld.idx.msk [tilespmem:v4+s21+$0x0], $0xffff;
	v0 =	vadd.f32 v2, v0;
	v2 =	vmul.f32 v22, v19  }
0x70b: {  	v26 =	vand.u32 $0x7F, v33;
	v19 =	vld.idx.msk [tilespmem:v25+s23+$0x0], $0xffff;
	v22 =	vadd.s32 v1, v24;
	v24 =	vand.u32 $0xFFFFFF80, v5  }
0x70c: {  	v4 =	vld [tilespmem:$0x1FD80];
	v22 =	vor.u32 v26, v22;
	v0 =	vadd.f32 v2, v0;
	v2 =	vmul.f32 v3, v16  }
0x70d: {  	v25 =	vand.u32 $0x7F, v5;
	v3 =	vld.idx.msk [tilespmem:v21+s23+$0x0], $0xffff;
	v16 =	vadd.s32 v1, v24;
	v21 =	vand.u32 $0xFFFFFF80, v18  }
0x70e: {  	v16 =	vor.u32 v25, v16;
	v0 =	vadd.f32 v2, v0;
	v2 =	vmul.f32 v20, v14  }
0x70f: {  	v18 =	vand.u32 $0x7F, v18;
	v14 =	vld.idx.msk [tilespmem:v23+s23+$0x0], $0xffff;
	v20 =	vadd.s32 v1, v21  }
0x710: {  	v18 =	vor.u32 v18, v20;
	v0 =	vadd.f32 v2, v0;
	v2 =	vmul.f32 v19, v12  }
0x711: {  	v12 =	vld.idx.msk [tilespmem:v22+s23+$0x0], $0xffff  }
0x712: {  	v0 =	vadd.f32 v2, v0;
	v2 =	vmul.f32 v3, v10  }
0x713: {  	v20 =	vand.u32 $0xFFFFFF80, v17;
	v17 =	vand.u32 $0x7F, v17;
	v3 =	vld.idx.msk [tilespmem:v16+s23+$0x0], $0xffff  }
0x714: {  	v19 =	vadd.s32 v1, v20;
	v5 =	vld.idx.msk [tilespmem:v4+s21+$0x0], $0xffff;
	v0 =	vadd.f32 v2, v0;
	v2 =	vmul.f32 v14, v9  }
0x715: {  	v17 =	vor.u32 v17, v19;
	v19 =	vand.u32 $0xFFFFFF80, v15;
	v15 =	vand.u32 $0x7F, v15;
	v9 =	vld.idx.msk [tilespmem:v18+s23+$0x0], $0xffff  }
0x716: {  	v4 =	vld [tilespmem:$0x1FD30];
	v10 =	vadd.s32 v1, v19;
	v0 =	vadd.f32 v2, v0;
	v2 =	vmul.f32 v12, v8  }
0x717: {  	v10 =	vor.u32 v15, v10;
	v15 =	vand.u32 $0xFFFFFF80, v13;
	v13 =	vand.u32 $0x7F, v13  }
0x718: {  	v14 =	vadd.s32 v1, v15;
	v0 =	vadd.f32 v2, v0;
	v2 =	vmul.f32 v3, v7;
	v7 =	vld [tilespmem:$0x1FD40]  }
0x719: {  	v13 =	vor.u32 v13, v14  }
0x71a: {  	v14 =	vand.u32 $0xFFFFFF80, v11;
	v0 =	vadd.f32 v2, v0;
	v2 =	vmul.f32 v9, v6;
	v9 =	vld [tilespmem:$0x1FD50]  }
0x71b: {  	v11 =	vand.u32 $0x7F, v11;
	v1 =	vadd.s32 v1, v14  }
0x71c: {  	v8 =	vld.idx.msk [tilespmem:v17+s23+$0x0], $0xffff;
	v1 =	vor.u32 v11, v1  }
0x71d: {  	v3 =	vld.idx.msk [tilespmem:v10+s23+$0x0], $0xffff  }
0x71e: {  	v4 =	vld.idx.msk [tilespmem:v4+s21+$0x0], $0xffff  }
0x71f: {  	v6 =	vld.idx.msk [tilespmem:v13+s23+$0x0], $0xffff  }
0x720: {  	v7 =	vld.idx.msk [tilespmem:v7+s21+$0x0], $0xffff  }
0x721: {  	v0 =	vadd.f32 v2, v0;
	v2 =	vmul.f32 v8, v5;
	v1 =	vld.idx.msk [tilespmem:v1+s23+$0x0], $0xffff  }
0x722: {  	v9 =	vld.idx.msk [tilespmem:v9+s21+$0x0], $0xffff  }
0x723: {  	v0 =	vadd.f32 v2, v0;
	v2 =	vmul.f32 v3, v4;
	_ =	sdelay $0x1  }
0x724: {  	v0 =	vadd.f32 v2, v0;
	v2 =	vmul.f32 v6, v7;
	_ =	sdelay $0x1  }
0x725: {  	v0 =	vadd.f32 v2, v0;
	v1 =	vmul.f32 v1, v9;
	_ =	sdelay $0x1  }
0x726: {  	v0 =	vadd.f32 v1, v0  }
0x727: {  	s30 =	sadd.s32 $0x10, s30  }
0x728: {  	s31 =	sadd.s32 $0x10, s31;
	v2 =	vld [tilespmem:$0x1FFF0];
	[tilespmem:s30+$0x0] =	vst v0  }
0x729: {  	v0 =	vld [tilespmem:s31+$0x0];
	_ =	sdelay $0x2  }
0x72a: {  	v1 =	vmov s5  }
0x72b: {  	v1 =	vshll.u32 v1, $0x7  }
0x72c: {  	v1 =	vor.u32 v2, v1;
	v2 =	vadd.s32 $0x1E, v0;
	v3 =	vadd.s32 $0x1F, v0  }
0x72d: {  	v4 =	vadd.s32 $0x1B, v0;
	v5 =	vadd.s32 $0x1C, v0;
	v6 =	vadd.s32 $0x1D, v0  }
0x72e: {  	v7 =	vadd.s32 $0x18, v0;
	v8 =	vadd.s32 $0x19, v0;
	v9 =	vadd.s32 $0x1A, v0  }
0x72f: {  	v10 =	vadd.s32 $0x15, v0;
	v11 =	vadd.s32 $0x16, v0;
	v12 =	vadd.s32 $0x17, v0  }
0x730: {  	v13 =	vadd.s32 $0x12, v0;
	v14 =	vadd.s32 $0x13, v0;
	v15 =	vadd.s32 $0x14, v0  }
0x731: {  	v16 =	vadd.s32 $0xF, v0;
	v17 =	vadd.s32 $0x10, v0;
	v18 =	vadd.s32 $0x11, v0  }
0x732: {  	v19 =	vadd.s32 $0xC, v0;
	v20 =	vadd.s32 $0xD, v0;
	v21 =	vadd.s32 $0xE, v0  }
0x733: {  	v22 =	vadd.s32 $0x9, v0;
	v23 =	vadd.s32 $0xA, v0;
	v24 =	vadd.s32 $0xB, v0  }
0x734: {  	v25 =	vadd.s32 $0x6, v0;
	v26 =	vadd.s32 $0x7, v0;
	v27 =	vadd.s32 $0x8, v0  }
0x735: {  	v28 =	vadd.s32 $0x3, v0;
	v29 =	vadd.s32 $0x4, v0;
	v30 =	vadd.s32 $0x5, v0  }
0x736: {  	v31 =	vand.u32 $0x7F, v0;
	v32 =	vadd.s32 $0x1, v0;
	v33 =	vadd.s32 $0x2, v0  }
0x737: {  	[tilespmem:$0x1FD10] =	vst v31;
	v31 =	vand.u32 $0xFFFFFF80, v0;
	v34 =	vand.u32 $0xFFFFFF80, v3;
	v0 =	vand.u32 $0x7F, v3  }
0x738: {  	v35 =	vand.u32 $0x7F, v6;
	v36 =	vand.u32 $0xFFFFFF80, v2;
	v3 =	vand.u32 $0x7F, v2  }
0x739: {  	v37 =	vand.u32 $0xFFFFFF80, v5;
	v5 =	vand.u32 $0x7F, v5;
	v6 =	vand.u32 $0xFFFFFF80, v6  }
0x73a: {  	v38 =	vand.u32 $0x7F, v9;
	v39 =	vand.u32 $0xFFFFFF80, v4;
	v40 =	vand.u32 $0x7F, v4  }
0x73b: {  	v4 =	vand.u32 $0xFFFFFF80, v8;
	v8 =	vand.u32 $0x7F, v8;
	v9 =	vand.u32 $0xFFFFFF80, v9  }
0x73c: {  	v41 =	vand.u32 $0x7F, v12;
	v42 =	vand.u32 $0xFFFFFF80, v7;
	v43 =	vand.u32 $0x7F, v7  }
0x73d: {  	v7 =	vand.u32 $0xFFFFFF80, v11;
	v11 =	vand.u32 $0x7F, v11;
	v12 =	vand.u32 $0xFFFFFF80, v12  }
0x73e: {  	v44 =	vand.u32 $0x7F, v15;
	v45 =	vand.u32 $0xFFFFFF80, v10;
	v46 =	vand.u32 $0x7F, v10  }
0x73f: {  	v10 =	vand.u32 $0xFFFFFF80, v14;
	v47 =	vand.u32 $0x7F, v14;
	v14 =	vand.u32 $0xFFFFFF80, v15  }
0x740: {  	v15 =	vand.u32 $0x7F, v18;
	v48 =	vand.u32 $0xFFFFFF80, v13;
	v13 =	vand.u32 $0x7F, v13  }
0x741: {  	v49 =	vand.u32 $0xFFFFFF80, v17;
	v17 =	vand.u32 $0x7F, v17;
	v18 =	vand.u32 $0xFFFFFF80, v18  }
0x742: {  	v50 =	vand.u32 $0x7F, v21;
	v51 =	vand.u32 $0xFFFFFF80, v16;
	v52 =	vand.u32 $0x7F, v16  }
0x743: {  	v16 =	vand.u32 $0xFFFFFF80, v20;
	v53 =	vand.u32 $0x7F, v20;
	v20 =	vand.u32 $0xFFFFFF80, v21  }
0x744: {  	v54 =	vand.u32 $0x7F, v24;
	v21 =	vand.u32 $0xFFFFFF80, v19;
	v55 =	vand.u32 $0x7F, v19  }
0x745: {  	v19 =	vand.u32 $0xFFFFFF80, v23;
	v56 =	vand.u32 $0x7F, v23;
	v23 =	vand.u32 $0xFFFFFF80, v24  }
0x746: {  	v57 =	vand.u32 $0x7F, v27;
	v24 =	vand.u32 $0xFFFFFF80, v22;
	v58 =	vand.u32 $0x7F, v22  }
0x747: {  	v22 =	vand.u32 $0xFFFFFF80, v26;
	v59 =	vand.u32 $0x7F, v26;
	v26 =	vand.u32 $0xFFFFFF80, v27  }
0x748: {  	v60 =	vand.u32 $0x7F, v30;
	v27 =	vand.u32 $0xFFFFFF80, v25;
	v61 =	vand.u32 $0x7F, v25  }
0x749: {  	v25 =	vand.u32 $0xFFFFFF80, v29;
	v62 =	vand.u32 $0x7F, v29;
	v29 =	vand.u32 $0xFFFFFF80, v30  }
0x74a: {  	v63 =	vand.u32 $0x7F, v33;
	v30 =	vand.u32 $0xFFFFFF80, v28;
	v28 =	vand.u32 $0x7F, v28  }
0x74b: {  	v2 =	vand.u32 $0x7F, v32;
	[tilespmem:$0x1FD20] =	vst v0;
	v0 =	vand.u32 $0xFFFFFF80, v32;
	v32 =	vand.u32 $0xFFFFFF80, v33  }
0x74c: {  	v31 =	vadd.s32 v1, v31;
	v33 =	vadd.s32 v1, v36;
	v34 =	vadd.s32 v1, v34  }
0x74d: {  	v39 =	vadd.s32 v1, v39;
	v37 =	vadd.s32 v1, v37;
	v6 =	vadd.s32 v1, v6  }
0x74e: {  	v42 =	vadd.s32 v1, v42;
	v4 =	vadd.s32 v1, v4;
	v9 =	vadd.s32 v1, v9  }
0x74f: {  	v45 =	vadd.s32 v1, v45;
	v7 =	vadd.s32 v1, v7;
	v12 =	vadd.s32 v1, v12  }
0x750: {  	v48 =	vadd.s32 v1, v48;
	v10 =	vadd.s32 v1, v10;
	v14 =	vadd.s32 v1, v14  }
0x751: {  	v51 =	vadd.s32 v1, v51;
	v49 =	vadd.s32 v1, v49;
	v18 =	vadd.s32 v1, v18  }
0x752: {  	v21 =	vadd.s32 v1, v21;
	v16 =	vadd.s32 v1, v16;
	v20 =	vadd.s32 v1, v20  }
0x753: {  	v24 =	vadd.s32 v1, v24;
	v36 =	vadd.s32 v1, v27;
	v27 =	vld [tilespmem:$0x1FD10];
	v3 =	vor.u32 v3, v33  }
0x754: {  	v19 =	vadd.s32 v1, v19;
	v23 =	vadd.s32 v1, v23;
	v22 =	vadd.s32 v1, v22;
	[tilespmem:$0x1FD40] =	vst v3;
	v3 =	vld [tilespmem:$0x1FD20]  }
0x755: {  	v26 =	vadd.s32 v1, v26;
	v30 =	vadd.s32 v1, v30;
	v25 =	vadd.s32 v1, v25  }
0x756: {  	v29 =	vadd.s32 v1, v29;
	v0 =	vadd.s32 v1, v0;
	v32 =	vadd.s32 v1, v32  }
0x757: {  	s0 =	sadd.s32 $0x10, s0;
	v6 =	vor.u32 v35, v6;
	v45 =	vor.u32 v46, v45;
	v21 =	vor.u32 v55, v21  }
0x758: {  	v26 =	vor.u32 v57, v26;
	v19 =	vor.u32 v56, v19;
	v31 =	vor.u32 v27, v31;
	v27 =	vld [tilespmem:s0+$0x0]  }
0x759: {  	[tilespmem:$0x1FD30] =	vst v6;
	v6 =	vor.u32 v44, v14;
	v14 =	vor.u32 v11, v7;
	v3 =	vor.u32 v3, v34  }
0x75a: {  	v7 =	vor.u32 v15, v18;
	[tilespmem:$0x1FD50] =	vst v3;
	v3 =	vor.u32 v38, v9;
	v9 =	vor.u32 v47, v10  }
0x75b: {  	v10 =	vor.u32 v50, v20;
	v20 =	vor.u32 v52, v51;
	v51 =	vor.u32 v63, v32  }
0x75c: {  	v50 =	vor.u32 v28, v30;
	v52 =	vor.u32 v2, v0;
	[tilespmem:$0x1FD60] =	vst v3;
	v3 =	vor.u32 v40, v39  }
0x75d: {  	p0 =	sne.s32 s5, $0x70;
	v39 =	vor.u32 v59, v22;
	[tilespmem:$0x1FD70] =	vst v3;
	v3 =	vor.u32 v5, v37;
	v11 =	vadd.s32 $0x1F, v27  }
.Ltmp3:
0x75e: {  	v18 =	vadd.s32 $0x1B, v27;
	v15 =	vadd.s32 $0x1D, v27;
	[tilespmem:$0x1FD80] =	vst v3;
	v3 =	vor.u32 v41, v12;
	(pc) =	sbr.rel @p0 .LBB2_8-.Ltmp3, $4  }
0x75f: {  	v12 =	vor.u32 v17, v49;
	v41 =	vor.u32 v61, v36;
	[tilespmem:$0x1FD90] =	vst v3;
	v3 =	vor.u32 v43, v42  }
0x760: {  	v17 =	vadd.s32 $0x1C, v27;
	v43 =	vor.u32 v60, v29;
	[tilespmem:$0x1FDA0] =	vst v3;
	v3 =	vor.u32 v8, v4  }
0x761: {  	v8 =	vor.u32 v13, v48;
	v4 =	vor.u32 v54, v23;
	v23 =	vor.u32 v53, v16  }
0x762: {  	s5 =	sadd.s32 $0x10, s5;
	v16 =	vor.u32 v58, v24;
	v48 =	vor.u32 v62, v25;
	v13 =	vadd.s32 $0x1E, v27;
	[tilespmem:$0x1FDB0] =	vst v3  }
0x763: {  	v0 =	vand.u32 $0xFFFFFF80, v27  }
0x764: {  	v2 =	vand.u32 $0x7F, v27;
	v3 =	vadd.s32 $0x1, v27;
	v0 =	vadd.s32 v1, v0  }
0x765: {  	v0 =	vor.u32 v2, v0;
	v2 =	vand.u32 $0xFFFFFF80, v3  }
0x766: {  	v3 =	vand.u32 $0x7F, v3;
	v2 =	vadd.s32 v1, v2  }
0x767: {  	v2 =	vor.u32 v3, v2;
	v3 =	vadd.s32 $0x2, v27  }
0x768: {  	v5 =	vand.u32 $0xFFFFFF80, v3  }
0x769: {  	v3 =	vand.u32 $0x7F, v3;
	v5 =	vadd.s32 v1, v5  }
0x76a: {  	v22 =	vld.idx.msk [tilespmem:v31+s21+$0x0], $0xffff;
	v3 =	vor.u32 v3, v5  }
0x76b: {  	v0 =	vld.idx.msk [tilespmem:v0+s23+$0x0], $0xffff  }
0x76c: {  	v62 =	vld.idx.msk [tilespmem:v52+s21+$0x0], $0xffff  }
0x76d: {  	v24 =	vadd.s32 $0x3, v27;
	v28 =	vadd.s32 $0x4, v27;
	v33 =	vadd.s32 $0x5, v27;
	v2 =	vld.idx.msk [tilespmem:v2+s23+$0x0], $0xffff  }
0x76e: {  	v29 =	vld.idx.msk [tilespmem:v51+s21+$0x0], $0xffff;
	v25 =	vand.u32 $0xFFFFFF80, v24;
	v24 =	vand.u32 $0x7F, v24;
	v63 =	vand.u32 $0xFFFFFF80, v28  }
0x76f: {  	v28 =	vand.u32 $0x7F, v28;
	v34 =	vand.u32 $0xFFFFFF80, v33;
	v25 =	vadd.s32 v1, v25;
	v3 =	vld.idx.msk [tilespmem:v3+s23+$0x0], $0xffff  }
0x770: {  	v24 =	vor.u32 v24, v25;
	v25 =	vadd.s32 v1, v63;
	v0 =	vmul.f32 v0, v22  }
0x771: {  	v25 =	vor.u32 v28, v25;
	v5 =	vadd.s32 v1, v34  }
0x772: {  	v22 =	vand.u32 $0x7F, v33;
	v2 =	vmul.f32 v2, v62;
	v0 =	vadd.f32 $0.0e+00, v0  }
0x773: {  	v35 =	vld.idx.msk [tilespmem:v50+s21+$0x0], $0xffff;
	v36 =	vadd.s32 $0x6, v27;
	v5 =	vor.u32 v22, v5  }
0x774: {  	v30 =	vld.idx.msk [tilespmem:v48+s21+$0x0], $0xffff;
	v0 =	vadd.f32 v2, v0;
	v2 =	vand.u32 $0xFFFFFF80, v36;
	v3 =	vmul.f32 v3, v29  }
0x775: {  	v37 =	vadd.s32 $0x7, v27;
	v24 =	vld.idx.msk [tilespmem:v24+s23+$0x0], $0xffff;
	v22 =	vand.u32 $0x7F, v36;
	v2 =	vadd.s32 v1, v2  }
0x776: {  	v25 =	vld.idx.msk [tilespmem:v25+s23+$0x0], $0xffff;
	v2 =	vor.u32 v22, v2;
	v0 =	vadd.f32 v3, v0;
	v3 =	vand.u32 $0xFFFFFF80, v37  }
0x777: {  	v22 =	vand.u32 $0x7F, v37;
	v3 =	vadd.s32 v1, v3  }
0x778: {  	v38 =	vld.idx.msk [tilespmem:v43+s21+$0x0], $0xffff;
	v3 =	vor.u32 v22, v3  }
0x779: {  	v5 =	vld.idx.msk [tilespmem:v5+s23+$0x0], $0xffff  }
0x77a: {  	v40 =	vadd.s32 $0x8, v27;
	v43 =	vld.idx.msk [tilespmem:v41+s21+$0x0], $0xffff;
	v44 =	vadd.s32 $0x9, v27;
	v24 =	vmul.f32 v24, v35  }
0x77b: {  	v49 =	vadd.s32 $0xA, v27;
	v42 =	vand.u32 $0xFFFFFF80, v40;
	v25 =	vmul.f32 v25, v30;
	v2 =	vld.idx.msk [tilespmem:v2+s23+$0x0], $0xffff  }
0x77c: {  	v48 =	vld.idx.msk [tilespmem:v39+s21+$0x0], $0xffff;
	v0 =	vadd.f32 v24, v0;
	v22 =	vand.u32 $0x7F, v40;
	v24 =	vadd.s32 v1, v42  }
0x77d: {  	v46 =	vand.u32 $0xFFFFFF80, v44;
	v47 =	vand.u32 $0x7F, v44;
	v22 =	vor.u32 v22, v24;
	v3 =	vld.idx.msk [tilespmem:v3+s23+$0x0], $0xffff  }
0x77e: {  	v24 =	vadd.s32 v1, v46;
	v0 =	vadd.f32 v25, v0;
	v5 =	vmul.f32 v5, v38  }
0x77f: {  	v50 =	vand.u32 $0xFFFFFF80, v49;
	v24 =	vor.u32 v47, v24;
	v25 =	vand.u32 $0x7F, v49  }
0x780: {  	v0 =	vadd.f32 v5, v0;
	v5 =	vadd.s32 v1, v50;
	v2 =	vmul.f32 v2, v43  }
0x781: {  	v26 =	vld.idx.msk [tilespmem:v26+s21+$0x0], $0xffff;
	v51 =	vadd.s32 $0xB, v27;
	v5 =	vor.u32 v25, v5  }
0x782: {  	v16 =	vld.idx.msk [tilespmem:v16+s21+$0x0], $0xffff;
	v0 =	vadd.f32 v2, v0;
	v2 =	vand.u32 $0xFFFFFF80, v51;
	v3 =	vmul.f32 v3, v48  }
0x783: {  	v52 =	vadd.s32 $0xC, v27;
	v25 =	vand.u32 $0x7F, v51;
	v22 =	vld.idx.msk [tilespmem:v22+s23+$0x0], $0xffff;
	v2 =	vadd.s32 v1, v2  }
0x784: {  	v24 =	vld.idx.msk [tilespmem:v24+s23+$0x0], $0xffff;
	v2 =	vor.u32 v25, v2;
	v0 =	vadd.f32 v3, v0;
	v3 =	vand.u32 $0xFFFFFF80, v52  }
0x785: {  	v25 =	vand.u32 $0x7F, v52;
	v3 =	vadd.s32 v1, v3  }
0x786: {  	v19 =	vld.idx.msk [tilespmem:v19+s21+$0x0], $0xffff;
	v3 =	vor.u32 v25, v3  }
0x787: {  	v5 =	vld.idx.msk [tilespmem:v5+s23+$0x0], $0xffff  }
0x788: {  	v53 =	vadd.s32 $0xD, v27;
	v4 =	vld.idx.msk [tilespmem:v4+s21+$0x0], $0xffff;
	v55 =	vadd.s32 $0xE, v27;
	v22 =	vmul.f32 v22, v26  }
0x789: {  	v58 =	vadd.s32 $0xF, v27;
	v54 =	vand.u32 $0xFFFFFF80, v53;
	v16 =	vmul.f32 v24, v16;
	v2 =	vld.idx.msk [tilespmem:v2+s23+$0x0], $0xffff  }
0x78a: {  	v21 =	vld.idx.msk [tilespmem:v21+s21+$0x0], $0xffff;
	v0 =	vadd.f32 v22, v0;
	v25 =	vand.u32 $0x7F, v53;
	v22 =	vadd.s32 v1, v54  }
0x78b: {  	v56 =	vand.u32 $0xFFFFFF80, v55;
	v57 =	vand.u32 $0x7F, v55;
	v22 =	vor.u32 v25, v22;
	v3 =	vld.idx.msk [tilespmem:v3+s23+$0x0], $0xffff  }
0x78c: {  	v5 =	vmul.f32 v5, v19;
	v0 =	vadd.f32 v16, v0;
	v16 =	vadd.s32 v1, v56  }
0x78d: {  	v59 =	vand.u32 $0xFFFFFF80, v58;
	v60 =	vand.u32 $0x7F, v58;
	v16 =	vor.u32 v57, v16  }
0x78e: {  	v0 =	vadd.f32 v5, v0;
	v5 =	vadd.s32 v1, v59;
	v2 =	vmul.f32 v2, v4  }
0x78f: {  	v61 =	vld.idx.msk [tilespmem:v23+s21+$0x0], $0xffff;
	v62 =	vadd.s32 $0x10, v27;
	v4 =	vor.u32 v60, v5  }
0x790: {  	v22 =	vld.idx.msk [tilespmem:v22+s23+$0x0], $0xffff;
	v0 =	vadd.f32 v2, v0;
	v2 =	vand.u32 $0xFFFFFF80, v62;
	v3 =	vmul.f32 v3, v21  }
0x791: {  	v10 =	vld.idx.msk [tilespmem:v10+s21+$0x0], $0xffff;
	v63 =	vadd.s32 $0x11, v27;
	v5 =	vand.u32 $0x7F, v62;
	v2 =	vadd.s32 v1, v2  }
0x792: {  	v16 =	vld.idx.msk [tilespmem:v16+s23+$0x0], $0xffff;
	v2 =	vor.u32 v5, v2;
	v0 =	vadd.f32 v3, v0;
	v3 =	vand.u32 $0xFFFFFF80, v63  }
0x793: {  	v20 =	vld.idx.msk [tilespmem:v20+s21+$0x0], $0xffff;
	v5 =	vand.u32 $0x7F, v63;
	v3 =	vadd.s32 v1, v3  }
0x794: {  	v12 =	vld.idx.msk [tilespmem:v12+s21+$0x0], $0xffff;
	v3 =	vor.u32 v5, v3  }
0x795: {  	v24 =	vadd.s32 $0x13, v27;
	v19 =	vmul.f32 v22, v61;
	v4 =	vld.idx.msk [tilespmem:v4+s23+$0x0], $0xffff  }
0x796: {  	v7 =	vld.idx.msk [tilespmem:v7+s21+$0x0], $0xffff;
	v25 =	vand.u32 $0xFFFFFF80, v24;
	v22 =	vadd.s32 $0x12, v27  }
0x797: {  	v23 =	vand.u32 $0xFFFFFF80, v22;
	v10 =	vmul.f32 v16, v10;
	v0 =	vadd.f32 v19, v0;
	v2 =	vld.idx.msk [tilespmem:v2+s23+$0x0], $0xffff  }
0x798: {  	v8 =	vld.idx.msk [tilespmem:v8+s21+$0x0], $0xffff;
	v16 =	vand.u32 $0x7F, v24;
	v5 =	vand.u32 $0x7F, v22;
	v19 =	vadd.s32 v1, v23  }
0x799: {  	v5 =	vor.u32 v5, v19;
	v0 =	vadd.f32 v10, v0;
	v10 =	vadd.s32 v1, v25;
	v3 =	vld.idx.msk [tilespmem:v3+s23+$0x0], $0xffff  }
0x79a: {  	v9 =	vld.idx.msk [tilespmem:v9+s21+$0x0], $0xffff;
	v26 =	vadd.s32 $0x14, v27;
	v4 =	vmul.f32 v4, v20;
	v10 =	vor.u32 v16, v10  }
0x79b: {  	v6 =	vld.idx.msk [tilespmem:v6+s21+$0x0], $0xffff;
	v28 =	vand.u32 $0xFFFFFF80, v26;
	v29 =	vand.u32 $0x7F, v26  }
0x79c: {  	v44 =	vld [tilespmem:$0x1FD90];
	v0 =	vadd.f32 v4, v0;
	v4 =	vadd.s32 v1, v28;
	v2 =	vmul.f32 v2, v12  }
0x79d: {  	v55 =	vld [tilespmem:$0x1FD70];
	v30 =	vadd.s32 $0x15, v27;
	v4 =	vor.u32 v29, v4  }
0x79e: {  	v5 =	vld.idx.msk [tilespmem:v5+s23+$0x0], $0xffff;
	v0 =	vadd.f32 v2, v0;
	v2 =	vand.u32 $0xFFFFFF80, v30;
	v3 =	vmul.f32 v3, v7  }
0x79f: {  	v33 =	vadd.s32 $0x16, v27;
	v31 =	vand.u32 $0x7F, v30;
	v10 =	vld.idx.msk [tilespmem:v10+s23+$0x0], $0xffff;
	v2 =	vadd.s32 v1, v2  }
0x7a0: {  	v36 =	vld.idx.msk [tilespmem:v45+s21+$0x0], $0xffff;
	v2 =	vor.u32 v31, v2;
	v0 =	vadd.f32 v3, v0;
	v3 =	vand.u32 $0xFFFFFF80, v33  }
0x7a1: {  	v40 =	vld.idx.msk [tilespmem:v14+s21+$0x0], $0xffff;
	v7 =	vand.u32 $0x7F, v33;
	v3 =	vadd.s32 v1, v3  }
0x7a2: {  	v41 =	vadd.s32 $0x19, v27;
	v34 =	vadd.s32 $0x17, v27;
	v4 =	vld.idx.msk [tilespmem:v4+s23+$0x0], $0xffff;
	v3 =	vor.u32 v7, v3  }
0x7a3: {  	v35 =	vand.u32 $0xFFFFFF80, v34;
	v37 =	vadd.s32 $0x18, v27;
	v47 =	vld [tilespmem:$0x1FDA0];
	v5 =	vmul.f32 v5, v8  }
0x7a4: {  	v39 =	vand.u32 $0x7F, v37;
	v42 =	vadd.s32 $0x1A, v27;
	v49 =	vld [tilespmem:$0x1FDB0];
	v9 =	vmul.f32 v10, v9  }
0x7a5: {  	v0 =	vadd.f32 v5, v0;
	v7 =	vand.u32 $0x7F, v34;
	v5 =	vadd.s32 v1, v35;
	v2 =	vld.idx.msk [tilespmem:v2+s23+$0x0], $0xffff  }
0x7a6: {  	v45 =	vand.u32 $0xFFFFFF80, v42;
	v38 =	vand.u32 $0xFFFFFF80, v37;
	v52 =	vld [tilespmem:$0x1FD60];
	v5 =	vor.u32 v7, v5  }
0x7a7: {  	v7 =	vadd.s32 v1, v38;
	v0 =	vadd.f32 v9, v0;
	v4 =	vmul.f32 v4, v6;
	v3 =	vld.idx.msk [tilespmem:v3+s23+$0x0], $0xffff  }
0x7a8: {  	v46 =	vand.u32 $0x7F, v42;
	v43 =	vand.u32 $0xFFFFFF80, v41;
	v57 =	vld [tilespmem:$0x1FD80];
	v6 =	vor.u32 v39, v7  }
0x7a9: {  	v61 =	vld [tilespmem:$0x1FD30];
	v7 =	vand.u32 $0x7F, v41;
	v0 =	vadd.f32 v4, v0;
	v4 =	vadd.s32 v1, v43  }
0x7aa: {  	v12 =	vld.idx.msk [tilespmem:v44+s21+$0x0], $0xffff;
	v8 =	vadd.s32 v1, v45;
	v4 =	vor.u32 v7, v4;
	v2 =	vmul.f32 v2, v36  }
0x7ab: {  	v7 =	vor.u32 v46, v8;
	v5 =	vld.idx.msk [tilespmem:v5+s23+$0x0], $0xffff  }
0x7ac: {  	v8 =	vld.idx.msk [tilespmem:v47+s21+$0x0], $0xffff;
	v0 =	vadd.f32 v2, v0;
	v2 =	vand.u32 $0xFFFFFF80, v18;
	v3 =	vmul.f32 v3, v40  }
0x7ad: {  	v48 =	vand.u32 $0x7F, v18;
	v6 =	vld.idx.msk [tilespmem:v6+s23+$0x0], $0xffff;
	v2 =	vadd.s32 v1, v2  }
0x7ae: {  	v9 =	vld.idx.msk [tilespmem:v49+s21+$0x0], $0xffff;
	v2 =	vor.u32 v48, v2;
	v0 =	vadd.f32 v3, v0;
	v3 =	vand.u32 $0xFFFFFF80, v17  }
0x7af: {  	v50 =	vand.u32 $0x7F, v17;
	v4 =	vld.idx.msk [tilespmem:v4+s23+$0x0], $0xffff;
	v3 =	vadd.s32 v1, v3  }
0x7b0: {  	v10 =	vld.idx.msk [tilespmem:v52+s21+$0x0], $0xffff;
	v5 =	vmul.f32 v5, v12;
	v3 =	vor.u32 v50, v3  }
0x7b1: {  	v7 =	vld.idx.msk [tilespmem:v7+s23+$0x0], $0xffff  }
0x7b2: {  	v6 =	vmul.f32 v6, v8;
	v8 =	vld.idx.msk [tilespmem:v55+s21+$0x0], $0xffff;
	v0 =	vadd.f32 v5, v0  }
0x7b3: {  	v2 =	vld.idx.msk [tilespmem:v2+s23+$0x0], $0xffff  }
0x7b4: {  	v4 =	vmul.f32 v4, v9;
	v0 =	vadd.f32 v6, v0;
	v6 =	vld.idx.msk [tilespmem:v57+s21+$0x0], $0xffff  }
0x7b5: {  	v3 =	vld.idx.msk [tilespmem:v3+s23+$0x0], $0xffff  }
0x7b6: {  	v60 =	vmul.f32 v7, v10;
	v0 =	vadd.f32 v4, v0  }
0x7b7: {  	v58 =	vand.u32 $0xFFFFFF80, v11;
	v51 =	vand.u32 $0xFFFFFF80, v15;
	v53 =	vand.u32 $0x7F, v15;
	v63 =	vld [tilespmem:$0x1FD40]  }
0x7b8: {  	v12 =	vadd.s32 v1, v51;
	v0 =	vadd.f32 v60, v0;
	v2 =	vmul.f32 v2, v8  }
0x7b9: {  	v54 =	vand.u32 $0xFFFFFF80, v13;
	v56 =	vand.u32 $0x7F, v13;
	v12 =	vor.u32 v53, v12  }
0x7ba: {  	v5 =	vadd.s32 v1, v54;
	v0 =	vadd.f32 v2, v0;
	v2 =	vmul.f32 v3, v6;
	v3 =	vld [tilespmem:$0x1FD50]  }
0x7bb: {  	v59 =	vand.u32 $0x7F, v11;
	v1 =	vadd.s32 v1, v58;
	v5 =	vor.u32 v56, v5  }
0x7bc: {  	v1 =	vor.u32 v59, v1  }
0x7bd: {  	v7 =	vld.idx.msk [tilespmem:v61+s21+$0x0], $0xffff  }
0x7be: {  	v62 =	vld.idx.msk [tilespmem:v12+s23+$0x0], $0xffff  }
0x7bf: {  	v4 =	vld.idx.msk [tilespmem:v63+s21+$0x0], $0xffff  }
0x7c0: {  	v5 =	vld.idx.msk [tilespmem:v5+s23+$0x0], $0xffff  }
0x7c1: {  	v1 =	vld.idx.msk [tilespmem:v1+s23+$0x0], $0xffff  }
0x7c2: {  	v3 =	vld.idx.msk [tilespmem:v3+s21+$0x0], $0xffff  }
0x7c3: {  	v0 =	vadd.f32 v2, v0;
	v2 =	vmul.f32 v62, v7;
	_ =	sdelay $0x1  }
0x7c4: {  	v0 =	vadd.f32 v2, v0;
	v2 =	vmul.f32 v5, v4;
	_ =	sdelay $0x1  }
0x7c5: {  	v0 =	vadd.f32 v2, v0;
	v1 =	vmul.f32 v1, v3;
	_ =	sdelay $0x1  }
0x7c6: {  	v0 =	vadd.f32 v1, v0  }
0x7c7: {  	s0 =	sadd.s32 $0x10, s30  }
0x7c8: {  	[tilespmem:s0+$0x0] =	vst v0  }
0x7c9: {  	v32 =	vld [tilespmem:$0x1FFF0];
	_ =	swait.ge [sflag:s26], $0x200  }
0x7ca: {  	[sflag:s26] =	ssyncset.done $0x0  }
0x7cb: {  	[sflag:s26] =	ssyncadd.s32 $0xFFFFFE00  }
0x7cc: {  	_ =	swait.ge [sflag:s26], $0x200  }
0x7cd: {  	[sflag:s26] =	ssyncset.done $0x0  }
0x7ce: {  	s0 =	simm.s32 $0x0;
	[sflag:s26] =	ssyncadd.s32 $0xFFFFFE00  }
0x7cf: {  	s5 =	simm.s32 $0x40;
	v1 =	vld [tilespmem:s0+$0x10800]  }
.LBB2_10:
0x7d0: {  	p0 =	sne.s32 s5, $0x7C0;
	v0 =	vld [tilespmem:s0+$0x10C00];
	_ =	sdelay $0x1  }
0x7d1: {  	v2 =	vld [tilespmem:s0+$0x10A00];
	_ =	sdelay $0x2  }
.Ltmp4:
0x7d2: {  	v0 =	vadd.f32 v1, v0;
	(pc) =	sbr.rel @p0 .LBB2_10-.Ltmp4, $4  }
0x7d3: {  	_ = 	snop  }
0x7d4: {  	v0 =	vadd.f32 v2, v0  }
0x7d5: {  	s30 =	sshra.s32 s5, $0x2  }
0x7d6: {  	s5 =	sadd.s32 $0x40, s5;
	v1 =	vld [tilespmem:s30+$0x10800];
	[tilespmem:s0+$0x10C00] =	vst v0;
	s0 =	smov.u32 s30  }
0x7d7: {  	v0 =	vld [tilespmem:s0+$0x10C00];
	_ =	sdelay $0x1  }
0x7d8: {  	v2 =	vld [tilespmem:s0+$0x10A00];
	_ =	sdelay $0x2  }
0x7d9: {  	v0 =	vadd.f32 v1, v0;
	_ =	sdelay $0x1  }
0x7da: {  	s29 =	sadd.s32 $0x1, s29;
	v0 =	vadd.f32 v2, v0  }
0x7db: {  	p0 =	sne.s32 s29, s10  }
.Ltmp5:
0x7dc: {  	[tilespmem:s0+$0x10C00] =	vst v0;
	(pc) =	sbr.rel @p0 .LBB2_1-.Ltmp5, $4  }
0x7dd: {  	[hbm4b:s9+s6] =	stream.linear.scatter [tilespmem:s28], [sflag:$0x4], $0x200, $0x38;
	[tilespmem:$0x10E00] =	vst v63  }
0x7de: {  	_ =	swait.ge [sflag:s11], $0x200  }
0x7df: {  	[sflag:s11] =	ssyncset.done $0x0  }
0x7e0: {  	v0 =	vmov v32;
	[sflag:s11] =	ssyncadd.s32 $0xFFFFFE00  }
0x7e1: {  	_ =	sfence.sel $0x180000  }
0x7e2: {  	[bflag:$0x0] =	sbarrier.arrive $0xFFFF  }
0x7e3: {  	_ =	strace $0x90000047  }
0x7e4: {  	s0 =	stileid.u32;
	[bflag:$0x2] =	sbarrier.arrive $0xFFFF  }
0x7e5: {  	p0 =	sne.s32 s0, $0x0;
	s0 =	rddreg [dreg:$0x7]  }
0x7e6: {  	s0 =	sadd.s32 @!p0 $0x100000, s0  }
0x7e7: {  	[sflag:s0] =	ssyncadd.tile.s32 @!p0 $0x1;
	_ =	shalt  }
.Lfunc_end2:
_tile_overlayer_lowered:
.L_overlay_start_2:
0x7e8: {  	(tag) =	ssettag $0x2  }
0x7e9: {  	s0 =	rddreg [dreg:$0x0];
	s2 =	stileid.u32  }
0x7ea: {  	s1 =	rddreg [dreg:$0x1];
	p0 =	sne.s32 s2, $0x0  }
0x7eb: {  	s3 =	rddreg [dreg:$0x2];
	[bflag:$0x3] =	sbarrier.arrive $0xFFFF;
	s2 =	simm.s32 @!p0 $0x1C04  }
0x7ec: {  	[timem:s3], [sflag:s2] =	dma.local @!p0 [hbm:s0], s1  }
0x7ed: {  	s0 =	simm.s32 @!p0 $0x4  }
0x7ee: {  	_ =	swait.ge @!p0 [sflag:s0], s1  }
0x7ef: {  	s1 =	ssub.s32 @!p0 $0x0, s1;
	[sflag:s0] =	ssyncset.done @!p0 $0x0  }
0x7f0: {  	[sflag:s0] =	ssyncadd.s32 @!p0 s1  }
0x7f1: {  	[bflag:$0x3] =	sbarrier.arrive $0xFFFF  }
0x7f2: {  	_ =	shalt  }

</sc_bundles>
